<compile_context>
chip_gen: v7x
topology: tpu7x:2x2x1
jax: 0.10.2.dev20260603
libtpu: 0.0.44.dev20260713+nightly
codegen_flags: <defaults>
</compile_context>

<pallas_src>
import functools

import jax
import jax.numpy as jnp
from jax import lax
from jax.experimental import pallas as pl
from jax.experimental.pallas import tpu as pltpu
from jax.experimental.pallas import tpu_sc as plsc

N = 100000
NP = 102400
E = 6400000
NW = 32
K = 16
LW = 128
PD = 1568
G = PD // K
GLAST = 87
DESC = E // LW
RS = NP // 16
KB = 4
LWB = 512
PDB = (PD * LW) // LWB
DESCB = E // LWB

_mesh = plsc.VectorSubcoreMesh(core_axis_name="c", subcore_axis_name="s")


def _worker(c, s):
    return c * 16 + s



def _deg_body(dst_hbm, zeros_hbm, out_hbm, acc_sp, dstv, ones_v, isem, ssem):
    c = lax.axis_index("c")
    s = lax.axis_index("s")
    pltpu.sync_copy(zeros_hbm.at[pl.ds(s * RS, RS)], acc_sp.at[pl.ds(s * RS, RS)])
    for i in range(LW // 16):
        ones_v[pl.ds(i * 16, 16)] = jnp.ones((16,), jnp.float32)
    plsc.subcore_barrier()
    w = _worker(c, s)
    gw = jnp.where(w == NW - 1, GLAST, G)
    d0 = w * PD
    pltpu.async_copy(dst_hbm.at[pl.ds(d0, K)], dstv.at[0], isem.at[0])

    def body(g, carry):
        b = g % 2

        @pl.when(g + 1 < gw)
        def _():
            d1 = d0 + (g + 1) * K
            pltpu.async_copy(dst_hbm.at[pl.ds(d1, K)], dstv.at[1 - b],
                             isem.at[1 - b])

        d = d0 + g * K
        pltpu.make_async_copy(dst_hbm.at[pl.ds(d, K)], dstv.at[b],
                              isem.at[b]).wait()
        cps = [pltpu.async_copy(ones_v, acc_sp.at[dstv.at[b, j]], ssem, add=True)
               for j in range(K)]
        for cp in cps:
            cp.wait()
        return carry

    lax.fori_loop(0, gw, body, 0)
    plsc.subcore_barrier()
    pltpu.sync_copy(acc_sp.at[pl.ds(s * RS, RS)], out_hbm.at[c, pl.ds(s * RS, RS)])


_sc_deg = functools.partial(
    pl.kernel,
    out_type=jax.ShapeDtypeStruct((2, NP), jnp.float32),
    mesh=_mesh,
    compiler_params=pltpu.CompilerParams(use_tc_tiling_on_sc=False),
    scratch_types=[
        pltpu.VMEM_SHARED((NP,), jnp.float32),
        pltpu.VMEM((2, K, LW), jnp.int32),
        pltpu.VMEM((LW,), jnp.float32),
        pltpu.SemaphoreType.DMA((2,)),
        pltpu.SemaphoreType.DMA,
    ],
)(_deg_body)



def _agg4_body(xs_hbm, src_hbm, dst_hbm, zeros_hbm, out_hbm,
               xs_sp, acc_sp, srcv, dstv, rows, isem, gsem, ssem):
    c = lax.axis_index("c")
    s = lax.axis_index("s")
    pltpu.sync_copy(xs_hbm.at[pl.ds(s * RS, RS)], xs_sp.at[pl.ds(s * RS, RS)])
    pltpu.sync_copy(zeros_hbm.at[pl.ds(s * RS, RS)], acc_sp.at[pl.ds(s * RS, RS)])
    plsc.subcore_barrier()
    w = _worker(c, s)
    gw = jnp.where(w == NW - 1, GLAST, G)
    d0 = w * PDB
    pltpu.async_copy(src_hbm.at[pl.ds(d0, KB)], srcv.at[0], isem.at[0])
    pltpu.async_copy(dst_hbm.at[pl.ds(d0, KB)], dstv.at[0], isem.at[0])

    def body(g, carry):
        b = g % 2

        @pl.when(g + 1 < gw)
        def _():
            d1 = d0 + (g + 1) * KB
            pltpu.async_copy(src_hbm.at[pl.ds(d1, KB)], srcv.at[1 - b],
                             isem.at[1 - b])
            pltpu.async_copy(dst_hbm.at[pl.ds(d1, KB)], dstv.at[1 - b],
                             isem.at[1 - b])

        d = d0 + g * KB
        pltpu.make_async_copy(src_hbm.at[pl.ds(d, KB)], srcv.at[b],
                              isem.at[b]).wait()
        pltpu.make_async_copy(dst_hbm.at[pl.ds(d, KB)], dstv.at[b],
                              isem.at[b]).wait()
        gcs = [pltpu.async_copy(xs_sp.at[srcv.at[b, j]], rows.at[j],
                                gsem.at[j])
               for j in range(KB)]
        scs = []
        for j in range(KB):
            gcs[j].wait()
            scs.append(pltpu.async_copy(rows.at[j], acc_sp.at[dstv.at[b, j]],
                                        ssem, add=True))
        for cp in scs:
            cp.wait()
        return carry

    lax.fori_loop(0, gw, body, 0)
    plsc.subcore_barrier()
    pltpu.sync_copy(acc_sp.at[pl.ds(s * RS, RS)], out_hbm.at[c, pl.ds(s * RS, RS)])


_sc_agg4 = functools.partial(
    pl.kernel,
    out_type=jax.ShapeDtypeStruct((2, NP, 8), jnp.float32),
    mesh=_mesh,
    compiler_params=pltpu.CompilerParams(use_tc_tiling_on_sc=False),
    scratch_types=[
        pltpu.VMEM_SHARED((NP, 8), jnp.float32),
        pltpu.VMEM_SHARED((NP, 8), jnp.float32),
        pltpu.VMEM((2, KB, LWB), jnp.int32),
        pltpu.VMEM((2, KB, LWB), jnp.int32),
        pltpu.VMEM((KB, LWB, 8), jnp.float32),
        pltpu.SemaphoreType.DMA((2,)),
        pltpu.SemaphoreType.DMA((KB,)),
        pltpu.SemaphoreType.DMA,
    ],
)(_agg4_body)



def _agg1_body(g2_hbm, src_hbm, dst_hbm, zeros_hbm, out_hbm,
               g2_sp, acc_sp, srcv, dstv, rows, isem, gsem, ssem):
    c = lax.axis_index("c")
    s = lax.axis_index("s")
    pltpu.sync_copy(g2_hbm.at[pl.ds(s * RS, RS)], g2_sp.at[pl.ds(s * RS, RS)])
    pltpu.sync_copy(zeros_hbm.at[pl.ds(s * RS, RS)], acc_sp.at[pl.ds(s * RS, RS)])
    plsc.subcore_barrier()
    w = _worker(c, s)
    gw = jnp.where(w == NW - 1, GLAST, G)
    d0 = w * PD
    pltpu.async_copy(src_hbm.at[pl.ds(d0, K)], srcv.at[0], isem.at[0])
    pltpu.async_copy(dst_hbm.at[pl.ds(d0, K)], dstv.at[0], isem.at[0])

    def body(g, carry):
        b = g % 2

        @pl.when(g + 1 < gw)
        def _():
            d1 = d0 + (g + 1) * K
            pltpu.async_copy(src_hbm.at[pl.ds(d1, K)], srcv.at[1 - b],
                             isem.at[1 - b])
            pltpu.async_copy(dst_hbm.at[pl.ds(d1, K)], dstv.at[1 - b],
                             isem.at[1 - b])

        d = d0 + g * K
        pltpu.make_async_copy(src_hbm.at[pl.ds(d, K)], srcv.at[b],
                              isem.at[b]).wait()
        pltpu.make_async_copy(dst_hbm.at[pl.ds(d, K)], dstv.at[b],
                              isem.at[b]).wait()
        gcs = [pltpu.async_copy(g2_sp.at[srcv.at[b, j]], rows.at[j],
                                gsem.at[j])
               for j in range(K)]
        scs = []
        for j in range(K):
            gcs[j].wait()
            scs.append(pltpu.async_copy(rows.at[j], acc_sp.at[dstv.at[b, j]],
                                        ssem, add=True))
        for cp in scs:
            cp.wait()
        return carry

    lax.fori_loop(0, gw, body, 0)
    plsc.subcore_barrier()
    pltpu.sync_copy(acc_sp.at[pl.ds(s * RS, RS)], out_hbm.at[c, pl.ds(s * RS, RS)])


_sc_agg1 = functools.partial(
    pl.kernel,
    out_type=jax.ShapeDtypeStruct((2, NP), jnp.float32),
    mesh=_mesh,
    compiler_params=pltpu.CompilerParams(use_tc_tiling_on_sc=False),
    scratch_types=[
        pltpu.VMEM_SHARED((NP,), jnp.float32),
        pltpu.VMEM_SHARED((NP,), jnp.float32),
        pltpu.VMEM((2, K, LW), jnp.int32),
        pltpu.VMEM((2, K, LW), jnp.int32),
        pltpu.VMEM((K, LW), jnp.float32),
        pltpu.SemaphoreType.DMA((2,)),
        pltpu.SemaphoreType.DMA((K,)),
        pltpu.SemaphoreType.DMA,
    ],
)(_agg1_body)



_BL = 512
_GRID = NP // _BL


def _dis(degp):
    return lax.rsqrt(degp[0:1, :] + degp[1:2, :] + 1.0)


def _tc1_body(degp_ref, xt_ref, xst_ref):
    xst_ref[0:4, :] = xt_ref[...] * _dis(degp_ref[...])
    xst_ref[4:8, :] = jnp.zeros((4, _BL), jnp.float32)


def _tc2_body(degp_ref, a1t_ref, xt_ref, w1t_ref, b1_ref, w2t_ref, g2_ref):
    dis = _dis(degp_ref[...])
    a1 = a1t_ref[0, 0:4] + a1t_ref[1, 0:4]
    u = dis * a1 + (dis * dis) * xt_ref[...]
    h = jnp.dot(w1t_ref[...], u) + b1_ref[...]
    z = jnp.maximum(h, 0.0)
    h2 = jnp.dot(w2t_ref[...], z)
    col = lax.broadcasted_iota(jnp.int32, (1, _BL), 1) + pl.program_id(0) * _BL
    g2_ref[...] = jnp.where(col < N, dis * h2, 0.0)


def _tc3_body(degp_ref, s2p_ref, g2_ref, b2_ref, out_ref):
    dis = _dis(degp_ref[...])
    s2 = s2p_ref[0:1, :] + s2p_ref[1:2, :]
    out_ref[...] = dis * (s2 + g2_ref[...]) + b2_ref[0, 0]


def _tc1_call(degp, x_t):
    return pl.pallas_call(
        _tc1_body,
        grid=(_GRID,),
        in_specs=[
            pl.BlockSpec((2, _BL), lambda b: (0, b)),
            pl.BlockSpec((4, _BL), lambda b: (0, b)),
        ],
        out_specs=pl.BlockSpec((8, _BL), lambda b: (0, b)),
        out_shape=jax.ShapeDtypeStruct((8, NP), jnp.float32),
    )(degp, x_t)


def _tc2_call(degp, a1t, x_t, W1, b1, W2):
    return pl.pallas_call(
        _tc2_body,
        grid=(_GRID,),
        in_specs=[
            pl.BlockSpec((2, _BL), lambda b: (0, b)),
            pl.BlockSpec((2, 8, _BL), lambda b: (0, 0, b)),
            pl.BlockSpec((4, _BL), lambda b: (0, b)),
            pl.BlockSpec((16, 4), lambda b: (0, 0)),
            pl.BlockSpec((16, 1), lambda b: (0, 0)),
            pl.BlockSpec((1, 16), lambda b: (0, 0)),
        ],
        out_specs=pl.BlockSpec((1, _BL), lambda b: (0, b)),
        out_shape=jax.ShapeDtypeStruct((1, NP), jnp.float32),
    )(degp, a1t, x_t, W1.T, b1.reshape(16, 1), W2.T)


def _tc3_call(degp, s2p, g2, b2):
    return pl.pallas_call(
        _tc3_body,
        grid=(_GRID,),
        in_specs=[
            pl.BlockSpec((2, _BL), lambda b: (0, b)),
            pl.BlockSpec((2, _BL), lambda b: (0, b)),
            pl.BlockSpec((1, _BL), lambda b: (0, b)),
            pl.BlockSpec((1, 1), lambda b: (0, 0)),
        ],
        out_specs=pl.BlockSpec((1, _BL), lambda b: (0, b)),
        out_shape=jax.ShapeDtypeStruct((1, NP), jnp.float32),
    )(degp, s2p, g2, b2.reshape(1, 1))


def kernel(x, edge_index, W1, b1, W2, b2):
    src = edge_index[0].astype(jnp.int32)
    dst = edge_index[1].astype(jnp.int32)
    src_p = src.reshape(DESC, LW)
    dst_p = dst.reshape(DESC, LW)
    src_pb = src.reshape(DESCB, LWB)
    dst_pb = dst.reshape(DESCB, LWB)

    x_t = jnp.pad(x.T, ((0, 0), (0, NP - N)))
    zeros_n = jnp.zeros((NP,), jnp.float32)
    zeros_n8 = jnp.zeros((NP, 8), jnp.float32)

    degp = _sc_deg(dst_p, zeros_n)
    xst = _tc1_call(degp, x_t)
    xs = xst.T.reshape(NP, 8)
    a1p = _sc_agg4(xs, src_pb, dst_pb, zeros_n8)
    a1t = a1p.transpose(0, 2, 1)
    g2 = _tc2_call(degp, a1t, x_t, W1, b1, W2)
    s2p = _sc_agg1(g2.reshape(NP), src_p, dst_p, zeros_n)
    out = _tc3_call(degp, s2p, g2, b2)
    return out[0, :N].reshape(N, 1)

# --- scband reference (transcript-rebuilt; emitter-appended) ---
"""Pipeline reference for scband-gcnlatency-model-13589276524806 (READ-ONLY COPY).

The authoritative reference and input builder live on the scoring server;
editing this copy changes nothing except your own understanding.
"""

import jax, jax.numpy as jnp
import numpy as np

N_NODES = 100000
N_EDGES = 6400000
IN_DIM = 4
HID_DIM = 16
OUT_DIM = 1


def setup_inputs(seed: int = 0) -> dict:
    key = jax.random.key(seed)
    k_x, k_e, k_w1, k_b1, k_w2, k_b2 = jax.random.split(key, 6)
    x = jax.random.normal(k_x, (N_NODES, IN_DIM), dtype=jnp.float32)
    edge_index = jax.random.randint(k_e, (2, N_EDGES), 0, N_NODES, dtype=jnp.int64)
    # Glorot-ish init for GCNConv weights, zeros for bias (PyG default)
    W1 = jax.random.normal(k_w1, (IN_DIM, HID_DIM), dtype=jnp.float32) * (1.0 / np.sqrt(IN_DIM))
    b1 = jnp.zeros((HID_DIM,), dtype=jnp.float32)
    W2 = jax.random.normal(k_w2, (HID_DIM, OUT_DIM), dtype=jnp.float32) * (1.0 / np.sqrt(HID_DIM))
    b2 = jnp.zeros((OUT_DIM,), dtype=jnp.float32)
    return {"x": x, "edge_index": edge_index, "W1": W1, "b1": b1, "W2": W2, "b2": b2}


def _gcn_conv(x, edge_index, W, b, num_nodes):
    # PyG GCNConv semantics: add self-loops, symmetric normalization D^-1/2 (A+I) D^-1/2,
    # linear transform, message = norm * h[src], scatter-add into dst, add bias.
    src = edge_index[0]
    dst = edge_index[1]
    self_loop = jnp.arange(num_nodes, dtype=src.dtype)
    src = jnp.concatenate([src, self_loop])
    dst = jnp.concatenate([dst, self_loop])
    ones = jnp.ones(src.shape[0], dtype=x.dtype)
    deg = jnp.zeros((num_nodes,), dtype=x.dtype).at[dst].add(ones)
    deg_inv_sqrt = jnp.where(deg > 0, jax.lax.rsqrt(jnp.maximum(deg, 1e-12)), 0.0)
    norm = deg_inv_sqrt[src] * deg_inv_sqrt[dst]
    h = x @ W
    msg = h[src] * norm[:, None]
    out = jax.ops.segment_sum(msg, dst, num_segments=num_nodes)
    return out + b


def reference(x, edge_index, W1, b1, W2, b2):
    num_nodes = x.shape[0]
    h = _gcn_conv(x, edge_index, W1, b1, num_nodes)
    h = jax.nn.relu(h)
    # dropout(p=0.2) is identity in eval mode
    out = _gcn_conv(h, edge_index, W2, b2, num_nodes)
    return out

if __name__ == "__main__":
    import jax
    _d = setup_inputs()
    print(jax.jit(kernel)(*tuple(_d.values())))

</pallas_src>

<mosaic_0001>
#map = affine_map<(d0, d1) -> (0, 0)>
#map1 = affine_map<(d0, d1) -> (0)>
module attributes {stable_mosaic.version = 14 : i64} {
  func.func @_deg_body(%arg0: i32, %arg1: i32, %arg2: memref<50000x128xi32, #tpu.memory_space<hbm>>, %arg3: memref<102400xf32, #tpu.memory_space<hbm>>, %arg4: memref<2x102400xf32, #tpu.memory_space<hbm>>, %arg5: memref<102400xf32, #tpu.memory_space<vmem_shared>>, %arg6: memref<2x16x128xi32, #tpu.memory_space<vmem>>, %arg7: memref<128xf32, #tpu.memory_space<vmem>>, %arg8: memref<2x!tpu.dma_semaphore, #tpu.memory_space<semaphore_mem>>, %arg9: memref<!tpu.dma_semaphore, #tpu.memory_space<semaphore_mem>>) attributes {dimension_semantics = [#tpu.dimension_semantics<core_parallel>, #tpu.dimension_semantics<subcore_parallel>], iteration_bounds = array<i64: 2, 16>, scalar_prefetch = 0 : i64, scratch_operands = 5 : i64, tpu.core_type = #tpu.core_type<sc_vector_subcore>, window_params = [{transform_indices = #map}, {transform_indices = #map1}, {transform_indices = #map}]} {
    %mul3A = arith.constant 6400 : i32
    %mul3A_0 = arith.muli %arg1, %mul3A : i32
    %mul3A_1 = arith.constant 6400 : i32
    %mul3A_2 = arith.muli %arg1, %mul3A_1 : i32
    "tpu.region"() ({
      %run_scoped3A = tpu.sem_alloc : memref<!tpu.dma_semaphore, #tpu.memory_space<semaphore_mem>>
      %dma_start3A_84 = tpu.memref_slice %arg5[%mul3A_2] : memref<102400xf32, #tpu.memory_space<vmem_shared>> -> memref<6400xf32, #tpu.memory_space<vmem_shared>>
      %dma_start3A_85 = tpu.memref_slice %arg3[%mul3A_0] : memref<102400xf32, #tpu.memory_space<hbm>> -> memref<6400xf32, #tpu.memory_space<hbm>>
      tpu.enqueue_dma source(%dma_start3A_85 : memref<6400xf32, #tpu.memory_space<hbm>>) target(%dma_start3A_84 : memref<6400xf32, #tpu.memory_space<vmem_shared>>) target_semaphore(%run_scoped3A : memref<!tpu.dma_semaphore, #tpu.memory_space<semaphore_mem>>)
      %dma_wait3A = tpu.memref_slice %arg5[%mul3A_2] : memref<102400xf32, #tpu.memory_space<vmem_shared>> -> memref<6400xf32, #tpu.memory_space<vmem_shared>>
      %dma_wait3A_86 = tpu.memref_slice %arg3[%mul3A_0] : memref<102400xf32, #tpu.memory_space<hbm>> -> memref<6400xf32, #tpu.memory_space<hbm>>
      tpu.wait_dma2 semaphore(%run_scoped3A : memref<!tpu.dma_semaphore, #tpu.memory_space<semaphore_mem>>) src(%dma_wait3A_86 : memref<6400xf32, #tpu.memory_space<hbm>>) dst(%dma_wait3A : memref<6400xf32, #tpu.memory_space<vmem_shared>>)
      tpu.yield
    }) : () -> ()
    %broadcast_in_dim3A = arith.constant 1.000000e+00 : f32
    %broadcast_in_dim3A_3 = vector.broadcast %broadcast_in_dim3A : f32 to vector<16xf32>
    %swap3A = arith.constant 0 : index
    %swap3A_4 = tpu.vector_load %arg7[%swap3A] {strides = array<i32>} : memref<128xf32, #tpu.memory_space<vmem>>, vector<16xf32>,
    %swap3A_5 = vector.shape_cast %swap3A_4 : vector<16xf32> to vector<16xf32>
    %swap3A_6 = vector.shape_cast %broadcast_in_dim3A_3 : vector<16xf32> to vector<16xf32>
    tpu.vector_store %arg7[%swap3A], %swap3A_6 {strides = array<i32>} : memref<128xf32, #tpu.memory_space<vmem>>, vector<16xf32>,
    %broadcast_in_dim3A_7 = arith.constant 1.000000e+00 : f32
    %broadcast_in_dim3A_8 = vector.broadcast %broadcast_in_dim3A_7 : f32 to vector<16xf32>
    %swap3A_9 = arith.constant 16 : index
    %swap3A_10 = tpu.vector_load %arg7[%swap3A_9] {strides = array<i32>} : memref<128xf32, #tpu.memory_space<vmem>>, vector<16xf32>,
    %swap3A_11 = vector.shape_cast %swap3A_10 : vector<16xf32> to vector<16xf32>
    %swap3A_12 = vector.shape_cast %broadcast_in_dim3A_8 : vector<16xf32> to vector<16xf32>
    tpu.vector_store %arg7[%swap3A_9], %swap3A_12 {strides = array<i32>} : memref<128xf32, #tpu.memory_space<vmem>>, vector<16xf32>,
    %broadcast_in_dim3A_13 = arith.constant 1.000000e+00 : f32
    %broadcast_in_dim3A_14 = vector.broadcast %broadcast_in_dim3A_13 : f32 to vector<16xf32>
    %swap3A_15 = arith.constant 32 : index
    %swap3A_16 = tpu.vector_load %arg7[%swap3A_15] {strides = array<i32>} : memref<128xf32, #tpu.memory_space<vmem>>, vector<16xf32>,
    %swap3A_17 = vector.shape_cast %swap3A_16 : vector<16xf32> to vector<16xf32>
    %swap3A_18 = vector.shape_cast %broadcast_in_dim3A_14 : vector<16xf32> to vector<16xf32>
    tpu.vector_store %arg7[%swap3A_15], %swap3A_18 {strides = array<i32>} : memref<128xf32, #tpu.memory_space<vmem>>, vector<16xf32>,
    %broadcast_in_dim3A_19 = arith.constant 1.000000e+00 : f32
    %broadcast_in_dim3A_20 = vector.broadcast %broadcast_in_dim3A_19 : f32 to vector<16xf32>
    %swap3A_21 = arith.constant 48 : index
    %swap3A_22 = tpu.vector_load %arg7[%swap3A_21] {strides = array<i32>} : memref<128xf32, #tpu.memory_space<vmem>>, vector<16xf32>,
    %swap3A_23 = vector.shape_cast %swap3A_22 : vector<16xf32> to vector<16xf32>
    %swap3A_24 = vector.shape_cast %broadcast_in_dim3A_20 : vector<16xf32> to vector<16xf32>
    tpu.vector_store %arg7[%swap3A_21], %swap3A_24 {strides = array<i32>} : memref<128xf32, #tpu.memory_space<vmem>>, vector<16xf32>,
    %broadcast_in_dim3A_25 = arith.constant 1.000000e+00 : f32
    %broadcast_in_dim3A_26 = vector.broadcast %broadcast_in_dim3A_25 : f32 to vector<16xf32>
    %swap3A_27 = arith.constant 64 : index
    %swap3A_28 = tpu.vector_load %arg7[%swap3A_27] {strides = array<i32>} : memref<128xf32, #tpu.memory_space<vmem>>, vector<16xf32>,
    %swap3A_29 = vector.shape_cast %swap3A_28 : vector<16xf32> to vector<16xf32>
    %swap3A_30 = vector.shape_cast %broadcast_in_dim3A_26 : vector<16xf32> to vector<16xf32>
    tpu.vector_store %arg7[%swap3A_27], %swap3A_30 {strides = array<i32>} : memref<128xf32, #tpu.memory_space<vmem>>, vector<16xf32>,
    %broadcast_in_dim3A_31 = arith.constant 1.000000e+00 : f32
    %broadcast_in_dim3A_32 = vector.broadcast %broadcast_in_dim3A_31 : f32 to vector<16xf32>
    %swap3A_33 = arith.constant 80 : index
    %swap3A_34 = tpu.vector_load %arg7[%swap3A_33] {strides = array<i32>} : memref<128xf32, #tpu.memory_space<vmem>>, vector<16xf32>,
    %swap3A_35 = vector.shape_cast %swap3A_34 : vector<16xf32> to vector<16xf32>
    %swap3A_36 = vector.shape_cast %broadcast_in_dim3A_32 : vector<16xf32> to vector<16xf32>
    tpu.vector_store %arg7[%swap3A_33], %swap3A_36 {strides = array<i32>} : memref<128xf32, #tpu.memory_space<vmem>>, vector<16xf32>,
    %broadcast_in_dim3A_37 = arith.constant 1.000000e+00 : f32
    %broadcast_in_dim3A_38 = vector.broadcast %broadcast_in_dim3A_37 : f32 to vector<16xf32>
    %swap3A_39 = arith.constant 96 : index
    %swap3A_40 = tpu.vector_load %arg7[%swap3A_39] {strides = array<i32>} : memref<128xf32, #tpu.memory_space<vmem>>, vector<16xf32>,
    %swap3A_41 = vector.shape_cast %swap3A_40 : vector<16xf32> to vector<16xf32>
    %swap3A_42 = vector.shape_cast %broadcast_in_dim3A_38 : vector<16xf32> to vector<16xf32>
    tpu.vector_store %arg7[%swap3A_39], %swap3A_42 {strides = array<i32>} : memref<128xf32, #tpu.memory_space<vmem>>, vector<16xf32>,
    %broadcast_in_dim3A_43 = arith.constant 1.000000e+00 : f32
    %broadcast_in_dim3A_44 = vector.broadcast %broadcast_in_dim3A_43 : f32 to vector<16xf32>
    %swap3A_45 = arith.constant 112 : index
    %swap3A_46 = tpu.vector_load %arg7[%swap3A_45] {strides = array<i32>} : memref<128xf32, #tpu.memory_space<vmem>>, vector<16xf32>,
    %swap3A_47 = vector.shape_cast %swap3A_46 : vector<16xf32> to vector<16xf32>
    %swap3A_48 = vector.shape_cast %broadcast_in_dim3A_44 : vector<16xf32> to vector<16xf32>
    tpu.vector_store %arg7[%swap3A_45], %swap3A_48 {strides = array<i32>} : memref<128xf32, #tpu.memory_space<vmem>>, vector<16xf32>,
    %barrier3A = arith.constant 0 : index
    tpu.barrier barrier_id(%barrier3A)
    %mul3A_49 = arith.constant 16 : i32
    %mul3A_50 = arith.muli %arg0, %mul3A_49 : i32
    %add3A = arith.addi %mul3A_50, %arg1 : i32
    %eq3A = arith.constant 31 : i32
    %eq3A_51 = arith.cmpi eq, %add3A, %eq3A : i32
    %jit3A = arith.constant 87 : i32
    %jit3A_52 = arith.constant 98 : i32
    %select_n3A = arith.select %eq3A_51, %jit3A, %jit3A_52 : i32
    %mul3A_53 = arith.constant 1568 : i32
    %mul3A_54 = arith.muli %add3A, %mul3A_53 : i32
    %dma_start3A = arith.constant 0 : i32
    %dma_start3A_55 = arith.constant 0 : i32
    %dma_start3A_56 = arith.constant 0 : i32
    %dma_start3A_57 = arith.constant 0 : i32
    %dma_start3A_58 = tpu.memref_slice %arg6[%dma_start3A, %dma_start3A_56, %dma_start3A_57] : memref<2x16x128xi32, #tpu.memory_space<vmem>> -> memref<1x16x128xi32, #tpu.memory_space<vmem>>
    %dma_start3A_59 = tpu.memref_squeeze %dma_start3A_58 : memref<1x16x128xi32, #tpu.memory_space<vmem>> -> memref<16x128xi32, #tpu.memory_space<vmem>>
    %dma_start3A_60 = arith.constant 0 : i32
    %dma_start3A_61 = tpu.memref_slice %arg2[%mul3A_54, %dma_start3A_60] : memref<50000x128xi32, #tpu.memory_space<hbm>> -> memref<16x128xi32, #tpu.memory_space<hbm>>
    %dma_start3A_62 = tpu.memref_slice %arg8[%dma_start3A_55] : memref<2x!tpu.dma_semaphore, #tpu.memory_space<semaphore_mem>> -> memref<1x!tpu.dma_semaphore, #tpu.memory_space<semaphore_mem>>
    %dma_start3A_63 = tpu.memref_squeeze %dma_start3A_62 : memref<1x!tpu.dma_semaphore, #tpu.memory_space<semaphore_mem>> -> memref<!tpu.dma_semaphore, #tpu.memory_space<semaphore_mem>>
    %dma_start3A_64 = arith.constant 0 : i32
    %dma_start3A_65 = arith.constant 0 : i32
    %dma_start3A_66 = tpu.memref_slice %arg6[%dma_start3A, %dma_start3A_64, %dma_start3A_65] : memref<2x16x128xi32, #tpu.memory_space<vmem>> -> memref<1x16x128xi32, #tpu.memory_space<vmem>>
    %dma_start3A_67 = tpu.memref_squeeze %dma_start3A_66 : memref<1x16x128xi32, #tpu.memory_space<vmem>> -> memref<16x128xi32, #tpu.memory_space<vmem>>
    %dma_start3A_68 = arith.constant 0 : i32
    %dma_start3A_69 = tpu.memref_slice %arg2[%mul3A_54, %dma_start3A_68] : memref<50000x128xi32, #tpu.memory_space<hbm>> -> memref<16x128xi32, #tpu.memory_space<hbm>>
    tpu.enqueue_dma source(%dma_start3A_69 : memref<16x128xi32, #tpu.memory_space<hbm>>) target(%dma_start3A_67 : memref<16x128xi32, #tpu.memory_space<vmem>>) target_semaphore(%dma_start3A_63 : memref<!tpu.dma_semaphore, #tpu.memory_space<semaphore_mem>>)
    %while3A = arith.constant 0 : i32
    %while3A_70 = arith.constant 0 : i32
    %while3A_71 = arith.subi %select_n3A, %while3A_70 : i32
    %while3A_72 = arith.addi %while3A_70, %while3A_71 : i32
    %while3A_73 = arith.constant 1 : i32
    %while3A_74 = arith.divsi %while3A_71, %while3A_73 : i32
    %while3A_75 = arith.muli %while3A_74, %while3A_73 : i32
    %while3A_76 = arith.addi %while3A_70, %while3A_75 : i32
    %while3A_77 = arith.constant 1 : i32
    scf.for %while3A_84 = %while3A_70 to %while3A_76 step %while3A_77  : i32 {
      %jit3A_85 = arith.constant 2 : i32
      %eq3A_86 = arith.constant 0 : i32
      %eq3A_87 = arith.cmpi eq, %jit3A_85, %eq3A_86 : i32
      %jit3A_88 = arith.constant 1 : i32
      %select_n3A_89 = arith.select %eq3A_87, %jit3A_88, %jit3A_85 : i32
      %rem3A = arith.remsi %while3A_84, %select_n3A_89 : i32
      %ne3A = arith.constant 0 : i32
      %ne3A_90 = arith.cmpi ne, %rem3A, %ne3A : i32
      %lt3A = arith.constant 0 : i32
      %lt3A_91 = arith.cmpi slt, %rem3A, %lt3A : i32
      %lt3A_92 = arith.constant 0 : i32
      %lt3A_93 = arith.cmpi slt, %select_n3A_89, %lt3A_92 : i32
      %ne3A_94 = arith.xori %lt3A_91, %lt3A_93 : i1
      %and3A = arith.andi %ne3A_94, %ne3A_90 : i1
      %add3A_95 = arith.addi %rem3A, %select_n3A_89 : i32
      %select_n3A_96 = arith.select %and3A, %add3A_95, %rem3A : i32
      %add3A_97 = arith.constant 1 : i32
      %add3A_98 = arith.addi %while3A_84, %add3A_97 : i32
      %lt3A_99 = arith.cmpi slt, %add3A_98, %select_n3A : i32
      %convert_element_type3A = arith.extui %lt3A_99 : i1 to i32
      %cond3A = arith.constant 0 : i32
      %cond3A_100 = arith.cmpi ne, %convert_element_type3A, %cond3A : i32
      scf.if %cond3A_100 {
        %add3A_309 = arith.constant 1 : i32
        %add3A_310 = arith.addi %while3A_84, %add3A_309 : i32
        %mul3A_311 = arith.constant 16 : i32
        %mul3A_312 = arith.muli %add3A_310, %mul3A_311 : i32
        %add3A_313 = arith.addi %mul3A_54, %mul3A_312 : i32
        %sub3A = arith.constant 1 : i32
        %sub3A_314 = arith.subi %sub3A, %select_n3A_96 : i32
        %sub3A_315 = arith.constant 1 : i32
        %sub3A_316 = arith.subi %sub3A_315, %select_n3A_96 : i32
        %dma_start3A_317 = arith.constant 0 : i32
        %dma_start3A_318 = arith.constant 0 : i32
        %dma_start3A_319 = tpu.memref_slice %arg6[%sub3A_314, %dma_start3A_317, %dma_start3A_318] : memref<2x16x128xi32, #tpu.memory_space<vmem>> -> memref<1x16x128xi32, #tpu.memory_space<vmem>>
        %dma_start3A_320 = tpu.memref_squeeze %dma_start3A_319 : memref<1x16x128xi32, #tpu.memory_space<vmem>> -> memref<16x128xi32, #tpu.memory_space<vmem>>
        %dma_start3A_321 = arith.constant 0 : i32
        %dma_start3A_322 = tpu.memref_slice %arg2[%add3A_313, %dma_start3A_321] : memref<50000x128xi32, #tpu.memory_space<hbm>> -> memref<16x128xi32, #tpu.memory_space<hbm>>
        %dma_start3A_323 = tpu.memref_slice %arg8[%sub3A_316] : memref<2x!tpu.dma_semaphore, #tpu.memory_space<semaphore_mem>> -> memref<1x!tpu.dma_semaphore, #tpu.memory_space<semaphore_mem>>
        %dma_start3A_324 = tpu.memref_squeeze %dma_start3A_323 : memref<1x!tpu.dma_semaphore, #tpu.memory_space<semaphore_mem>> -> memref<!tpu.dma_semaphore, #tpu.memory_space<semaphore_mem>>
        %dma_start3A_325 = arith.constant 0 : i32
        %dma_start3A_326 = arith.constant 0 : i32
        %dma_start3A_327 = tpu.memref_slice %arg6[%sub3A_314, %dma_start3A_325, %dma_start3A_326] : memref<2x16x128xi32, #tpu.memory_space<vmem>> -> memref<1x16x128xi32, #tpu.memory_space<vmem>>
        %dma_start3A_328 = tpu.memref_squeeze %dma_start3A_327 : memref<1x16x128xi32, #tpu.memory_space<vmem>> -> memref<16x128xi32, #tpu.memory_space<vmem>>
        %dma_start3A_329 = arith.constant 0 : i32
        %dma_start3A_330 = tpu.memref_slice %arg2[%add3A_313, %dma_start3A_329] : memref<50000x128xi32, #tpu.memory_space<hbm>> -> memref<16x128xi32, #tpu.memory_space<hbm>>
        tpu.enqueue_dma source(%dma_start3A_330 : memref<16x128xi32, #tpu.memory_space<hbm>>) target(%dma_start3A_328 : memref<16x128xi32, #tpu.memory_space<vmem>>) target_semaphore(%dma_start3A_324 : memref<!tpu.dma_semaphore, #tpu.memory_space<semaphore_mem>>)
      } else {
      }
      %mul3A_101 = arith.constant 16 : i32
      %mul3A_102 = arith.muli %while3A_84, %mul3A_101 : i32
      %add3A_103 = arith.addi %mul3A_54, %mul3A_102 : i32
      %dma_wait3A = arith.constant 0 : i32
      %dma_wait3A_104 = arith.constant 0 : i32
      %dma_wait3A_105 = tpu.memref_slice %arg6[%select_n3A_96, %dma_wait3A, %dma_wait3A_104] : memref<2x16x128xi32, #tpu.memory_space<vmem>> -> memref<1x16x128xi32, #tpu.memory_space<vmem>>
      %dma_wait3A_106 = tpu.memref_squeeze %dma_wait3A_105 : memref<1x16x128xi32, #tpu.memory_space<vmem>> -> memref<16x128xi32, #tpu.memory_space<vmem>>
      %dma_wait3A_107 = arith.constant 0 : i32
      %dma_wait3A_108 = tpu.memref_slice %arg2[%add3A_103, %dma_wait3A_107] : memref<50000x128xi32, #tpu.memory_space<hbm>> -> memref<16x128xi32, #tpu.memory_space<hbm>>
      %dma_wait3A_109 = tpu.memref_slice %arg8[%select_n3A_96] : memref<2x!tpu.dma_semaphore, #tpu.memory_space<semaphore_mem>> -> memref<1x!tpu.dma_semaphore, #tpu.memory_space<semaphore_mem>>
      %dma_wait3A_110 = tpu.memref_squeeze %dma_wait3A_109 : memref<1x!tpu.dma_semaphore, #tpu.memory_space<semaphore_mem>> -> memref<!tpu.dma_semaphore, #tpu.memory_space<semaphore_mem>>
      %dma_wait3A_111 = arith.constant 0 : i32
      %dma_wait3A_112 = arith.constant 0 : i32
      %dma_wait3A_113 = tpu.memref_slice %arg6[%select_n3A_96, %dma_wait3A_111, %dma_wait3A_112] : memref<2x16x128xi32, #tpu.memory_space<vmem>> -> memref<1x16x128xi32, #tpu.memory_space<vmem>>
      %dma_wait3A_114 = tpu.memref_squeeze %dma_wait3A_113 : memref<1x16x128xi32, #tpu.memory_space<vmem>> -> memref<16x128xi32, #tpu.memory_space<vmem>>
      %dma_wait3A_115 = arith.constant 0 : i32
      %dma_wait3A_116 = tpu.memref_slice %arg2[%add3A_103, %dma_wait3A_115] : memref<50000x128xi32, #tpu.memory_space<hbm>> -> memref<16x128xi32, #tpu.memory_space<hbm>>
      tpu.wait_dma2 semaphore(%dma_wait3A_110 : memref<!tpu.dma_semaphore, #tpu.memory_space<semaphore_mem>>) src(%dma_wait3A_116 : memref<16x128xi32, #tpu.memory_space<hbm>>) dst(%dma_wait3A_114 : memref<16x128xi32, #tpu.memory_space<vmem>>)
      %dma_start3A_117 = arith.constant 0 : i32
      %dma_start3A_118 = arith.constant 0 : i32
      %dma_start3A_119 = tpu.memref_slice %arg6[%select_n3A_96, %dma_start3A_117, %dma_start3A_118] : memref<2x16x128xi32, #tpu.memory_space<vmem>> -> memref<1x1x128xi32, #tpu.memory_space<vmem>>
      %dma_start3A_120 = tpu.memref_squeeze %dma_start3A_119 : memref<1x1x128xi32, #tpu.memory_space<vmem>> -> memref<128xi32, #tpu.memory_space<vmem>>
      %dma_start3A_121 = arith.constant 0 : i32
      %dma_start3A_122 = tpu.memref_slice %arg5[%dma_start3A_121] : memref<102400xf32, #tpu.memory_space<vmem_shared>> -> memref<102400xf32, #tpu.memory_space<vmem_shared>>
      tpu.enqueue_indirect_dma source(%arg7 : memref<128xf32, #tpu.memory_space<vmem>>) target(%dma_start3A_122 : memref<102400xf32, #tpu.memory_space<vmem_shared>>) offsets(%dma_start3A_120 : memref<128xi32, #tpu.memory_space<vmem>>) semaphore(%arg9 : memref<!tpu.dma_semaphore, #tpu.memory_space<semaphore_mem>>) {add = true}
      %dma_start3A_123 = arith.constant 1 : i32
      %dma_start3A_124 = arith.constant 0 : i32
      %dma_start3A_125 = tpu.memref_slice %arg6[%select_n3A_96, %dma_start3A_123, %dma_start3A_124] : memref<2x16x128xi32, #tpu.memory_space<vmem>> -> memref<1x1x128xi32, #tpu.memory_space<vmem>>
      %dma_start3A_126 = tpu.memref_squeeze %dma_start3A_125 : memref<1x1x128xi32, #tpu.memory_space<vmem>> -> memref<128xi32, #tpu.memory_space<vmem>>
      %dma_start3A_127 = arith.constant 0 : i32
      %dma_start3A_128 = tpu.memref_slice %arg5[%dma_start3A_127] : memref<102400xf32, #tpu.memory_space<vmem_shared>> -> memref<102400xf32, #tpu.memory_space<vmem_shared>>
      tpu.enqueue_indirect_dma source(%arg7 : memref<128xf32, #tpu.memory_space<vmem>>) target(%dma_start3A_128 : memref<102400xf32, #tpu.memory_space<vmem_shared>>) offsets(%dma_start3A_126 : memref<128xi32, #tpu.memory_space<vmem>>) semaphore(%arg9 : memref<!tpu.dma_semaphore, #tpu.memory_space<semaphore_mem>>) {add = true}
      %dma_start3A_129 = arith.constant 2 : i32
      %dma_start3A_130 = arith.constant 0 : i32
      %dma_start3A_131 = tpu.memref_slice %arg6[%select_n3A_96, %dma_start3A_129, %dma_start3A_130] : memref<2x16x128xi32, #tpu.memory_space<vmem>> -> memref<1x1x128xi32, #tpu.memory_space<vmem>>
      %dma_start3A_132 = tpu.memref_squeeze %dma_start3A_131 : memref<1x1x128xi32, #tpu.memory_space<vmem>> -> memref<128xi32, #tpu.memory_space<vmem>>
      %dma_start3A_133 = arith.constant 0 : i32
      %dma_start3A_134 = tpu.memref_slice %arg5[%dma_start3A_133] : memref<102400xf32, #tpu.memory_space<vmem_shared>> -> memref<102400xf32, #tpu.memory_space<vmem_shared>>
      tpu.enqueue_indirect_dma source(%arg7 : memref<128xf32, #tpu.memory_space<vmem>>) target(%dma_start3A_134 : memref<102400xf32, #tpu.memory_space<vmem_shared>>) offsets(%dma_start3A_132 : memref<128xi32, #tpu.memory_space<vmem>>) semaphore(%arg9 : memref<!tpu.dma_semaphore, #tpu.memory_space<semaphore_mem>>) {add = true}
      %dma_start3A_135 = arith.constant 3 : i32
      %dma_start3A_136 = arith.constant 0 : i32
      %dma_start3A_137 = tpu.memref_slice %arg6[%select_n3A_96, %dma_start3A_135, %dma_start3A_136] : memref<2x16x128xi32, #tpu.memory_space<vmem>> -> memref<1x1x128xi32, #tpu.memory_space<vmem>>
      %dma_start3A_138 = tpu.memref_squeeze %dma_start3A_137 : memref<1x1x128xi32, #tpu.memory_space<vmem>> -> memref<128xi32, #tpu.memory_space<vmem>>
      %dma_start3A_139 = arith.constant 0 : i32
      %dma_start3A_140 = tpu.memref_slice %arg5[%dma_start3A_139] : memref<102400xf32, #tpu.memory_space<vmem_shared>> -> memref<102400xf32, #tpu.memory_space<vmem_shared>>
      tpu.enqueue_indirect_dma source(%arg7 : memref<128xf32, #tpu.memory_space<vmem>>) target(%dma_start3A_140 : memref<102400xf32, #tpu.memory_space<vmem_shared>>) offsets(%dma_start3A_138 : memref<128xi32, #tpu.memory_space<vmem>>) semaphore(%arg9 : memref<!tpu.dma_semaphore, #tpu.memory_space<semaphore_mem>>) {add = true}
      %dma_start3A_141 = arith.constant 4 : i32
      %dma_start3A_142 = arith.constant 0 : i32
      %dma_start3A_143 = tpu.memref_slice %arg6[%select_n3A_96, %dma_start3A_141, %dma_start3A_142] : memref<2x16x128xi32, #tpu.memory_space<vmem>> -> memref<1x1x128xi32, #tpu.memory_space<vmem>>
      %dma_start3A_144 = tpu.memref_squeeze %dma_start3A_143 : memref<1x1x128xi32, #tpu.memory_space<vmem>> -> memref<128xi32, #tpu.memory_space<vmem>>
      %dma_start3A_145 = arith.constant 0 : i32
      %dma_start3A_146 = tpu.memref_slice %arg5[%dma_start3A_145] : memref<102400xf32, #tpu.memory_space<vmem_shared>> -> memref<102400xf32, #tpu.memory_space<vmem_shared>>
      tpu.enqueue_indirect_dma source(%arg7 : memref<128xf32, #tpu.memory_space<vmem>>) target(%dma_start3A_146 : memref<102400xf32, #tpu.memory_space<vmem_shared>>) offsets(%dma_start3A_144 : memref<128xi32, #tpu.memory_space<vmem>>) semaphore(%arg9 : memref<!tpu.dma_semaphore, #tpu.memory_space<semaphore_mem>>) {add = true}
      %dma_start3A_147 = arith.constant 5 : i32
      %dma_start3A_148 = arith.constant 0 : i32
      %dma_start3A_149 = tpu.memref_slice %arg6[%select_n3A_96, %dma_start3A_147, %dma_start3A_148] : memref<2x16x128xi32, #tpu.memory_space<vmem>> -> memref<1x1x128xi32, #tpu.memory_space<vmem>>
      %dma_start3A_150 = tpu.memref_squeeze %dma_start3A_149 : memref<1x1x128xi32, #tpu.memory_space<vmem>> -> memref<128xi32, #tpu.memory_space<vmem>>
      %dma_start3A_151 = arith.constant 0 : i32
      %dma_start3A_152 = tpu.memref_slice %arg5[%dma_start3A_151] : memref<102400xf32, #tpu.memory_space<vmem_shared>> -> memref<102400xf32, #tpu.memory_space<vmem_shared>>
      tpu.enqueue_indirect_dma source(%arg7 : memref<128xf32, #tpu.memory_space<vmem>>) target(%dma_start3A_152 : memref<102400xf32, #tpu.memory_space<vmem_shared>>) offsets(%dma_start3A_150 : memref<128xi32, #tpu.memory_space<vmem>>) semaphore(%arg9 : memref<!tpu.dma_semaphore, #tpu.memory_space<semaphore_mem>>) {add = true}
      %dma_start3A_153 = arith.constant 6 : i32
      %dma_start3A_154 = arith.constant 0 : i32
      %dma_start3A_155 = tpu.memref_slice %arg6[%select_n3A_96, %dma_start3A_153, %dma_start3A_154] : memref<2x16x128xi32, #tpu.memory_space<vmem>> -> memref<1x1x128xi32, #tpu.memory_space<vmem>>
      %dma_start3A_156 = tpu.memref_squeeze %dma_start3A_155 : memref<1x1x128xi32, #tpu.memory_space<vmem>> -> memref<128xi32, #tpu.memory_space<vmem>>
      %dma_start3A_157 = arith.constant 0 : i32
      %dma_start3A_158 = tpu.memref_slice %arg5[%dma_start3A_157] : memref<102400xf32, #tpu.memory_space<vmem_shared>> -> memref<102400xf32, #tpu.memory_space<vmem_shared>>
      tpu.enqueue_indirect_dma source(%arg7 : memref<128xf32, #tpu.memory_space<vmem>>) target(%dma_start3A_158 : memref<102400xf32, #tpu.memory_space<vmem_shared>>) offsets(%dma_start3A_156 : memref<128xi32, #tpu.memory_space<vmem>>) semaphore(%arg9 : memref<!tpu.dma_semaphore, #tpu.memory_space<semaphore_mem>>) {add = true}
      %dma_start3A_159 = arith.constant 7 : i32
      %dma_start3A_160 = arith.constant 0 : i32
      %dma_start3A_161 = tpu.memref_slice %arg6[%select_n3A_96, %dma_start3A_159, %dma_start3A_160] : memref<2x16x128xi32, #tpu.memory_space<vmem>> -> memref<1x1x128xi32, #tpu.memory_space<vmem>>
      %dma_start3A_162 = tpu.memref_squeeze %dma_start3A_161 : memref<1x1x128xi32, #tpu.memory_space<vmem>> -> memref<128xi32, #tpu.memory_space<vmem>>
      %dma_start3A_163 = arith.constant 0 : i32
      %dma_start3A_164 = tpu.memref_slice %arg5[%dma_start3A_163] : memref<102400xf32, #tpu.memory_space<vmem_shared>> -> memref<102400xf32, #tpu.memory_space<vmem_shared>>
      tpu.enqueue_indirect_dma source(%arg7 : memref<128xf32, #tpu.memory_space<vmem>>) target(%dma_start3A_164 : memref<102400xf32, #tpu.memory_space<vmem_shared>>) offsets(%dma_start3A_162 : memref<128xi32, #tpu.memory_space<vmem>>) semaphore(%arg9 : memref<!tpu.dma_semaphore, #tpu.memory_space<semaphore_mem>>) {add = true}
      %dma_start3A_165 = arith.constant 8 : i32
      %dma_start3A_166 = arith.constant 0 : i32
      %dma_start3A_167 = tpu.memref_slice %arg6[%select_n3A_96, %dma_start3A_165, %dma_start3A_166] : memref<2x16x128xi32, #tpu.memory_space<vmem>> -> memref<1x1x128xi32, #tpu.memory_space<vmem>>
      %dma_start3A_168 = tpu.memref_squeeze %dma_start3A_167 : memref<1x1x128xi32, #tpu.memory_space<vmem>> -> memref<128xi32, #tpu.memory_space<vmem>>
      %dma_start3A_169 = arith.constant 0 : i32
      %dma_start3A_170 = tpu.memref_slice %arg5[%dma_start3A_169] : memref<102400xf32, #tpu.memory_space<vmem_shared>> -> memref<102400xf32, #tpu.memory_space<vmem_shared>>
      tpu.enqueue_indirect_dma source(%arg7 : memref<128xf32, #tpu.memory_space<vmem>>) target(%dma_start3A_170 : memref<102400xf32, #tpu.memory_space<vmem_shared>>) offsets(%dma_start3A_168 : memref<128xi32, #tpu.memory_space<vmem>>) semaphore(%arg9 : memref<!tpu.dma_semaphore, #tpu.memory_space<semaphore_mem>>) {add = true}
      %dma_start3A_171 = arith.constant 9 : i32
      %dma_start3A_172 = arith.constant 0 : i32
      %dma_start3A_173 = tpu.memref_slice %arg6[%select_n3A_96, %dma_start3A_171, %dma_start3A_172] : memref<2x16x128xi32, #tpu.memory_space<vmem>> -> memref<1x1x128xi32, #tpu.memory_space<vmem>>
      %dma_start3A_174 = tpu.memref_squeeze %dma_start3A_173 : memref<1x1x128xi32, #tpu.memory_space<vmem>> -> memref<128xi32, #tpu.memory_space<vmem>>
      %dma_start3A_175 = arith.constant 0 : i32
      %dma_start3A_176 = tpu.memref_slice %arg5[%dma_start3A_175] : memref<102400xf32, #tpu.memory_space<vmem_shared>> -> memref<102400xf32, #tpu.memory_space<vmem_shared>>
      tpu.enqueue_indirect_dma source(%arg7 : memref<128xf32, #tpu.memory_space<vmem>>) target(%dma_start3A_176 : memref<102400xf32, #tpu.memory_space<vmem_shared>>) offsets(%dma_start3A_174 : memref<128xi32, #tpu.memory_space<vmem>>) semaphore(%arg9 : memref<!tpu.dma_semaphore, #tpu.memory_space<semaphore_mem>>) {add = true}
      %dma_start3A_177 = arith.constant 10 : i32
      %dma_start3A_178 = arith.constant 0 : i32
      %dma_start3A_179 = tpu.memref_slice %arg6[%select_n3A_96, %dma_start3A_177, %dma_start3A_178] : memref<2x16x128xi32, #tpu.memory_space<vmem>> -> memref<1x1x128xi32, #tpu.memory_space<vmem>>
      %dma_start3A_180 = tpu.memref_squeeze %dma_start3A_179 : memref<1x1x128xi32, #tpu.memory_space<vmem>> -> memref<128xi32, #tpu.memory_space<vmem>>
      %dma_start3A_181 = arith.constant 0 : i32
      %dma_start3A_182 = tpu.memref_slice %arg5[%dma_start3A_181] : memref<102400xf32, #tpu.memory_space<vmem_shared>> -> memref<102400xf32, #tpu.memory_space<vmem_shared>>
      tpu.enqueue_indirect_dma source(%arg7 : memref<128xf32, #tpu.memory_space<vmem>>) target(%dma_start3A_182 : memref<102400xf32, #tpu.memory_space<vmem_shared>>) offsets(%dma_start3A_180 : memref<128xi32, #tpu.memory_space<vmem>>) semaphore(%arg9 : memref<!tpu.dma_semaphore, #tpu.memory_space<semaphore_mem>>) {add = true}
      %dma_start3A_183 = arith.constant 11 : i32
      %dma_start3A_184 = arith.constant 0 : i32
      %dma_start3A_185 = tpu.memref_slice %arg6[%select_n3A_96, %dma_start3A_183, %dma_start3A_184] : memref<2x16x128xi32, #tpu.memory_space<vmem>> -> memref<1x1x128xi32, #tpu.memory_space<vmem>>
      %dma_start3A_186 = tpu.memref_squeeze %dma_start3A_185 : memref<1x1x128xi32, #tpu.memory_space<vmem>> -> memref<128xi32, #tpu.memory_space<vmem>>
      %dma_start3A_187 = arith.constant 0 : i32
      %dma_start3A_188 = tpu.memref_slice %arg5[%dma_start3A_187] : memref<102400xf32, #tpu.memory_space<vmem_shared>> -> memref<102400xf32, #tpu.memory_space<vmem_shared>>
      tpu.enqueue_indirect_dma source(%arg7 : memref<128xf32, #tpu.memory_space<vmem>>) target(%dma_start3A_188 : memref<102400xf32, #tpu.memory_space<vmem_shared>>) offsets(%dma_start3A_186 : memref<128xi32, #tpu.memory_space<vmem>>) semaphore(%arg9 : memref<!tpu.dma_semaphore, #tpu.memory_space<semaphore_mem>>) {add = true}
      %dma_start3A_189 = arith.constant 12 : i32
      %dma_start3A_190 = arith.constant 0 : i32
      %dma_start3A_191 = tpu.memref_slice %arg6[%select_n3A_96, %dma_start3A_189, %dma_start3A_190] : memref<2x16x128xi32, #tpu.memory_space<vmem>> -> memref<1x1x128xi32, #tpu.memory_space<vmem>>
      %dma_start3A_192 = tpu.memref_squeeze %dma_start3A_191 : memref<1x1x128xi32, #tpu.memory_space<vmem>> -> memref<128xi32, #tpu.memory_space<vmem>>
      %dma_start3A_193 = arith.constant 0 : i32
      %dma_start3A_194 = tpu.memref_slice %arg5[%dma_start3A_193] : memref<102400xf32, #tpu.memory_space<vmem_shared>> -> memref<102400xf32, #tpu.memory_space<vmem_shared>>
      tpu.enqueue_indirect_dma source(%arg7 : memref<128xf32, #tpu.memory_space<vmem>>) target(%dma_start3A_194 : memref<102400xf32, #tpu.memory_space<vmem_shared>>) offsets(%dma_start3A_192 : memref<128xi32, #tpu.memory_space<vmem>>) semaphore(%arg9 : memref<!tpu.dma_semaphore, #tpu.memory_space<semaphore_mem>>) {add = true}
      %dma_start3A_195 = arith.constant 13 : i32
      %dma_start3A_196 = arith.constant 0 : i32
      %dma_start3A_197 = tpu.memref_slice %arg6[%select_n3A_96, %dma_start3A_195, %dma_start3A_196] : memref<2x16x128xi32, #tpu.memory_space<vmem>> -> memref<1x1x128xi32, #tpu.memory_space<vmem>>
      %dma_start3A_198 = tpu.memref_squeeze %dma_start3A_197 : memref<1x1x128xi32, #tpu.memory_space<vmem>> -> memref<128xi32, #tpu.memory_space<vmem>>
      %dma_start3A_199 = arith.constant 0 : i32
      %dma_start3A_200 = tpu.memref_slice %arg5[%dma_start3A_199] : memref<102400xf32, #tpu.memory_space<vmem_shared>> -> memref<102400xf32, #tpu.memory_space<vmem_shared>>
      tpu.enqueue_indirect_dma source(%arg7 : memref<128xf32, #tpu.memory_space<vmem>>) target(%dma_start3A_200 : memref<102400xf32, #tpu.memory_space<vmem_shared>>) offsets(%dma_start3A_198 : memref<128xi32, #tpu.memory_space<vmem>>) semaphore(%arg9 : memref<!tpu.dma_semaphore, #tpu.memory_space<semaphore_mem>>) {add = true}
      %dma_start3A_201 = arith.constant 14 : i32
      %dma_start3A_202 = arith.constant 0 : i32
      %dma_start3A_203 = tpu.memref_slice %arg6[%select_n3A_96, %dma_start3A_201, %dma_start3A_202] : memref<2x16x128xi32, #tpu.memory_space<vmem>> -> memref<1x1x128xi32, #tpu.memory_space<vmem>>
      %dma_start3A_204 = tpu.memref_squeeze %dma_start3A_203 : memref<1x1x128xi32, #tpu.memory_space<vmem>> -> memref<128xi32, #tpu.memory_space<vmem>>
      %dma_start3A_205 = arith.constant 0 : i32
      %dma_start3A_206 = tpu.memref_slice %arg5[%dma_start3A_205] : memref<102400xf32, #tpu.memory_space<vmem_shared>> -> memref<102400xf32, #tpu.memory_space<vmem_shared>>
      tpu.enqueue_indirect_dma source(%arg7 : memref<128xf32, #tpu.memory_space<vmem>>) target(%dma_start3A_206 : memref<102400xf32, #tpu.memory_space<vmem_shared>>) offsets(%dma_start3A_204 : memref<128xi32, #tpu.memory_space<vmem>>) semaphore(%arg9 : memref<!tpu.dma_semaphore, #tpu.memory_space<semaphore_mem>>) {add = true}
      %dma_start3A_207 = arith.constant 15 : i32
      %dma_start3A_208 = arith.constant 0 : i32
      %dma_start3A_209 = tpu.memref_slice %arg6[%select_n3A_96, %dma_start3A_207, %dma_start3A_208] : memref<2x16x128xi32, #tpu.memory_space<vmem>> -> memref<1x1x128xi32, #tpu.memory_space<vmem>>
      %dma_start3A_210 = tpu.memref_squeeze %dma_start3A_209 : memref<1x1x128xi32, #tpu.memory_space<vmem>> -> memref<128xi32, #tpu.memory_space<vmem>>
      %dma_start3A_211 = arith.constant 0 : i32
      %dma_start3A_212 = tpu.memref_slice %arg5[%dma_start3A_211] : memref<102400xf32, #tpu.memory_space<vmem_shared>> -> memref<102400xf32, #tpu.memory_space<vmem_shared>>
      tpu.enqueue_indirect_dma source(%arg7 : memref<128xf32, #tpu.memory_space<vmem>>) target(%dma_start3A_212 : memref<102400xf32, #tpu.memory_space<vmem_shared>>) offsets(%dma_start3A_210 : memref<128xi32, #tpu.memory_space<vmem>>) semaphore(%arg9 : memref<!tpu.dma_semaphore, #tpu.memory_space<semaphore_mem>>) {add = true}
      %dma_wait3A_213 = arith.constant 0 : i32
      %dma_wait3A_214 = arith.constant 0 : i32
      %dma_wait3A_215 = tpu.memref_slice %arg6[%select_n3A_96, %dma_wait3A_213, %dma_wait3A_214] : memref<2x16x128xi32, #tpu.memory_space<vmem>> -> memref<1x1x128xi32, #tpu.memory_space<vmem>>
      %dma_wait3A_216 = tpu.memref_squeeze %dma_wait3A_215 : memref<1x1x128xi32, #tpu.memory_space<vmem>> -> memref<128xi32, #tpu.memory_space<vmem>>
      %dma_wait3A_217 = arith.constant 0 : i32
      %dma_wait3A_218 = tpu.memref_slice %arg5[%dma_wait3A_217] : memref<102400xf32, #tpu.memory_space<vmem_shared>> -> memref<102400xf32, #tpu.memory_space<vmem_shared>>
      tpu.wait_indirect_dma semaphore(%arg9 : memref<!tpu.dma_semaphore, #tpu.memory_space<semaphore_mem>>) src(%arg7 : memref<128xf32, #tpu.memory_space<vmem>>) dst(%dma_wait3A_218 : memref<102400xf32, #tpu.memory_space<vmem_shared>>)
      %dma_wait3A_219 = arith.constant 1 : i32
      %dma_wait3A_220 = arith.constant 0 : i32
      %dma_wait3A_221 = tpu.memref_slice %arg6[%select_n3A_96, %dma_wait3A_219, %dma_wait3A_220] : memref<2x16x128xi32, #tpu.memory_space<vmem>> -> memref<1x1x128xi32, #tpu.memory_space<vmem>>
      %dma_wait3A_222 = tpu.memref_squeeze %dma_wait3A_221 : memref<1x1x128xi32, #tpu.memory_space<vmem>> -> memref<128xi32, #tpu.memory_space<vmem>>
      %dma_wait3A_223 = arith.constant 0 : i32
      %dma_wait3A_224 = tpu.memref_slice %arg5[%dma_wait3A_223] : memref<102400xf32, #tpu.memory_space<vmem_shared>> -> memref<102400xf32, #tpu.memory_space<vmem_shared>>
      tpu.wait_indirect_dma semaphore(%arg9 : memref<!tpu.dma_semaphore, #tpu.memory_space<semaphore_mem>>) src(%arg7 : memref<128xf32, #tpu.memory_space<vmem>>) dst(%dma_wait3A_224 : memref<102400xf32, #tpu.memory_space<vmem_shared>>)
      %dma_wait3A_225 = arith.constant 2 : i32
      %dma_wait3A_226 = arith.constant 0 : i32
      %dma_wait3A_227 = tpu.memref_slice %arg6[%select_n3A_96, %dma_wait3A_225, %dma_wait3A_226] : memref<2x16x128xi32, #tpu.memory_space<vmem>> -> memref<1x1x128xi32, #tpu.memory_space<vmem>>
      %dma_wait3A_228 = tpu.memref_squeeze %dma_wait3A_227 : memref<1x1x128xi32, #tpu.memory_space<vmem>> -> memref<128xi32, #tpu.memory_space<vmem>>
      %dma_wait3A_229 = arith.constant 0 : i32
      %dma_wait3A_230 = tpu.memref_slice %arg5[%dma_wait3A_229] : memref<102400xf32, #tpu.memory_space<vmem_shared>> -> memref<102400xf32, #tpu.memory_space<vmem_shared>>
      tpu.wait_indirect_dma semaphore(%arg9 : memref<!tpu.dma_semaphore, #tpu.memory_space<semaphore_mem>>) src(%arg7 : memref<128xf32, #tpu.memory_space<vmem>>) dst(%dma_wait3A_230 : memref<102400xf32, #tpu.memory_space<vmem_shared>>)
      %dma_wait3A_231 = arith.constant 3 : i32
      %dma_wait3A_232 = arith.constant 0 : i32
      %dma_wait3A_233 = tpu.memref_slice %arg6[%select_n3A_96, %dma_wait3A_231, %dma_wait3A_232] : memref<2x16x128xi32, #tpu.memory_space<vmem>> -> memref<1x1x128xi32, #tpu.memory_space<vmem>>
      %dma_wait3A_234 = tpu.memref_squeeze %dma_wait3A_233 : memref<1x1x128xi32, #tpu.memory_space<vmem>> -> memref<128xi32, #tpu.memory_space<vmem>>
      %dma_wait3A_235 = arith.constant 0 : i32
      %dma_wait3A_236 = tpu.memref_slice %arg5[%dma_wait3A_235] : memref<102400xf32, #tpu.memory_space<vmem_shared>> -> memref<102400xf32, #tpu.memory_space<vmem_shared>>
      tpu.wait_indirect_dma semaphore(%arg9 : memref<!tpu.dma_semaphore, #tpu.memory_space<semaphore_mem>>) src(%arg7 : memref<128xf32, #tpu.memory_space<vmem>>) dst(%dma_wait3A_236 : memref<102400xf32, #tpu.memory_space<vmem_shared>>)
      %dma_wait3A_237 = arith.constant 4 : i32
      %dma_wait3A_238 = arith.constant 0 : i32
      %dma_wait3A_239 = tpu.memref_slice %arg6[%select_n3A_96, %dma_wait3A_237, %dma_wait3A_238] : memref<2x16x128xi32, #tpu.memory_space<vmem>> -> memref<1x1x128xi32, #tpu.memory_space<vmem>>
      %dma_wait3A_240 = tpu.memref_squeeze %dma_wait3A_239 : memref<1x1x128xi32, #tpu.memory_space<vmem>> -> memref<128xi32, #tpu.memory_space<vmem>>
      %dma_wait3A_241 = arith.constant 0 : i32
      %dma_wait3A_242 = tpu.memref_slice %arg5[%dma_wait3A_241] : memref<102400xf32, #tpu.memory_space<vmem_shared>> -> memref<102400xf32, #tpu.memory_space<vmem_shared>>
      tpu.wait_indirect_dma semaphore(%arg9 : memref<!tpu.dma_semaphore, #tpu.memory_space<semaphore_mem>>) src(%arg7 : memref<128xf32, #tpu.memory_space<vmem>>) dst(%dma_wait3A_242 : memref<102400xf32, #tpu.memory_space<vmem_shared>>)
      %dma_wait3A_243 = arith.constant 5 : i32
      %dma_wait3A_244 = arith.constant 0 : i32
      %dma_wait3A_245 = tpu.memref_slice %arg6[%select_n3A_96, %dma_wait3A_243, %dma_wait3A_244] : memref<2x16x128xi32, #tpu.memory_space<vmem>> -> memref<1x1x128xi32, #tpu.memory_space<vmem>>
      %dma_wait3A_246 = tpu.memref_squeeze %dma_wait3A_245 : memref<1x1x128xi32, #tpu.memory_space<vmem>> -> memref<128xi32, #tpu.memory_space<vmem>>
      %dma_wait3A_247 = arith.constant 0 : i32
      %dma_wait3A_248 = tpu.memref_slice %arg5[%dma_wait3A_247] : memref<102400xf32, #tpu.memory_space<vmem_shared>> -> memref<102400xf32, #tpu.memory_space<vmem_shared>>
      tpu.wait_indirect_dma semaphore(%arg9 : memref<!tpu.dma_semaphore, #tpu.memory_space<semaphore_mem>>) src(%arg7 : memref<128xf32, #tpu.memory_space<vmem>>) dst(%dma_wait3A_248 : memref<102400xf32, #tpu.memory_space<vmem_shared>>)
      %dma_wait3A_249 = arith.constant 6 : i32
      %dma_wait3A_250 = arith.constant 0 : i32
      %dma_wait3A_251 = tpu.memref_slice %arg6[%select_n3A_96, %dma_wait3A_249, %dma_wait3A_250] : memref<2x16x128xi32, #tpu.memory_space<vmem>> -> memref<1x1x128xi32, #tpu.memory_space<vmem>>
      %dma_wait3A_252 = tpu.memref_squeeze %dma_wait3A_251 : memref<1x1x128xi32, #tpu.memory_space<vmem>> -> memref<128xi32, #tpu.memory_space<vmem>>
      %dma_wait3A_253 = arith.constant 0 : i32
      %dma_wait3A_254 = tpu.memref_slice %arg5[%dma_wait3A_253] : memref<102400xf32, #tpu.memory_space<vmem_shared>> -> memref<102400xf32, #tpu.memory_space<vmem_shared>>
      tpu.wait_indirect_dma semaphore(%arg9 : memref<!tpu.dma_semaphore, #tpu.memory_space<semaphore_mem>>) src(%arg7 : memref<128xf32, #tpu.memory_space<vmem>>) dst(%dma_wait3A_254 : memref<102400xf32, #tpu.memory_space<vmem_shared>>)
      %dma_wait3A_255 = arith.constant 7 : i32
      %dma_wait3A_256 = arith.constant 0 : i32
      %dma_wait3A_257 = tpu.memref_slice %arg6[%select_n3A_96, %dma_wait3A_255, %dma_wait3A_256] : memref<2x16x128xi32, #tpu.memory_space<vmem>> -> memref<1x1x128xi32, #tpu.memory_space<vmem>>
      %dma_wait3A_258 = tpu.memref_squeeze %dma_wait3A_257 : memref<1x1x128xi32, #tpu.memory_space<vmem>> -> memref<128xi32, #tpu.memory_space<vmem>>
      %dma_wait3A_259 = arith.constant 0 : i32
      %dma_wait3A_260 = tpu.memref_slice %arg5[%dma_wait3A_259] : memref<102400xf32, #tpu.memory_space<vmem_shared>> -> memref<102400xf32, #tpu.memory_space<vmem_shared>>
      tpu.wait_indirect_dma semaphore(%arg9 : memref<!tpu.dma_semaphore, #tpu.memory_space<semaphore_mem>>) src(%arg7 : memref<128xf32, #tpu.memory_space<vmem>>) dst(%dma_wait3A_260 : memref<102400xf32, #tpu.memory_space<vmem_shared>>)
      %dma_wait3A_261 = arith.constant 8 : i32
      %dma_wait3A_262 = arith.constant 0 : i32
      %dma_wait3A_263 = tpu.memref_slice %arg6[%select_n3A_96, %dma_wait3A_261, %dma_wait3A_262] : memref<2x16x128xi32, #tpu.memory_space<vmem>> -> memref<1x1x128xi32, #tpu.memory_space<vmem>>
      %dma_wait3A_264 = tpu.memref_squeeze %dma_wait3A_263 : memref<1x1x128xi32, #tpu.memory_space<vmem>> -> memref<128xi32, #tpu.memory_space<vmem>>
      %dma_wait3A_265 = arith.constant 0 : i32
      %dma_wait3A_266 = tpu.memref_slice %arg5[%dma_wait3A_265] : memref<102400xf32, #tpu.memory_space<vmem_shared>> -> memref<102400xf32, #tpu.memory_space<vmem_shared>>
      tpu.wait_indirect_dma semaphore(%arg9 : memref<!tpu.dma_semaphore, #tpu.memory_space<semaphore_mem>>) src(%arg7 : memref<128xf32, #tpu.memory_space<vmem>>) dst(%dma_wait3A_266 : memref<102400xf32, #tpu.memory_space<vmem_shared>>)
      %dma_wait3A_267 = arith.constant 9 : i32
      %dma_wait3A_268 = arith.constant 0 : i32
      %dma_wait3A_269 = tpu.memref_slice %arg6[%select_n3A_96, %dma_wait3A_267, %dma_wait3A_268] : memref<2x16x128xi32, #tpu.memory_space<vmem>> -> memref<1x1x128xi32, #tpu.memory_space<vmem>>
      %dma_wait3A_270 = tpu.memref_squeeze %dma_wait3A_269 : memref<1x1x128xi32, #tpu.memory_space<vmem>> -> memref<128xi32, #tpu.memory_space<vmem>>
      %dma_wait3A_271 = arith.constant 0 : i32
      %dma_wait3A_272 = tpu.memref_slice %arg5[%dma_wait3A_271] : memref<102400xf32, #tpu.memory_space<vmem_shared>> -> memref<102400xf32, #tpu.memory_space<vmem_shared>>
      tpu.wait_indirect_dma semaphore(%arg9 : memref<!tpu.dma_semaphore, #tpu.memory_space<semaphore_mem>>) src(%arg7 : memref<128xf32, #tpu.memory_space<vmem>>) dst(%dma_wait3A_272 : memref<102400xf32, #tpu.memory_space<vmem_shared>>)
      %dma_wait3A_273 = arith.constant 10 : i32
      %dma_wait3A_274 = arith.constant 0 : i32
      %dma_wait3A_275 = tpu.memref_slice %arg6[%select_n3A_96, %dma_wait3A_273, %dma_wait3A_274] : memref<2x16x128xi32, #tpu.memory_space<vmem>> -> memref<1x1x128xi32, #tpu.memory_space<vmem>>
      %dma_wait3A_276 = tpu.memref_squeeze %dma_wait3A_275 : memref<1x1x128xi32, #tpu.memory_space<vmem>> -> memref<128xi32, #tpu.memory_space<vmem>>
      %dma_wait3A_277 = arith.constant 0 : i32
      %dma_wait3A_278 = tpu.memref_slice %arg5[%dma_wait3A_277] : memref<102400xf32, #tpu.memory_space<vmem_shared>> -> memref<102400xf32, #tpu.memory_space<vmem_shared>>
      tpu.wait_indirect_dma semaphore(%arg9 : memref<!tpu.dma_semaphore, #tpu.memory_space<semaphore_mem>>) src(%arg7 : memref<128xf32, #tpu.memory_space<vmem>>) dst(%dma_wait3A_278 : memref<102400xf32, #tpu.memory_space<vmem_shared>>)
      %dma_wait3A_279 = arith.constant 11 : i32
      %dma_wait3A_280 = arith.constant 0 : i32
      %dma_wait3A_281 = tpu.memref_slice %arg6[%select_n3A_96, %dma_wait3A_279, %dma_wait3A_280] : memref<2x16x128xi32, #tpu.memory_space<vmem>> -> memref<1x1x128xi32, #tpu.memory_space<vmem>>
      %dma_wait3A_282 = tpu.memref_squeeze %dma_wait3A_281 : memref<1x1x128xi32, #tpu.memory_space<vmem>> -> memref<128xi32, #tpu.memory_space<vmem>>
      %dma_wait3A_283 = arith.constant 0 : i32
      %dma_wait3A_284 = tpu.memref_slice %arg5[%dma_wait3A_283] : memref<102400xf32, #tpu.memory_space<vmem_shared>> -> memref<102400xf32, #tpu.memory_space<vmem_shared>>
      tpu.wait_indirect_dma semaphore(%arg9 : memref<!tpu.dma_semaphore, #tpu.memory_space<semaphore_mem>>) src(%arg7 : memref<128xf32, #tpu.memory_space<vmem>>) dst(%dma_wait3A_284 : memref<102400xf32, #tpu.memory_space<vmem_shared>>)
      %dma_wait3A_285 = arith.constant 12 : i32
      %dma_wait3A_286 = arith.constant 0 : i32
      %dma_wait3A_287 = tpu.memref_slice %arg6[%select_n3A_96, %dma_wait3A_285, %dma_wait3A_286] : memref<2x16x128xi32, #tpu.memory_space<vmem>> -> memref<1x1x128xi32, #tpu.memory_space<vmem>>
      %dma_wait3A_288 = tpu.memref_squeeze %dma_wait3A_287 : memref<1x1x128xi32, #tpu.memory_space<vmem>> -> memref<128xi32, #tpu.memory_space<vmem>>
      %dma_wait3A_289 = arith.constant 0 : i32
      %dma_wait3A_290 = tpu.memref_slice %arg5[%dma_wait3A_289] : memref<102400xf32, #tpu.memory_space<vmem_shared>> -> memref<102400xf32, #tpu.memory_space<vmem_shared>>
      tpu.wait_indirect_dma semaphore(%arg9 : memref<!tpu.dma_semaphore, #tpu.memory_space<semaphore_mem>>) src(%arg7 : memref<128xf32, #tpu.memory_space<vmem>>) dst(%dma_wait3A_290 : memref<102400xf32, #tpu.memory_space<vmem_shared>>)
      %dma_wait3A_291 = arith.constant 13 : i32
      %dma_wait3A_292 = arith.constant 0 : i32
      %dma_wait3A_293 = tpu.memref_slice %arg6[%select_n3A_96, %dma_wait3A_291, %dma_wait3A_292] : memref<2x16x128xi32, #tpu.memory_space<vmem>> -> memref<1x1x128xi32, #tpu.memory_space<vmem>>
      %dma_wait3A_294 = tpu.memref_squeeze %dma_wait3A_293 : memref<1x1x128xi32, #tpu.memory_space<vmem>> -> memref<128xi32, #tpu.memory_space<vmem>>
      %dma_wait3A_295 = arith.constant 0 : i32
      %dma_wait3A_296 = tpu.memref_slice %arg5[%dma_wait3A_295] : memref<102400xf32, #tpu.memory_space<vmem_shared>> -> memref<102400xf32, #tpu.memory_space<vmem_shared>>
      tpu.wait_indirect_dma semaphore(%arg9 : memref<!tpu.dma_semaphore, #tpu.memory_space<semaphore_mem>>) src(%arg7 : memref<128xf32, #tpu.memory_space<vmem>>) dst(%dma_wait3A_296 : memref<102400xf32, #tpu.memory_space<vmem_shared>>)
      %dma_wait3A_297 = arith.constant 14 : i32
      %dma_wait3A_298 = arith.constant 0 : i32
      %dma_wait3A_299 = tpu.memref_slice %arg6[%select_n3A_96, %dma_wait3A_297, %dma_wait3A_298] : memref<2x16x128xi32, #tpu.memory_space<vmem>> -> memref<1x1x128xi32, #tpu.memory_space<vmem>>
      %dma_wait3A_300 = tpu.memref_squeeze %dma_wait3A_299 : memref<1x1x128xi32, #tpu.memory_space<vmem>> -> memref<128xi32, #tpu.memory_space<vmem>>
      %dma_wait3A_301 = arith.constant 0 : i32
      %dma_wait3A_302 = tpu.memref_slice %arg5[%dma_wait3A_301] : memref<102400xf32, #tpu.memory_space<vmem_shared>> -> memref<102400xf32, #tpu.memory_space<vmem_shared>>
      tpu.wait_indirect_dma semaphore(%arg9 : memref<!tpu.dma_semaphore, #tpu.memory_space<semaphore_mem>>) src(%arg7 : memref<128xf32, #tpu.memory_space<vmem>>) dst(%dma_wait3A_302 : memref<102400xf32, #tpu.memory_space<vmem_shared>>)
      %dma_wait3A_303 = arith.constant 15 : i32
      %dma_wait3A_304 = arith.constant 0 : i32
      %dma_wait3A_305 = tpu.memref_slice %arg6[%select_n3A_96, %dma_wait3A_303, %dma_wait3A_304] : memref<2x16x128xi32, #tpu.memory_space<vmem>> -> memref<1x1x128xi32, #tpu.memory_space<vmem>>
      %dma_wait3A_306 = tpu.memref_squeeze %dma_wait3A_305 : memref<1x1x128xi32, #tpu.memory_space<vmem>> -> memref<128xi32, #tpu.memory_space<vmem>>
      %dma_wait3A_307 = arith.constant 0 : i32
      %dma_wait3A_308 = tpu.memref_slice %arg5[%dma_wait3A_307] : memref<102400xf32, #tpu.memory_space<vmem_shared>> -> memref<102400xf32, #tpu.memory_space<vmem_shared>>
      tpu.wait_indirect_dma semaphore(%arg9 : memref<!tpu.dma_semaphore, #tpu.memory_space<semaphore_mem>>) src(%arg7 : memref<128xf32, #tpu.memory_space<vmem>>) dst(%dma_wait3A_308 : memref<102400xf32, #tpu.memory_space<vmem_shared>>)
    }
    %while3A_78 = arith.constant 1 : i32
    scf.for %while3A_84 = %while3A_76 to %while3A_72 step %while3A_78  : i32 {
      %jit3A_85 = arith.constant 2 : i32
      %eq3A_86 = arith.constant 0 : i32
      %eq3A_87 = arith.cmpi eq, %jit3A_85, %eq3A_86 : i32
      %jit3A_88 = arith.constant 1 : i32
      %select_n3A_89 = arith.select %eq3A_87, %jit3A_88, %jit3A_85 : i32
      %rem3A = arith.remsi %while3A_84, %select_n3A_89 : i32
      %ne3A = arith.constant 0 : i32
      %ne3A_90 = arith.cmpi ne, %rem3A, %ne3A : i32
      %lt3A = arith.constant 0 : i32
      %lt3A_91 = arith.cmpi slt, %rem3A, %lt3A : i32
      %lt3A_92 = arith.constant 0 : i32
      %lt3A_93 = arith.cmpi slt, %select_n3A_89, %lt3A_92 : i32
      %ne3A_94 = arith.xori %lt3A_91, %lt3A_93 : i1
      %and3A = arith.andi %ne3A_94, %ne3A_90 : i1
      %add3A_95 = arith.addi %rem3A, %select_n3A_89 : i32
      %select_n3A_96 = arith.select %and3A, %add3A_95, %rem3A : i32
      %add3A_97 = arith.constant 1 : i32
      %add3A_98 = arith.addi %while3A_84, %add3A_97 : i32
      %lt3A_99 = arith.cmpi slt, %add3A_98, %select_n3A : i32
      %convert_element_type3A = arith.extui %lt3A_99 : i1 to i32
      %cond3A = arith.constant 0 : i32
      %cond3A_100 = arith.cmpi ne, %convert_element_type3A, %cond3A : i32
      scf.if %cond3A_100 {
        %add3A_309 = arith.constant 1 : i32
        %add3A_310 = arith.addi %while3A_84, %add3A_309 : i32
        %mul3A_311 = arith.constant 16 : i32
        %mul3A_312 = arith.muli %add3A_310, %mul3A_311 : i32
        %add3A_313 = arith.addi %mul3A_54, %mul3A_312 : i32
        %sub3A = arith.constant 1 : i32
        %sub3A_314 = arith.subi %sub3A, %select_n3A_96 : i32
        %sub3A_315 = arith.constant 1 : i32
        %sub3A_316 = arith.subi %sub3A_315, %select_n3A_96 : i32
        %dma_start3A_317 = arith.constant 0 : i32
        %dma_start3A_318 = arith.constant 0 : i32
        %dma_start3A_319 = tpu.memref_slice %arg6[%sub3A_314, %dma_start3A_317, %dma_start3A_318] : memref<2x16x128xi32, #tpu.memory_space<vmem>> -> memref<1x16x128xi32, #tpu.memory_space<vmem>>
        %dma_start3A_320 = tpu.memref_squeeze %dma_start3A_319 : memref<1x16x128xi32, #tpu.memory_space<vmem>> -> memref<16x128xi32, #tpu.memory_space<vmem>>
        %dma_start3A_321 = arith.constant 0 : i32
        %dma_start3A_322 = tpu.memref_slice %arg2[%add3A_313, %dma_start3A_321] : memref<50000x128xi32, #tpu.memory_space<hbm>> -> memref<16x128xi32, #tpu.memory_space<hbm>>
        %dma_start3A_323 = tpu.memref_slice %arg8[%sub3A_316] : memref<2x!tpu.dma_semaphore, #tpu.memory_space<semaphore_mem>> -> memref<1x!tpu.dma_semaphore, #tpu.memory_space<semaphore_mem>>
        %dma_start3A_324 = tpu.memref_squeeze %dma_start3A_323 : memref<1x!tpu.dma_semaphore, #tpu.memory_space<semaphore_mem>> -> memref<!tpu.dma_semaphore, #tpu.memory_space<semaphore_mem>>
        %dma_start3A_325 = arith.constant 0 : i32
        %dma_start3A_326 = arith.constant 0 : i32
        %dma_start3A_327 = tpu.memref_slice %arg6[%sub3A_314, %dma_start3A_325, %dma_start3A_326] : memref<2x16x128xi32, #tpu.memory_space<vmem>> -> memref<1x16x128xi32, #tpu.memory_space<vmem>>
        %dma_start3A_328 = tpu.memref_squeeze %dma_start3A_327 : memref<1x16x128xi32, #tpu.memory_space<vmem>> -> memref<16x128xi32, #tpu.memory_space<vmem>>
        %dma_start3A_329 = arith.constant 0 : i32
        %dma_start3A_330 = tpu.memref_slice %arg2[%add3A_313, %dma_start3A_329] : memref<50000x128xi32, #tpu.memory_space<hbm>> -> memref<16x128xi32, #tpu.memory_space<hbm>>
        tpu.enqueue_dma source(%dma_start3A_330 : memref<16x128xi32, #tpu.memory_space<hbm>>) target(%dma_start3A_328 : memref<16x128xi32, #tpu.memory_space<vmem>>) target_semaphore(%dma_start3A_324 : memref<!tpu.dma_semaphore, #tpu.memory_space<semaphore_mem>>)
      } else {
      }
      %mul3A_101 = arith.constant 16 : i32
      %mul3A_102 = arith.muli %while3A_84, %mul3A_101 : i32
      %add3A_103 = arith.addi %mul3A_54, %mul3A_102 : i32
      %dma_wait3A = arith.constant 0 : i32
      %dma_wait3A_104 = arith.constant 0 : i32
      %dma_wait3A_105 = tpu.memref_slice %arg6[%select_n3A_96, %dma_wait3A, %dma_wait3A_104] : memref<2x16x128xi32, #tpu.memory_space<vmem>> -> memref<1x16x128xi32, #tpu.memory_space<vmem>>
      %dma_wait3A_106 = tpu.memref_squeeze %dma_wait3A_105 : memref<1x16x128xi32, #tpu.memory_space<vmem>> -> memref<16x128xi32, #tpu.memory_space<vmem>>
      %dma_wait3A_107 = arith.constant 0 : i32
      %dma_wait3A_108 = tpu.memref_slice %arg2[%add3A_103, %dma_wait3A_107] : memref<50000x128xi32, #tpu.memory_space<hbm>> -> memref<16x128xi32, #tpu.memory_space<hbm>>
      %dma_wait3A_109 = tpu.memref_slice %arg8[%select_n3A_96] : memref<2x!tpu.dma_semaphore, #tpu.memory_space<semaphore_mem>> -> memref<1x!tpu.dma_semaphore, #tpu.memory_space<semaphore_mem>>
      %dma_wait3A_110 = tpu.memref_squeeze %dma_wait3A_109 : memref<1x!tpu.dma_semaphore, #tpu.memory_space<semaphore_mem>> -> memref<!tpu.dma_semaphore, #tpu.memory_space<semaphore_mem>>
      %dma_wait3A_111 = arith.constant 0 : i32
      %dma_wait3A_112 = arith.constant 0 : i32
      %dma_wait3A_113 = tpu.memref_slice %arg6[%select_n3A_96, %dma_wait3A_111, %dma_wait3A_112] : memref<2x16x128xi32, #tpu.memory_space<vmem>> -> memref<1x16x128xi32, #tpu.memory_space<vmem>>
      %dma_wait3A_114 = tpu.memref_squeeze %dma_wait3A_113 : memref<1x16x128xi32, #tpu.memory_space<vmem>> -> memref<16x128xi32, #tpu.memory_space<vmem>>
      %dma_wait3A_115 = arith.constant 0 : i32
      %dma_wait3A_116 = tpu.memref_slice %arg2[%add3A_103, %dma_wait3A_115] : memref<50000x128xi32, #tpu.memory_space<hbm>> -> memref<16x128xi32, #tpu.memory_space<hbm>>
      tpu.wait_dma2 semaphore(%dma_wait3A_110 : memref<!tpu.dma_semaphore, #tpu.memory_space<semaphore_mem>>) src(%dma_wait3A_116 : memref<16x128xi32, #tpu.memory_space<hbm>>) dst(%dma_wait3A_114 : memref<16x128xi32, #tpu.memory_space<vmem>>)
      %dma_start3A_117 = arith.constant 0 : i32
      %dma_start3A_118 = arith.constant 0 : i32
      %dma_start3A_119 = tpu.memref_slice %arg6[%select_n3A_96, %dma_start3A_117, %dma_start3A_118] : memref<2x16x128xi32, #tpu.memory_space<vmem>> -> memref<1x1x128xi32, #tpu.memory_space<vmem>>
      %dma_start3A_120 = tpu.memref_squeeze %dma_start3A_119 : memref<1x1x128xi32, #tpu.memory_space<vmem>> -> memref<128xi32, #tpu.memory_space<vmem>>
      %dma_start3A_121 = arith.constant 0 : i32
      %dma_start3A_122 = tpu.memref_slice %arg5[%dma_start3A_121] : memref<102400xf32, #tpu.memory_space<vmem_shared>> -> memref<102400xf32, #tpu.memory_space<vmem_shared>>
      tpu.enqueue_indirect_dma source(%arg7 : memref<128xf32, #tpu.memory_space<vmem>>) target(%dma_start3A_122 : memref<102400xf32, #tpu.memory_space<vmem_shared>>) offsets(%dma_start3A_120 : memref<128xi32, #tpu.memory_space<vmem>>) semaphore(%arg9 : memref<!tpu.dma_semaphore, #tpu.memory_space<semaphore_mem>>) {add = true}
      %dma_start3A_123 = arith.constant 1 : i32
      %dma_start3A_124 = arith.constant 0 : i32
      %dma_start3A_125 = tpu.memref_slice %arg6[%select_n3A_96, %dma_start3A_123, %dma_start3A_124] : memref<2x16x128xi32, #tpu.memory_space<vmem>> -> memref<1x1x128xi32, #tpu.memory_space<vmem>>
      %dma_start3A_126 = tpu.memref_squeeze %dma_start3A_125 : memref<1x1x128xi32, #tpu.memory_space<vmem>> -> memref<128xi32, #tpu.memory_space<vmem>>
      %dma_start3A_127 = arith.constant 0 : i32
      %dma_start3A_128 = tpu.memref_slice %arg5[%dma_start3A_127] : memref<102400xf32, #tpu.memory_space<vmem_shared>> -> memref<102400xf32, #tpu.memory_space<vmem_shared>>
      tpu.enqueue_indirect_dma source(%arg7 : memref<128xf32, #tpu.memory_space<vmem>>) target(%dma_start3A_128 : memref<102400xf32, #tpu.memory_space<vmem_shared>>) offsets(%dma_start3A_126 : memref<128xi32, #tpu.memory_space<vmem>>) semaphore(%arg9 : memref<!tpu.dma_semaphore, #tpu.memory_space<semaphore_mem>>) {add = true}
      %dma_start3A_129 = arith.constant 2 : i32
      %dma_start3A_130 = arith.constant 0 : i32
      %dma_start3A_131 = tpu.memref_slice %arg6[%select_n3A_96, %dma_start3A_129, %dma_start3A_130] : memref<2x16x128xi32, #tpu.memory_space<vmem>> -> memref<1x1x128xi32, #tpu.memory_space<vmem>>
      %dma_start3A_132 = tpu.memref_squeeze %dma_start3A_131 : memref<1x1x128xi32, #tpu.memory_space<vmem>> -> memref<128xi32, #tpu.memory_space<vmem>>
      %dma_start3A_133 = arith.constant 0 : i32
      %dma_start3A_134 = tpu.memref_slice %arg5[%dma_start3A_133] : memref<102400xf32, #tpu.memory_space<vmem_shared>> -> memref<102400xf32, #tpu.memory_space<vmem_shared>>
      tpu.enqueue_indirect_dma source(%arg7 : memref<128xf32, #tpu.memory_space<vmem>>) target(%dma_start3A_134 : memref<102400xf32, #tpu.memory_space<vmem_shared>>) offsets(%dma_start3A_132 : memref<128xi32, #tpu.memory_space<vmem>>) semaphore(%arg9 : memref<!tpu.dma_semaphore, #tpu.memory_space<semaphore_mem>>) {add = true}
      %dma_start3A_135 = arith.constant 3 : i32
      %dma_start3A_136 = arith.constant 0 : i32
      %dma_start3A_137 = tpu.memref_slice %arg6[%select_n3A_96, %dma_start3A_135, %dma_start3A_136] : memref<2x16x128xi32, #tpu.memory_space<vmem>> -> memref<1x1x128xi32, #tpu.memory_space<vmem>>
      %dma_start3A_138 = tpu.memref_squeeze %dma_start3A_137 : memref<1x1x128xi32, #tpu.memory_space<vmem>> -> memref<128xi32, #tpu.memory_space<vmem>>
      %dma_start3A_139 = arith.constant 0 : i32
      %dma_start3A_140 = tpu.memref_slice %arg5[%dma_start3A_139] : memref<102400xf32, #tpu.memory_space<vmem_shared>> -> memref<102400xf32, #tpu.memory_space<vmem_shared>>
      tpu.enqueue_indirect_dma source(%arg7 : memref<128xf32, #tpu.memory_space<vmem>>) target(%dma_start3A_140 : memref<102400xf32, #tpu.memory_space<vmem_shared>>) offsets(%dma_start3A_138 : memref<128xi32, #tpu.memory_space<vmem>>) semaphore(%arg9 : memref<!tpu.dma_semaphore, #tpu.memory_space<semaphore_mem>>) {add = true}
      %dma_start3A_141 = arith.constant 4 : i32
      %dma_start3A_142 = arith.constant 0 : i32
      %dma_start3A_143 = tpu.memref_slice %arg6[%select_n3A_96, %dma_start3A_141, %dma_start3A_142] : memref<2x16x128xi32, #tpu.memory_space<vmem>> -> memref<1x1x128xi32, #tpu.memory_space<vmem>>
      %dma_start3A_144 = tpu.memref_squeeze %dma_start3A_143 : memref<1x1x128xi32, #tpu.memory_space<vmem>> -> memref<128xi32, #tpu.memory_space<vmem>>
      %dma_start3A_145 = arith.constant 0 : i32
      %dma_start3A_146 = tpu.memref_slice %arg5[%dma_start3A_145] : memref<102400xf32, #tpu.memory_space<vmem_shared>> -> memref<102400xf32, #tpu.memory_space<vmem_shared>>
      tpu.enqueue_indirect_dma source(%arg7 : memref<128xf32, #tpu.memory_space<vmem>>) target(%dma_start3A_146 : memref<102400xf32, #tpu.memory_space<vmem_shared>>) offsets(%dma_start3A_144 : memref<128xi32, #tpu.memory_space<vmem>>) semaphore(%arg9 : memref<!tpu.dma_semaphore, #tpu.memory_space<semaphore_mem>>) {add = true}
      %dma_start3A_147 = arith.constant 5 : i32
      %dma_start3A_148 = arith.constant 0 : i32
      %dma_start3A_149 = tpu.memref_slice %arg6[%select_n3A_96, %dma_start3A_147, %dma_start3A_148] : memref<2x16x128xi32, #tpu.memory_space<vmem>> -> memref<1x1x128xi32, #tpu.memory_space<vmem>>
      %dma_start3A_150 = tpu.memref_squeeze %dma_start3A_149 : memref<1x1x128xi32, #tpu.memory_space<vmem>> -> memref<128xi32, #tpu.memory_space<vmem>>
      %dma_start3A_151 = arith.constant 0 : i32
      %dma_start3A_152 = tpu.memref_slice %arg5[%dma_start3A_151] : memref<102400xf32, #tpu.memory_space<vmem_shared>> -> memref<102400xf32, #tpu.memory_space<vmem_shared>>
      tpu.enqueue_indirect_dma source(%arg7 : memref<128xf32, #tpu.memory_space<vmem>>) target(%dma_start3A_152 : memref<102400xf32, #tpu.memory_space<vmem_shared>>) offsets(%dma_start3A_150 : memref<128xi32, #tpu.memory_space<vmem>>) semaphore(%arg9 : memref<!tpu.dma_semaphore, #tpu.memory_space<semaphore_mem>>) {add = true}
      %dma_start3A_153 = arith.constant 6 : i32
      %dma_start3A_154 = arith.constant 0 : i32
      %dma_start3A_155 = tpu.memref_slice %arg6[%select_n3A_96, %dma_start3A_153, %dma_start3A_154] : memref<2x16x128xi32, #tpu.memory_space<vmem>> -> memref<1x1x128xi32, #tpu.memory_space<vmem>>
      %dma_start3A_156 = tpu.memref_squeeze %dma_start3A_155 : memref<1x1x128xi32, #tpu.memory_space<vmem>> -> memref<128xi32, #tpu.memory_space<vmem>>
      %dma_start3A_157 = arith.constant 0 : i32
      %dma_start3A_158 = tpu.memref_slice %arg5[%dma_start3A_157] : memref<102400xf32, #tpu.memory_space<vmem_shared>> -> memref<102400xf32, #tpu.memory_space<vmem_shared>>
      tpu.enqueue_indirect_dma source(%arg7 : memref<128xf32, #tpu.memory_space<vmem>>) target(%dma_start3A_158 : memref<102400xf32, #tpu.memory_space<vmem_shared>>) offsets(%dma_start3A_156 : memref<128xi32, #tpu.memory_space<vmem>>) semaphore(%arg9 : memref<!tpu.dma_semaphore, #tpu.memory_space<semaphore_mem>>) {add = true}
      %dma_start3A_159 = arith.constant 7 : i32
      %dma_start3A_160 = arith.constant 0 : i32
      %dma_start3A_161 = tpu.memref_slice %arg6[%select_n3A_96, %dma_start3A_159, %dma_start3A_160] : memref<2x16x128xi32, #tpu.memory_space<vmem>> -> memref<1x1x128xi32, #tpu.memory_space<vmem>>
      %dma_start3A_162 = tpu.memref_squeeze %dma_start3A_161 : memref<1x1x128xi32, #tpu.memory_space<vmem>> -> memref<128xi32, #tpu.memory_space<vmem>>
      %dma_start3A_163 = arith.constant 0 : i32
      %dma_start3A_164 = tpu.memref_slice %arg5[%dma_start3A_163] : memref<102400xf32, #tpu.memory_space<vmem_shared>> -> memref<102400xf32, #tpu.memory_space<vmem_shared>>
      tpu.enqueue_indirect_dma source(%arg7 : memref<128xf32, #tpu.memory_space<vmem>>) target(%dma_start3A_164 : memref<102400xf32, #tpu.memory_space<vmem_shared>>) offsets(%dma_start3A_162 : memref<128xi32, #tpu.memory_space<vmem>>) semaphore(%arg9 : memref<!tpu.dma_semaphore, #tpu.memory_space<semaphore_mem>>) {add = true}
      %dma_start3A_165 = arith.constant 8 : i32
      %dma_start3A_166 = arith.constant 0 : i32
      %dma_start3A_167 = tpu.memref_slice %arg6[%select_n3A_96, %dma_start3A_165, %dma_start3A_166] : memref<2x16x128xi32, #tpu.memory_space<vmem>> -> memref<1x1x128xi32, #tpu.memory_space<vmem>>
      %dma_start3A_168 = tpu.memref_squeeze %dma_start3A_167 : memref<1x1x128xi32, #tpu.memory_space<vmem>> -> memref<128xi32, #tpu.memory_space<vmem>>
      %dma_start3A_169 = arith.constant 0 : i32
      %dma_start3A_170 = tpu.memref_slice %arg5[%dma_start3A_169] : memref<102400xf32, #tpu.memory_space<vmem_shared>> -> memref<102400xf32, #tpu.memory_space<vmem_shared>>
      tpu.enqueue_indirect_dma source(%arg7 : memref<128xf32, #tpu.memory_space<vmem>>) target(%dma_start3A_170 : memref<102400xf32, #tpu.memory_space<vmem_shared>>) offsets(%dma_start3A_168 : memref<128xi32, #tpu.memory_space<vmem>>) semaphore(%arg9 : memref<!tpu.dma_semaphore, #tpu.memory_space<semaphore_mem>>) {add = true}
      %dma_start3A_171 = arith.constant 9 : i32
      %dma_start3A_172 = arith.constant 0 : i32
      %dma_start3A_173 = tpu.memref_slice %arg6[%select_n3A_96, %dma_start3A_171, %dma_start3A_172] : memref<2x16x128xi32, #tpu.memory_space<vmem>> -> memref<1x1x128xi32, #tpu.memory_space<vmem>>
      %dma_start3A_174 = tpu.memref_squeeze %dma_start3A_173 : memref<1x1x128xi32, #tpu.memory_space<vmem>> -> memref<128xi32, #tpu.memory_space<vmem>>
      %dma_start3A_175 = arith.constant 0 : i32
      %dma_start3A_176 = tpu.memref_slice %arg5[%dma_start3A_175] : memref<102400xf32, #tpu.memory_space<vmem_shared>> -> memref<102400xf32, #tpu.memory_space<vmem_shared>>
      tpu.enqueue_indirect_dma source(%arg7 : memref<128xf32, #tpu.memory_space<vmem>>) target(%dma_start3A_176 : memref<102400xf32, #tpu.memory_space<vmem_shared>>) offsets(%dma_start3A_174 : memref<128xi32, #tpu.memory_space<vmem>>) semaphore(%arg9 : memref<!tpu.dma_semaphore, #tpu.memory_space<semaphore_mem>>) {add = true}
      %dma_start3A_177 = arith.constant 10 : i32
      %dma_start3A_178 = arith.constant 0 : i32
      %dma_start3A_179 = tpu.memref_slice %arg6[%select_n3A_96, %dma_start3A_177, %dma_start3A_178] : memref<2x16x128xi32, #tpu.memory_space<vmem>> -> memref<1x1x128xi32, #tpu.memory_space<vmem>>
      %dma_start3A_180 = tpu.memref_squeeze %dma_start3A_179 : memref<1x1x128xi32, #tpu.memory_space<vmem>> -> memref<128xi32, #tpu.memory_space<vmem>>
      %dma_start3A_181 = arith.constant 0 : i32
      %dma_start3A_182 = tpu.memref_slice %arg5[%dma_start3A_181] : memref<102400xf32, #tpu.memory_space<vmem_shared>> -> memref<102400xf32, #tpu.memory_space<vmem_shared>>
      tpu.enqueue_indirect_dma source(%arg7 : memref<128xf32, #tpu.memory_space<vmem>>) target(%dma_start3A_182 : memref<102400xf32, #tpu.memory_space<vmem_shared>>) offsets(%dma_start3A_180 : memref<128xi32, #tpu.memory_space<vmem>>) semaphore(%arg9 : memref<!tpu.dma_semaphore, #tpu.memory_space<semaphore_mem>>) {add = true}
      %dma_start3A_183 = arith.constant 11 : i32
      %dma_start3A_184 = arith.constant 0 : i32
      %dma_start3A_185 = tpu.memref_slice %arg6[%select_n3A_96, %dma_start3A_183, %dma_start3A_184] : memref<2x16x128xi32, #tpu.memory_space<vmem>> -> memref<1x1x128xi32, #tpu.memory_space<vmem>>
      %dma_start3A_186 = tpu.memref_squeeze %dma_start3A_185 : memref<1x1x128xi32, #tpu.memory_space<vmem>> -> memref<128xi32, #tpu.memory_space<vmem>>
      %dma_start3A_187 = arith.constant 0 : i32
      %dma_start3A_188 = tpu.memref_slice %arg5[%dma_start3A_187] : memref<102400xf32, #tpu.memory_space<vmem_shared>> -> memref<102400xf32, #tpu.memory_space<vmem_shared>>
      tpu.enqueue_indirect_dma source(%arg7 : memref<128xf32, #tpu.memory_space<vmem>>) target(%dma_start3A_188 : memref<102400xf32, #tpu.memory_space<vmem_shared>>) offsets(%dma_start3A_186 : memref<128xi32, #tpu.memory_space<vmem>>) semaphore(%arg9 : memref<!tpu.dma_semaphore, #tpu.memory_space<semaphore_mem>>) {add = true}
      %dma_start3A_189 = arith.constant 12 : i32
      %dma_start3A_190 = arith.constant 0 : i32
      %dma_start3A_191 = tpu.memref_slice %arg6[%select_n3A_96, %dma_start3A_189, %dma_start3A_190] : memref<2x16x128xi32, #tpu.memory_space<vmem>> -> memref<1x1x128xi32, #tpu.memory_space<vmem>>
      %dma_start3A_192 = tpu.memref_squeeze %dma_start3A_191 : memref<1x1x128xi32, #tpu.memory_space<vmem>> -> memref<128xi32, #tpu.memory_space<vmem>>
      %dma_start3A_193 = arith.constant 0 : i32
      %dma_start3A_194 = tpu.memref_slice %arg5[%dma_start3A_193] : memref<102400xf32, #tpu.memory_space<vmem_shared>> -> memref<102400xf32, #tpu.memory_space<vmem_shared>>
      tpu.enqueue_indirect_dma source(%arg7 : memref<128xf32, #tpu.memory_space<vmem>>) target(%dma_start3A_194 : memref<102400xf32, #tpu.memory_space<vmem_shared>>) offsets(%dma_start3A_192 : memref<128xi32, #tpu.memory_space<vmem>>) semaphore(%arg9 : memref<!tpu.dma_semaphore, #tpu.memory_space<semaphore_mem>>) {add = true}
      %dma_start3A_195 = arith.constant 13 : i32
      %dma_start3A_196 = arith.constant 0 : i32
      %dma_start3A_197 = tpu.memref_slice %arg6[%select_n3A_96, %dma_start3A_195, %dma_start3A_196] : memref<2x16x128xi32, #tpu.memory_space<vmem>> -> memref<1x1x128xi32, #tpu.memory_space<vmem>>
      %dma_start3A_198 = tpu.memref_squeeze %dma_start3A_197 : memref<1x1x128xi32, #tpu.memory_space<vmem>> -> memref<128xi32, #tpu.memory_space<vmem>>
      %dma_start3A_199 = arith.constant 0 : i32
      %dma_start3A_200 = tpu.memref_slice %arg5[%dma_start3A_199] : memref<102400xf32, #tpu.memory_space<vmem_shared>> -> memref<102400xf32, #tpu.memory_space<vmem_shared>>
      tpu.enqueue_indirect_dma source(%arg7 : memref<128xf32, #tpu.memory_space<vmem>>) target(%dma_start3A_200 : memref<102400xf32, #tpu.memory_space<vmem_shared>>) offsets(%dma_start3A_198 : memref<128xi32, #tpu.memory_space<vmem>>) semaphore(%arg9 : memref<!tpu.dma_semaphore, #tpu.memory_space<semaphore_mem>>) {add = true}
      %dma_start3A_201 = arith.constant 14 : i32
      %dma_start3A_202 = arith.constant 0 : i32
      %dma_start3A_203 = tpu.memref_slice %arg6[%select_n3A_96, %dma_start3A_201, %dma_start3A_202] : memref<2x16x128xi32, #tpu.memory_space<vmem>> -> memref<1x1x128xi32, #tpu.memory_space<vmem>>
      %dma_start3A_204 = tpu.memref_squeeze %dma_start3A_203 : memref<1x1x128xi32, #tpu.memory_space<vmem>> -> memref<128xi32, #tpu.memory_space<vmem>>
      %dma_start3A_205 = arith.constant 0 : i32
      %dma_start3A_206 = tpu.memref_slice %arg5[%dma_start3A_205] : memref<102400xf32, #tpu.memory_space<vmem_shared>> -> memref<102400xf32, #tpu.memory_space<vmem_shared>>
      tpu.enqueue_indirect_dma source(%arg7 : memref<128xf32, #tpu.memory_space<vmem>>) target(%dma_start3A_206 : memref<102400xf32, #tpu.memory_space<vmem_shared>>) offsets(%dma_start3A_204 : memref<128xi32, #tpu.memory_space<vmem>>) semaphore(%arg9 : memref<!tpu.dma_semaphore, #tpu.memory_space<semaphore_mem>>) {add = true}
      %dma_start3A_207 = arith.constant 15 : i32
      %dma_start3A_208 = arith.constant 0 : i32
      %dma_start3A_209 = tpu.memref_slice %arg6[%select_n3A_96, %dma_start3A_207, %dma_start3A_208] : memref<2x16x128xi32, #tpu.memory_space<vmem>> -> memref<1x1x128xi32, #tpu.memory_space<vmem>>
      %dma_start3A_210 = tpu.memref_squeeze %dma_start3A_209 : memref<1x1x128xi32, #tpu.memory_space<vmem>> -> memref<128xi32, #tpu.memory_space<vmem>>
      %dma_start3A_211 = arith.constant 0 : i32
      %dma_start3A_212 = tpu.memref_slice %arg5[%dma_start3A_211] : memref<102400xf32, #tpu.memory_space<vmem_shared>> -> memref<102400xf32, #tpu.memory_space<vmem_shared>>
      tpu.enqueue_indirect_dma source(%arg7 : memref<128xf32, #tpu.memory_space<vmem>>) target(%dma_start3A_212 : memref<102400xf32, #tpu.memory_space<vmem_shared>>) offsets(%dma_start3A_210 : memref<128xi32, #tpu.memory_space<vmem>>) semaphore(%arg9 : memref<!tpu.dma_semaphore, #tpu.memory_space<semaphore_mem>>) {add = true}
      %dma_wait3A_213 = arith.constant 0 : i32
      %dma_wait3A_214 = arith.constant 0 : i32
      %dma_wait3A_215 = tpu.memref_slice %arg6[%select_n3A_96, %dma_wait3A_213, %dma_wait3A_214] : memref<2x16x128xi32, #tpu.memory_space<vmem>> -> memref<1x1x128xi32, #tpu.memory_space<vmem>>
      %dma_wait3A_216 = tpu.memref_squeeze %dma_wait3A_215 : memref<1x1x128xi32, #tpu.memory_space<vmem>> -> memref<128xi32, #tpu.memory_space<vmem>>
      %dma_wait3A_217 = arith.constant 0 : i32
      %dma_wait3A_218 = tpu.memref_slice %arg5[%dma_wait3A_217] : memref<102400xf32, #tpu.memory_space<vmem_shared>> -> memref<102400xf32, #tpu.memory_space<vmem_shared>>
      tpu.wait_indirect_dma semaphore(%arg9 : memref<!tpu.dma_semaphore, #tpu.memory_space<semaphore_mem>>) src(%arg7 : memref<128xf32, #tpu.memory_space<vmem>>) dst(%dma_wait3A_218 : memref<102400xf32, #tpu.memory_space<vmem_shared>>)
      %dma_wait3A_219 = arith.constant 1 : i32
      %dma_wait3A_220 = arith.constant 0 : i32
      %dma_wait3A_221 = tpu.memref_slice %arg6[%select_n3A_96, %dma_wait3A_219, %dma_wait3A_220] : memref<2x16x128xi32, #tpu.memory_space<vmem>> -> memref<1x1x128xi32, #tpu.memory_space<vmem>>
      %dma_wait3A_222 = tpu.memref_squeeze %dma_wait3A_221 : memref<1x1x128xi32, #tpu.memory_space<vmem>> -> memref<128xi32, #tpu.memory_space<vmem>>
      %dma_wait3A_223 = arith.constant 0 : i32
      %dma_wait3A_224 = tpu.memref_slice %arg5[%dma_wait3A_223] : memref<102400xf32, #tpu.memory_space<vmem_shared>> -> memref<102400xf32, #tpu.memory_space<vmem_shared>>
      tpu.wait_indirect_dma semaphore(%arg9 : memref<!tpu.dma_semaphore, #tpu.memory_space<semaphore_mem>>) src(%arg7 : memref<128xf32, #tpu.memory_space<vmem>>) dst(%dma_wait3A_224 : memref<102400xf32, #tpu.memory_space<vmem_shared>>)
      %dma_wait3A_225 = arith.constant 2 : i32
      %dma_wait3A_226 = arith.constant 0 : i32
      %dma_wait3A_227 = tpu.memref_slice %arg6[%select_n3A_96, %dma_wait3A_225, %dma_wait3A_226] : memref<2x16x128xi32, #tpu.memory_space<vmem>> -> memref<1x1x128xi32, #tpu.memory_space<vmem>>
      %dma_wait3A_228 = tpu.memref_squeeze %dma_wait3A_227 : memref<1x1x128xi32, #tpu.memory_space<vmem>> -> memref<128xi32, #tpu.memory_space<vmem>>
      %dma_wait3A_229 = arith.constant 0 : i32
      %dma_wait3A_230 = tpu.memref_slice %arg5[%dma_wait3A_229] : memref<102400xf32, #tpu.memory_space<vmem_shared>> -> memref<102400xf32, #tpu.memory_space<vmem_shared>>
      tpu.wait_indirect_dma semaphore(%arg9 : memref<!tpu.dma_semaphore, #tpu.memory_space<semaphore_mem>>) src(%arg7 : memref<128xf32, #tpu.memory_space<vmem>>) dst(%dma_wait3A_230 : memref<102400xf32, #tpu.memory_space<vmem_shared>>)
      %dma_wait3A_231 = arith.constant 3 : i32
      %dma_wait3A_232 = arith.constant 0 : i32
      %dma_wait3A_233 = tpu.memref_slice %arg6[%select_n3A_96, %dma_wait3A_231, %dma_wait3A_232] : memref<2x16x128xi32, #tpu.memory_space<vmem>> -> memref<1x1x128xi32, #tpu.memory_space<vmem>>
      %dma_wait3A_234 = tpu.memref_squeeze %dma_wait3A_233 : memref<1x1x128xi32, #tpu.memory_space<vmem>> -> memref<128xi32, #tpu.memory_space<vmem>>
      %dma_wait3A_235 = arith.constant 0 : i32
      %dma_wait3A_236 = tpu.memref_slice %arg5[%dma_wait3A_235] : memref<102400xf32, #tpu.memory_space<vmem_shared>> -> memref<102400xf32, #tpu.memory_space<vmem_shared>>
      tpu.wait_indirect_dma semaphore(%arg9 : memref<!tpu.dma_semaphore, #tpu.memory_space<semaphore_mem>>) src(%arg7 : memref<128xf32, #tpu.memory_space<vmem>>) dst(%dma_wait3A_236 : memref<102400xf32, #tpu.memory_space<vmem_shared>>)
      %dma_wait3A_237 = arith.constant 4 : i32
      %dma_wait3A_238 = arith.constant 0 : i32
      %dma_wait3A_239 = tpu.memref_slice %arg6[%select_n3A_96, %dma_wait3A_237, %dma_wait3A_238] : memref<2x16x128xi32, #tpu.memory_space<vmem>> -> memref<1x1x128xi32, #tpu.memory_space<vmem>>
      %dma_wait3A_240 = tpu.memref_squeeze %dma_wait3A_239 : memref<1x1x128xi32, #tpu.memory_space<vmem>> -> memref<128xi32, #tpu.memory_space<vmem>>
      %dma_wait3A_241 = arith.constant 0 : i32
      %dma_wait3A_242 = tpu.memref_slice %arg5[%dma_wait3A_241] : memref<102400xf32, #tpu.memory_space<vmem_shared>> -> memref<102400xf32, #tpu.memory_space<vmem_shared>>
      tpu.wait_indirect_dma semaphore(%arg9 : memref<!tpu.dma_semaphore, #tpu.memory_space<semaphore_mem>>) src(%arg7 : memref<128xf32, #tpu.memory_space<vmem>>) dst(%dma_wait3A_242 : memref<102400xf32, #tpu.memory_space<vmem_shared>>)
      %dma_wait3A_243 = arith.constant 5 : i32
      %dma_wait3A_244 = arith.constant 0 : i32
      %dma_wait3A_245 = tpu.memref_slice %arg6[%select_n3A_96, %dma_wait3A_243, %dma_wait3A_244] : memref<2x16x128xi32, #tpu.memory_space<vmem>> -> memref<1x1x128xi32, #tpu.memory_space<vmem>>
      %dma_wait3A_246 = tpu.memref_squeeze %dma_wait3A_245 : memref<1x1x128xi32, #tpu.memory_space<vmem>> -> memref<128xi32, #tpu.memory_space<vmem>>
      %dma_wait3A_247 = arith.constant 0 : i32
      %dma_wait3A_248 = tpu.memref_slice %arg5[%dma_wait3A_247] : memref<102400xf32, #tpu.memory_space<vmem_shared>> -> memref<102400xf32, #tpu.memory_space<vmem_shared>>
      tpu.wait_indirect_dma semaphore(%arg9 : memref<!tpu.dma_semaphore, #tpu.memory_space<semaphore_mem>>) src(%arg7 : memref<128xf32, #tpu.memory_space<vmem>>) dst(%dma_wait3A_248 : memref<102400xf32, #tpu.memory_space<vmem_shared>>)
      %dma_wait3A_249 = arith.constant 6 : i32
      %dma_wait3A_250 = arith.constant 0 : i32
      %dma_wait3A_251 = tpu.memref_slice %arg6[%select_n3A_96, %dma_wait3A_249, %dma_wait3A_250] : memref<2x16x128xi32, #tpu.memory_space<vmem>> -> memref<1x1x128xi32, #tpu.memory_space<vmem>>
      %dma_wait3A_252 = tpu.memref_squeeze %dma_wait3A_251 : memref<1x1x128xi32, #tpu.memory_space<vmem>> -> memref<128xi32, #tpu.memory_space<vmem>>
      %dma_wait3A_253 = arith.constant 0 : i32
      %dma_wait3A_254 = tpu.memref_slice %arg5[%dma_wait3A_253] : memref<102400xf32, #tpu.memory_space<vmem_shared>> -> memref<102400xf32, #tpu.memory_space<vmem_shared>>
      tpu.wait_indirect_dma semaphore(%arg9 : memref<!tpu.dma_semaphore, #tpu.memory_space<semaphore_mem>>) src(%arg7 : memref<128xf32, #tpu.memory_space<vmem>>) dst(%dma_wait3A_254 : memref<102400xf32, #tpu.memory_space<vmem_shared>>)
      %dma_wait3A_255 = arith.constant 7 : i32
      %dma_wait3A_256 = arith.constant 0 : i32
      %dma_wait3A_257 = tpu.memref_slice %arg6[%select_n3A_96, %dma_wait3A_255, %dma_wait3A_256] : memref<2x16x128xi32, #tpu.memory_space<vmem>> -> memref<1x1x128xi32, #tpu.memory_space<vmem>>
      %dma_wait3A_258 = tpu.memref_squeeze %dma_wait3A_257 : memref<1x1x128xi32, #tpu.memory_space<vmem>> -> memref<128xi32, #tpu.memory_space<vmem>>
      %dma_wait3A_259 = arith.constant 0 : i32
      %dma_wait3A_260 = tpu.memref_slice %arg5[%dma_wait3A_259] : memref<102400xf32, #tpu.memory_space<vmem_shared>> -> memref<102400xf32, #tpu.memory_space<vmem_shared>>
      tpu.wait_indirect_dma semaphore(%arg9 : memref<!tpu.dma_semaphore, #tpu.memory_space<semaphore_mem>>) src(%arg7 : memref<128xf32, #tpu.memory_space<vmem>>) dst(%dma_wait3A_260 : memref<102400xf32, #tpu.memory_space<vmem_shared>>)
      %dma_wait3A_261 = arith.constant 8 : i32
      %dma_wait3A_262 = arith.constant 0 : i32
      %dma_wait3A_263 = tpu.memref_slice %arg6[%select_n3A_96, %dma_wait3A_261, %dma_wait3A_262] : memref<2x16x128xi32, #tpu.memory_space<vmem>> -> memref<1x1x128xi32, #tpu.memory_space<vmem>>
      %dma_wait3A_264 = tpu.memref_squeeze %dma_wait3A_263 : memref<1x1x128xi32, #tpu.memory_space<vmem>> -> memref<128xi32, #tpu.memory_space<vmem>>
      %dma_wait3A_265 = arith.constant 0 : i32
      %dma_wait3A_266 = tpu.memref_slice %arg5[%dma_wait3A_265] : memref<102400xf32, #tpu.memory_space<vmem_shared>> -> memref<102400xf32, #tpu.memory_space<vmem_shared>>
      tpu.wait_indirect_dma semaphore(%arg9 : memref<!tpu.dma_semaphore, #tpu.memory_space<semaphore_mem>>) src(%arg7 : memref<128xf32, #tpu.memory_space<vmem>>) dst(%dma_wait3A_266 : memref<102400xf32, #tpu.memory_space<vmem_shared>>)
      %dma_wait3A_267 = arith.constant 9 : i32
      %dma_wait3A_268 = arith.constant 0 : i32
      %dma_wait3A_269 = tpu.memref_slice %arg6[%select_n3A_96, %dma_wait3A_267, %dma_wait3A_268] : memref<2x16x128xi32, #tpu.memory_space<vmem>> -> memref<1x1x128xi32, #tpu.memory_space<vmem>>
      %dma_wait3A_270 = tpu.memref_squeeze %dma_wait3A_269 : memref<1x1x128xi32, #tpu.memory_space<vmem>> -> memref<128xi32, #tpu.memory_space<vmem>>
      %dma_wait3A_271 = arith.constant 0 : i32
      %dma_wait3A_272 = tpu.memref_slice %arg5[%dma_wait3A_271] : memref<102400xf32, #tpu.memory_space<vmem_shared>> -> memref<102400xf32, #tpu.memory_space<vmem_shared>>
      tpu.wait_indirect_dma semaphore(%arg9 : memref<!tpu.dma_semaphore, #tpu.memory_space<semaphore_mem>>) src(%arg7 : memref<128xf32, #tpu.memory_space<vmem>>) dst(%dma_wait3A_272 : memref<102400xf32, #tpu.memory_space<vmem_shared>>)
      %dma_wait3A_273 = arith.constant 10 : i32
      %dma_wait3A_274 = arith.constant 0 : i32
      %dma_wait3A_275 = tpu.memref_slice %arg6[%select_n3A_96, %dma_wait3A_273, %dma_wait3A_274] : memref<2x16x128xi32, #tpu.memory_space<vmem>> -> memref<1x1x128xi32, #tpu.memory_space<vmem>>
      %dma_wait3A_276 = tpu.memref_squeeze %dma_wait3A_275 : memref<1x1x128xi32, #tpu.memory_space<vmem>> -> memref<128xi32, #tpu.memory_space<vmem>>
      %dma_wait3A_277 = arith.constant 0 : i32
      %dma_wait3A_278 = tpu.memref_slice %arg5[%dma_wait3A_277] : memref<102400xf32, #tpu.memory_space<vmem_shared>> -> memref<102400xf32, #tpu.memory_space<vmem_shared>>
      tpu.wait_indirect_dma semaphore(%arg9 : memref<!tpu.dma_semaphore, #tpu.memory_space<semaphore_mem>>) src(%arg7 : memref<128xf32, #tpu.memory_space<vmem>>) dst(%dma_wait3A_278 : memref<102400xf32, #tpu.memory_space<vmem_shared>>)
      %dma_wait3A_279 = arith.constant 11 : i32
      %dma_wait3A_280 = arith.constant 0 : i32
      %dma_wait3A_281 = tpu.memref_slice %arg6[%select_n3A_96, %dma_wait3A_279, %dma_wait3A_280] : memref<2x16x128xi32, #tpu.memory_space<vmem>> -> memref<1x1x128xi32, #tpu.memory_space<vmem>>
      %dma_wait3A_282 = tpu.memref_squeeze %dma_wait3A_281 : memref<1x1x128xi32, #tpu.memory_space<vmem>> -> memref<128xi32, #tpu.memory_space<vmem>>
      %dma_wait3A_283 = arith.constant 0 : i32
      %dma_wait3A_284 = tpu.memref_slice %arg5[%dma_wait3A_283] : memref<102400xf32, #tpu.memory_space<vmem_shared>> -> memref<102400xf32, #tpu.memory_space<vmem_shared>>
      tpu.wait_indirect_dma semaphore(%arg9 : memref<!tpu.dma_semaphore, #tpu.memory_space<semaphore_mem>>) src(%arg7 : memref<128xf32, #tpu.memory_space<vmem>>) dst(%dma_wait3A_284 : memref<102400xf32, #tpu.memory_space<vmem_shared>>)
      %dma_wait3A_285 = arith.constant 12 : i32
      %dma_wait3A_286 = arith.constant 0 : i32
      %dma_wait3A_287 = tpu.memref_slice %arg6[%select_n3A_96, %dma_wait3A_285, %dma_wait3A_286] : memref<2x16x128xi32, #tpu.memory_space<vmem>> -> memref<1x1x128xi32, #tpu.memory_space<vmem>>
      %dma_wait3A_288 = tpu.memref_squeeze %dma_wait3A_287 : memref<1x1x128xi32, #tpu.memory_space<vmem>> -> memref<128xi32, #tpu.memory_space<vmem>>
      %dma_wait3A_289 = arith.constant 0 : i32
      %dma_wait3A_290 = tpu.memref_slice %arg5[%dma_wait3A_289] : memref<102400xf32, #tpu.memory_space<vmem_shared>> -> memref<102400xf32, #tpu.memory_space<vmem_shared>>
      tpu.wait_indirect_dma semaphore(%arg9 : memref<!tpu.dma_semaphore, #tpu.memory_space<semaphore_mem>>) src(%arg7 : memref<128xf32, #tpu.memory_space<vmem>>) dst(%dma_wait3A_290 : memref<102400xf32, #tpu.memory_space<vmem_shared>>)
      %dma_wait3A_291 = arith.constant 13 : i32
      %dma_wait3A_292 = arith.constant 0 : i32
      %dma_wait3A_293 = tpu.memref_slice %arg6[%select_n3A_96, %dma_wait3A_291, %dma_wait3A_292] : memref<2x16x128xi32, #tpu.memory_space<vmem>> -> memref<1x1x128xi32, #tpu.memory_space<vmem>>
      %dma_wait3A_294 = tpu.memref_squeeze %dma_wait3A_293 : memref<1x1x128xi32, #tpu.memory_space<vmem>> -> memref<128xi32, #tpu.memory_space<vmem>>
      %dma_wait3A_295 = arith.constant 0 : i32
      %dma_wait3A_296 = tpu.memref_slice %arg5[%dma_wait3A_295] : memref<102400xf32, #tpu.memory_space<vmem_shared>> -> memref<102400xf32, #tpu.memory_space<vmem_shared>>
      tpu.wait_indirect_dma semaphore(%arg9 : memref<!tpu.dma_semaphore, #tpu.memory_space<semaphore_mem>>) src(%arg7 : memref<128xf32, #tpu.memory_space<vmem>>) dst(%dma_wait3A_296 : memref<102400xf32, #tpu.memory_space<vmem_shared>>)
      %dma_wait3A_297 = arith.constant 14 : i32
      %dma_wait3A_298 = arith.constant 0 : i32
      %dma_wait3A_299 = tpu.memref_slice %arg6[%select_n3A_96, %dma_wait3A_297, %dma_wait3A_298] : memref<2x16x128xi32, #tpu.memory_space<vmem>> -> memref<1x1x128xi32, #tpu.memory_space<vmem>>
      %dma_wait3A_300 = tpu.memref_squeeze %dma_wait3A_299 : memref<1x1x128xi32, #tpu.memory_space<vmem>> -> memref<128xi32, #tpu.memory_space<vmem>>
      %dma_wait3A_301 = arith.constant 0 : i32
      %dma_wait3A_302 = tpu.memref_slice %arg5[%dma_wait3A_301] : memref<102400xf32, #tpu.memory_space<vmem_shared>> -> memref<102400xf32, #tpu.memory_space<vmem_shared>>
      tpu.wait_indirect_dma semaphore(%arg9 : memref<!tpu.dma_semaphore, #tpu.memory_space<semaphore_mem>>) src(%arg7 : memref<128xf32, #tpu.memory_space<vmem>>) dst(%dma_wait3A_302 : memref<102400xf32, #tpu.memory_space<vmem_shared>>)
      %dma_wait3A_303 = arith.constant 15 : i32
      %dma_wait3A_304 = arith.constant 0 : i32
      %dma_wait3A_305 = tpu.memref_slice %arg6[%select_n3A_96, %dma_wait3A_303, %dma_wait3A_304] : memref<2x16x128xi32, #tpu.memory_space<vmem>> -> memref<1x1x128xi32, #tpu.memory_space<vmem>>
      %dma_wait3A_306 = tpu.memref_squeeze %dma_wait3A_305 : memref<1x1x128xi32, #tpu.memory_space<vmem>> -> memref<128xi32, #tpu.memory_space<vmem>>
      %dma_wait3A_307 = arith.constant 0 : i32
      %dma_wait3A_308 = tpu.memref_slice %arg5[%dma_wait3A_307] : memref<102400xf32, #tpu.memory_space<vmem_shared>> -> memref<102400xf32, #tpu.memory_space<vmem_shared>>
      tpu.wait_indirect_dma semaphore(%arg9 : memref<!tpu.dma_semaphore, #tpu.memory_space<semaphore_mem>>) src(%arg7 : memref<128xf32, #tpu.memory_space<vmem>>) dst(%dma_wait3A_308 : memref<102400xf32, #tpu.memory_space<vmem_shared>>)
    }
    %barrier3A_79 = arith.constant 0 : index
    tpu.barrier barrier_id(%barrier3A_79)
    %mul3A_80 = arith.constant 6400 : i32
    %mul3A_81 = arith.muli %arg1, %mul3A_80 : i32
    %mul3A_82 = arith.constant 6400 : i32
    %mul3A_83 = arith.muli %arg1, %mul3A_82 : i32
    "tpu.region"() ({
      %run_scoped3A = tpu.sem_alloc : memref<!tpu.dma_semaphore, #tpu.memory_space<semaphore_mem>>
      %dma_start3A_84 = tpu.memref_slice %arg4[%arg0, %mul3A_83] : memref<2x102400xf32, #tpu.memory_space<hbm>> -> memref<1x6400xf32, #tpu.memory_space<hbm>>
      %dma_start3A_85 = tpu.memref_squeeze %dma_start3A_84 : memref<1x6400xf32, #tpu.memory_space<hbm>> -> memref<6400xf32, #tpu.memory_space<hbm>>
      %dma_start3A_86 = tpu.memref_slice %arg5[%mul3A_81] : memref<102400xf32, #tpu.memory_space<vmem_shared>> -> memref<6400xf32, #tpu.memory_space<vmem_shared>>
      tpu.enqueue_dma source(%dma_start3A_86 : memref<6400xf32, #tpu.memory_space<vmem_shared>>) target(%dma_start3A_85 : memref<6400xf32, #tpu.memory_space<hbm>>) target_semaphore(%run_scoped3A : memref<!tpu.dma_semaphore, #tpu.memory_space<semaphore_mem>>)
      %dma_wait3A = tpu.memref_slice %arg4[%arg0, %mul3A_83] : memref<2x102400xf32, #tpu.memory_space<hbm>> -> memref<1x6400xf32, #tpu.memory_space<hbm>>
      %dma_wait3A_87 = tpu.memref_squeeze %dma_wait3A : memref<1x6400xf32, #tpu.memory_space<hbm>> -> memref<6400xf32, #tpu.memory_space<hbm>>
      %dma_wait3A_88 = tpu.memref_slice %arg5[%mul3A_81] : memref<102400xf32, #tpu.memory_space<vmem_shared>> -> memref<6400xf32, #tpu.memory_space<vmem_shared>>
      tpu.wait_dma2 semaphore(%run_scoped3A : memref<!tpu.dma_semaphore, #tpu.memory_space<semaphore_mem>>) src(%dma_wait3A_88 : memref<6400xf32, #tpu.memory_space<vmem_shared>>) dst(%dma_wait3A_87 : memref<6400xf32, #tpu.memory_space<hbm>>)
      tpu.yield
    }) : () -> ()
    return
  }
}

#map = affine_map<(d0, d1) -> (0)>
#map1 = affine_map<(d0, d1) -> (0, 0)>
module attributes {stable_mosaic.version = 14 : i64} {
  func.func @_agg1_body(%arg0: i32, %arg1: i32, %arg2: memref<102400xf32, #tpu.memory_space<hbm>>, %arg3: memref<50000x128xi32, #tpu.memory_space<hbm>>, %arg4: memref<50000x128xi32, #tpu.memory_space<hbm>>, %arg5: memref<102400xf32, #tpu.memory_space<hbm>>, %arg6: memref<2x102400xf32, #tpu.memory_space<hbm>>, %arg7: memref<102400xf32, #tpu.memory_space<vmem_shared>>, %arg8: memref<102400xf32, #tpu.memory_space<vmem_shared>>, %arg9: memref<2x16x128xi32, #tpu.memory_space<vmem>>, %arg10: memref<2x16x128xi32, #tpu.memory_space<vmem>>, %arg11: memref<16x128xf32, #tpu.memory_space<vmem>>, %arg12: memref<2x!tpu.dma_semaphore, #tpu.memory_space<semaphore_mem>>, %arg13: memref<16x!tpu.dma_semaphore, #tpu.memory_space<semaphore_mem>>, %arg14: memref<!tpu.dma_semaphore, #tpu.memory_space<semaphore_mem>>) attributes {dimension_semantics = [#tpu.dimension_semantics<core_parallel>, #tpu.dimension_semantics<subcore_parallel>], iteration_bounds = array<i64: 2, 16>, scalar_prefetch = 0 : i64, scratch_operands = 8 : i64, tpu.core_type = #tpu.core_type<sc_vector_subcore>, window_params = [{transform_indices = #map}, {transform_indices = #map1}, {transform_indices = #map1}, {transform_indices = #map}, {transform_indices = #map1}]} {
    %mul3A = arith.constant 6400 : i32
    %mul3A_0 = arith.muli %arg1, %mul3A : i32
    %mul3A_1 = arith.constant 6400 : i32
    %mul3A_2 = arith.muli %arg1, %mul3A_1 : i32
    "tpu.region"() ({
      %run_scoped3A = tpu.sem_alloc : memref<!tpu.dma_semaphore, #tpu.memory_space<semaphore_mem>>
      %dma_start3A_58 = tpu.memref_slice %arg7[%mul3A_2] : memref<102400xf32, #tpu.memory_space<vmem_shared>> -> memref<6400xf32, #tpu.memory_space<vmem_shared>>
      %dma_start3A_59 = tpu.memref_slice %arg2[%mul3A_0] : memref<102400xf32, #tpu.memory_space<hbm>> -> memref<6400xf32, #tpu.memory_space<hbm>>
      tpu.enqueue_dma source(%dma_start3A_59 : memref<6400xf32, #tpu.memory_space<hbm>>) target(%dma_start3A_58 : memref<6400xf32, #tpu.memory_space<vmem_shared>>) target_semaphore(%run_scoped3A : memref<!tpu.dma_semaphore, #tpu.memory_space<semaphore_mem>>)
      %dma_wait3A = tpu.memref_slice %arg7[%mul3A_2] : memref<102400xf32, #tpu.memory_space<vmem_shared>> -> memref<6400xf32, #tpu.memory_space<vmem_shared>>
      %dma_wait3A_60 = tpu.memref_slice %arg2[%mul3A_0] : memref<102400xf32, #tpu.memory_space<hbm>> -> memref<6400xf32, #tpu.memory_space<hbm>>
      tpu.wait_dma2 semaphore(%run_scoped3A : memref<!tpu.dma_semaphore, #tpu.memory_space<semaphore_mem>>) src(%dma_wait3A_60 : memref<6400xf32, #tpu.memory_space<hbm>>) dst(%dma_wait3A : memref<6400xf32, #tpu.memory_space<vmem_shared>>)
      tpu.yield
    }) : () -> ()
    %mul3A_3 = arith.constant 6400 : i32
    %mul3A_4 = arith.muli %arg1, %mul3A_3 : i32
    %mul3A_5 = arith.constant 6400 : i32
    %mul3A_6 = arith.muli %arg1, %mul3A_5 : i32
    "tpu.region"() ({
      %run_scoped3A = tpu.sem_alloc : memref<!tpu.dma_semaphore, #tpu.memory_space<semaphore_mem>>
      %dma_start3A_58 = tpu.memref_slice %arg8[%mul3A_6] : memref<102400xf32, #tpu.memory_space<vmem_shared>> -> memref<6400xf32, #tpu.memory_space<vmem_shared>>
      %dma_start3A_59 = tpu.memref_slice %arg5[%mul3A_4] : memref<102400xf32, #tpu.memory_space<hbm>> -> memref<6400xf32, #tpu.memory_space<hbm>>
      tpu.enqueue_dma source(%dma_start3A_59 : memref<6400xf32, #tpu.memory_space<hbm>>) target(%dma_start3A_58 : memref<6400xf32, #tpu.memory_space<vmem_shared>>) target_semaphore(%run_scoped3A : memref<!tpu.dma_semaphore, #tpu.memory_space<semaphore_mem>>)
      %dma_wait3A = tpu.memref_slice %arg8[%mul3A_6] : memref<102400xf32, #tpu.memory_space<vmem_shared>> -> memref<6400xf32, #tpu.memory_space<vmem_shared>>
      %dma_wait3A_60 = tpu.memref_slice %arg5[%mul3A_4] : memref<102400xf32, #tpu.memory_space<hbm>> -> memref<6400xf32, #tpu.memory_space<hbm>>
      tpu.wait_dma2 semaphore(%run_scoped3A : memref<!tpu.dma_semaphore, #tpu.memory_space<semaphore_mem>>) src(%dma_wait3A_60 : memref<6400xf32, #tpu.memory_space<hbm>>) dst(%dma_wait3A : memref<6400xf32, #tpu.memory_space<vmem_shared>>)
      tpu.yield
    }) : () -> ()
    %barrier3A = arith.constant 0 : index
    tpu.barrier barrier_id(%barrier3A)
    %mul3A_7 = arith.constant 16 : i32
    %mul3A_8 = arith.muli %arg0, %mul3A_7 : i32
    %add3A = arith.addi %mul3A_8, %arg1 : i32
    %eq3A = arith.constant 31 : i32
    %eq3A_9 = arith.cmpi eq, %add3A, %eq3A : i32
    %jit3A = arith.constant 87 : i32
    %jit3A_10 = arith.constant 98 : i32
    %select_n3A = arith.select %eq3A_9, %jit3A, %jit3A_10 : i32
    %mul3A_11 = arith.constant 1568 : i32
    %mul3A_12 = arith.muli %add3A, %mul3A_11 : i32
    %dma_start3A = arith.constant 0 : i32
    %dma_start3A_13 = arith.constant 0 : i32
    %dma_start3A_14 = arith.constant 0 : i32
    %dma_start3A_15 = arith.constant 0 : i32
    %dma_start3A_16 = tpu.memref_slice %arg9[%dma_start3A, %dma_start3A_14, %dma_start3A_15] : memref<2x16x128xi32, #tpu.memory_space<vmem>> -> memref<1x16x128xi32, #tpu.memory_space<vmem>>
    %dma_start3A_17 = tpu.memref_squeeze %dma_start3A_16 : memref<1x16x128xi32, #tpu.memory_space<vmem>> -> memref<16x128xi32, #tpu.memory_space<vmem>>
    %dma_start3A_18 = arith.constant 0 : i32
    %dma_start3A_19 = tpu.memref_slice %arg3[%mul3A_12, %dma_start3A_18] : memref<50000x128xi32, #tpu.memory_space<hbm>> -> memref<16x128xi32, #tpu.memory_space<hbm>>
    %dma_start3A_20 = tpu.memref_slice %arg12[%dma_start3A_13] : memref<2x!tpu.dma_semaphore, #tpu.memory_space<semaphore_mem>> -> memref<1x!tpu.dma_semaphore, #tpu.memory_space<semaphore_mem>>
    %dma_start3A_21 = tpu.memref_squeeze %dma_start3A_20 : memref<1x!tpu.dma_semaphore, #tpu.memory_space<semaphore_mem>> -> memref<!tpu.dma_semaphore, #tpu.memory_space<semaphore_mem>>
    %dma_start3A_22 = arith.constant 0 : i32
    %dma_start3A_23 = arith.constant 0 : i32
    %dma_start3A_24 = tpu.memref_slice %arg9[%dma_start3A, %dma_start3A_22, %dma_start3A_23] : memref<2x16x128xi32, #tpu.memory_space<vmem>> -> memref<1x16x128xi32, #tpu.memory_space<vmem>>
    %dma_start3A_25 = tpu.memref_squeeze %dma_start3A_24 : memref<1x16x128xi32, #tpu.memory_space<vmem>> -> memref<16x128xi32, #tpu.memory_space<vmem>>
    %dma_start3A_26 = arith.constant 0 : i32
    %dma_start3A_27 = tpu.memref_slice %arg3[%mul3A_12, %dma_start3A_26] : memref<50000x128xi32, #tpu.memory_space<hbm>> -> memref<16x128xi32, #tpu.memory_space<hbm>>
    tpu.enqueue_dma source(%dma_start3A_27 : memref<16x128xi32, #tpu.memory_space<hbm>>) target(%dma_start3A_25 : memref<16x128xi32, #tpu.memory_space<vmem>>) target_semaphore(%dma_start3A_21 : memref<!tpu.dma_semaphore, #tpu.memory_space<semaphore_mem>>)
    %dma_start3A_28 = arith.constant 0 : i32
    %dma_start3A_29 = arith.constant 0 : i32
    %dma_start3A_30 = arith.constant 0 : i32
    %dma_start3A_31 = arith.constant 0 : i32
    %dma_start3A_32 = tpu.memref_slice %arg10[%dma_start3A_28, %dma_start3A_30, %dma_start3A_31] : memref<2x16x128xi32, #tpu.memory_space<vmem>> -> memref<1x16x128xi32, #tpu.memory_space<vmem>>
    %dma_start3A_33 = tpu.memref_squeeze %dma_start3A_32 : memref<1x16x128xi32, #tpu.memory_space<vmem>> -> memref<16x128xi32, #tpu.memory_space<vmem>>
    %dma_start3A_34 = arith.constant 0 : i32
    %dma_start3A_35 = tpu.memref_slice %arg4[%mul3A_12, %dma_start3A_34] : memref<50000x128xi32, #tpu.memory_space<hbm>> -> memref<16x128xi32, #tpu.memory_space<hbm>>
    %dma_start3A_36 = tpu.memref_slice %arg12[%dma_start3A_29] : memref<2x!tpu.dma_semaphore, #tpu.memory_space<semaphore_mem>> -> memref<1x!tpu.dma_semaphore, #tpu.memory_space<semaphore_mem>>
    %dma_start3A_37 = tpu.memref_squeeze %dma_start3A_36 : memref<1x!tpu.dma_semaphore, #tpu.memory_space<semaphore_mem>> -> memref<!tpu.dma_semaphore, #tpu.memory_space<semaphore_mem>>
    %dma_start3A_38 = arith.constant 0 : i32
    %dma_start3A_39 = arith.constant 0 : i32
    %dma_start3A_40 = tpu.memref_slice %arg10[%dma_start3A_28, %dma_start3A_38, %dma_start3A_39] : memref<2x16x128xi32, #tpu.memory_space<vmem>> -> memref<1x16x128xi32, #tpu.memory_space<vmem>>
    %dma_start3A_41 = tpu.memref_squeeze %dma_start3A_40 : memref<1x16x128xi32, #tpu.memory_space<vmem>> -> memref<16x128xi32, #tpu.memory_space<vmem>>
    %dma_start3A_42 = arith.constant 0 : i32
    %dma_start3A_43 = tpu.memref_slice %arg4[%mul3A_12, %dma_start3A_42] : memref<50000x128xi32, #tpu.memory_space<hbm>> -> memref<16x128xi32, #tpu.memory_space<hbm>>
    tpu.enqueue_dma source(%dma_start3A_43 : memref<16x128xi32, #tpu.memory_space<hbm>>) target(%dma_start3A_41 : memref<16x128xi32, #tpu.memory_space<vmem>>) target_semaphore(%dma_start3A_37 : memref<!tpu.dma_semaphore, #tpu.memory_space<semaphore_mem>>)
    %while3A = arith.constant 0 : i32
    %while3A_44 = arith.constant 0 : i32
    %while3A_45 = arith.subi %select_n3A, %while3A_44 : i32
    %while3A_46 = arith.addi %while3A_44, %while3A_45 : i32
    %while3A_47 = arith.constant 1 : i32
    %while3A_48 = arith.divsi %while3A_45, %while3A_47 : i32
    %while3A_49 = arith.muli %while3A_48, %while3A_47 : i32
    %while3A_50 = arith.addi %while3A_44, %while3A_49 : i32
    %while3A_51 = arith.constant 1 : i32
    scf.for %while3A_58 = %while3A_44 to %while3A_50 step %while3A_51  : i32 {
      %jit3A_59 = arith.constant 2 : i32
      %eq3A_60 = arith.constant 0 : i32
      %eq3A_61 = arith.cmpi eq, %jit3A_59, %eq3A_60 : i32
      %jit3A_62 = arith.constant 1 : i32
      %select_n3A_63 = arith.select %eq3A_61, %jit3A_62, %jit3A_59 : i32
      %rem3A = arith.remsi %while3A_58, %select_n3A_63 : i32
      %ne3A = arith.constant 0 : i32
      %ne3A_64 = arith.cmpi ne, %rem3A, %ne3A : i32
      %lt3A = arith.constant 0 : i32
      %lt3A_65 = arith.cmpi slt, %rem3A, %lt3A : i32
      %lt3A_66 = arith.constant 0 : i32
      %lt3A_67 = arith.cmpi slt, %select_n3A_63, %lt3A_66 : i32
      %ne3A_68 = arith.xori %lt3A_65, %lt3A_67 : i1
      %and3A = arith.andi %ne3A_68, %ne3A_64 : i1
      %add3A_69 = arith.addi %rem3A, %select_n3A_63 : i32
      %select_n3A_70 = arith.select %and3A, %add3A_69, %rem3A : i32
      %add3A_71 = arith.constant 1 : i32
      %add3A_72 = arith.addi %while3A_58, %add3A_71 : i32
      %lt3A_73 = arith.cmpi slt, %add3A_72, %select_n3A : i32
      %convert_element_type3A = arith.extui %lt3A_73 : i1 to i32
      %cond3A = arith.constant 0 : i32
      %cond3A_74 = arith.cmpi ne, %convert_element_type3A, %cond3A : i32
      scf.if %cond3A_74 {
        %add3A_841 = arith.constant 1 : i32
        %add3A_842 = arith.addi %while3A_58, %add3A_841 : i32
        %mul3A_843 = arith.constant 16 : i32
        %mul3A_844 = arith.muli %add3A_842, %mul3A_843 : i32
        %add3A_845 = arith.addi %mul3A_12, %mul3A_844 : i32
        %sub3A = arith.constant 1 : i32
        %sub3A_846 = arith.subi %sub3A, %select_n3A_70 : i32
        %sub3A_847 = arith.constant 1 : i32
        %sub3A_848 = arith.subi %sub3A_847, %select_n3A_70 : i32
        %dma_start3A_849 = arith.constant 0 : i32
        %dma_start3A_850 = arith.constant 0 : i32
        %dma_start3A_851 = tpu.memref_slice %arg9[%sub3A_846, %dma_start3A_849, %dma_start3A_850] : memref<2x16x128xi32, #tpu.memory_space<vmem>> -> memref<1x16x128xi32, #tpu.memory_space<vmem>>
        %dma_start3A_852 = tpu.memref_squeeze %dma_start3A_851 : memref<1x16x128xi32, #tpu.memory_space<vmem>> -> memref<16x128xi32, #tpu.memory_space<vmem>>
        %dma_start3A_853 = arith.constant 0 : i32
        %dma_start3A_854 = tpu.memref_slice %arg3[%add3A_845, %dma_start3A_853] : memref<50000x128xi32, #tpu.memory_space<hbm>> -> memref<16x128xi32, #tpu.memory_space<hbm>>
        %dma_start3A_855 = tpu.memref_slice %arg12[%sub3A_848] : memref<2x!tpu.dma_semaphore, #tpu.memory_space<semaphore_mem>> -> memref<1x!tpu.dma_semaphore, #tpu.memory_space<semaphore_mem>>
        %dma_start3A_856 = tpu.memref_squeeze %dma_start3A_855 : memref<1x!tpu.dma_semaphore, #tpu.memory_space<semaphore_mem>> -> memref<!tpu.dma_semaphore, #tpu.memory_space<semaphore_mem>>
        %dma_start3A_857 = arith.constant 0 : i32
        %dma_start3A_858 = arith.constant 0 : i32
        %dma_start3A_859 = tpu.memref_slice %arg9[%sub3A_846, %dma_start3A_857, %dma_start3A_858] : memref<2x16x128xi32, #tpu.memory_space<vmem>> -> memref<1x16x128xi32, #tpu.memory_space<vmem>>
        %dma_start3A_860 = tpu.memref_squeeze %dma_start3A_859 : memref<1x16x128xi32, #tpu.memory_space<vmem>> -> memref<16x128xi32, #tpu.memory_space<vmem>>
        %dma_start3A_861 = arith.constant 0 : i32
        %dma_start3A_862 = tpu.memref_slice %arg3[%add3A_845, %dma_start3A_861] : memref<50000x128xi32, #tpu.memory_space<hbm>> -> memref<16x128xi32, #tpu.memory_space<hbm>>
        tpu.enqueue_dma source(%dma_start3A_862 : memref<16x128xi32, #tpu.memory_space<hbm>>) target(%dma_start3A_860 : memref<16x128xi32, #tpu.memory_space<vmem>>) target_semaphore(%dma_start3A_856 : memref<!tpu.dma_semaphore, #tpu.memory_space<semaphore_mem>>)
        %sub3A_863 = arith.constant 1 : i32
        %sub3A_864 = arith.subi %sub3A_863, %select_n3A_70 : i32
        %sub3A_865 = arith.constant 1 : i32
        %sub3A_866 = arith.subi %sub3A_865, %select_n3A_70 : i32
        %dma_start3A_867 = arith.constant 0 : i32
        %dma_start3A_868 = arith.constant 0 : i32
        %dma_start3A_869 = tpu.memref_slice %arg10[%sub3A_864, %dma_start3A_867, %dma_start3A_868] : memref<2x16x128xi32, #tpu.memory_space<vmem>> -> memref<1x16x128xi32, #tpu.memory_space<vmem>>
        %dma_start3A_870 = tpu.memref_squeeze %dma_start3A_869 : memref<1x16x128xi32, #tpu.memory_space<vmem>> -> memref<16x128xi32, #tpu.memory_space<vmem>>
        %dma_start3A_871 = arith.constant 0 : i32
        %dma_start3A_872 = tpu.memref_slice %arg4[%add3A_845, %dma_start3A_871] : memref<50000x128xi32, #tpu.memory_space<hbm>> -> memref<16x128xi32, #tpu.memory_space<hbm>>
        %dma_start3A_873 = tpu.memref_slice %arg12[%sub3A_866] : memref<2x!tpu.dma_semaphore, #tpu.memory_space<semaphore_mem>> -> memref<1x!tpu.dma_semaphore, #tpu.memory_space<semaphore_mem>>
        %dma_start3A_874 = tpu.memref_squeeze %dma_start3A_873 : memref<1x!tpu.dma_semaphore, #tpu.memory_space<semaphore_mem>> -> memref<!tpu.dma_semaphore, #tpu.memory_space<semaphore_mem>>
        %dma_start3A_875 = arith.constant 0 : i32
        %dma_start3A_876 = arith.constant 0 : i32
        %dma_start3A_877 = tpu.memref_slice %arg10[%sub3A_864, %dma_start3A_875, %dma_start3A_876] : memref<2x16x128xi32, #tpu.memory_space<vmem>> -> memref<1x16x128xi32, #tpu.memory_space<vmem>>
        %dma_start3A_878 = tpu.memref_squeeze %dma_start3A_877 : memref<1x16x128xi32, #tpu.memory_space<vmem>> -> memref<16x128xi32, #tpu.memory_space<vmem>>
        %dma_start3A_879 = arith.constant 0 : i32
        %dma_start3A_880 = tpu.memref_slice %arg4[%add3A_845, %dma_start3A_879] : memref<50000x128xi32, #tpu.memory_space<hbm>> -> memref<16x128xi32, #tpu.memory_space<hbm>>
        tpu.enqueue_dma source(%dma_start3A_880 : memref<16x128xi32, #tpu.memory_space<hbm>>) target(%dma_start3A_878 : memref<16x128xi32, #tpu.memory_space<vmem>>) target_semaphore(%dma_start3A_874 : memref<!tpu.dma_semaphore, #tpu.memory_space<semaphore_mem>>)
      } else {
      }
      %mul3A_75 = arith.constant 16 : i32
      %mul3A_76 = arith.muli %while3A_58, %mul3A_75 : i32
      %add3A_77 = arith.addi %mul3A_12, %mul3A_76 : i32
      %dma_wait3A = arith.constant 0 : i32
      %dma_wait3A_78 = arith.constant 0 : i32
      %dma_wait3A_79 = tpu.memref_slice %arg9[%select_n3A_70, %dma_wait3A, %dma_wait3A_78] : memref<2x16x128xi32, #tpu.memory_space<vmem>> -> memref<1x16x128xi32, #tpu.memory_space<vmem>>
      %dma_wait3A_80 = tpu.memref_squeeze %dma_wait3A_79 : memref<1x16x128xi32, #tpu.memory_space<vmem>> -> memref<16x128xi32, #tpu.memory_space<vmem>>
      %dma_wait3A_81 = arith.constant 0 : i32
      %dma_wait3A_82 = tpu.memref_slice %arg3[%add3A_77, %dma_wait3A_81] : memref<50000x128xi32, #tpu.memory_space<hbm>> -> memref<16x128xi32, #tpu.memory_space<hbm>>
      %dma_wait3A_83 = tpu.memref_slice %arg12[%select_n3A_70] : memref<2x!tpu.dma_semaphore, #tpu.memory_space<semaphore_mem>> -> memref<1x!tpu.dma_semaphore, #tpu.memory_space<semaphore_mem>>
      %dma_wait3A_84 = tpu.memref_squeeze %dma_wait3A_83 : memref<1x!tpu.dma_semaphore, #tpu.memory_space<semaphore_mem>> -> memref<!tpu.dma_semaphore, #tpu.memory_space<semaphore_mem>>
      %dma_wait3A_85 = arith.constant 0 : i32
      %dma_wait3A_86 = arith.constant 0 : i32
      %dma_wait3A_87 = tpu.memref_slice %arg9[%select_n3A_70, %dma_wait3A_85, %dma_wait3A_86] : memref<2x16x128xi32, #tpu.memory_space<vmem>> -> memref<1x16x128xi32, #tpu.memory_space<vmem>>
      %dma_wait3A_88 = tpu.memref_squeeze %dma_wait3A_87 : memref<1x16x128xi32, #tpu.memory_space<vmem>> -> memref<16x128xi32, #tpu.memory_space<vmem>>
      %dma_wait3A_89 = arith.constant 0 : i32
      %dma_wait3A_90 = tpu.memref_slice %arg3[%add3A_77, %dma_wait3A_89] : memref<50000x128xi32, #tpu.memory_space<hbm>> -> memref<16x128xi32, #tpu.memory_space<hbm>>
      tpu.wait_dma2 semaphore(%dma_wait3A_84 : memref<!tpu.dma_semaphore, #tpu.memory_space<semaphore_mem>>) src(%dma_wait3A_90 : memref<16x128xi32, #tpu.memory_space<hbm>>) dst(%dma_wait3A_88 : memref<16x128xi32, #tpu.memory_space<vmem>>)
      %dma_wait3A_91 = arith.constant 0 : i32
      %dma_wait3A_92 = arith.constant 0 : i32
      %dma_wait3A_93 = tpu.memref_slice %arg10[%select_n3A_70, %dma_wait3A_91, %dma_wait3A_92] : memref<2x16x128xi32, #tpu.memory_space<vmem>> -> memref<1x16x128xi32, #tpu.memory_space<vmem>>
      %dma_wait3A_94 = tpu.memref_squeeze %dma_wait3A_93 : memref<1x16x128xi32, #tpu.memory_space<vmem>> -> memref<16x128xi32, #tpu.memory_space<vmem>>
      %dma_wait3A_95 = arith.constant 0 : i32
      %dma_wait3A_96 = tpu.memref_slice %arg4[%add3A_77, %dma_wait3A_95] : memref<50000x128xi32, #tpu.memory_space<hbm>> -> memref<16x128xi32, #tpu.memory_space<hbm>>
      %dma_wait3A_97 = tpu.memref_slice %arg12[%select_n3A_70] : memref<2x!tpu.dma_semaphore, #tpu.memory_space<semaphore_mem>> -> memref<1x!tpu.dma_semaphore, #tpu.memory_space<semaphore_mem>>
      %dma_wait3A_98 = tpu.memref_squeeze %dma_wait3A_97 : memref<1x!tpu.dma_semaphore, #tpu.memory_space<semaphore_mem>> -> memref<!tpu.dma_semaphore, #tpu.memory_space<semaphore_mem>>
      %dma_wait3A_99 = arith.constant 0 : i32
      %dma_wait3A_100 = arith.constant 0 : i32
      %dma_wait3A_101 = tpu.memref_slice %arg10[%select_n3A_70, %dma_wait3A_99, %dma_wait3A_100] : memref<2x16x128xi32, #tpu.memory_space<vmem>> -> memref<1x16x128xi32, #tpu.memory_space<vmem>>
      %dma_wait3A_102 = tpu.memref_squeeze %dma_wait3A_101 : memref<1x16x128xi32, #tpu.memory_space<vmem>> -> memref<16x128xi32, #tpu.memory_space<vmem>>
      %dma_wait3A_103 = arith.constant 0 : i32
      %dma_wait3A_104 = tpu.memref_slice %arg4[%add3A_77, %dma_wait3A_103] : memref<50000x128xi32, #tpu.memory_space<hbm>> -> memref<16x128xi32, #tpu.memory_space<hbm>>
      tpu.wait_dma2 semaphore(%dma_wait3A_98 : memref<!tpu.dma_semaphore, #tpu.memory_space<semaphore_mem>>) src(%dma_wait3A_104 : memref<16x128xi32, #tpu.memory_space<hbm>>) dst(%dma_wait3A_102 : memref<16x128xi32, #tpu.memory_space<vmem>>)
      %dma_start3A_105 = arith.constant 0 : i32
      %dma_start3A_106 = arith.constant 0 : i32
      %dma_start3A_107 = arith.constant 0 : i32
      %dma_start3A_108 = arith.constant 0 : i32
      %dma_start3A_109 = tpu.memref_slice %arg11[%dma_start3A_106, %dma_start3A_108] : memref<16x128xf32, #tpu.memory_space<vmem>> -> memref<1x128xf32, #tpu.memory_space<vmem>>
      %dma_start3A_110 = tpu.memref_squeeze %dma_start3A_109 : memref<1x128xf32, #tpu.memory_space<vmem>> -> memref<128xf32, #tpu.memory_space<vmem>>
      %dma_start3A_111 = arith.constant 0 : i32
      %dma_start3A_112 = tpu.memref_slice %arg9[%select_n3A_70, %dma_start3A_105, %dma_start3A_111] : memref<2x16x128xi32, #tpu.memory_space<vmem>> -> memref<1x1x128xi32, #tpu.memory_space<vmem>>
      %dma_start3A_113 = tpu.memref_squeeze %dma_start3A_112 : memref<1x1x128xi32, #tpu.memory_space<vmem>> -> memref<128xi32, #tpu.memory_space<vmem>>
      %dma_start3A_114 = arith.constant 0 : i32
      %dma_start3A_115 = tpu.memref_slice %arg7[%dma_start3A_114] : memref<102400xf32, #tpu.memory_space<vmem_shared>> -> memref<102400xf32, #tpu.memory_space<vmem_shared>>
      %dma_start3A_116 = tpu.memref_slice %arg13[%dma_start3A_107] : memref<16x!tpu.dma_semaphore, #tpu.memory_space<semaphore_mem>> -> memref<1x!tpu.dma_semaphore, #tpu.memory_space<semaphore_mem>>
      %dma_start3A_117 = tpu.memref_squeeze %dma_start3A_116 : memref<1x!tpu.dma_semaphore, #tpu.memory_space<semaphore_mem>> -> memref<!tpu.dma_semaphore, #tpu.memory_space<semaphore_mem>>
      tpu.enqueue_indirect_dma source(%dma_start3A_115 : memref<102400xf32, #tpu.memory_space<vmem_shared>>) target(%dma_start3A_110 : memref<128xf32, #tpu.memory_space<vmem>>) offsets(%dma_start3A_113 : memref<128xi32, #tpu.memory_space<vmem>>) semaphore(%dma_start3A_117 : memref<!tpu.dma_semaphore, #tpu.memory_space<semaphore_mem>>)
      %dma_start3A_118 = arith.constant 1 : i32
      %dma_start3A_119 = arith.constant 1 : i32
      %dma_start3A_120 = arith.constant 1 : i32
      %dma_start3A_121 = arith.constant 0 : i32
      %dma_start3A_122 = tpu.memref_slice %arg11[%dma_start3A_119, %dma_start3A_121] : memref<16x128xf32, #tpu.memory_space<vmem>> -> memref<1x128xf32, #tpu.memory_space<vmem>>
      %dma_start3A_123 = tpu.memref_squeeze %dma_start3A_122 : memref<1x128xf32, #tpu.memory_space<vmem>> -> memref<128xf32, #tpu.memory_space<vmem>>
      %dma_start3A_124 = arith.constant 0 : i32
      %dma_start3A_125 = tpu.memref_slice %arg9[%select_n3A_70, %dma_start3A_118, %dma_start3A_124] : memref<2x16x128xi32, #tpu.memory_space<vmem>> -> memref<1x1x128xi32, #tpu.memory_space<vmem>>
      %dma_start3A_126 = tpu.memref_squeeze %dma_start3A_125 : memref<1x1x128xi32, #tpu.memory_space<vmem>> -> memref<128xi32, #tpu.memory_space<vmem>>
      %dma_start3A_127 = arith.constant 0 : i32
      %dma_start3A_128 = tpu.memref_slice %arg7[%dma_start3A_127] : memref<102400xf32, #tpu.memory_space<vmem_shared>> -> memref<102400xf32, #tpu.memory_space<vmem_shared>>
      %dma_start3A_129 = tpu.memref_slice %arg13[%dma_start3A_120] : memref<16x!tpu.dma_semaphore, #tpu.memory_space<semaphore_mem>> -> memref<1x!tpu.dma_semaphore, #tpu.memory_space<semaphore_mem>>
      %dma_start3A_130 = tpu.memref_squeeze %dma_start3A_129 : memref<1x!tpu.dma_semaphore, #tpu.memory_space<semaphore_mem>> -> memref<!tpu.dma_semaphore, #tpu.memory_space<semaphore_mem>>
      tpu.enqueue_indirect_dma source(%dma_start3A_128 : memref<102400xf32, #tpu.memory_space<vmem_shared>>) target(%dma_start3A_123 : memref<128xf32, #tpu.memory_space<vmem>>) offsets(%dma_start3A_126 : memref<128xi32, #tpu.memory_space<vmem>>) semaphore(%dma_start3A_130 : memref<!tpu.dma_semaphore, #tpu.memory_space<semaphore_mem>>)
      %dma_start3A_131 = arith.constant 2 : i32
      %dma_start3A_132 = arith.constant 2 : i32
      %dma_start3A_133 = arith.constant 2 : i32
      %dma_start3A_134 = arith.constant 0 : i32
      %dma_start3A_135 = tpu.memref_slice %arg11[%dma_start3A_132, %dma_start3A_134] : memref<16x128xf32, #tpu.memory_space<vmem>> -> memref<1x128xf32, #tpu.memory_space<vmem>>
      %dma_start3A_136 = tpu.memref_squeeze %dma_start3A_135 : memref<1x128xf32, #tpu.memory_space<vmem>> -> memref<128xf32, #tpu.memory_space<vmem>>
      %dma_start3A_137 = arith.constant 0 : i32
      %dma_start3A_138 = tpu.memref_slice %arg9[%select_n3A_70, %dma_start3A_131, %dma_start3A_137] : memref<2x16x128xi32, #tpu.memory_space<vmem>> -> memref<1x1x128xi32, #tpu.memory_space<vmem>>
      %dma_start3A_139 = tpu.memref_squeeze %dma_start3A_138 : memref<1x1x128xi32, #tpu.memory_space<vmem>> -> memref<128xi32, #tpu.memory_space<vmem>>
      %dma_start3A_140 = arith.constant 0 : i32
      %dma_start3A_141 = tpu.memref_slice %arg7[%dma_start3A_140] : memref<102400xf32, #tpu.memory_space<vmem_shared>> -> memref<102400xf32, #tpu.memory_space<vmem_shared>>
      %dma_start3A_142 = tpu.memref_slice %arg13[%dma_start3A_133] : memref<16x!tpu.dma_semaphore, #tpu.memory_space<semaphore_mem>> -> memref<1x!tpu.dma_semaphore, #tpu.memory_space<semaphore_mem>>
      %dma_start3A_143 = tpu.memref_squeeze %dma_start3A_142 : memref<1x!tpu.dma_semaphore, #tpu.memory_space<semaphore_mem>> -> memref<!tpu.dma_semaphore, #tpu.memory_space<semaphore_mem>>
      tpu.enqueue_indirect_dma source(%dma_start3A_141 : memref<102400xf32, #tpu.memory_space<vmem_shared>>) target(%dma_start3A_136 : memref<128xf32, #tpu.memory_space<vmem>>) offsets(%dma_start3A_139 : memref<128xi32, #tpu.memory_space<vmem>>) semaphore(%dma_start3A_143 : memref<!tpu.dma_semaphore, #tpu.memory_space<semaphore_mem>>)
      %dma_start3A_144 = arith.constant 3 : i32
      %dma_start3A_145 = arith.constant 3 : i32
      %dma_start3A_146 = arith.constant 3 : i32
      %dma_start3A_147 = arith.constant 0 : i32
      %dma_start3A_148 = tpu.memref_slice %arg11[%dma_start3A_145, %dma_start3A_147] : memref<16x128xf32, #tpu.memory_space<vmem>> -> memref<1x128xf32, #tpu.memory_space<vmem>>
      %dma_start3A_149 = tpu.memref_squeeze %dma_start3A_148 : memref<1x128xf32, #tpu.memory_space<vmem>> -> memref<128xf32, #tpu.memory_space<vmem>>
      %dma_start3A_150 = arith.constant 0 : i32
      %dma_start3A_151 = tpu.memref_slice %arg9[%select_n3A_70, %dma_start3A_144, %dma_start3A_150] : memref<2x16x128xi32, #tpu.memory_space<vmem>> -> memref<1x1x128xi32, #tpu.memory_space<vmem>>
      %dma_start3A_152 = tpu.memref_squeeze %dma_start3A_151 : memref<1x1x128xi32, #tpu.memory_space<vmem>> -> memref<128xi32, #tpu.memory_space<vmem>>
      %dma_start3A_153 = arith.constant 0 : i32
      %dma_start3A_154 = tpu.memref_slice %arg7[%dma_start3A_153] : memref<102400xf32, #tpu.memory_space<vmem_shared>> -> memref<102400xf32, #tpu.memory_space<vmem_shared>>
      %dma_start3A_155 = tpu.memref_slice %arg13[%dma_start3A_146] : memref<16x!tpu.dma_semaphore, #tpu.memory_space<semaphore_mem>> -> memref<1x!tpu.dma_semaphore, #tpu.memory_space<semaphore_mem>>
      %dma_start3A_156 = tpu.memref_squeeze %dma_start3A_155 : memref<1x!tpu.dma_semaphore, #tpu.memory_space<semaphore_mem>> -> memref<!tpu.dma_semaphore, #tpu.memory_space<semaphore_mem>>
      tpu.enqueue_indirect_dma source(%dma_start3A_154 : memref<102400xf32, #tpu.memory_space<vmem_shared>>) target(%dma_start3A_149 : memref<128xf32, #tpu.memory_space<vmem>>) offsets(%dma_start3A_152 : memref<128xi32, #tpu.memory_space<vmem>>) semaphore(%dma_start3A_156 : memref<!tpu.dma_semaphore, #tpu.memory_space<semaphore_mem>>)
      %dma_start3A_157 = arith.constant 4 : i32
      %dma_start3A_158 = arith.constant 4 : i32
      %dma_start3A_159 = arith.constant 4 : i32
      %dma_start3A_160 = arith.constant 0 : i32
      %dma_start3A_161 = tpu.memref_slice %arg11[%dma_start3A_158, %dma_start3A_160] : memref<16x128xf32, #tpu.memory_space<vmem>> -> memref<1x128xf32, #tpu.memory_space<vmem>>
      %dma_start3A_162 = tpu.memref_squeeze %dma_start3A_161 : memref<1x128xf32, #tpu.memory_space<vmem>> -> memref<128xf32, #tpu.memory_space<vmem>>
      %dma_start3A_163 = arith.constant 0 : i32
      %dma_start3A_164 = tpu.memref_slice %arg9[%select_n3A_70, %dma_start3A_157, %dma_start3A_163] : memref<2x16x128xi32, #tpu.memory_space<vmem>> -> memref<1x1x128xi32, #tpu.memory_space<vmem>>
      %dma_start3A_165 = tpu.memref_squeeze %dma_start3A_164 : memref<1x1x128xi32, #tpu.memory_space<vmem>> -> memref<128xi32, #tpu.memory_space<vmem>>
      %dma_start3A_166 = arith.constant 0 : i32
      %dma_start3A_167 = tpu.memref_slice %arg7[%dma_start3A_166] : memref<102400xf32, #tpu.memory_space<vmem_shared>> -> memref<102400xf32, #tpu.memory_space<vmem_shared>>
      %dma_start3A_168 = tpu.memref_slice %arg13[%dma_start3A_159] : memref<16x!tpu.dma_semaphore, #tpu.memory_space<semaphore_mem>> -> memref<1x!tpu.dma_semaphore, #tpu.memory_space<semaphore_mem>>
      %dma_start3A_169 = tpu.memref_squeeze %dma_start3A_168 : memref<1x!tpu.dma_semaphore, #tpu.memory_space<semaphore_mem>> -> memref<!tpu.dma_semaphore, #tpu.memory_space<semaphore_mem>>
      tpu.enqueue_indirect_dma source(%dma_start3A_167 : memref<102400xf32, #tpu.memory_space<vmem_shared>>) target(%dma_start3A_162 : memref<128xf32, #tpu.memory_space<vmem>>) offsets(%dma_start3A_165 : memref<128xi32, #tpu.memory_space<vmem>>) semaphore(%dma_start3A_169 : memref<!tpu.dma_semaphore, #tpu.memory_space<semaphore_mem>>)
      %dma_start3A_170 = arith.constant 5 : i32
      %dma_start3A_171 = arith.constant 5 : i32
      %dma_start3A_172 = arith.constant 5 : i32
      %dma_start3A_173 = arith.constant 0 : i32
      %dma_start3A_174 = tpu.memref_slice %arg11[%dma_start3A_171, %dma_start3A_173] : memref<16x128xf32, #tpu.memory_space<vmem>> -> memref<1x128xf32, #tpu.memory_space<vmem>>
      %dma_start3A_175 = tpu.memref_squeeze %dma_start3A_174 : memref<1x128xf32, #tpu.memory_space<vmem>> -> memref<128xf32, #tpu.memory_space<vmem>>
      %dma_start3A_176 = arith.constant 0 : i32
      %dma_start3A_177 = tpu.memref_slice %arg9[%select_n3A_70, %dma_start3A_170, %dma_start3A_176] : memref<2x16x128xi32, #tpu.memory_space<vmem>> -> memref<1x1x128xi32, #tpu.memory_space<vmem>>
      %dma_start3A_178 = tpu.memref_squeeze %dma_start3A_177 : memref<1x1x128xi32, #tpu.memory_space<vmem>> -> memref<128xi32, #tpu.memory_space<vmem>>
      %dma_start3A_179 = arith.constant 0 : i32
      %dma_start3A_180 = tpu.memref_slice %arg7[%dma_start3A_179] : memref<102400xf32, #tpu.memory_space<vmem_shared>> -> memref<102400xf32, #tpu.memory_space<vmem_shared>>
      %dma_start3A_181 = tpu.memref_slice %arg13[%dma_start3A_172] : memref<16x!tpu.dma_semaphore, #tpu.memory_space<semaphore_mem>> -> memref<1x!tpu.dma_semaphore, #tpu.memory_space<semaphore_mem>>
      %dma_start3A_182 = tpu.memref_squeeze %dma_start3A_181 : memref<1x!tpu.dma_semaphore, #tpu.memory_space<semaphore_mem>> -> memref<!tpu.dma_semaphore, #tpu.memory_space<semaphore_mem>>
      tpu.enqueue_indirect_dma source(%dma_start3A_180 : memref<102400xf32, #tpu.memory_space<vmem_shared>>) target(%dma_start3A_175 : memref<128xf32, #tpu.memory_space<vmem>>) offsets(%dma_start3A_178 : memref<128xi32, #tpu.memory_space<vmem>>) semaphore(%dma_start3A_182 : memref<!tpu.dma_semaphore, #tpu.memory_space<semaphore_mem>>)
      %dma_start3A_183 = arith.constant 6 : i32
      %dma_start3A_184 = arith.constant 6 : i32
      %dma_start3A_185 = arith.constant 6 : i32
      %dma_start3A_186 = arith.constant 0 : i32
      %dma_start3A_187 = tpu.memref_slice %arg11[%dma_start3A_184, %dma_start3A_186] : memref<16x128xf32, #tpu.memory_space<vmem>> -> memref<1x128xf32, #tpu.memory_space<vmem>>
      %dma_start3A_188 = tpu.memref_squeeze %dma_start3A_187 : memref<1x128xf32, #tpu.memory_space<vmem>> -> memref<128xf32, #tpu.memory_space<vmem>>
      %dma_start3A_189 = arith.constant 0 : i32
      %dma_start3A_190 = tpu.memref_slice %arg9[%select_n3A_70, %dma_start3A_183, %dma_start3A_189] : memref<2x16x128xi32, #tpu.memory_space<vmem>> -> memref<1x1x128xi32, #tpu.memory_space<vmem>>
      %dma_start3A_191 = tpu.memref_squeeze %dma_start3A_190 : memref<1x1x128xi32, #tpu.memory_space<vmem>> -> memref<128xi32, #tpu.memory_space<vmem>>
      %dma_start3A_192 = arith.constant 0 : i32
      %dma_start3A_193 = tpu.memref_slice %arg7[%dma_start3A_192] : memref<102400xf32, #tpu.memory_space<vmem_shared>> -> memref<102400xf32, #tpu.memory_space<vmem_shared>>
      %dma_start3A_194 = tpu.memref_slice %arg13[%dma_start3A_185] : memref<16x!tpu.dma_semaphore, #tpu.memory_space<semaphore_mem>> -> memref<1x!tpu.dma_semaphore, #tpu.memory_space<semaphore_mem>>
      %dma_start3A_195 = tpu.memref_squeeze %dma_start3A_194 : memref<1x!tpu.dma_semaphore, #tpu.memory_space<semaphore_mem>> -> memref<!tpu.dma_semaphore, #tpu.memory_space<semaphore_mem>>
      tpu.enqueue_indirect_dma source(%dma_start3A_193 : memref<102400xf32, #tpu.memory_space<vmem_shared>>) target(%dma_start3A_188 : memref<128xf32, #tpu.memory_space<vmem>>) offsets(%dma_start3A_191 : memref<128xi32, #tpu.memory_space<vmem>>) semaphore(%dma_start3A_195 : memref<!tpu.dma_semaphore, #tpu.memory_space<semaphore_mem>>)
      %dma_start3A_196 = arith.constant 7 : i32
      %dma_start3A_197 = arith.constant 7 : i32
      %dma_start3A_198 = arith.constant 7 : i32
      %dma_start3A_199 = arith.constant 0 : i32
      %dma_start3A_200 = tpu.memref_slice %arg11[%dma_start3A_197, %dma_start3A_199] : memref<16x128xf32, #tpu.memory_space<vmem>> -> memref<1x128xf32, #tpu.memory_space<vmem>>
      %dma_start3A_201 = tpu.memref_squeeze %dma_start3A_200 : memref<1x128xf32, #tpu.memory_space<vmem>> -> memref<128xf32, #tpu.memory_space<vmem>>
      %dma_start3A_202 = arith.constant 0 : i32
      %dma_start3A_203 = tpu.memref_slice %arg9[%select_n3A_70, %dma_start3A_196, %dma_start3A_202] : memref<2x16x128xi32, #tpu.memory_space<vmem>> -> memref<1x1x128xi32, #tpu.memory_space<vmem>>
      %dma_start3A_204 = tpu.memref_squeeze %dma_start3A_203 : memref<1x1x128xi32, #tpu.memory_space<vmem>> -> memref<128xi32, #tpu.memory_space<vmem>>
      %dma_start3A_205 = arith.constant 0 : i32
      %dma_start3A_206 = tpu.memref_slice %arg7[%dma_start3A_205] : memref<102400xf32, #tpu.memory_space<vmem_shared>> -> memref<102400xf32, #tpu.memory_space<vmem_shared>>
      %dma_start3A_207 = tpu.memref_slice %arg13[%dma_start3A_198] : memref<16x!tpu.dma_semaphore, #tpu.memory_space<semaphore_mem>> -> memref<1x!tpu.dma_semaphore, #tpu.memory_space<semaphore_mem>>
      %dma_start3A_208 = tpu.memref_squeeze %dma_start3A_207 : memref<1x!tpu.dma_semaphore, #tpu.memory_space<semaphore_mem>> -> memref<!tpu.dma_semaphore, #tpu.memory_space<semaphore_mem>>
      tpu.enqueue_indirect_dma source(%dma_start3A_206 : memref<102400xf32, #tpu.memory_space<vmem_shared>>) target(%dma_start3A_201 : memref<128xf32, #tpu.memory_space<vmem>>) offsets(%dma_start3A_204 : memref<128xi32, #tpu.memory_space<vmem>>) semaphore(%dma_start3A_208 : memref<!tpu.dma_semaphore, #tpu.memory_space<semaphore_mem>>)
      %dma_start3A_209 = arith.constant 8 : i32
      %dma_start3A_210 = arith.constant 8 : i32
      %dma_start3A_211 = arith.constant 8 : i32
      %dma_start3A_212 = arith.constant 0 : i32
      %dma_start3A_213 = tpu.memref_slice %arg11[%dma_start3A_210, %dma_start3A_212] : memref<16x128xf32, #tpu.memory_space<vmem>> -> memref<1x128xf32, #tpu.memory_space<vmem>>
      %dma_start3A_214 = tpu.memref_squeeze %dma_start3A_213 : memref<1x128xf32, #tpu.memory_space<vmem>> -> memref<128xf32, #tpu.memory_space<vmem>>
      %dma_start3A_215 = arith.constant 0 : i32
      %dma_start3A_216 = tpu.memref_slice %arg9[%select_n3A_70, %dma_start3A_209, %dma_start3A_215] : memref<2x16x128xi32, #tpu.memory_space<vmem>> -> memref<1x1x128xi32, #tpu.memory_space<vmem>>
      %dma_start3A_217 = tpu.memref_squeeze %dma_start3A_216 : memref<1x1x128xi32, #tpu.memory_space<vmem>> -> memref<128xi32, #tpu.memory_space<vmem>>
      %dma_start3A_218 = arith.constant 0 : i32
      %dma_start3A_219 = tpu.memref_slice %arg7[%dma_start3A_218] : memref<102400xf32, #tpu.memory_space<vmem_shared>> -> memref<102400xf32, #tpu.memory_space<vmem_shared>>
      %dma_start3A_220 = tpu.memref_slice %arg13[%dma_start3A_211] : memref<16x!tpu.dma_semaphore, #tpu.memory_space<semaphore_mem>> -> memref<1x!tpu.dma_semaphore, #tpu.memory_space<semaphore_mem>>
      %dma_start3A_221 = tpu.memref_squeeze %dma_start3A_220 : memref<1x!tpu.dma_semaphore, #tpu.memory_space<semaphore_mem>> -> memref<!tpu.dma_semaphore, #tpu.memory_space<semaphore_mem>>
      tpu.enqueue_indirect_dma source(%dma_start3A_219 : memref<102400xf32, #tpu.memory_space<vmem_shared>>) target(%dma_start3A_214 : memref<128xf32, #tpu.memory_space<vmem>>) offsets(%dma_start3A_217 : memref<128xi32, #tpu.memory_space<vmem>>) semaphore(%dma_start3A_221 : memref<!tpu.dma_semaphore, #tpu.memory_space<semaphore_mem>>)
      %dma_start3A_222 = arith.constant 9 : i32
      %dma_start3A_223 = arith.constant 9 : i32
      %dma_start3A_224 = arith.constant 9 : i32
      %dma_start3A_225 = arith.constant 0 : i32
      %dma_start3A_226 = tpu.memref_slice %arg11[%dma_start3A_223, %dma_start3A_225] : memref<16x128xf32, #tpu.memory_space<vmem>> -> memref<1x128xf32, #tpu.memory_space<vmem>>
      %dma_start3A_227 = tpu.memref_squeeze %dma_start3A_226 : memref<1x128xf32, #tpu.memory_space<vmem>> -> memref<128xf32, #tpu.memory_space<vmem>>
      %dma_start3A_228 = arith.constant 0 : i32
      %dma_start3A_229 = tpu.memref_slice %arg9[%select_n3A_70, %dma_start3A_222, %dma_start3A_228] : memref<2x16x128xi32, #tpu.memory_space<vmem>> -> memref<1x1x128xi32, #tpu.memory_space<vmem>>
      %dma_start3A_230 = tpu.memref_squeeze %dma_start3A_229 : memref<1x1x128xi32, #tpu.memory_space<vmem>> -> memref<128xi32, #tpu.memory_space<vmem>>
      %dma_start3A_231 = arith.constant 0 : i32
      %dma_start3A_232 = tpu.memref_slice %arg7[%dma_start3A_231] : memref<102400xf32, #tpu.memory_space<vmem_shared>> -> memref<102400xf32, #tpu.memory_space<vmem_shared>>
      %dma_start3A_233 = tpu.memref_slice %arg13[%dma_start3A_224] : memref<16x!tpu.dma_semaphore, #tpu.memory_space<semaphore_mem>> -> memref<1x!tpu.dma_semaphore, #tpu.memory_space<semaphore_mem>>
      %dma_start3A_234 = tpu.memref_squeeze %dma_start3A_233 : memref<1x!tpu.dma_semaphore, #tpu.memory_space<semaphore_mem>> -> memref<!tpu.dma_semaphore, #tpu.memory_space<semaphore_mem>>
      tpu.enqueue_indirect_dma source(%dma_start3A_232 : memref<102400xf32, #tpu.memory_space<vmem_shared>>) target(%dma_start3A_227 : memref<128xf32, #tpu.memory_space<vmem>>) offsets(%dma_start3A_230 : memref<128xi32, #tpu.memory_space<vmem>>) semaphore(%dma_start3A_234 : memref<!tpu.dma_semaphore, #tpu.memory_space<semaphore_mem>>)
      %dma_start3A_235 = arith.constant 10 : i32
      %dma_start3A_236 = arith.constant 10 : i32
      %dma_start3A_237 = arith.constant 10 : i32
      %dma_start3A_238 = arith.constant 0 : i32
      %dma_start3A_239 = tpu.memref_slice %arg11[%dma_start3A_236, %dma_start3A_238] : memref<16x128xf32, #tpu.memory_space<vmem>> -> memref<1x128xf32, #tpu.memory_space<vmem>>
      %dma_start3A_240 = tpu.memref_squeeze %dma_start3A_239 : memref<1x128xf32, #tpu.memory_space<vmem>> -> memref<128xf32, #tpu.memory_space<vmem>>
      %dma_start3A_241 = arith.constant 0 : i32
      %dma_start3A_242 = tpu.memref_slice %arg9[%select_n3A_70, %dma_start3A_235, %dma_start3A_241] : memref<2x16x128xi32, #tpu.memory_space<vmem>> -> memref<1x1x128xi32, #tpu.memory_space<vmem>>
      %dma_start3A_243 = tpu.memref_squeeze %dma_start3A_242 : memref<1x1x128xi32, #tpu.memory_space<vmem>> -> memref<128xi32, #tpu.memory_space<vmem>>
      %dma_start3A_244 = arith.constant 0 : i32
      %dma_start3A_245 = tpu.memref_slice %arg7[%dma_start3A_244] : memref<102400xf32, #tpu.memory_space<vmem_shared>> -> memref<102400xf32, #tpu.memory_space<vmem_shared>>
      %dma_start3A_246 = tpu.memref_slice %arg13[%dma_start3A_237] : memref<16x!tpu.dma_semaphore, #tpu.memory_space<semaphore_mem>> -> memref<1x!tpu.dma_semaphore, #tpu.memory_space<semaphore_mem>>
      %dma_start3A_247 = tpu.memref_squeeze %dma_start3A_246 : memref<1x!tpu.dma_semaphore, #tpu.memory_space<semaphore_mem>> -> memref<!tpu.dma_semaphore, #tpu.memory_space<semaphore_mem>>
      tpu.enqueue_indirect_dma source(%dma_start3A_245 : memref<102400xf32, #tpu.memory_space<vmem_shared>>) target(%dma_start3A_240 : memref<128xf32, #tpu.memory_space<vmem>>) offsets(%dma_start3A_243 : memref<128xi32, #tpu.memory_space<vmem>>) semaphore(%dma_start3A_247 : memref<!tpu.dma_semaphore, #tpu.memory_space<semaphore_mem>>)
      %dma_start3A_248 = arith.constant 11 : i32
      %dma_start3A_249 = arith.constant 11 : i32
      %dma_start3A_250 = arith.constant 11 : i32
      %dma_start3A_251 = arith.constant 0 : i32
      %dma_start3A_252 = tpu.memref_slice %arg11[%dma_start3A_249, %dma_start3A_251] : memref<16x128xf32, #tpu.memory_space<vmem>> -> memref<1x128xf32, #tpu.memory_space<vmem>>
      %dma_start3A_253 = tpu.memref_squeeze %dma_start3A_252 : memref<1x128xf32, #tpu.memory_space<vmem>> -> memref<128xf32, #tpu.memory_space<vmem>>
      %dma_start3A_254 = arith.constant 0 : i32
      %dma_start3A_255 = tpu.memref_slice %arg9[%select_n3A_70, %dma_start3A_248, %dma_start3A_254] : memref<2x16x128xi32, #tpu.memory_space<vmem>> -> memref<1x1x128xi32, #tpu.memory_space<vmem>>
      %dma_start3A_256 = tpu.memref_squeeze %dma_start3A_255 : memref<1x1x128xi32, #tpu.memory_space<vmem>> -> memref<128xi32, #tpu.memory_space<vmem>>
      %dma_start3A_257 = arith.constant 0 : i32
      %dma_start3A_258 = tpu.memref_slice %arg7[%dma_start3A_257] : memref<102400xf32, #tpu.memory_space<vmem_shared>> -> memref<102400xf32, #tpu.memory_space<vmem_shared>>
      %dma_start3A_259 = tpu.memref_slice %arg13[%dma_start3A_250] : memref<16x!tpu.dma_semaphore, #tpu.memory_space<semaphore_mem>> -> memref<1x!tpu.dma_semaphore, #tpu.memory_space<semaphore_mem>>
      %dma_start3A_260 = tpu.memref_squeeze %dma_start3A_259 : memref<1x!tpu.dma_semaphore, #tpu.memory_space<semaphore_mem>> -> memref<!tpu.dma_semaphore, #tpu.memory_space<semaphore_mem>>
      tpu.enqueue_indirect_dma source(%dma_start3A_258 : memref<102400xf32, #tpu.memory_space<vmem_shared>>) target(%dma_start3A_253 : memref<128xf32, #tpu.memory_space<vmem>>) offsets(%dma_start3A_256 : memref<128xi32, #tpu.memory_space<vmem>>) semaphore(%dma_start3A_260 : memref<!tpu.dma_semaphore, #tpu.memory_space<semaphore_mem>>)
      %dma_start3A_261 = arith.constant 12 : i32
      %dma_start3A_262 = arith.constant 12 : i32
      %dma_start3A_263 = arith.constant 12 : i32
      %dma_start3A_264 = arith.constant 0 : i32
      %dma_start3A_265 = tpu.memref_slice %arg11[%dma_start3A_262, %dma_start3A_264] : memref<16x128xf32, #tpu.memory_space<vmem>> -> memref<1x128xf32, #tpu.memory_space<vmem>>
      %dma_start3A_266 = tpu.memref_squeeze %dma_start3A_265 : memref<1x128xf32, #tpu.memory_space<vmem>> -> memref<128xf32, #tpu.memory_space<vmem>>
      %dma_start3A_267 = arith.constant 0 : i32
      %dma_start3A_268 = tpu.memref_slice %arg9[%select_n3A_70, %dma_start3A_261, %dma_start3A_267] : memref<2x16x128xi32, #tpu.memory_space<vmem>> -> memref<1x1x128xi32, #tpu.memory_space<vmem>>
      %dma_start3A_269 = tpu.memref_squeeze %dma_start3A_268 : memref<1x1x128xi32, #tpu.memory_space<vmem>> -> memref<128xi32, #tpu.memory_space<vmem>>
      %dma_start3A_270 = arith.constant 0 : i32
      %dma_start3A_271 = tpu.memref_slice %arg7[%dma_start3A_270] : memref<102400xf32, #tpu.memory_space<vmem_shared>> -> memref<102400xf32, #tpu.memory_space<vmem_shared>>
      %dma_start3A_272 = tpu.memref_slice %arg13[%dma_start3A_263] : memref<16x!tpu.dma_semaphore, #tpu.memory_space<semaphore_mem>> -> memref<1x!tpu.dma_semaphore, #tpu.memory_space<semaphore_mem>>
      %dma_start3A_273 = tpu.memref_squeeze %dma_start3A_272 : memref<1x!tpu.dma_semaphore, #tpu.memory_space<semaphore_mem>> -> memref<!tpu.dma_semaphore, #tpu.memory_space<semaphore_mem>>
      tpu.enqueue_indirect_dma source(%dma_start3A_271 : memref<102400xf32, #tpu.memory_space<vmem_shared>>) target(%dma_start3A_266 : memref<128xf32, #tpu.memory_space<vmem>>) offsets(%dma_start3A_269 : memref<128xi32, #tpu.memory_space<vmem>>) semaphore(%dma_start3A_273 : memref<!tpu.dma_semaphore, #tpu.memory_space<semaphore_mem>>)
      %dma_start3A_274 = arith.constant 13 : i32
      %dma_start3A_275 = arith.constant 13 : i32
      %dma_start3A_276 = arith.constant 13 : i32
      %dma_start3A_277 = arith.constant 0 : i32
      %dma_start3A_278 = tpu.memref_slice %arg11[%dma_start3A_275, %dma_start3A_277] : memref<16x128xf32, #tpu.memory_space<vmem>> -> memref<1x128xf32, #tpu.memory_space<vmem>>
      %dma_start3A_279 = tpu.memref_squeeze %dma_start3A_278 : memref<1x128xf32, #tpu.memory_space<vmem>> -> memref<128xf32, #tpu.memory_space<vmem>>
      %dma_start3A_280 = arith.constant 0 : i32
      %dma_start3A_281 = tpu.memref_slice %arg9[%select_n3A_70, %dma_start3A_274, %dma_start3A_280] : memref<2x16x128xi32, #tpu.memory_space<vmem>> -> memref<1x1x128xi32, #tpu.memory_space<vmem>>
      %dma_start3A_282 = tpu.memref_squeeze %dma_start3A_281 : memref<1x1x128xi32, #tpu.memory_space<vmem>> -> memref<128xi32, #tpu.memory_space<vmem>>
      %dma_start3A_283 = arith.constant 0 : i32
      %dma_start3A_284 = tpu.memref_slice %arg7[%dma_start3A_283] : memref<102400xf32, #tpu.memory_space<vmem_shared>> -> memref<102400xf32, #tpu.memory_space<vmem_shared>>
      %dma_start3A_285 = tpu.memref_slice %arg13[%dma_start3A_276] : memref<16x!tpu.dma_semaphore, #tpu.memory_space<semaphore_mem>> -> memref<1x!tpu.dma_semaphore, #tpu.memory_space<semaphore_mem>>
      %dma_start3A_286 = tpu.memref_squeeze %dma_start3A_285 : memref<1x!tpu.dma_semaphore, #tpu.memory_space<semaphore_mem>> -> memref<!tpu.dma_semaphore, #tpu.memory_space<semaphore_mem>>
      tpu.enqueue_indirect_dma source(%dma_start3A_284 : memref<102400xf32, #tpu.memory_space<vmem_shared>>) target(%dma_start3A_279 : memref<128xf32, #tpu.memory_space<vmem>>) offsets(%dma_start3A_282 : memref<128xi32, #tpu.memory_space<vmem>>) semaphore(%dma_start3A_286 : memref<!tpu.dma_semaphore, #tpu.memory_space<semaphore_mem>>)
      %dma_start3A_287 = arith.constant 14 : i32
      %dma_start3A_288 = arith.constant 14 : i32
      %dma_start3A_289 = arith.constant 14 : i32
      %dma_start3A_290 = arith.constant 0 : i32
      %dma_start3A_291 = tpu.memref_slice %arg11[%dma_start3A_288, %dma_start3A_290] : memref<16x128xf32, #tpu.memory_space<vmem>> -> memref<1x128xf32, #tpu.memory_space<vmem>>
      %dma_start3A_292 = tpu.memref_squeeze %dma_start3A_291 : memref<1x128xf32, #tpu.memory_space<vmem>> -> memref<128xf32, #tpu.memory_space<vmem>>
      %dma_start3A_293 = arith.constant 0 : i32
      %dma_start3A_294 = tpu.memref_slice %arg9[%select_n3A_70, %dma_start3A_287, %dma_start3A_293] : memref<2x16x128xi32, #tpu.memory_space<vmem>> -> memref<1x1x128xi32, #tpu.memory_space<vmem>>
      %dma_start3A_295 = tpu.memref_squeeze %dma_start3A_294 : memref<1x1x128xi32, #tpu.memory_space<vmem>> -> memref<128xi32, #tpu.memory_space<vmem>>
      %dma_start3A_296 = arith.constant 0 : i32
      %dma_start3A_297 = tpu.memref_slice %arg7[%dma_start3A_296] : memref<102400xf32, #tpu.memory_space<vmem_shared>> -> memref<102400xf32, #tpu.memory_space<vmem_shared>>
      %dma_start3A_298 = tpu.memref_slice %arg13[%dma_start3A_289] : memref<16x!tpu.dma_semaphore, #tpu.memory_space<semaphore_mem>> -> memref<1x!tpu.dma_semaphore, #tpu.memory_space<semaphore_mem>>
      %dma_start3A_299 = tpu.memref_squeeze %dma_start3A_298 : memref<1x!tpu.dma_semaphore, #tpu.memory_space<semaphore_mem>> -> memref<!tpu.dma_semaphore, #tpu.memory_space<semaphore_mem>>
      tpu.enqueue_indirect_dma source(%dma_start3A_297 : memref<102400xf32, #tpu.memory_space<vmem_shared>>) target(%dma_start3A_292 : memref<128xf32, #tpu.memory_space<vmem>>) offsets(%dma_start3A_295 : memref<128xi32, #tpu.memory_space<vmem>>) semaphore(%dma_start3A_299 : memref<!tpu.dma_semaphore, #tpu.memory_space<semaphore_mem>>)
      %dma_start3A_300 = arith.constant 15 : i32
      %dma_start3A_301 = arith.constant 15 : i32
      %dma_start3A_302 = arith.constant 15 : i32
      %dma_start3A_303 = arith.constant 0 : i32
      %dma_start3A_304 = tpu.memref_slice %arg11[%dma_start3A_301, %dma_start3A_303] : memref<16x128xf32, #tpu.memory_space<vmem>> -> memref<1x128xf32, #tpu.memory_space<vmem>>
      %dma_start3A_305 = tpu.memref_squeeze %dma_start3A_304 : memref<1x128xf32, #tpu.memory_space<vmem>> -> memref<128xf32, #tpu.memory_space<vmem>>
      %dma_start3A_306 = arith.constant 0 : i32
      %dma_start3A_307 = tpu.memref_slice %arg9[%select_n3A_70, %dma_start3A_300, %dma_start3A_306] : memref<2x16x128xi32, #tpu.memory_space<vmem>> -> memref<1x1x128xi32, #tpu.memory_space<vmem>>
      %dma_start3A_308 = tpu.memref_squeeze %dma_start3A_307 : memref<1x1x128xi32, #tpu.memory_space<vmem>> -> memref<128xi32, #tpu.memory_space<vmem>>
      %dma_start3A_309 = arith.constant 0 : i32
      %dma_start3A_310 = tpu.memref_slice %arg7[%dma_start3A_309] : memref<102400xf32, #tpu.memory_space<vmem_shared>> -> memref<102400xf32, #tpu.memory_space<vmem_shared>>
      %dma_start3A_311 = tpu.memref_slice %arg13[%dma_start3A_302] : memref<16x!tpu.dma_semaphore, #tpu.memory_space<semaphore_mem>> -> memref<1x!tpu.dma_semaphore, #tpu.memory_space<semaphore_mem>>
      %dma_start3A_312 = tpu.memref_squeeze %dma_start3A_311 : memref<1x!tpu.dma_semaphore, #tpu.memory_space<semaphore_mem>> -> memref<!tpu.dma_semaphore, #tpu.memory_space<semaphore_mem>>
      tpu.enqueue_indirect_dma source(%dma_start3A_310 : memref<102400xf32, #tpu.memory_space<vmem_shared>>) target(%dma_start3A_305 : memref<128xf32, #tpu.memory_space<vmem>>) offsets(%dma_start3A_308 : memref<128xi32, #tpu.memory_space<vmem>>) semaphore(%dma_start3A_312 : memref<!tpu.dma_semaphore, #tpu.memory_space<semaphore_mem>>)
      %dma_wait3A_313 = arith.constant 0 : i32
      %dma_wait3A_314 = arith.constant 0 : i32
      %dma_wait3A_315 = arith.constant 0 : i32
      %dma_wait3A_316 = arith.constant 0 : i32
      %dma_wait3A_317 = tpu.memref_slice %arg11[%dma_wait3A_314, %dma_wait3A_316] : memref<16x128xf32, #tpu.memory_space<vmem>> -> memref<1x128xf32, #tpu.memory_space<vmem>>
      %dma_wait3A_318 = tpu.memref_squeeze %dma_wait3A_317 : memref<1x128xf32, #tpu.memory_space<vmem>> -> memref<128xf32, #tpu.memory_space<vmem>>
      %dma_wait3A_319 = arith.constant 0 : i32
      %dma_wait3A_320 = tpu.memref_slice %arg9[%select_n3A_70, %dma_wait3A_313, %dma_wait3A_319] : memref<2x16x128xi32, #tpu.memory_space<vmem>> -> memref<1x1x128xi32, #tpu.memory_space<vmem>>
      %dma_wait3A_321 = tpu.memref_squeeze %dma_wait3A_320 : memref<1x1x128xi32, #tpu.memory_space<vmem>> -> memref<128xi32, #tpu.memory_space<vmem>>
      %dma_wait3A_322 = arith.constant 0 : i32
      %dma_wait3A_323 = tpu.memref_slice %arg7[%dma_wait3A_322] : memref<102400xf32, #tpu.memory_space<vmem_shared>> -> memref<102400xf32, #tpu.memory_space<vmem_shared>>
      %dma_wait3A_324 = tpu.memref_slice %arg13[%dma_wait3A_315] : memref<16x!tpu.dma_semaphore, #tpu.memory_space<semaphore_mem>> -> memref<1x!tpu.dma_semaphore, #tpu.memory_space<semaphore_mem>>
      %dma_wait3A_325 = tpu.memref_squeeze %dma_wait3A_324 : memref<1x!tpu.dma_semaphore, #tpu.memory_space<semaphore_mem>> -> memref<!tpu.dma_semaphore, #tpu.memory_space<semaphore_mem>>
      tpu.wait_indirect_dma semaphore(%dma_wait3A_325 : memref<!tpu.dma_semaphore, #tpu.memory_space<semaphore_mem>>) src(%dma_wait3A_323 : memref<102400xf32, #tpu.memory_space<vmem_shared>>) dst(%dma_wait3A_318 : memref<128xf32, #tpu.memory_space<vmem>>)
      %dma_start3A_326 = arith.constant 0 : i32
      %dma_start3A_327 = arith.constant 0 : i32
      %dma_start3A_328 = arith.constant 0 : i32
      %dma_start3A_329 = tpu.memref_slice %arg11[%dma_start3A_326, %dma_start3A_328] : memref<16x128xf32, #tpu.memory_space<vmem>> -> memref<1x128xf32, #tpu.memory_space<vmem>>
      %dma_start3A_330 = tpu.memref_squeeze %dma_start3A_329 : memref<1x128xf32, #tpu.memory_space<vmem>> -> memref<128xf32, #tpu.memory_space<vmem>>
      %dma_start3A_331 = arith.constant 0 : i32
      %dma_start3A_332 = tpu.memref_slice %arg10[%select_n3A_70, %dma_start3A_327, %dma_start3A_331] : memref<2x16x128xi32, #tpu.memory_space<vmem>> -> memref<1x1x128xi32, #tpu.memory_space<vmem>>
      %dma_start3A_333 = tpu.memref_squeeze %dma_start3A_332 : memref<1x1x128xi32, #tpu.memory_space<vmem>> -> memref<128xi32, #tpu.memory_space<vmem>>
      %dma_start3A_334 = arith.constant 0 : i32
      %dma_start3A_335 = tpu.memref_slice %arg8[%dma_start3A_334] : memref<102400xf32, #tpu.memory_space<vmem_shared>> -> memref<102400xf32, #tpu.memory_space<vmem_shared>>
      tpu.enqueue_indirect_dma source(%dma_start3A_330 : memref<128xf32, #tpu.memory_space<vmem>>) target(%dma_start3A_335 : memref<102400xf32, #tpu.memory_space<vmem_shared>>) offsets(%dma_start3A_333 : memref<128xi32, #tpu.memory_space<vmem>>) semaphore(%arg14 : memref<!tpu.dma_semaphore, #tpu.memory_space<semaphore_mem>>) {add = true}
      %dma_wait3A_336 = arith.constant 1 : i32
      %dma_wait3A_337 = arith.constant 1 : i32
      %dma_wait3A_338 = arith.constant 1 : i32
      %dma_wait3A_339 = arith.constant 0 : i32
      %dma_wait3A_340 = tpu.memref_slice %arg11[%dma_wait3A_337, %dma_wait3A_339] : memref<16x128xf32, #tpu.memory_space<vmem>> -> memref<1x128xf32, #tpu.memory_space<vmem>>
      %dma_wait3A_341 = tpu.memref_squeeze %dma_wait3A_340 : memref<1x128xf32, #tpu.memory_space<vmem>> -> memref<128xf32, #tpu.memory_space<vmem>>
      %dma_wait3A_342 = arith.constant 0 : i32
      %dma_wait3A_343 = tpu.memref_slice %arg9[%select_n3A_70, %dma_wait3A_336, %dma_wait3A_342] : memref<2x16x128xi32, #tpu.memory_space<vmem>> -> memref<1x1x128xi32, #tpu.memory_space<vmem>>
      %dma_wait3A_344 = tpu.memref_squeeze %dma_wait3A_343 : memref<1x1x128xi32, #tpu.memory_space<vmem>> -> memref<128xi32, #tpu.memory_space<vmem>>
      %dma_wait3A_345 = arith.constant 0 : i32
      %dma_wait3A_346 = tpu.memref_slice %arg7[%dma_wait3A_345] : memref<102400xf32, #tpu.memory_space<vmem_shared>> -> memref<102400xf32, #tpu.memory_space<vmem_shared>>
      %dma_wait3A_347 = tpu.memref_slice %arg13[%dma_wait3A_338] : memref<16x!tpu.dma_semaphore, #tpu.memory_space<semaphore_mem>> -> memref<1x!tpu.dma_semaphore, #tpu.memory_space<semaphore_mem>>
      %dma_wait3A_348 = tpu.memref_squeeze %dma_wait3A_347 : memref<1x!tpu.dma_semaphore, #tpu.memory_space<semaphore_mem>> -> memref<!tpu.dma_semaphore, #tpu.memory_space<semaphore_mem>>
      tpu.wait_indirect_dma semaphore(%dma_wait3A_348 : memref<!tpu.dma_semaphore, #tpu.memory_space<semaphore_mem>>) src(%dma_wait3A_346 : memref<102400xf32, #tpu.memory_space<vmem_shared>>) dst(%dma_wait3A_341 : memref<128xf32, #tpu.memory_space<vmem>>)
      %dma_start3A_349 = arith.constant 1 : i32
      %dma_start3A_350 = arith.constant 1 : i32
      %dma_start3A_351 = arith.constant 0 : i32
      %dma_start3A_352 = tpu.memref_slice %arg11[%dma_start3A_349, %dma_start3A_351] : memref<16x128xf32, #tpu.memory_space<vmem>> -> memref<1x128xf32, #tpu.memory_space<vmem>>
      %dma_start3A_353 = tpu.memref_squeeze %dma_start3A_352 : memref<1x128xf32, #tpu.memory_space<vmem>> -> memref<128xf32, #tpu.memory_space<vmem>>
      %dma_start3A_354 = arith.constant 0 : i32
      %dma_start3A_355 = tpu.memref_slice %arg10[%select_n3A_70, %dma_start3A_350, %dma_start3A_354] : memref<2x16x128xi32, #tpu.memory_space<vmem>> -> memref<1x1x128xi32, #tpu.memory_space<vmem>>
      %dma_start3A_356 = tpu.memref_squeeze %dma_start3A_355 : memref<1x1x128xi32, #tpu.memory_space<vmem>> -> memref<128xi32, #tpu.memory_space<vmem>>
      %dma_start3A_357 = arith.constant 0 : i32
      %dma_start3A_358 = tpu.memref_slice %arg8[%dma_start3A_357] : memref<102400xf32, #tpu.memory_space<vmem_shared>> -> memref<102400xf32, #tpu.memory_space<vmem_shared>>
      tpu.enqueue_indirect_dma source(%dma_start3A_353 : memref<128xf32, #tpu.memory_space<vmem>>) target(%dma_start3A_358 : memref<102400xf32, #tpu.memory_space<vmem_shared>>) offsets(%dma_start3A_356 : memref<128xi32, #tpu.memory_space<vmem>>) semaphore(%arg14 : memref<!tpu.dma_semaphore, #tpu.memory_space<semaphore_mem>>) {add = true}
      %dma_wait3A_359 = arith.constant 2 : i32
      %dma_wait3A_360 = arith.constant 2 : i32
      %dma_wait3A_361 = arith.constant 2 : i32
      %dma_wait3A_362 = arith.constant 0 : i32
      %dma_wait3A_363 = tpu.memref_slice %arg11[%dma_wait3A_360, %dma_wait3A_362] : memref<16x128xf32, #tpu.memory_space<vmem>> -> memref<1x128xf32, #tpu.memory_space<vmem>>
      %dma_wait3A_364 = tpu.memref_squeeze %dma_wait3A_363 : memref<1x128xf32, #tpu.memory_space<vmem>> -> memref<128xf32, #tpu.memory_space<vmem>>
      %dma_wait3A_365 = arith.constant 0 : i32
      %dma_wait3A_366 = tpu.memref_slice %arg9[%select_n3A_70, %dma_wait3A_359, %dma_wait3A_365] : memref<2x16x128xi32, #tpu.memory_space<vmem>> -> memref<1x1x128xi32, #tpu.memory_space<vmem>>
      %dma_wait3A_367 = tpu.memref_squeeze %dma_wait3A_366 : memref<1x1x128xi32, #tpu.memory_space<vmem>> -> memref<128xi32, #tpu.memory_space<vmem>>
      %dma_wait3A_368 = arith.constant 0 : i32
      %dma_wait3A_369 = tpu.memref_slice %arg7[%dma_wait3A_368] : memref<102400xf32, #tpu.memory_space<vmem_shared>> -> memref<102400xf32, #tpu.memory_space<vmem_shared>>
      %dma_wait3A_370 = tpu.memref_slice %arg13[%dma_wait3A_361] : memref<16x!tpu.dma_semaphore, #tpu.memory_space<semaphore_mem>> -> memref<1x!tpu.dma_semaphore, #tpu.memory_space<semaphore_mem>>
      %dma_wait3A_371 = tpu.memref_squeeze %dma_wait3A_370 : memref<1x!tpu.dma_semaphore, #tpu.memory_space<semaphore_mem>> -> memref<!tpu.dma_semaphore, #tpu.memory_space<semaphore_mem>>
      tpu.wait_indirect_dma semaphore(%dma_wait3A_371 : memref<!tpu.dma_semaphore, #tpu.memory_space<semaphore_mem>>) src(%dma_wait3A_369 : memref<102400xf32, #tpu.memory_space<vmem_shared>>) dst(%dma_wait3A_364 : memref<128xf32, #tpu.memory_space<vmem>>)
      %dma_start3A_372 = arith.constant 2 : i32
      %dma_start3A_373 = arith.constant 2 : i32
      %dma_start3A_374 = arith.constant 0 : i32
      %dma_start3A_375 = tpu.memref_slice %arg11[%dma_start3A_372, %dma_start3A_374] : memref<16x128xf32, #tpu.memory_space<vmem>> -> memref<1x128xf32, #tpu.memory_space<vmem>>
      %dma_start3A_376 = tpu.memref_squeeze %dma_start3A_375 : memref<1x128xf32, #tpu.memory_space<vmem>> -> memref<128xf32, #tpu.memory_space<vmem>>
      %dma_start3A_377 = arith.constant 0 : i32
      %dma_start3A_378 = tpu.memref_slice %arg10[%select_n3A_70, %dma_start3A_373, %dma_start3A_377] : memref<2x16x128xi32, #tpu.memory_space<vmem>> -> memref<1x1x128xi32, #tpu.memory_space<vmem>>
      %dma_start3A_379 = tpu.memref_squeeze %dma_start3A_378 : memref<1x1x128xi32, #tpu.memory_space<vmem>> -> memref<128xi32, #tpu.memory_space<vmem>>
      %dma_start3A_380 = arith.constant 0 : i32
      %dma_start3A_381 = tpu.memref_slice %arg8[%dma_start3A_380] : memref<102400xf32, #tpu.memory_space<vmem_shared>> -> memref<102400xf32, #tpu.memory_space<vmem_shared>>
      tpu.enqueue_indirect_dma source(%dma_start3A_376 : memref<128xf32, #tpu.memory_space<vmem>>) target(%dma_start3A_381 : memref<102400xf32, #tpu.memory_space<vmem_shared>>) offsets(%dma_start3A_379 : memref<128xi32, #tpu.memory_space<vmem>>) semaphore(%arg14 : memref<!tpu.dma_semaphore, #tpu.memory_space<semaphore_mem>>) {add = true}
      %dma_wait3A_382 = arith.constant 3 : i32
      %dma_wait3A_383 = arith.constant 3 : i32
      %dma_wait3A_384 = arith.constant 3 : i32
      %dma_wait3A_385 = arith.constant 0 : i32
      %dma_wait3A_386 = tpu.memref_slice %arg11[%dma_wait3A_383, %dma_wait3A_385] : memref<16x128xf32, #tpu.memory_space<vmem>> -> memref<1x128xf32, #tpu.memory_space<vmem>>
      %dma_wait3A_387 = tpu.memref_squeeze %dma_wait3A_386 : memref<1x128xf32, #tpu.memory_space<vmem>> -> memref<128xf32, #tpu.memory_space<vmem>>
      %dma_wait3A_388 = arith.constant 0 : i32
      %dma_wait3A_389 = tpu.memref_slice %arg9[%select_n3A_70, %dma_wait3A_382, %dma_wait3A_388] : memref<2x16x128xi32, #tpu.memory_space<vmem>> -> memref<1x1x128xi32, #tpu.memory_space<vmem>>
      %dma_wait3A_390 = tpu.memref_squeeze %dma_wait3A_389 : memref<1x1x128xi32, #tpu.memory_space<vmem>> -> memref<128xi32, #tpu.memory_space<vmem>>
      %dma_wait3A_391 = arith.constant 0 : i32
      %dma_wait3A_392 = tpu.memref_slice %arg7[%dma_wait3A_391] : memref<102400xf32, #tpu.memory_space<vmem_shared>> -> memref<102400xf32, #tpu.memory_space<vmem_shared>>
      %dma_wait3A_393 = tpu.memref_slice %arg13[%dma_wait3A_384] : memref<16x!tpu.dma_semaphore, #tpu.memory_space<semaphore_mem>> -> memref<1x!tpu.dma_semaphore, #tpu.memory_space<semaphore_mem>>
      %dma_wait3A_394 = tpu.memref_squeeze %dma_wait3A_393 : memref<1x!tpu.dma_semaphore, #tpu.memory_space<semaphore_mem>> -> memref<!tpu.dma_semaphore, #tpu.memory_space<semaphore_mem>>
      tpu.wait_indirect_dma semaphore(%dma_wait3A_394 : memref<!tpu.dma_semaphore, #tpu.memory_space<semaphore_mem>>) src(%dma_wait3A_392 : memref<102400xf32, #tpu.memory_space<vmem_shared>>) dst(%dma_wait3A_387 : memref<128xf32, #tpu.memory_space<vmem>>)
      %dma_start3A_395 = arith.constant 3 : i32
      %dma_start3A_396 = arith.constant 3 : i32
      %dma_start3A_397 = arith.constant 0 : i32
      %dma_start3A_398 = tpu.memref_slice %arg11[%dma_start3A_395, %dma_start3A_397] : memref<16x128xf32, #tpu.memory_space<vmem>> -> memref<1x128xf32, #tpu.memory_space<vmem>>
      %dma_start3A_399 = tpu.memref_squeeze %dma_start3A_398 : memref<1x128xf32, #tpu.memory_space<vmem>> -> memref<128xf32, #tpu.memory_space<vmem>>
      %dma_start3A_400 = arith.constant 0 : i32
      %dma_start3A_401 = tpu.memref_slice %arg10[%select_n3A_70, %dma_start3A_396, %dma_start3A_400] : memref<2x16x128xi32, #tpu.memory_space<vmem>> -> memref<1x1x128xi32, #tpu.memory_space<vmem>>
      %dma_start3A_402 = tpu.memref_squeeze %dma_start3A_401 : memref<1x1x128xi32, #tpu.memory_space<vmem>> -> memref<128xi32, #tpu.memory_space<vmem>>
      %dma_start3A_403 = arith.constant 0 : i32
      %dma_start3A_404 = tpu.memref_slice %arg8[%dma_start3A_403] : memref<102400xf32, #tpu.memory_space<vmem_shared>> -> memref<102400xf32, #tpu.memory_space<vmem_shared>>
      tpu.enqueue_indirect_dma source(%dma_start3A_399 : memref<128xf32, #tpu.memory_space<vmem>>) target(%dma_start3A_404 : memref<102400xf32, #tpu.memory_space<vmem_shared>>) offsets(%dma_start3A_402 : memref<128xi32, #tpu.memory_space<vmem>>) semaphore(%arg14 : memref<!tpu.dma_semaphore, #tpu.memory_space<semaphore_mem>>) {add = true}
      %dma_wait3A_405 = arith.constant 4 : i32
      %dma_wait3A_406 = arith.constant 4 : i32
      %dma_wait3A_407 = arith.constant 4 : i32
      %dma_wait3A_408 = arith.constant 0 : i32
      %dma_wait3A_409 = tpu.memref_slice %arg11[%dma_wait3A_406, %dma_wait3A_408] : memref<16x128xf32, #tpu.memory_space<vmem>> -> memref<1x128xf32, #tpu.memory_space<vmem>>
      %dma_wait3A_410 = tpu.memref_squeeze %dma_wait3A_409 : memref<1x128xf32, #tpu.memory_space<vmem>> -> memref<128xf32, #tpu.memory_space<vmem>>
      %dma_wait3A_411 = arith.constant 0 : i32
      %dma_wait3A_412 = tpu.memref_slice %arg9[%select_n3A_70, %dma_wait3A_405, %dma_wait3A_411] : memref<2x16x128xi32, #tpu.memory_space<vmem>> -> memref<1x1x128xi32, #tpu.memory_space<vmem>>
      %dma_wait3A_413 = tpu.memref_squeeze %dma_wait3A_412 : memref<1x1x128xi32, #tpu.memory_space<vmem>> -> memref<128xi32, #tpu.memory_space<vmem>>
      %dma_wait3A_414 = arith.constant 0 : i32
      %dma_wait3A_415 = tpu.memref_slice %arg7[%dma_wait3A_414] : memref<102400xf32, #tpu.memory_space<vmem_shared>> -> memref<102400xf32, #tpu.memory_space<vmem_shared>>
      %dma_wait3A_416 = tpu.memref_slice %arg13[%dma_wait3A_407] : memref<16x!tpu.dma_semaphore, #tpu.memory_space<semaphore_mem>> -> memref<1x!tpu.dma_semaphore, #tpu.memory_space<semaphore_mem>>
      %dma_wait3A_417 = tpu.memref_squeeze %dma_wait3A_416 : memref<1x!tpu.dma_semaphore, #tpu.memory_space<semaphore_mem>> -> memref<!tpu.dma_semaphore, #tpu.memory_space<semaphore_mem>>
      tpu.wait_indirect_dma semaphore(%dma_wait3A_417 : memref<!tpu.dma_semaphore, #tpu.memory_space<semaphore_mem>>) src(%dma_wait3A_415 : memref<102400xf32, #tpu.memory_space<vmem_shared>>) dst(%dma_wait3A_410 : memref<128xf32, #tpu.memory_space<vmem>>)
      %dma_start3A_418 = arith.constant 4 : i32
      %dma_start3A_419 = arith.constant 4 : i32
      %dma_start3A_420 = arith.constant 0 : i32
      %dma_start3A_421 = tpu.memref_slice %arg11[%dma_start3A_418, %dma_start3A_420] : memref<16x128xf32, #tpu.memory_space<vmem>> -> memref<1x128xf32, #tpu.memory_space<vmem>>
      %dma_start3A_422 = tpu.memref_squeeze %dma_start3A_421 : memref<1x128xf32, #tpu.memory_space<vmem>> -> memref<128xf32, #tpu.memory_space<vmem>>
      %dma_start3A_423 = arith.constant 0 : i32
      %dma_start3A_424 = tpu.memref_slice %arg10[%select_n3A_70, %dma_start3A_419, %dma_start3A_423] : memref<2x16x128xi32, #tpu.memory_space<vmem>> -> memref<1x1x128xi32, #tpu.memory_space<vmem>>
      %dma_start3A_425 = tpu.memref_squeeze %dma_start3A_424 : memref<1x1x128xi32, #tpu.memory_space<vmem>> -> memref<128xi32, #tpu.memory_space<vmem>>
      %dma_start3A_426 = arith.constant 0 : i32
      %dma_start3A_427 = tpu.memref_slice %arg8[%dma_start3A_426] : memref<102400xf32, #tpu.memory_space<vmem_shared>> -> memref<102400xf32, #tpu.memory_space<vmem_shared>>
      tpu.enqueue_indirect_dma source(%dma_start3A_422 : memref<128xf32, #tpu.memory_space<vmem>>) target(%dma_start3A_427 : memref<102400xf32, #tpu.memory_space<vmem_shared>>) offsets(%dma_start3A_425 : memref<128xi32, #tpu.memory_space<vmem>>) semaphore(%arg14 : memref<!tpu.dma_semaphore, #tpu.memory_space<semaphore_mem>>) {add = true}
      %dma_wait3A_428 = arith.constant 5 : i32
      %dma_wait3A_429 = arith.constant 5 : i32
      %dma_wait3A_430 = arith.constant 5 : i32
      %dma_wait3A_431 = arith.constant 0 : i32
      %dma_wait3A_432 = tpu.memref_slice %arg11[%dma_wait3A_429, %dma_wait3A_431] : memref<16x128xf32, #tpu.memory_space<vmem>> -> memref<1x128xf32, #tpu.memory_space<vmem>>
      %dma_wait3A_433 = tpu.memref_squeeze %dma_wait3A_432 : memref<1x128xf32, #tpu.memory_space<vmem>> -> memref<128xf32, #tpu.memory_space<vmem>>
      %dma_wait3A_434 = arith.constant 0 : i32
      %dma_wait3A_435 = tpu.memref_slice %arg9[%select_n3A_70, %dma_wait3A_428, %dma_wait3A_434] : memref<2x16x128xi32, #tpu.memory_space<vmem>> -> memref<1x1x128xi32, #tpu.memory_space<vmem>>
      %dma_wait3A_436 = tpu.memref_squeeze %dma_wait3A_435 : memref<1x1x128xi32, #tpu.memory_space<vmem>> -> memref<128xi32, #tpu.memory_space<vmem>>
      %dma_wait3A_437 = arith.constant 0 : i32
      %dma_wait3A_438 = tpu.memref_slice %arg7[%dma_wait3A_437] : memref<102400xf32, #tpu.memory_space<vmem_shared>> -> memref<102400xf32, #tpu.memory_space<vmem_shared>>
      %dma_wait3A_439 = tpu.memref_slice %arg13[%dma_wait3A_430] : memref<16x!tpu.dma_semaphore, #tpu.memory_space<semaphore_mem>> -> memref<1x!tpu.dma_semaphore, #tpu.memory_space<semaphore_mem>>
      %dma_wait3A_440 = tpu.memref_squeeze %dma_wait3A_439 : memref<1x!tpu.dma_semaphore, #tpu.memory_space<semaphore_mem>> -> memref<!tpu.dma_semaphore, #tpu.memory_space<semaphore_mem>>
      tpu.wait_indirect_dma semaphore(%dma_wait3A_440 : memref<!tpu.dma_semaphore, #tpu.memory_space<semaphore_mem>>) src(%dma_wait3A_438 : memref<102400xf32, #tpu.memory_space<vmem_shared>>) dst(%dma_wait3A_433 : memref<128xf32, #tpu.memory_space<vmem>>)
      %dma_start3A_441 = arith.constant 5 : i32
      %dma_start3A_442 = arith.constant 5 : i32
      %dma_start3A_443 = arith.constant 0 : i32
      %dma_start3A_444 = tpu.memref_slice %arg11[%dma_start3A_441, %dma_start3A_443] : memref<16x128xf32, #tpu.memory_space<vmem>> -> memref<1x128xf32, #tpu.memory_space<vmem>>
      %dma_start3A_445 = tpu.memref_squeeze %dma_start3A_444 : memref<1x128xf32, #tpu.memory_space<vmem>> -> memref<128xf32, #tpu.memory_space<vmem>>
      %dma_start3A_446 = arith.constant 0 : i32
      %dma_start3A_447 = tpu.memref_slice %arg10[%select_n3A_70, %dma_start3A_442, %dma_start3A_446] : memref<2x16x128xi32, #tpu.memory_space<vmem>> -> memref<1x1x128xi32, #tpu.memory_space<vmem>>
      %dma_start3A_448 = tpu.memref_squeeze %dma_start3A_447 : memref<1x1x128xi32, #tpu.memory_space<vmem>> -> memref<128xi32, #tpu.memory_space<vmem>>
      %dma_start3A_449 = arith.constant 0 : i32
      %dma_start3A_450 = tpu.memref_slice %arg8[%dma_start3A_449] : memref<102400xf32, #tpu.memory_space<vmem_shared>> -> memref<102400xf32, #tpu.memory_space<vmem_shared>>
      tpu.enqueue_indirect_dma source(%dma_start3A_445 : memref<128xf32, #tpu.memory_space<vmem>>) target(%dma_start3A_450 : memref<102400xf32, #tpu.memory_space<vmem_shared>>) offsets(%dma_start3A_448 : memref<128xi32, #tpu.memory_space<vmem>>) semaphore(%arg14 : memref<!tpu.dma_semaphore, #tpu.memory_space<semaphore_mem>>) {add = true}
      %dma_wait3A_451 = arith.constant 6 : i32
      %dma_wait3A_452 = arith.constant 6 : i32
      %dma_wait3A_453 = arith.constant 6 : i32
      %dma_wait3A_454 = arith.constant 0 : i32
      %dma_wait3A_455 = tpu.memref_slice %arg11[%dma_wait3A_452, %dma_wait3A_454] : memref<16x128xf32, #tpu.memory_space<vmem>> -> memref<1x128xf32, #tpu.memory_space<vmem>>
      %dma_wait3A_456 = tpu.memref_squeeze %dma_wait3A_455 : memref<1x128xf32, #tpu.memory_space<vmem>> -> memref<128xf32, #tpu.memory_space<vmem>>
      %dma_wait3A_457 = arith.constant 0 : i32
      %dma_wait3A_458 = tpu.memref_slice %arg9[%select_n3A_70, %dma_wait3A_451, %dma_wait3A_457] : memref<2x16x128xi32, #tpu.memory_space<vmem>> -> memref<1x1x128xi32, #tpu.memory_space<vmem>>
      %dma_wait3A_459 = tpu.memref_squeeze %dma_wait3A_458 : memref<1x1x128xi32, #tpu.memory_space<vmem>> -> memref<128xi32, #tpu.memory_space<vmem>>
      %dma_wait3A_460 = arith.constant 0 : i32
      %dma_wait3A_461 = tpu.memref_slice %arg7[%dma_wait3A_460] : memref<102400xf32, #tpu.memory_space<vmem_shared>> -> memref<102400xf32, #tpu.memory_space<vmem_shared>>
      %dma_wait3A_462 = tpu.memref_slice %arg13[%dma_wait3A_453] : memref<16x!tpu.dma_semaphore, #tpu.memory_space<semaphore_mem>> -> memref<1x!tpu.dma_semaphore, #tpu.memory_space<semaphore_mem>>
      %dma_wait3A_463 = tpu.memref_squeeze %dma_wait3A_462 : memref<1x!tpu.dma_semaphore, #tpu.memory_space<semaphore_mem>> -> memref<!tpu.dma_semaphore, #tpu.memory_space<semaphore_mem>>
      tpu.wait_indirect_dma semaphore(%dma_wait3A_463 : memref<!tpu.dma_semaphore, #tpu.memory_space<semaphore_mem>>) src(%dma_wait3A_461 : memref<102400xf32, #tpu.memory_space<vmem_shared>>) dst(%dma_wait3A_456 : memref<128xf32, #tpu.memory_space<vmem>>)
      %dma_start3A_464 = arith.constant 6 : i32
      %dma_start3A_465 = arith.constant 6 : i32
      %dma_start3A_466 = arith.constant 0 : i32
      %dma_start3A_467 = tpu.memref_slice %arg11[%dma_start3A_464, %dma_start3A_466] : memref<16x128xf32, #tpu.memory_space<vmem>> -> memref<1x128xf32, #tpu.memory_space<vmem>>
      %dma_start3A_468 = tpu.memref_squeeze %dma_start3A_467 : memref<1x128xf32, #tpu.memory_space<vmem>> -> memref<128xf32, #tpu.memory_space<vmem>>
      %dma_start3A_469 = arith.constant 0 : i32
      %dma_start3A_470 = tpu.memref_slice %arg10[%select_n3A_70, %dma_start3A_465, %dma_start3A_469] : memref<2x16x128xi32, #tpu.memory_space<vmem>> -> memref<1x1x128xi32, #tpu.memory_space<vmem>>
      %dma_start3A_471 = tpu.memref_squeeze %dma_start3A_470 : memref<1x1x128xi32, #tpu.memory_space<vmem>> -> memref<128xi32, #tpu.memory_space<vmem>>
      %dma_start3A_472 = arith.constant 0 : i32
      %dma_start3A_473 = tpu.memref_slice %arg8[%dma_start3A_472] : memref<102400xf32, #tpu.memory_space<vmem_shared>> -> memref<102400xf32, #tpu.memory_space<vmem_shared>>
      tpu.enqueue_indirect_dma source(%dma_start3A_468 : memref<128xf32, #tpu.memory_space<vmem>>) target(%dma_start3A_473 : memref<102400xf32, #tpu.memory_space<vmem_shared>>) offsets(%dma_start3A_471 : memref<128xi32, #tpu.memory_space<vmem>>) semaphore(%arg14 : memref<!tpu.dma_semaphore, #tpu.memory_space<semaphore_mem>>) {add = true}
      %dma_wait3A_474 = arith.constant 7 : i32
      %dma_wait3A_475 = arith.constant 7 : i32
      %dma_wait3A_476 = arith.constant 7 : i32
      %dma_wait3A_477 = arith.constant 0 : i32
      %dma_wait3A_478 = tpu.memref_slice %arg11[%dma_wait3A_475, %dma_wait3A_477] : memref<16x128xf32, #tpu.memory_space<vmem>> -> memref<1x128xf32, #tpu.memory_space<vmem>>
      %dma_wait3A_479 = tpu.memref_squeeze %dma_wait3A_478 : memref<1x128xf32, #tpu.memory_space<vmem>> -> memref<128xf32, #tpu.memory_space<vmem>>
      %dma_wait3A_480 = arith.constant 0 : i32
      %dma_wait3A_481 = tpu.memref_slice %arg9[%select_n3A_70, %dma_wait3A_474, %dma_wait3A_480] : memref<2x16x128xi32, #tpu.memory_space<vmem>> -> memref<1x1x128xi32, #tpu.memory_space<vmem>>
      %dma_wait3A_482 = tpu.memref_squeeze %dma_wait3A_481 : memref<1x1x128xi32, #tpu.memory_space<vmem>> -> memref<128xi32, #tpu.memory_space<vmem>>
      %dma_wait3A_483 = arith.constant 0 : i32
      %dma_wait3A_484 = tpu.memref_slice %arg7[%dma_wait3A_483] : memref<102400xf32, #tpu.memory_space<vmem_shared>> -> memref<102400xf32, #tpu.memory_space<vmem_shared>>
      %dma_wait3A_485 = tpu.memref_slice %arg13[%dma_wait3A_476] : memref<16x!tpu.dma_semaphore, #tpu.memory_space<semaphore_mem>> -> memref<1x!tpu.dma_semaphore, #tpu.memory_space<semaphore_mem>>
      %dma_wait3A_486 = tpu.memref_squeeze %dma_wait3A_485 : memref<1x!tpu.dma_semaphore, #tpu.memory_space<semaphore_mem>> -> memref<!tpu.dma_semaphore, #tpu.memory_space<semaphore_mem>>
      tpu.wait_indirect_dma semaphore(%dma_wait3A_486 : memref<!tpu.dma_semaphore, #tpu.memory_space<semaphore_mem>>) src(%dma_wait3A_484 : memref<102400xf32, #tpu.memory_space<vmem_shared>>) dst(%dma_wait3A_479 : memref<128xf32, #tpu.memory_space<vmem>>)
      %dma_start3A_487 = arith.constant 7 : i32
      %dma_start3A_488 = arith.constant 7 : i32
      %dma_start3A_489 = arith.constant 0 : i32
      %dma_start3A_490 = tpu.memref_slice %arg11[%dma_start3A_487, %dma_start3A_489] : memref<16x128xf32, #tpu.memory_space<vmem>> -> memref<1x128xf32, #tpu.memory_space<vmem>>
      %dma_start3A_491 = tpu.memref_squeeze %dma_start3A_490 : memref<1x128xf32, #tpu.memory_space<vmem>> -> memref<128xf32, #tpu.memory_space<vmem>>
      %dma_start3A_492 = arith.constant 0 : i32
      %dma_start3A_493 = tpu.memref_slice %arg10[%select_n3A_70, %dma_start3A_488, %dma_start3A_492] : memref<2x16x128xi32, #tpu.memory_space<vmem>> -> memref<1x1x128xi32, #tpu.memory_space<vmem>>
      %dma_start3A_494 = tpu.memref_squeeze %dma_start3A_493 : memref<1x1x128xi32, #tpu.memory_space<vmem>> -> memref<128xi32, #tpu.memory_space<vmem>>
      %dma_start3A_495 = arith.constant 0 : i32
      %dma_start3A_496 = tpu.memref_slice %arg8[%dma_start3A_495] : memref<102400xf32, #tpu.memory_space<vmem_shared>> -> memref<102400xf32, #tpu.memory_space<vmem_shared>>
      tpu.enqueue_indirect_dma source(%dma_start3A_491 : memref<128xf32, #tpu.memory_space<vmem>>) target(%dma_start3A_496 : memref<102400xf32, #tpu.memory_space<vmem_shared>>) offsets(%dma_start3A_494 : memref<128xi32, #tpu.memory_space<vmem>>) semaphore(%arg14 : memref<!tpu.dma_semaphore, #tpu.memory_space<semaphore_mem>>) {add = true}
      %dma_wait3A_497 = arith.constant 8 : i32
      %dma_wait3A_498 = arith.constant 8 : i32
      %dma_wait3A_499 = arith.constant 8 : i32
      %dma_wait3A_500 = arith.constant 0 : i32
      %dma_wait3A_501 = tpu.memref_slice %arg11[%dma_wait3A_498, %dma_wait3A_500] : memref<16x128xf32, #tpu.memory_space<vmem>> -> memref<1x128xf32, #tpu.memory_space<vmem>>
      %dma_wait3A_502 = tpu.memref_squeeze %dma_wait3A_501 : memref<1x128xf32, #tpu.memory_space<vmem>> -> memref<128xf32, #tpu.memory_space<vmem>>
      %dma_wait3A_503 = arith.constant 0 : i32
      %dma_wait3A_504 = tpu.memref_slice %arg9[%select_n3A_70, %dma_wait3A_497, %dma_wait3A_503] : memref<2x16x128xi32, #tpu.memory_space<vmem>> -> memref<1x1x128xi32, #tpu.memory_space<vmem>>
      %dma_wait3A_505 = tpu.memref_squeeze %dma_wait3A_504 : memref<1x1x128xi32, #tpu.memory_space<vmem>> -> memref<128xi32, #tpu.memory_space<vmem>>
      %dma_wait3A_506 = arith.constant 0 : i32
      %dma_wait3A_507 = tpu.memref_slice %arg7[%dma_wait3A_506] : memref<102400xf32, #tpu.memory_space<vmem_shared>> -> memref<102400xf32, #tpu.memory_space<vmem_shared>>
      %dma_wait3A_508 = tpu.memref_slice %arg13[%dma_wait3A_499] : memref<16x!tpu.dma_semaphore, #tpu.memory_space<semaphore_mem>> -> memref<1x!tpu.dma_semaphore, #tpu.memory_space<semaphore_mem>>
      %dma_wait3A_509 = tpu.memref_squeeze %dma_wait3A_508 : memref<1x!tpu.dma_semaphore, #tpu.memory_space<semaphore_mem>> -> memref<!tpu.dma_semaphore, #tpu.memory_space<semaphore_mem>>
      tpu.wait_indirect_dma semaphore(%dma_wait3A_509 : memref<!tpu.dma_semaphore, #tpu.memory_space<semaphore_mem>>) src(%dma_wait3A_507 : memref<102400xf32, #tpu.memory_space<vmem_shared>>) dst(%dma_wait3A_502 : memref<128xf32, #tpu.memory_space<vmem>>)
      %dma_start3A_510 = arith.constant 8 : i32
      %dma_start3A_511 = arith.constant 8 : i32
      %dma_start3A_512 = arith.constant 0 : i32
      %dma_start3A_513 = tpu.memref_slice %arg11[%dma_start3A_510, %dma_start3A_512] : memref<16x128xf32, #tpu.memory_space<vmem>> -> memref<1x128xf32, #tpu.memory_space<vmem>>
      %dma_start3A_514 = tpu.memref_squeeze %dma_start3A_513 : memref<1x128xf32, #tpu.memory_space<vmem>> -> memref<128xf32, #tpu.memory_space<vmem>>
      %dma_start3A_515 = arith.constant 0 : i32
      %dma_start3A_516 = tpu.memref_slice %arg10[%select_n3A_70, %dma_start3A_511, %dma_start3A_515] : memref<2x16x128xi32, #tpu.memory_space<vmem>> -> memref<1x1x128xi32, #tpu.memory_space<vmem>>
      %dma_start3A_517 = tpu.memref_squeeze %dma_start3A_516 : memref<1x1x128xi32, #tpu.memory_space<vmem>> -> memref<128xi32, #tpu.memory_space<vmem>>
      %dma_start3A_518 = arith.constant 0 : i32
      %dma_start3A_519 = tpu.memref_slice %arg8[%dma_start3A_518] : memref<102400xf32, #tpu.memory_space<vmem_shared>> -> memref<102400xf32, #tpu.memory_space<vmem_shared>>
      tpu.enqueue_indirect_dma source(%dma_start3A_514 : memref<128xf32, #tpu.memory_space<vmem>>) target(%dma_start3A_519 : memref<102400xf32, #tpu.memory_space<vmem_shared>>) offsets(%dma_start3A_517 : memref<128xi32, #tpu.memory_space<vmem>>) semaphore(%arg14 : memref<!tpu.dma_semaphore, #tpu.memory_space<semaphore_mem>>) {add = true}
      %dma_wait3A_520 = arith.constant 9 : i32
      %dma_wait3A_521 = arith.constant 9 : i32
      %dma_wait3A_522 = arith.constant 9 : i32
      %dma_wait3A_523 = arith.constant 0 : i32
      %dma_wait3A_524 = tpu.memref_slice %arg11[%dma_wait3A_521, %dma_wait3A_523] : memref<16x128xf32, #tpu.memory_space<vmem>> -> memref<1x128xf32, #tpu.memory_space<vmem>>
      %dma_wait3A_525 = tpu.memref_squeeze %dma_wait3A_524 : memref<1x128xf32, #tpu.memory_space<vmem>> -> memref<128xf32, #tpu.memory_space<vmem>>
      %dma_wait3A_526 = arith.constant 0 : i32
      %dma_wait3A_527 = tpu.memref_slice %arg9[%select_n3A_70, %dma_wait3A_520, %dma_wait3A_526] : memref<2x16x128xi32, #tpu.memory_space<vmem>> -> memref<1x1x128xi32, #tpu.memory_space<vmem>>
      %dma_wait3A_528 = tpu.memref_squeeze %dma_wait3A_527 : memref<1x1x128xi32, #tpu.memory_space<vmem>> -> memref<128xi32, #tpu.memory_space<vmem>>
      %dma_wait3A_529 = arith.constant 0 : i32
      %dma_wait3A_530 = tpu.memref_slice %arg7[%dma_wait3A_529] : memref<102400xf32, #tpu.memory_space<vmem_shared>> -> memref<102400xf32, #tpu.memory_space<vmem_shared>>
      %dma_wait3A_531 = tpu.memref_slice %arg13[%dma_wait3A_522] : memref<16x!tpu.dma_semaphore, #tpu.memory_space<semaphore_mem>> -> memref<1x!tpu.dma_semaphore, #tpu.memory_space<semaphore_mem>>
      %dma_wait3A_532 = tpu.memref_squeeze %dma_wait3A_531 : memref<1x!tpu.dma_semaphore, #tpu.memory_space<semaphore_mem>> -> memref<!tpu.dma_semaphore, #tpu.memory_space<semaphore_mem>>
      tpu.wait_indirect_dma semaphore(%dma_wait3A_532 : memref<!tpu.dma_semaphore, #tpu.memory_space<semaphore_mem>>) src(%dma_wait3A_530 : memref<102400xf32, #tpu.memory_space<vmem_shared>>) dst(%dma_wait3A_525 : memref<128xf32, #tpu.memory_space<vmem>>)
      %dma_start3A_533 = arith.constant 9 : i32
      %dma_start3A_534 = arith.constant 9 : i32
      %dma_start3A_535 = arith.constant 0 : i32
      %dma_start3A_536 = tpu.memref_slice %arg11[%dma_start3A_533, %dma_start3A_535] : memref<16x128xf32, #tpu.memory_space<vmem>> -> memref<1x128xf32, #tpu.memory_space<vmem>>
      %dma_start3A_537 = tpu.memref_squeeze %dma_start3A_536 : memref<1x128xf32, #tpu.memory_space<vmem>> -> memref<128xf32, #tpu.memory_space<vmem>>
      %dma_start3A_538 = arith.constant 0 : i32
      %dma_start3A_539 = tpu.memref_slice %arg10[%select_n3A_70, %dma_start3A_534, %dma_start3A_538] : memref<2x16x128xi32, #tpu.memory_space<vmem>> -> memref<1x1x128xi32, #tpu.memory_space<vmem>>
      %dma_start3A_540 = tpu.memref_squeeze %dma_start3A_539 : memref<1x1x128xi32, #tpu.memory_space<vmem>> -> memref<128xi32, #tpu.memory_space<vmem>>
      %dma_start3A_541 = arith.constant 0 : i32
      %dma_start3A_542 = tpu.memref_slice %arg8[%dma_start3A_541] : memref<102400xf32, #tpu.memory_space<vmem_shared>> -> memref<102400xf32, #tpu.memory_space<vmem_shared>>
      tpu.enqueue_indirect_dma source(%dma_start3A_537 : memref<128xf32, #tpu.memory_space<vmem>>) target(%dma_start3A_542 : memref<102400xf32, #tpu.memory_space<vmem_shared>>) offsets(%dma_start3A_540 : memref<128xi32, #tpu.memory_space<vmem>>) semaphore(%arg14 : memref<!tpu.dma_semaphore, #tpu.memory_space<semaphore_mem>>) {add = true}
      %dma_wait3A_543 = arith.constant 10 : i32
      %dma_wait3A_544 = arith.constant 10 : i32
      %dma_wait3A_545 = arith.constant 10 : i32
      %dma_wait3A_546 = arith.constant 0 : i32
      %dma_wait3A_547 = tpu.memref_slice %arg11[%dma_wait3A_544, %dma_wait3A_546] : memref<16x128xf32, #tpu.memory_space<vmem>> -> memref<1x128xf32, #tpu.memory_space<vmem>>
      %dma_wait3A_548 = tpu.memref_squeeze %dma_wait3A_547 : memref<1x128xf32, #tpu.memory_space<vmem>> -> memref<128xf32, #tpu.memory_space<vmem>>
      %dma_wait3A_549 = arith.constant 0 : i32
      %dma_wait3A_550 = tpu.memref_slice %arg9[%select_n3A_70, %dma_wait3A_543, %dma_wait3A_549] : memref<2x16x128xi32, #tpu.memory_space<vmem>> -> memref<1x1x128xi32, #tpu.memory_space<vmem>>
      %dma_wait3A_551 = tpu.memref_squeeze %dma_wait3A_550 : memref<1x1x128xi32, #tpu.memory_space<vmem>> -> memref<128xi32, #tpu.memory_space<vmem>>
      %dma_wait3A_552 = arith.constant 0 : i32
      %dma_wait3A_553 = tpu.memref_slice %arg7[%dma_wait3A_552] : memref<102400xf32, #tpu.memory_space<vmem_shared>> -> memref<102400xf32, #tpu.memory_space<vmem_shared>>
      %dma_wait3A_554 = tpu.memref_slice %arg13[%dma_wait3A_545] : memref<16x!tpu.dma_semaphore, #tpu.memory_space<semaphore_mem>> -> memref<1x!tpu.dma_semaphore, #tpu.memory_space<semaphore_mem>>
      %dma_wait3A_555 = tpu.memref_squeeze %dma_wait3A_554 : memref<1x!tpu.dma_semaphore, #tpu.memory_space<semaphore_mem>> -> memref<!tpu.dma_semaphore, #tpu.memory_space<semaphore_mem>>
      tpu.wait_indirect_dma semaphore(%dma_wait3A_555 : memref<!tpu.dma_semaphore, #tpu.memory_space<semaphore_mem>>) src(%dma_wait3A_553 : memref<102400xf32, #tpu.memory_space<vmem_shared>>) dst(%dma_wait3A_548 : memref<128xf32, #tpu.memory_space<vmem>>)
      %dma_start3A_556 = arith.constant 10 : i32
      %dma_start3A_557 = arith.constant 10 : i32
      %dma_start3A_558 = arith.constant 0 : i32
      %dma_start3A_559 = tpu.memref_slice %arg11[%dma_start3A_556, %dma_start3A_558] : memref<16x128xf32, #tpu.memory_space<vmem>> -> memref<1x128xf32, #tpu.memory_space<vmem>>
      %dma_start3A_560 = tpu.memref_squeeze %dma_start3A_559 : memref<1x128xf32, #tpu.memory_space<vmem>> -> memref<128xf32, #tpu.memory_space<vmem>>
      %dma_start3A_561 = arith.constant 0 : i32
      %dma_start3A_562 = tpu.memref_slice %arg10[%select_n3A_70, %dma_start3A_557, %dma_start3A_561] : memref<2x16x128xi32, #tpu.memory_space<vmem>> -> memref<1x1x128xi32, #tpu.memory_space<vmem>>
      %dma_start3A_563 = tpu.memref_squeeze %dma_start3A_562 : memref<1x1x128xi32, #tpu.memory_space<vmem>> -> memref<128xi32, #tpu.memory_space<vmem>>
      %dma_start3A_564 = arith.constant 0 : i32
      %dma_start3A_565 = tpu.memref_slice %arg8[%dma_start3A_564] : memref<102400xf32, #tpu.memory_space<vmem_shared>> -> memref<102400xf32, #tpu.memory_space<vmem_shared>>
      tpu.enqueue_indirect_dma source(%dma_start3A_560 : memref<128xf32, #tpu.memory_space<vmem>>) target(%dma_start3A_565 : memref<102400xf32, #tpu.memory_space<vmem_shared>>) offsets(%dma_start3A_563 : memref<128xi32, #tpu.memory_space<vmem>>) semaphore(%arg14 : memref<!tpu.dma_semaphore, #tpu.memory_space<semaphore_mem>>) {add = true}
      %dma_wait3A_566 = arith.constant 11 : i32
      %dma_wait3A_567 = arith.constant 11 : i32
      %dma_wait3A_568 = arith.constant 11 : i32
      %dma_wait3A_569 = arith.constant 0 : i32
      %dma_wait3A_570 = tpu.memref_slice %arg11[%dma_wait3A_567, %dma_wait3A_569] : memref<16x128xf32, #tpu.memory_space<vmem>> -> memref<1x128xf32, #tpu.memory_space<vmem>>
      %dma_wait3A_571 = tpu.memref_squeeze %dma_wait3A_570 : memref<1x128xf32, #tpu.memory_space<vmem>> -> memref<128xf32, #tpu.memory_space<vmem>>
      %dma_wait3A_572 = arith.constant 0 : i32
      %dma_wait3A_573 = tpu.memref_slice %arg9[%select_n3A_70, %dma_wait3A_566, %dma_wait3A_572] : memref<2x16x128xi32, #tpu.memory_space<vmem>> -> memref<1x1x128xi32, #tpu.memory_space<vmem>>
      %dma_wait3A_574 = tpu.memref_squeeze %dma_wait3A_573 : memref<1x1x128xi32, #tpu.memory_space<vmem>> -> memref<128xi32, #tpu.memory_space<vmem>>
      %dma_wait3A_575 = arith.constant 0 : i32
      %dma_wait3A_576 = tpu.memref_slice %arg7[%dma_wait3A_575] : memref<102400xf32, #tpu.memory_space<vmem_shared>> -> memref<102400xf32, #tpu.memory_space<vmem_shared>>
      %dma_wait3A_577 = tpu.memref_slice %arg13[%dma_wait3A_568] : memref<16x!tpu.dma_semaphore, #tpu.memory_space<semaphore_mem>> -> memref<1x!tpu.dma_semaphore, #tpu.memory_space<semaphore_mem>>
      %dma_wait3A_578 = tpu.memref_squeeze %dma_wait3A_577 : memref<1x!tpu.dma_semaphore, #tpu.memory_space<semaphore_mem>> -> memref<!tpu.dma_semaphore, #tpu.memory_space<semaphore_mem>>
      tpu.wait_indirect_dma semaphore(%dma_wait3A_578 : memref<!tpu.dma_semaphore, #tpu.memory_space<semaphore_mem>>) src(%dma_wait3A_576 : memref<102400xf32, #tpu.memory_space<vmem_shared>>) dst(%dma_wait3A_571 : memref<128xf32, #tpu.memory_space<vmem>>)
      %dma_start3A_579 = arith.constant 11 : i32
      %dma_start3A_580 = arith.constant 11 : i32
      %dma_start3A_581 = arith.constant 0 : i32
      %dma_start3A_582 = tpu.memref_slice %arg11[%dma_start3A_579, %dma_start3A_581] : memref<16x128xf32, #tpu.memory_space<vmem>> -> memref<1x128xf32, #tpu.memory_space<vmem>>
      %dma_start3A_583 = tpu.memref_squeeze %dma_start3A_582 : memref<1x128xf32, #tpu.memory_space<vmem>> -> memref<128xf32, #tpu.memory_space<vmem>>
      %dma_start3A_584 = arith.constant 0 : i32
      %dma_start3A_585 = tpu.memref_slice %arg10[%select_n3A_70, %dma_start3A_580, %dma_start3A_584] : memref<2x16x128xi32, #tpu.memory_space<vmem>> -> memref<1x1x128xi32, #tpu.memory_space<vmem>>
      %dma_start3A_586 = tpu.memref_squeeze %dma_start3A_585 : memref<1x1x128xi32, #tpu.memory_space<vmem>> -> memref<128xi32, #tpu.memory_space<vmem>>
      %dma_start3A_587 = arith.constant 0 : i32
      %dma_start3A_588 = tpu.memref_slice %arg8[%dma_start3A_587] : memref<102400xf32, #tpu.memory_space<vmem_shared>> -> memref<102400xf32, #tpu.memory_space<vmem_shared>>
      tpu.enqueue_indirect_dma source(%dma_start3A_583 : memref<128xf32, #tpu.memory_space<vmem>>) target(%dma_start3A_588 : memref<102400xf32, #tpu.memory_space<vmem_shared>>) offsets(%dma_start3A_586 : memref<128xi32, #tpu.memory_space<vmem>>) semaphore(%arg14 : memref<!tpu.dma_semaphore, #tpu.memory_space<semaphore_mem>>) {add = true}
      %dma_wait3A_589 = arith.constant 12 : i32
      %dma_wait3A_590 = arith.constant 12 : i32
      %dma_wait3A_591 = arith.constant 12 : i32
      %dma_wait3A_592 = arith.constant 0 : i32
      %dma_wait3A_593 = tpu.memref_slice %arg11[%dma_wait3A_590, %dma_wait3A_592] : memref<16x128xf32, #tpu.memory_space<vmem>> -> memref<1x128xf32, #tpu.memory_space<vmem>>
      %dma_wait3A_594 = tpu.memref_squeeze %dma_wait3A_593 : memref<1x128xf32, #tpu.memory_space<vmem>> -> memref<128xf32, #tpu.memory_space<vmem>>
      %dma_wait3A_595 = arith.constant 0 : i32
      %dma_wait3A_596 = tpu.memref_slice %arg9[%select_n3A_70, %dma_wait3A_589, %dma_wait3A_595] : memref<2x16x128xi32, #tpu.memory_space<vmem>> -> memref<1x1x128xi32, #tpu.memory_space<vmem>>
      %dma_wait3A_597 = tpu.memref_squeeze %dma_wait3A_596 : memref<1x1x128xi32, #tpu.memory_space<vmem>> -> memref<128xi32, #tpu.memory_space<vmem>>
      %dma_wait3A_598 = arith.constant 0 : i32
      %dma_wait3A_599 = tpu.memref_slice %arg7[%dma_wait3A_598] : memref<102400xf32, #tpu.memory_space<vmem_shared>> -> memref<102400xf32, #tpu.memory_space<vmem_shared>>
      %dma_wait3A_600 = tpu.memref_slice %arg13[%dma_wait3A_591] : memref<16x!tpu.dma_semaphore, #tpu.memory_space<semaphore_mem>> -> memref<1x!tpu.dma_semaphore, #tpu.memory_space<semaphore_mem>>
      %dma_wait3A_601 = tpu.memref_squeeze %dma_wait3A_600 : memref<1x!tpu.dma_semaphore, #tpu.memory_space<semaphore_mem>> -> memref<!tpu.dma_semaphore, #tpu.memory_space<semaphore_mem>>
      tpu.wait_indirect_dma semaphore(%dma_wait3A_601 : memref<!tpu.dma_semaphore, #tpu.memory_space<semaphore_mem>>) src(%dma_wait3A_599 : memref<102400xf32, #tpu.memory_space<vmem_shared>>) dst(%dma_wait3A_594 : memref<128xf32, #tpu.memory_space<vmem>>)
      %dma_start3A_602 = arith.constant 12 : i32
      %dma_start3A_603 = arith.constant 12 : i32
      %dma_start3A_604 = arith.constant 0 : i32
      %dma_start3A_605 = tpu.memref_slice %arg11[%dma_start3A_602, %dma_start3A_604] : memref<16x128xf32, #tpu.memory_space<vmem>> -> memref<1x128xf32, #tpu.memory_space<vmem>>
      %dma_start3A_606 = tpu.memref_squeeze %dma_start3A_605 : memref<1x128xf32, #tpu.memory_space<vmem>> -> memref<128xf32, #tpu.memory_space<vmem>>
      %dma_start3A_607 = arith.constant 0 : i32
      %dma_start3A_608 = tpu.memref_slice %arg10[%select_n3A_70, %dma_start3A_603, %dma_start3A_607] : memref<2x16x128xi32, #tpu.memory_space<vmem>> -> memref<1x1x128xi32, #tpu.memory_space<vmem>>
      %dma_start3A_609 = tpu.memref_squeeze %dma_start3A_608 : memref<1x1x128xi32, #tpu.memory_space<vmem>> -> memref<128xi32, #tpu.memory_space<vmem>>
      %dma_start3A_610 = arith.constant 0 : i32
      %dma_start3A_611 = tpu.memref_slice %arg8[%dma_start3A_610] : memref<102400xf32, #tpu.memory_space<vmem_shared>> -> memref<102400xf32, #tpu.memory_space<vmem_shared>>
      tpu.enqueue_indirect_dma source(%dma_start3A_606 : memref<128xf32, #tpu.memory_space<vmem>>) target(%dma_start3A_611 : memref<102400xf32, #tpu.memory_space<vmem_shared>>) offsets(%dma_start3A_609 : memref<128xi32, #tpu.memory_space<vmem>>) semaphore(%arg14 : memref<!tpu.dma_semaphore, #tpu.memory_space<semaphore_mem>>) {add = true}
      %dma_wait3A_612 = arith.constant 13 : i32
      %dma_wait3A_613 = arith.constant 13 : i32
      %dma_wait3A_614 = arith.constant 13 : i32
      %dma_wait3A_615 = arith.constant 0 : i32
      %dma_wait3A_616 = tpu.memref_slice %arg11[%dma_wait3A_613, %dma_wait3A_615] : memref<16x128xf32, #tpu.memory_space<vmem>> -> memref<1x128xf32, #tpu.memory_space<vmem>>
      %dma_wait3A_617 = tpu.memref_squeeze %dma_wait3A_616 : memref<1x128xf32, #tpu.memory_space<vmem>> -> memref<128xf32, #tpu.memory_space<vmem>>
      %dma_wait3A_618 = arith.constant 0 : i32
      %dma_wait3A_619 = tpu.memref_slice %arg9[%select_n3A_70, %dma_wait3A_612, %dma_wait3A_618] : memref<2x16x128xi32, #tpu.memory_space<vmem>> -> memref<1x1x128xi32, #tpu.memory_space<vmem>>
      %dma_wait3A_620 = tpu.memref_squeeze %dma_wait3A_619 : memref<1x1x128xi32, #tpu.memory_space<vmem>> -> memref<128xi32, #tpu.memory_space<vmem>>
      %dma_wait3A_621 = arith.constant 0 : i32
      %dma_wait3A_622 = tpu.memref_slice %arg7[%dma_wait3A_621] : memref<102400xf32, #tpu.memory_space<vmem_shared>> -> memref<102400xf32, #tpu.memory_space<vmem_shared>>
      %dma_wait3A_623 = tpu.memref_slice %arg13[%dma_wait3A_614] : memref<16x!tpu.dma_semaphore, #tpu.memory_space<semaphore_mem>> -> memref<1x!tpu.dma_semaphore, #tpu.memory_space<semaphore_mem>>
      %dma_wait3A_624 = tpu.memref_squeeze %dma_wait3A_623 : memref<1x!tpu.dma_semaphore, #tpu.memory_space<semaphore_mem>> -> memref<!tpu.dma_semaphore, #tpu.memory_space<semaphore_mem>>
      tpu.wait_indirect_dma semaphore(%dma_wait3A_624 : memref<!tpu.dma_semaphore, #tpu.memory_space<semaphore_mem>>) src(%dma_wait3A_622 : memref<102400xf32, #tpu.memory_space<vmem_shared>>) dst(%dma_wait3A_617 : memref<128xf32, #tpu.memory_space<vmem>>)
      %dma_start3A_625 = arith.constant 13 : i32
      %dma_start3A_626 = arith.constant 13 : i32
      %dma_start3A_627 = arith.constant 0 : i32
      %dma_start3A_628 = tpu.memref_slice %arg11[%dma_start3A_625, %dma_start3A_627] : memref<16x128xf32, #tpu.memory_space<vmem>> -> memref<1x128xf32, #tpu.memory_space<vmem>>
      %dma_start3A_629 = tpu.memref_squeeze %dma_start3A_628 : memref<1x128xf32, #tpu.memory_space<vmem>> -> memref<128xf32, #tpu.memory_space<vmem>>
      %dma_start3A_630 = arith.constant 0 : i32
      %dma_start3A_631 = tpu.memref_slice %arg10[%select_n3A_70, %dma_start3A_626, %dma_start3A_630] : memref<2x16x128xi32, #tpu.memory_space<vmem>> -> memref<1x1x128xi32, #tpu.memory_space<vmem>>
      %dma_start3A_632 = tpu.memref_squeeze %dma_start3A_631 : memref<1x1x128xi32, #tpu.memory_space<vmem>> -> memref<128xi32, #tpu.memory_space<vmem>>
      %dma_start3A_633 = arith.constant 0 : i32
      %dma_start3A_634 = tpu.memref_slice %arg8[%dma_start3A_633] : memref<102400xf32, #tpu.memory_space<vmem_shared>> -> memref<102400xf32, #tpu.memory_space<vmem_shared>>
      tpu.enqueue_indirect_dma source(%dma_start3A_629 : memref<128xf32, #tpu.memory_space<vmem>>) target(%dma_start3A_634 : memref<102400xf32, #tpu.memory_space<vmem_shared>>) offsets(%dma_start3A_632 : memref<128xi32, #tpu.memory_space<vmem>>) semaphore(%arg14 : memref<!tpu.dma_semaphore, #tpu.memory_space<semaphore_mem>>) {add = true}
      %dma_wait3A_635 = arith.constant 14 : i32
      %dma_wait3A_636 = arith.constant 14 : i32
      %dma_wait3A_637 = arith.constant 14 : i32
      %dma_wait3A_638 = arith.constant 0 : i32
      %dma_wait3A_639 = tpu.memref_slice %arg11[%dma_wait3A_636, %dma_wait3A_638] : memref<16x128xf32, #tpu.memory_space<vmem>> -> memref<1x128xf32, #tpu.memory_space<vmem>>
      %dma_wait3A_640 = tpu.memref_squeeze %dma_wait3A_639 : memref<1x128xf32, #tpu.memory_space<vmem>> -> memref<128xf32, #tpu.memory_space<vmem>>
      %dma_wait3A_641 = arith.constant 0 : i32
      %dma_wait3A_642 = tpu.memref_slice %arg9[%select_n3A_70, %dma_wait3A_635, %dma_wait3A_641] : memref<2x16x128xi32, #tpu.memory_space<vmem>> -> memref<1x1x128xi32, #tpu.memory_space<vmem>>
      %dma_wait3A_643 = tpu.memref_squeeze %dma_wait3A_642 : memref<1x1x128xi32, #tpu.memory_space<vmem>> -> memref<128xi32, #tpu.memory_space<vmem>>
      %dma_wait3A_644 = arith.constant 0 : i32
      %dma_wait3A_645 = tpu.memref_slice %arg7[%dma_wait3A_644] : memref<102400xf32, #tpu.memory_space<vmem_shared>> -> memref<102400xf32, #tpu.memory_space<vmem_shared>>
      %dma_wait3A_646 = tpu.memref_slice %arg13[%dma_wait3A_637] : memref<16x!tpu.dma_semaphore, #tpu.memory_space<semaphore_mem>> -> memref<1x!tpu.dma_semaphore, #tpu.memory_space<semaphore_mem>>
      %dma_wait3A_647 = tpu.memref_squeeze %dma_wait3A_646 : memref<1x!tpu.dma_semaphore, #tpu.memory_space<semaphore_mem>> -> memref<!tpu.dma_semaphore, #tpu.memory_space<semaphore_mem>>
      tpu.wait_indirect_dma semaphore(%dma_wait3A_647 : memref<!tpu.dma_semaphore, #tpu.memory_space<semaphore_mem>>) src(%dma_wait3A_645 : memref<102400xf32, #tpu.memory_space<vmem_shared>>) dst(%dma_wait3A_640 : memref<128xf32, #tpu.memory_space<vmem>>)
      %dma_start3A_648 = arith.constant 14 : i32
      %dma_start3A_649 = arith.constant 14 : i32
      %dma_start3A_650 = arith.constant 0 : i32
      %dma_start3A_651 = tpu.memref_slice %arg11[%dma_start3A_648, %dma_start3A_650] : memref<16x128xf32, #tpu.memory_space<vmem>> -> memref<1x128xf32, #tpu.memory_space<vmem>>
      %dma_start3A_652 = tpu.memref_squeeze %dma_start3A_651 : memref<1x128xf32, #tpu.memory_space<vmem>> -> memref<128xf32, #tpu.memory_space<vmem>>
      %dma_start3A_653 = arith.constant 0 : i32
      %dma_start3A_654 = tpu.memref_slice %arg10[%select_n3A_70, %dma_start3A_649, %dma_start3A_653] : memref<2x16x128xi32, #tpu.memory_space<vmem>> -> memref<1x1x128xi32, #tpu.memory_space<vmem>>
      %dma_start3A_655 = tpu.memref_squeeze %dma_start3A_654 : memref<1x1x128xi32, #tpu.memory_space<vmem>> -> memref<128xi32, #tpu.memory_space<vmem>>
      %dma_start3A_656 = arith.constant 0 : i32
      %dma_start3A_657 = tpu.memref_slice %arg8[%dma_start3A_656] : memref<102400xf32, #tpu.memory_space<vmem_shared>> -> memref<102400xf32, #tpu.memory_space<vmem_shared>>
      tpu.enqueue_indirect_dma source(%dma_start3A_652 : memref<128xf32, #tpu.memory_space<vmem>>) target(%dma_start3A_657 : memref<102400xf32, #tpu.memory_space<vmem_shared>>) offsets(%dma_start3A_655 : memref<128xi32, #tpu.memory_space<vmem>>) semaphore(%arg14 : memref<!tpu.dma_semaphore, #tpu.memory_space<semaphore_mem>>) {add = true}
      %dma_wait3A_658 = arith.constant 15 : i32
      %dma_wait3A_659 = arith.constant 15 : i32
      %dma_wait3A_660 = arith.constant 15 : i32
      %dma_wait3A_661 = arith.constant 0 : i32
      %dma_wait3A_662 = tpu.memref_slice %arg11[%dma_wait3A_659, %dma_wait3A_661] : memref<16x128xf32, #tpu.memory_space<vmem>> -> memref<1x128xf32, #tpu.memory_space<vmem>>
      %dma_wait3A_663 = tpu.memref_squeeze %dma_wait3A_662 : memref<1x128xf32, #tpu.memory_space<vmem>> -> memref<128xf32, #tpu.memory_space<vmem>>
      %dma_wait3A_664 = arith.constant 0 : i32
      %dma_wait3A_665 = tpu.memref_slice %arg9[%select_n3A_70, %dma_wait3A_658, %dma_wait3A_664] : memref<2x16x128xi32, #tpu.memory_space<vmem>> -> memref<1x1x128xi32, #tpu.memory_space<vmem>>
      %dma_wait3A_666 = tpu.memref_squeeze %dma_wait3A_665 : memref<1x1x128xi32, #tpu.memory_space<vmem>> -> memref<128xi32, #tpu.memory_space<vmem>>
      %dma_wait3A_667 = arith.constant 0 : i32
      %dma_wait3A_668 = tpu.memref_slice %arg7[%dma_wait3A_667] : memref<102400xf32, #tpu.memory_space<vmem_shared>> -> memref<102400xf32, #tpu.memory_space<vmem_shared>>
      %dma_wait3A_669 = tpu.memref_slice %arg13[%dma_wait3A_660] : memref<16x!tpu.dma_semaphore, #tpu.memory_space<semaphore_mem>> -> memref<1x!tpu.dma_semaphore, #tpu.memory_space<semaphore_mem>>
      %dma_wait3A_670 = tpu.memref_squeeze %dma_wait3A_669 : memref<1x!tpu.dma_semaphore, #tpu.memory_space<semaphore_mem>> -> memref<!tpu.dma_semaphore, #tpu.memory_space<semaphore_mem>>
      tpu.wait_indirect_dma semaphore(%dma_wait3A_670 : memref<!tpu.dma_semaphore, #tpu.memory_space<semaphore_mem>>) src(%dma_wait3A_668 : memref<102400xf32, #tpu.memory_space<vmem_shared>>) dst(%dma_wait3A_663 : memref<128xf32, #tpu.memory_space<vmem>>)
      %dma_start3A_671 = arith.constant 15 : i32
      %dma_start3A_672 = arith.constant 15 : i32
      %dma_start3A_673 = arith.constant 0 : i32
      %dma_start3A_674 = tpu.memref_slice %arg11[%dma_start3A_671, %dma_start3A_673] : memref<16x128xf32, #tpu.memory_space<vmem>> -> memref<1x128xf32, #tpu.memory_space<vmem>>
      %dma_start3A_675 = tpu.memref_squeeze %dma_start3A_674 : memref<1x128xf32, #tpu.memory_space<vmem>> -> memref<128xf32, #tpu.memory_space<vmem>>
      %dma_start3A_676 = arith.constant 0 : i32
      %dma_start3A_677 = tpu.memref_slice %arg10[%select_n3A_70, %dma_start3A_672, %dma_start3A_676] : memref<2x16x128xi32, #tpu.memory_space<vmem>> -> memref<1x1x128xi32, #tpu.memory_space<vmem>>
      %dma_start3A_678 = tpu.memref_squeeze %dma_start3A_677 : memref<1x1x128xi32, #tpu.memory_space<vmem>> -> memref<128xi32, #tpu.memory_space<vmem>>
      %dma_start3A_679 = arith.constant 0 : i32
      %dma_start3A_680 = tpu.memref_slice %arg8[%dma_start3A_679] : memref<102400xf32, #tpu.memory_space<vmem_shared>> -> memref<102400xf32, #tpu.memory_space<vmem_shared>>
      tpu.enqueue_indirect_dma source(%dma_start3A_675 : memref<128xf32, #tpu.memory_space<vmem>>) target(%dma_start3A_680 : memref<102400xf32, #tpu.memory_space<vmem_shared>>) offsets(%dma_start3A_678 : memref<128xi32, #tpu.memory_space<vmem>>) semaphore(%arg14 : memref<!tpu.dma_semaphore, #tpu.memory_space<semaphore_mem>>) {add = true}
      %dma_wait3A_681 = arith.constant 0 : i32
      %dma_wait3A_682 = arith.constant 0 : i32
      %dma_wait3A_683 = arith.constant 0 : i32
      %dma_wait3A_684 = tpu.memref_slice %arg11[%dma_wait3A_681, %dma_wait3A_683] : memref<16x128xf32, #tpu.memory_space<vmem>> -> memref<1x128xf32, #tpu.memory_space<vmem>>
      %dma_wait3A_685 = tpu.memref_squeeze %dma_wait3A_684 : memref<1x128xf32, #tpu.memory_space<vmem>> -> memref<128xf32, #tpu.memory_space<vmem>>
      %dma_wait3A_686 = arith.constant 0 : i32
      %dma_wait3A_687 = tpu.memref_slice %arg10[%select_n3A_70, %dma_wait3A_682, %dma_wait3A_686] : memref<2x16x128xi32, #tpu.memory_space<vmem>> -> memref<1x1x128xi32, #tpu.memory_space<vmem>>
      %dma_wait3A_688 = tpu.memref_squeeze %dma_wait3A_687 : memref<1x1x128xi32, #tpu.memory_space<vmem>> -> memref<128xi32, #tpu.memory_space<vmem>>
      %dma_wait3A_689 = arith.constant 0 : i32
      %dma_wait3A_690 = tpu.memref_slice %arg8[%dma_wait3A_689] : memref<102400xf32, #tpu.memory_space<vmem_shared>> -> memref<102400xf32, #tpu.memory_space<vmem_shared>>
      tpu.wait_indirect_dma semaphore(%arg14 : memref<!tpu.dma_semaphore, #tpu.memory_space<semaphore_mem>>) src(%dma_wait3A_685 : memref<128xf32, #tpu.memory_space<vmem>>) dst(%dma_wait3A_690 : memref<102400xf32, #tpu.memory_space<vmem_shared>>)
      %dma_wait3A_691 = arith.constant 1 : i32
      %dma_wait3A_692 = arith.constant 1 : i32
      %dma_wait3A_693 = arith.constant 0 : i32
      %dma_wait3A_694 = tpu.memref_slice %arg11[%dma_wait3A_691, %dma_wait3A_693] : memref<16x128xf32, #tpu.memory_space<vmem>> -> memref<1x128xf32, #tpu.memory_space<vmem>>
      %dma_wait3A_695 = tpu.memref_squeeze %dma_wait3A_694 : memref<1x128xf32, #tpu.memory_space<vmem>> -> memref<128xf32, #tpu.memory_space<vmem>>
      %dma_wait3A_696 = arith.constant 0 : i32
      %dma_wait3A_697 = tpu.memref_slice %arg10[%select_n3A_70, %dma_wait3A_692, %dma_wait3A_696] : memref<2x16x128xi32, #tpu.memory_space<vmem>> -> memref<1x1x128xi32, #tpu.memory_space<vmem>>
      %dma_wait3A_698 = tpu.memref_squeeze %dma_wait3A_697 : memref<1x1x128xi32, #tpu.memory_space<vmem>> -> memref<128xi32, #tpu.memory_space<vmem>>
      %dma_wait3A_699 = arith.constant 0 : i32
      %dma_wait3A_700 = tpu.memref_slice %arg8[%dma_wait3A_699] : memref<102400xf32, #tpu.memory_space<vmem_shared>> -> memref<102400xf32, #tpu.memory_space<vmem_shared>>
      tpu.wait_indirect_dma semaphore(%arg14 : memref<!tpu.dma_semaphore, #tpu.memory_space<semaphore_mem>>) src(%dma_wait3A_695 : memref<128xf32, #tpu.memory_space<vmem>>) dst(%dma_wait3A_700 : memref<102400xf32, #tpu.memory_space<vmem_shared>>)
      %dma_wait3A_701 = arith.constant 2 : i32
      %dma_wait3A_702 = arith.constant 2 : i32
      %dma_wait3A_703 = arith.constant 0 : i32
      %dma_wait3A_704 = tpu.memref_slice %arg11[%dma_wait3A_701, %dma_wait3A_703] : memref<16x128xf32, #tpu.memory_space<vmem>> -> memref<1x128xf32, #tpu.memory_space<vmem>>
      %dma_wait3A_705 = tpu.memref_squeeze %dma_wait3A_704 : memref<1x128xf32, #tpu.memory_space<vmem>> -> memref<128xf32, #tpu.memory_space<vmem>>
      %dma_wait3A_706 = arith.constant 0 : i32
      %dma_wait3A_707 = tpu.memref_slice %arg10[%select_n3A_70, %dma_wait3A_702, %dma_wait3A_706] : memref<2x16x128xi32, #tpu.memory_space<vmem>> -> memref<1x1x128xi32, #tpu.memory_space<vmem>>
      %dma_wait3A_708 = tpu.memref_squeeze %dma_wait3A_707 : memref<1x1x128xi32, #tpu.memory_space<vmem>> -> memref<128xi32, #tpu.memory_space<vmem>>
      %dma_wait3A_709 = arith.constant 0 : i32
      %dma_wait3A_710 = tpu.memref_slice %arg8[%dma_wait3A_709] : memref<102400xf32, #tpu.memory_space<vmem_shared>> -> memref<102400xf32, #tpu.memory_space<vmem_shared>>
      tpu.wait_indirect_dma semaphore(%arg14 : memref<!tpu.dma_semaphore, #tpu.memory_space<semaphore_mem>>) src(%dma_wait3A_705 : memref<128xf32, #tpu.memory_space<vmem>>) dst(%dma_wait3A_710 : memref<102400xf32, #tpu.memory_space<vmem_shared>>)
      %dma_wait3A_711 = arith.constant 3 : i32
      %dma_wait3A_712 = arith.constant 3 : i32
      %dma_wait3A_713 = arith.constant 0 : i32
      %dma_wait3A_714 = tpu.memref_slice %arg11[%dma_wait3A_711, %dma_wait3A_713] : memref<16x128xf32, #tpu.memory_space<vmem>> -> memref<1x128xf32, #tpu.memory_space<vmem>>
      %dma_wait3A_715 = tpu.memref_squeeze %dma_wait3A_714 : memref<1x128xf32, #tpu.memory_space<vmem>> -> memref<128xf32, #tpu.memory_space<vmem>>
      %dma_wait3A_716 = arith.constant 0 : i32
      %dma_wait3A_717 = tpu.memref_slice %arg10[%select_n3A_70, %dma_wait3A_712, %dma_wait3A_716] : memref<2x16x128xi32, #tpu.memory_space<vmem>> -> memref<1x1x128xi32, #tpu.memory_space<vmem>>
      %dma_wait3A_718 = tpu.memref_squeeze %dma_wait3A_717 : memref<1x1x128xi32, #tpu.memory_space<vmem>> -> memref<128xi32, #tpu.memory_space<vmem>>
      %dma_wait3A_719 = arith.constant 0 : i32
      %dma_wait3A_720 = tpu.memref_slice %arg8[%dma_wait3A_719] : memref<102400xf32, #tpu.memory_space<vmem_shared>> -> memref<102400xf32, #tpu.memory_space<vmem_shared>>
      tpu.wait_indirect_dma semaphore(%arg14 : memref<!tpu.dma_semaphore, #tpu.memory_space<semaphore_mem>>) src(%dma_wait3A_715 : memref<128xf32, #tpu.memory_space<vmem>>) dst(%dma_wait3A_720 : memref<102400xf32, #tpu.memory_space<vmem_shared>>)
      %dma_wait3A_721 = arith.constant 4 : i32
      %dma_wait3A_722 = arith.constant 4 : i32
      %dma_wait3A_723 = arith.constant 0 : i32
      %dma_wait3A_724 = tpu.memref_slice %arg11[%dma_wait3A_721, %dma_wait3A_723] : memref<16x128xf32, #tpu.memory_space<vmem>> -> memref<1x128xf32, #tpu.memory_space<vmem>>
      %dma_wait3A_725 = tpu.memref_squeeze %dma_wait3A_724 : memref<1x128xf32, #tpu.memory_space<vmem>> -> memref<128xf32, #tpu.memory_space<vmem>>
      %dma_wait3A_726 = arith.constant 0 : i32
      %dma_wait3A_727 = tpu.memref_slice %arg10[%select_n3A_70, %dma_wait3A_722, %dma_wait3A_726] : memref<2x16x128xi32, #tpu.memory_space<vmem>> -> memref<1x1x128xi32, #tpu.memory_space<vmem>>
      %dma_wait3A_728 = tpu.memref_squeeze %dma_wait3A_727 : memref<1x1x128xi32, #tpu.memory_space<vmem>> -> memref<128xi32, #tpu.memory_space<vmem>>
      %dma_wait3A_729 = arith.constant 0 : i32
      %dma_wait3A_730 = tpu.memref_slice %arg8[%dma_wait3A_729] : memref<102400xf32, #tpu.memory_space<vmem_shared>> -> memref<102400xf32, #tpu.memory_space<vmem_shared>>
      tpu.wait_indirect_dma semaphore(%arg14 : memref<!tpu.dma_semaphore, #tpu.memory_space<semaphore_mem>>) src(%dma_wait3A_725 : memref<128xf32, #tpu.memory_space<vmem>>) dst(%dma_wait3A_730 : memref<102400xf32, #tpu.memory_space<vmem_shared>>)
      %dma_wait3A_731 = arith.constant 5 : i32
      %dma_wait3A_732 = arith.constant 5 : i32
      %dma_wait3A_733 = arith.constant 0 : i32
      %dma_wait3A_734 = tpu.memref_slice %arg11[%dma_wait3A_731, %dma_wait3A_733] : memref<16x128xf32, #tpu.memory_space<vmem>> -> memref<1x128xf32, #tpu.memory_space<vmem>>
      %dma_wait3A_735 = tpu.memref_squeeze %dma_wait3A_734 : memref<1x128xf32, #tpu.memory_space<vmem>> -> memref<128xf32, #tpu.memory_space<vmem>>
      %dma_wait3A_736 = arith.constant 0 : i32
      %dma_wait3A_737 = tpu.memref_slice %arg10[%select_n3A_70, %dma_wait3A_732, %dma_wait3A_736] : memref<2x16x128xi32, #tpu.memory_space<vmem>> -> memref<1x1x128xi32, #tpu.memory_space<vmem>>
      %dma_wait3A_738 = tpu.memref_squeeze %dma_wait3A_737 : memref<1x1x128xi32, #tpu.memory_space<vmem>> -> memref<128xi32, #tpu.memory_space<vmem>>
      %dma_wait3A_739 = arith.constant 0 : i32
      %dma_wait3A_740 = tpu.memref_slice %arg8[%dma_wait3A_739] : memref<102400xf32, #tpu.memory_space<vmem_shared>> -> memref<102400xf32, #tpu.memory_space<vmem_shared>>
      tpu.wait_indirect_dma semaphore(%arg14 : memref<!tpu.dma_semaphore, #tpu.memory_space<semaphore_mem>>) src(%dma_wait3A_735 : memref<128xf32, #tpu.memory_space<vmem>>) dst(%dma_wait3A_740 : memref<102400xf32, #tpu.memory_space<vmem_shared>>)
      %dma_wait3A_741 = arith.constant 6 : i32
      %dma_wait3A_742 = arith.constant 6 : i32
      %dma_wait3A_743 = arith.constant 0 : i32
      %dma_wait3A_744 = tpu.memref_slice %arg11[%dma_wait3A_741, %dma_wait3A_743] : memref<16x128xf32, #tpu.memory_space<vmem>> -> memref<1x128xf32, #tpu.memory_space<vmem>>
      %dma_wait3A_745 = tpu.memref_squeeze %dma_wait3A_744 : memref<1x128xf32, #tpu.memory_space<vmem>> -> memref<128xf32, #tpu.memory_space<vmem>>
      %dma_wait3A_746 = arith.constant 0 : i32
      %dma_wait3A_747 = tpu.memref_slice %arg10[%select_n3A_70, %dma_wait3A_742, %dma_wait3A_746] : memref<2x16x128xi32, #tpu.memory_space<vmem>> -> memref<1x1x128xi32, #tpu.memory_space<vmem>>
      %dma_wait3A_748 = tpu.memref_squeeze %dma_wait3A_747 : memref<1x1x128xi32, #tpu.memory_space<vmem>> -> memref<128xi32, #tpu.memory_space<vmem>>
      %dma_wait3A_749 = arith.constant 0 : i32
      %dma_wait3A_750 = tpu.memref_slice %arg8[%dma_wait3A_749] : memref<102400xf32, #tpu.memory_space<vmem_shared>> -> memref<102400xf32, #tpu.memory_space<vmem_shared>>
      tpu.wait_indirect_dma semaphore(%arg14 : memref<!tpu.dma_semaphore, #tpu.memory_space<semaphore_mem>>) src(%dma_wait3A_745 : memref<128xf32, #tpu.memory_space<vmem>>) dst(%dma_wait3A_750 : memref<102400xf32, #tpu.memory_space<vmem_shared>>)
      %dma_wait3A_751 = arith.constant 7 : i32
      %dma_wait3A_752 = arith.constant 7 : i32
      %dma_wait3A_753 = arith.constant 0 : i32
      %dma_wait3A_754 = tpu.memref_slice %arg11[%dma_wait3A_751, %dma_wait3A_753] : memref<16x128xf32, #tpu.memory_space<vmem>> -> memref<1x128xf32, #tpu.memory_space<vmem>>
      %dma_wait3A_755 = tpu.memref_squeeze %dma_wait3A_754 : memref<1x128xf32, #tpu.memory_space<vmem>> -> memref<128xf32, #tpu.memory_space<vmem>>
      %dma_wait3A_756 = arith.constant 0 : i32
      %dma_wait3A_757 = tpu.memref_slice %arg10[%select_n3A_70, %dma_wait3A_752, %dma_wait3A_756] : memref<2x16x128xi32, #tpu.memory_space<vmem>> -> memref<1x1x128xi32, #tpu.memory_space<vmem>>
      %dma_wait3A_758 = tpu.memref_squeeze %dma_wait3A_757 : memref<1x1x128xi32, #tpu.memory_space<vmem>> -> memref<128xi32, #tpu.memory_space<vmem>>
      %dma_wait3A_759 = arith.constant 0 : i32
      %dma_wait3A_760 = tpu.memref_slice %arg8[%dma_wait3A_759] : memref<102400xf32, #tpu.memory_space<vmem_shared>> -> memref<102400xf32, #tpu.memory_space<vmem_shared>>
      tpu.wait_indirect_dma semaphore(%arg14 : memref<!tpu.dma_semaphore, #tpu.memory_space<semaphore_mem>>) src(%dma_wait3A_755 : memref<128xf32, #tpu.memory_space<vmem>>) dst(%dma_wait3A_760 : memref<102400xf32, #tpu.memory_space<vmem_shared>>)
      %dma_wait3A_761 = arith.constant 8 : i32
      %dma_wait3A_762 = arith.constant 8 : i32
      %dma_wait3A_763 = arith.constant 0 : i32
      %dma_wait3A_764 = tpu.memref_slice %arg11[%dma_wait3A_761, %dma_wait3A_763] : memref<16x128xf32, #tpu.memory_space<vmem>> -> memref<1x128xf32, #tpu.memory_space<vmem>>
      %dma_wait3A_765 = tpu.memref_squeeze %dma_wait3A_764 : memref<1x128xf32, #tpu.memory_space<vmem>> -> memref<128xf32, #tpu.memory_space<vmem>>
      %dma_wait3A_766 = arith.constant 0 : i32
      %dma_wait3A_767 = tpu.memref_slice %arg10[%select_n3A_70, %dma_wait3A_762, %dma_wait3A_766] : memref<2x16x128xi32, #tpu.memory_space<vmem>> -> memref<1x1x128xi32, #tpu.memory_space<vmem>>
      %dma_wait3A_768 = tpu.memref_squeeze %dma_wait3A_767 : memref<1x1x128xi32, #tpu.memory_space<vmem>> -> memref<128xi32, #tpu.memory_space<vmem>>
      %dma_wait3A_769 = arith.constant 0 : i32
      %dma_wait3A_770 = tpu.memref_slice %arg8[%dma_wait3A_769] : memref<102400xf32, #tpu.memory_space<vmem_shared>> -> memref<102400xf32, #tpu.memory_space<vmem_shared>>
      tpu.wait_indirect_dma semaphore(%arg14 : memref<!tpu.dma_semaphore, #tpu.memory_space<semaphore_mem>>) src(%dma_wait3A_765 : memref<128xf32, #tpu.memory_space<vmem>>) dst(%dma_wait3A_770 : memref<102400xf32, #tpu.memory_space<vmem_shared>>)
      %dma_wait3A_771 = arith.constant 9 : i32
      %dma_wait3A_772 = arith.constant 9 : i32
      %dma_wait3A_773 = arith.constant 0 : i32
      %dma_wait3A_774 = tpu.memref_slice %arg11[%dma_wait3A_771, %dma_wait3A_773] : memref<16x128xf32, #tpu.memory_space<vmem>> -> memref<1x128xf32, #tpu.memory_space<vmem>>
      %dma_wait3A_775 = tpu.memref_squeeze %dma_wait3A_774 : memref<1x128xf32, #tpu.memory_space<vmem>> -> memref<128xf32, #tpu.memory_space<vmem>>
      %dma_wait3A_776 = arith.constant 0 : i32
      %dma_wait3A_777 = tpu.memref_slice %arg10[%select_n3A_70, %dma_wait3A_772, %dma_wait3A_776] : memref<2x16x128xi32, #tpu.memory_space<vmem>> -> memref<1x1x128xi32, #tpu.memory_space<vmem>>
      %dma_wait3A_778 = tpu.memref_squeeze %dma_wait3A_777 : memref<1x1x128xi32, #tpu.memory_space<vmem>> -> memref<128xi32, #tpu.memory_space<vmem>>
      %dma_wait3A_779 = arith.constant 0 : i32
      %dma_wait3A_780 = tpu.memref_slice %arg8[%dma_wait3A_779] : memref<102400xf32, #tpu.memory_space<vmem_shared>> -> memref<102400xf32, #tpu.memory_space<vmem_shared>>
      tpu.wait_indirect_dma semaphore(%arg14 : memref<!tpu.dma_semaphore, #tpu.memory_space<semaphore_mem>>) src(%dma_wait3A_775 : memref<128xf32, #tpu.memory_space<vmem>>) dst(%dma_wait3A_780 : memref<102400xf32, #tpu.memory_space<vmem_shared>>)
      %dma_wait3A_781 = arith.constant 10 : i32
      %dma_wait3A_782 = arith.constant 10 : i32
      %dma_wait3A_783 = arith.constant 0 : i32
      %dma_wait3A_784 = tpu.memref_slice %arg11[%dma_wait3A_781, %dma_wait3A_783] : memref<16x128xf32, #tpu.memory_space<vmem>> -> memref<1x128xf32, #tpu.memory_space<vmem>>
      %dma_wait3A_785 = tpu.memref_squeeze %dma_wait3A_784 : memref<1x128xf32, #tpu.memory_space<vmem>> -> memref<128xf32, #tpu.memory_space<vmem>>
      %dma_wait3A_786 = arith.constant 0 : i32
      %dma_wait3A_787 = tpu.memref_slice %arg10[%select_n3A_70, %dma_wait3A_782, %dma_wait3A_786] : memref<2x16x128xi32, #tpu.memory_space<vmem>> -> memref<1x1x128xi32, #tpu.memory_space<vmem>>
      %dma_wait3A_788 = tpu.memref_squeeze %dma_wait3A_787 : memref<1x1x128xi32, #tpu.memory_space<vmem>> -> memref<128xi32, #tpu.memory_space<vmem>>
      %dma_wait3A_789 = arith.constant 0 : i32
      %dma_wait3A_790 = tpu.memref_slice %arg8[%dma_wait3A_789] : memref<102400xf32, #tpu.memory_space<vmem_shared>> -> memref<102400xf32, #tpu.memory_space<vmem_shared>>
      tpu.wait_indirect_dma semaphore(%arg14 : memref<!tpu.dma_semaphore, #tpu.memory_space<semaphore_mem>>) src(%dma_wait3A_785 : memref<128xf32, #tpu.memory_space<vmem>>) dst(%dma_wait3A_790 : memref<102400xf32, #tpu.memory_space<vmem_shared>>)
      %dma_wait3A_791 = arith.constant 11 : i32
      %dma_wait3A_792 = arith.constant 11 : i32
      %dma_wait3A_793 = arith.constant 0 : i32
      %dma_wait3A_794 = tpu.memref_slice %arg11[%dma_wait3A_791, %dma_wait3A_793] : memref<16x128xf32, #tpu.memory_space<vmem>> -> memref<1x128xf32, #tpu.memory_space<vmem>>
      %dma_wait3A_795 = tpu.memref_squeeze %dma_wait3A_794 : memref<1x128xf32, #tpu.memory_space<vmem>> -> memref<128xf32, #tpu.memory_space<vmem>>
      %dma_wait3A_796 = arith.constant 0 : i32
      %dma_wait3A_797 = tpu.memref_slice %arg10[%select_n3A_70, %dma_wait3A_792, %dma_wait3A_796] : memref<2x16x128xi32, #tpu.memory_space<vmem>> -> memref<1x1x128xi32, #tpu.memory_space<vmem>>
      %dma_wait3A_798 = tpu.memref_squeeze %dma_wait3A_797 : memref<1x1x128xi32, #tpu.memory_space<vmem>> -> memref<128xi32, #tpu.memory_space<vmem>>
      %dma_wait3A_799 = arith.constant 0 : i32
      %dma_wait3A_800 = tpu.memref_slice %arg8[%dma_wait3A_799] : memref<102400xf32, #tpu.memory_space<vmem_shared>> -> memref<102400xf32, #tpu.memory_space<vmem_shared>>
      tpu.wait_indirect_dma semaphore(%arg14 : memref<!tpu.dma_semaphore, #tpu.memory_space<semaphore_mem>>) src(%dma_wait3A_795 : memref<128xf32, #tpu.memory_space<vmem>>) dst(%dma_wait3A_800 : memref<102400xf32, #tpu.memory_space<vmem_shared>>)
      %dma_wait3A_801 = arith.constant 12 : i32
      %dma_wait3A_802 = arith.constant 12 : i32
      %dma_wait3A_803 = arith.constant 0 : i32
      %dma_wait3A_804 = tpu.memref_slice %arg11[%dma_wait3A_801, %dma_wait3A_803] : memref<16x128xf32, #tpu.memory_space<vmem>> -> memref<1x128xf32, #tpu.memory_space<vmem>>
      %dma_wait3A_805 = tpu.memref_squeeze %dma_wait3A_804 : memref<1x128xf32, #tpu.memory_space<vmem>> -> memref<128xf32, #tpu.memory_space<vmem>>
      %dma_wait3A_806 = arith.constant 0 : i32
      %dma_wait3A_807 = tpu.memref_slice %arg10[%select_n3A_70, %dma_wait3A_802, %dma_wait3A_806] : memref<2x16x128xi32, #tpu.memory_space<vmem>> -> memref<1x1x128xi32, #tpu.memory_space<vmem>>
      %dma_wait3A_808 = tpu.memref_squeeze %dma_wait3A_807 : memref<1x1x128xi32, #tpu.memory_space<vmem>> -> memref<128xi32, #tpu.memory_space<vmem>>
      %dma_wait3A_809 = arith.constant 0 : i32
      %dma_wait3A_810 = tpu.memref_slice %arg8[%dma_wait3A_809] : memref<102400xf32, #tpu.memory_space<vmem_shared>> -> memref<102400xf32, #tpu.memory_space<vmem_shared>>
      tpu.wait_indirect_dma semaphore(%arg14 : memref<!tpu.dma_semaphore, #tpu.memory_space<semaphore_mem>>) src(%dma_wait3A_805 : memref<128xf32, #tpu.memory_space<vmem>>) dst(%dma_wait3A_810 : memref<102400xf32, #tpu.memory_space<vmem_shared>>)
      %dma_wait3A_811 = arith.constant 13 : i32
      %dma_wait3A_812 = arith.constant 13 : i32
      %dma_wait3A_813 = arith.constant 0 : i32
      %dma_wait3A_814 = tpu.memref_slice %arg11[%dma_wait3A_811, %dma_wait3A_813] : memref<16x128xf32, #tpu.memory_space<vmem>> -> memref<1x128xf32, #tpu.memory_space<vmem>>
      %dma_wait3A_815 = tpu.memref_squeeze %dma_wait3A_814 : memref<1x128xf32, #tpu.memory_space<vmem>> -> memref<128xf32, #tpu.memory_space<vmem>>
      %dma_wait3A_816 = arith.constant 0 : i32
      %dma_wait3A_817 = tpu.memref_slice %arg10[%select_n3A_70, %dma_wait3A_812, %dma_wait3A_816] : memref<2x16x128xi32, #tpu.memory_space<vmem>> -> memref<1x1x128xi32, #tpu.memory_space<vmem>>
      %dma_wait3A_818 = tpu.memref_squeeze %dma_wait3A_817 : memref<1x1x128xi32, #tpu.memory_space<vmem>> -> memref<128xi32, #tpu.memory_space<vmem>>
      %dma_wait3A_819 = arith.constant 0 : i32
      %dma_wait3A_820 = tpu.memref_slice %arg8[%dma_wait3A_819] : memref<102400xf32, #tpu.memory_space<vmem_shared>> -> memref<102400xf32, #tpu.memory_space<vmem_shared>>
      tpu.wait_indirect_dma semaphore(%arg14 : memref<!tpu.dma_semaphore, #tpu.memory_space<semaphore_mem>>) src(%dma_wait3A_815 : memref<128xf32, #tpu.memory_space<vmem>>) dst(%dma_wait3A_820 : memref<102400xf32, #tpu.memory_space<vmem_shared>>)
      %dma_wait3A_821 = arith.constant 14 : i32
      %dma_wait3A_822 = arith.constant 14 : i32
      %dma_wait3A_823 = arith.constant 0 : i32
      %dma_wait3A_824 = tpu.memref_slice %arg11[%dma_wait3A_821, %dma_wait3A_823] : memref<16x128xf32, #tpu.memory_space<vmem>> -> memref<1x128xf32, #tpu.memory_space<vmem>>
      %dma_wait3A_825 = tpu.memref_squeeze %dma_wait3A_824 : memref<1x128xf32, #tpu.memory_space<vmem>> -> memref<128xf32, #tpu.memory_space<vmem>>
      %dma_wait3A_826 = arith.constant 0 : i32
      %dma_wait3A_827 = tpu.memref_slice %arg10[%select_n3A_70, %dma_wait3A_822, %dma_wait3A_826] : memref<2x16x128xi32, #tpu.memory_space<vmem>> -> memref<1x1x128xi32, #tpu.memory_space<vmem>>
      %dma_wait3A_828 = tpu.memref_squeeze %dma_wait3A_827 : memref<1x1x128xi32, #tpu.memory_space<vmem>> -> memref<128xi32, #tpu.memory_space<vmem>>
      %dma_wait3A_829 = arith.constant 0 : i32
      %dma_wait3A_830 = tpu.memref_slice %arg8[%dma_wait3A_829] : memref<102400xf32, #tpu.memory_space<vmem_shared>> -> memref<102400xf32, #tpu.memory_space<vmem_shared>>
      tpu.wait_indirect_dma semaphore(%arg14 : memref<!tpu.dma_semaphore, #tpu.memory_space<semaphore_mem>>) src(%dma_wait3A_825 : memref<128xf32, #tpu.memory_space<vmem>>) dst(%dma_wait3A_830 : memref<102400xf32, #tpu.memory_space<vmem_shared>>)
      %dma_wait3A_831 = arith.constant 15 : i32
      %dma_wait3A_832 = arith.constant 15 : i32
      %dma_wait3A_833 = arith.constant 0 : i32
      %dma_wait3A_834 = tpu.memref_slice %arg11[%dma_wait3A_831, %dma_wait3A_833] : memref<16x128xf32, #tpu.memory_space<vmem>> -> memref<1x128xf32, #tpu.memory_space<vmem>>
      %dma_wait3A_835 = tpu.memref_squeeze %dma_wait3A_834 : memref<1x128xf32, #tpu.memory_space<vmem>> -> memref<128xf32, #tpu.memory_space<vmem>>
      %dma_wait3A_836 = arith.constant 0 : i32
      %dma_wait3A_837 = tpu.memref_slice %arg10[%select_n3A_70, %dma_wait3A_832, %dma_wait3A_836] : memref<2x16x128xi32, #tpu.memory_space<vmem>> -> memref<1x1x128xi32, #tpu.memory_space<vmem>>
      %dma_wait3A_838 = tpu.memref_squeeze %dma_wait3A_837 : memref<1x1x128xi32, #tpu.memory_space<vmem>> -> memref<128xi32, #tpu.memory_space<vmem>>
      %dma_wait3A_839 = arith.constant 0 : i32
      %dma_wait3A_840 = tpu.memref_slice %arg8[%dma_wait3A_839] : memref<102400xf32, #tpu.memory_space<vmem_shared>> -> memref<102400xf32, #tpu.memory_space<vmem_shared>>
      tpu.wait_indirect_dma semaphore(%arg14 : memref<!tpu.dma_semaphore, #tpu.memory_space<semaphore_mem>>) src(%dma_wait3A_835 : memref<128xf32, #tpu.memory_space<vmem>>) dst(%dma_wait3A_840 : memref<102400xf32, #tpu.memory_space<vmem_shared>>)
    }
    %while3A_52 = arith.constant 1 : i32
    scf.for %while3A_58 = %while3A_50 to %while3A_46 step %while3A_52  : i32 {
      %jit3A_59 = arith.constant 2 : i32
      %eq3A_60 = arith.constant 0 : i32
      %eq3A_61 = arith.cmpi eq, %jit3A_59, %eq3A_60 : i32
      %jit3A_62 = arith.constant 1 : i32
      %select_n3A_63 = arith.select %eq3A_61, %jit3A_62, %jit3A_59 : i32
      %rem3A = arith.remsi %while3A_58, %select_n3A_63 : i32
      %ne3A = arith.constant 0 : i32
      %ne3A_64 = arith.cmpi ne, %rem3A, %ne3A : i32
      %lt3A = arith.constant 0 : i32
      %lt3A_65 = arith.cmpi slt, %rem3A, %lt3A : i32
      %lt3A_66 = arith.constant 0 : i32
      %lt3A_67 = arith.cmpi slt, %select_n3A_63, %lt3A_66 : i32
      %ne3A_68 = arith.xori %lt3A_65, %lt3A_67 : i1
      %and3A = arith.andi %ne3A_68, %ne3A_64 : i1
      %add3A_69 = arith.addi %rem3A, %select_n3A_63 : i32
      %select_n3A_70 = arith.select %and3A, %add3A_69, %rem3A : i32
      %add3A_71 = arith.constant 1 : i32
      %add3A_72 = arith.addi %while3A_58, %add3A_71 : i32
      %lt3A_73 = arith.cmpi slt, %add3A_72, %select_n3A : i32
      %convert_element_type3A = arith.extui %lt3A_73 : i1 to i32
      %cond3A = arith.constant 0 : i32
      %cond3A_74 = arith.cmpi ne, %convert_element_type3A, %cond3A : i32
      scf.if %cond3A_74 {
        %add3A_841 = arith.constant 1 : i32
        %add3A_842 = arith.addi %while3A_58, %add3A_841 : i32
        %mul3A_843 = arith.constant 16 : i32
        %mul3A_844 = arith.muli %add3A_842, %mul3A_843 : i32
        %add3A_845 = arith.addi %mul3A_12, %mul3A_844 : i32
        %sub3A = arith.constant 1 : i32
        %sub3A_846 = arith.subi %sub3A, %select_n3A_70 : i32
        %sub3A_847 = arith.constant 1 : i32
        %sub3A_848 = arith.subi %sub3A_847, %select_n3A_70 : i32
        %dma_start3A_849 = arith.constant 0 : i32
        %dma_start3A_850 = arith.constant 0 : i32
        %dma_start3A_851 = tpu.memref_slice %arg9[%sub3A_846, %dma_start3A_849, %dma_start3A_850] : memref<2x16x128xi32, #tpu.memory_space<vmem>> -> memref<1x16x128xi32, #tpu.memory_space<vmem>>
        %dma_start3A_852 = tpu.memref_squeeze %dma_start3A_851 : memref<1x16x128xi32, #tpu.memory_space<vmem>> -> memref<16x128xi32, #tpu.memory_space<vmem>>
        %dma_start3A_853 = arith.constant 0 : i32
        %dma_start3A_854 = tpu.memref_slice %arg3[%add3A_845, %dma_start3A_853] : memref<50000x128xi32, #tpu.memory_space<hbm>> -> memref<16x128xi32, #tpu.memory_space<hbm>>
        %dma_start3A_855 = tpu.memref_slice %arg12[%sub3A_848] : memref<2x!tpu.dma_semaphore, #tpu.memory_space<semaphore_mem>> -> memref<1x!tpu.dma_semaphore, #tpu.memory_space<semaphore_mem>>
        %dma_start3A_856 = tpu.memref_squeeze %dma_start3A_855 : memref<1x!tpu.dma_semaphore, #tpu.memory_space<semaphore_mem>> -> memref<!tpu.dma_semaphore, #tpu.memory_space<semaphore_mem>>
        %dma_start3A_857 = arith.constant 0 : i32
        %dma_start3A_858 = arith.constant 0 : i32
        %dma_start3A_859 = tpu.memref_slice %arg9[%sub3A_846, %dma_start3A_857, %dma_start3A_858] : memref<2x16x128xi32, #tpu.memory_space<vmem>> -> memref<1x16x128xi32, #tpu.memory_space<vmem>>
        %dma_start3A_860 = tpu.memref_squeeze %dma_start3A_859 : memref<1x16x128xi32, #tpu.memory_space<vmem>> -> memref<16x128xi32, #tpu.memory_space<vmem>>
        %dma_start3A_861 = arith.constant 0 : i32
        %dma_start3A_862 = tpu.memref_slice %arg3[%add3A_845, %dma_start3A_861] : memref<50000x128xi32, #tpu.memory_space<hbm>> -> memref<16x128xi32, #tpu.memory_space<hbm>>
        tpu.enqueue_dma source(%dma_start3A_862 : memref<16x128xi32, #tpu.memory_space<hbm>>) target(%dma_start3A_860 : memref<16x128xi32, #tpu.memory_space<vmem>>) target_semaphore(%dma_start3A_856 : memref<!tpu.dma_semaphore, #tpu.memory_space<semaphore_mem>>)
        %sub3A_863 = arith.constant 1 : i32
        %sub3A_864 = arith.subi %sub3A_863, %select_n3A_70 : i32
        %sub3A_865 = arith.constant 1 : i32
        %sub3A_866 = arith.subi %sub3A_865, %select_n3A_70 : i32
        %dma_start3A_867 = arith.constant 0 : i32
        %dma_start3A_868 = arith.constant 0 : i32
        %dma_start3A_869 = tpu.memref_slice %arg10[%sub3A_864, %dma_start3A_867, %dma_start3A_868] : memref<2x16x128xi32, #tpu.memory_space<vmem>> -> memref<1x16x128xi32, #tpu.memory_space<vmem>>
        %dma_start3A_870 = tpu.memref_squeeze %dma_start3A_869 : memref<1x16x128xi32, #tpu.memory_space<vmem>> -> memref<16x128xi32, #tpu.memory_space<vmem>>
        %dma_start3A_871 = arith.constant 0 : i32
        %dma_start3A_872 = tpu.memref_slice %arg4[%add3A_845, %dma_start3A_871] : memref<50000x128xi32, #tpu.memory_space<hbm>> -> memref<16x128xi32, #tpu.memory_space<hbm>>
        %dma_start3A_873 = tpu.memref_slice %arg12[%sub3A_866] : memref<2x!tpu.dma_semaphore, #tpu.memory_space<semaphore_mem>> -> memref<1x!tpu.dma_semaphore, #tpu.memory_space<semaphore_mem>>
        %dma_start3A_874 = tpu.memref_squeeze %dma_start3A_873 : memref<1x!tpu.dma_semaphore, #tpu.memory_space<semaphore_mem>> -> memref<!tpu.dma_semaphore, #tpu.memory_space<semaphore_mem>>
        %dma_start3A_875 = arith.constant 0 : i32
        %dma_start3A_876 = arith.constant 0 : i32
        %dma_start3A_877 = tpu.memref_slice %arg10[%sub3A_864, %dma_start3A_875, %dma_start3A_876] : memref<2x16x128xi32, #tpu.memory_space<vmem>> -> memref<1x16x128xi32, #tpu.memory_space<vmem>>
        %dma_start3A_878 = tpu.memref_squeeze %dma_start3A_877 : memref<1x16x128xi32, #tpu.memory_space<vmem>> -> memref<16x128xi32, #tpu.memory_space<vmem>>
        %dma_start3A_879 = arith.constant 0 : i32
        %dma_start3A_880 = tpu.memref_slice %arg4[%add3A_845, %dma_start3A_879] : memref<50000x128xi32, #tpu.memory_space<hbm>> -> memref<16x128xi32, #tpu.memory_space<hbm>>
        tpu.enqueue_dma source(%dma_start3A_880 : memref<16x128xi32, #tpu.memory_space<hbm>>) target(%dma_start3A_878 : memref<16x128xi32, #tpu.memory_space<vmem>>) target_semaphore(%dma_start3A_874 : memref<!tpu.dma_semaphore, #tpu.memory_space<semaphore_mem>>)
      } else {
      }
      %mul3A_75 = arith.constant 16 : i32
      %mul3A_76 = arith.muli %while3A_58, %mul3A_75 : i32
      %add3A_77 = arith.addi %mul3A_12, %mul3A_76 : i32
      %dma_wait3A = arith.constant 0 : i32
      %dma_wait3A_78 = arith.constant 0 : i32
      %dma_wait3A_79 = tpu.memref_slice %arg9[%select_n3A_70, %dma_wait3A, %dma_wait3A_78] : memref<2x16x128xi32, #tpu.memory_space<vmem>> -> memref<1x16x128xi32, #tpu.memory_space<vmem>>
      %dma_wait3A_80 = tpu.memref_squeeze %dma_wait3A_79 : memref<1x16x128xi32, #tpu.memory_space<vmem>> -> memref<16x128xi32, #tpu.memory_space<vmem>>
      %dma_wait3A_81 = arith.constant 0 : i32
      %dma_wait3A_82 = tpu.memref_slice %arg3[%add3A_77, %dma_wait3A_81] : memref<50000x128xi32, #tpu.memory_space<hbm>> -> memref<16x128xi32, #tpu.memory_space<hbm>>
      %dma_wait3A_83 = tpu.memref_slice %arg12[%select_n3A_70] : memref<2x!tpu.dma_semaphore, #tpu.memory_space<semaphore_mem>> -> memref<1x!tpu.dma_semaphore, #tpu.memory_space<semaphore_mem>>
      %dma_wait3A_84 = tpu.memref_squeeze %dma_wait3A_83 : memref<1x!tpu.dma_semaphore, #tpu.memory_space<semaphore_mem>> -> memref<!tpu.dma_semaphore, #tpu.memory_space<semaphore_mem>>
      %dma_wait3A_85 = arith.constant 0 : i32
      %dma_wait3A_86 = arith.constant 0 : i32
      %dma_wait3A_87 = tpu.memref_slice %arg9[%select_n3A_70, %dma_wait3A_85, %dma_wait3A_86] : memref<2x16x128xi32, #tpu.memory_space<vmem>> -> memref<1x16x128xi32, #tpu.memory_space<vmem>>
      %dma_wait3A_88 = tpu.memref_squeeze %dma_wait3A_87 : memref<1x16x128xi32, #tpu.memory_space<vmem>> -> memref<16x128xi32, #tpu.memory_space<vmem>>
      %dma_wait3A_89 = arith.constant 0 : i32
      %dma_wait3A_90 = tpu.memref_slice %arg3[%add3A_77, %dma_wait3A_89] : memref<50000x128xi32, #tpu.memory_space<hbm>> -> memref<16x128xi32, #tpu.memory_space<hbm>>
      tpu.wait_dma2 semaphore(%dma_wait3A_84 : memref<!tpu.dma_semaphore, #tpu.memory_space<semaphore_mem>>) src(%dma_wait3A_90 : memref<16x128xi32, #tpu.memory_space<hbm>>) dst(%dma_wait3A_88 : memref<16x128xi32, #tpu.memory_space<vmem>>)
      %dma_wait3A_91 = arith.constant 0 : i32
      %dma_wait3A_92 = arith.constant 0 : i32
      %dma_wait3A_93 = tpu.memref_slice %arg10[%select_n3A_70, %dma_wait3A_91, %dma_wait3A_92] : memref<2x16x128xi32, #tpu.memory_space<vmem>> -> memref<1x16x128xi32, #tpu.memory_space<vmem>>
      %dma_wait3A_94 = tpu.memref_squeeze %dma_wait3A_93 : memref<1x16x128xi32, #tpu.memory_space<vmem>> -> memref<16x128xi32, #tpu.memory_space<vmem>>
      %dma_wait3A_95 = arith.constant 0 : i32
      %dma_wait3A_96 = tpu.memref_slice %arg4[%add3A_77, %dma_wait3A_95] : memref<50000x128xi32, #tpu.memory_space<hbm>> -> memref<16x128xi32, #tpu.memory_space<hbm>>
      %dma_wait3A_97 = tpu.memref_slice %arg12[%select_n3A_70] : memref<2x!tpu.dma_semaphore, #tpu.memory_space<semaphore_mem>> -> memref<1x!tpu.dma_semaphore, #tpu.memory_space<semaphore_mem>>
      %dma_wait3A_98 = tpu.memref_squeeze %dma_wait3A_97 : memref<1x!tpu.dma_semaphore, #tpu.memory_space<semaphore_mem>> -> memref<!tpu.dma_semaphore, #tpu.memory_space<semaphore_mem>>
      %dma_wait3A_99 = arith.constant 0 : i32
      %dma_wait3A_100 = arith.constant 0 : i32
      %dma_wait3A_101 = tpu.memref_slice %arg10[%select_n3A_70, %dma_wait3A_99, %dma_wait3A_100] : memref<2x16x128xi32, #tpu.memory_space<vmem>> -> memref<1x16x128xi32, #tpu.memory_space<vmem>>
      %dma_wait3A_102 = tpu.memref_squeeze %dma_wait3A_101 : memref<1x16x128xi32, #tpu.memory_space<vmem>> -> memref<16x128xi32, #tpu.memory_space<vmem>>
      %dma_wait3A_103 = arith.constant 0 : i32
      %dma_wait3A_104 = tpu.memref_slice %arg4[%add3A_77, %dma_wait3A_103] : memref<50000x128xi32, #tpu.memory_space<hbm>> -> memref<16x128xi32, #tpu.memory_space<hbm>>
      tpu.wait_dma2 semaphore(%dma_wait3A_98 : memref<!tpu.dma_semaphore, #tpu.memory_space<semaphore_mem>>) src(%dma_wait3A_104 : memref<16x128xi32, #tpu.memory_space<hbm>>) dst(%dma_wait3A_102 : memref<16x128xi32, #tpu.memory_space<vmem>>)
      %dma_start3A_105 = arith.constant 0 : i32
      %dma_start3A_106 = arith.constant 0 : i32
      %dma_start3A_107 = arith.constant 0 : i32
      %dma_start3A_108 = arith.constant 0 : i32
      %dma_start3A_109 = tpu.memref_slice %arg11[%dma_start3A_106, %dma_start3A_108] : memref<16x128xf32, #tpu.memory_space<vmem>> -> memref<1x128xf32, #tpu.memory_space<vmem>>
      %dma_start3A_110 = tpu.memref_squeeze %dma_start3A_109 : memref<1x128xf32, #tpu.memory_space<vmem>> -> memref<128xf32, #tpu.memory_space<vmem>>
      %dma_start3A_111 = arith.constant 0 : i32
      %dma_start3A_112 = tpu.memref_slice %arg9[%select_n3A_70, %dma_start3A_105, %dma_start3A_111] : memref<2x16x128xi32, #tpu.memory_space<vmem>> -> memref<1x1x128xi32, #tpu.memory_space<vmem>>
      %dma_start3A_113 = tpu.memref_squeeze %dma_start3A_112 : memref<1x1x128xi32, #tpu.memory_space<vmem>> -> memref<128xi32, #tpu.memory_space<vmem>>
      %dma_start3A_114 = arith.constant 0 : i32
      %dma_start3A_115 = tpu.memref_slice %arg7[%dma_start3A_114] : memref<102400xf32, #tpu.memory_space<vmem_shared>> -> memref<102400xf32, #tpu.memory_space<vmem_shared>>
      %dma_start3A_116 = tpu.memref_slice %arg13[%dma_start3A_107] : memref<16x!tpu.dma_semaphore, #tpu.memory_space<semaphore_mem>> -> memref<1x!tpu.dma_semaphore, #tpu.memory_space<semaphore_mem>>
      %dma_start3A_117 = tpu.memref_squeeze %dma_start3A_116 : memref<1x!tpu.dma_semaphore, #tpu.memory_space<semaphore_mem>> -> memref<!tpu.dma_semaphore, #tpu.memory_space<semaphore_mem>>
      tpu.enqueue_indirect_dma source(%dma_start3A_115 : memref<102400xf32, #tpu.memory_space<vmem_shared>>) target(%dma_start3A_110 : memref<128xf32, #tpu.memory_space<vmem>>) offsets(%dma_start3A_113 : memref<128xi32, #tpu.memory_space<vmem>>) semaphore(%dma_start3A_117 : memref<!tpu.dma_semaphore, #tpu.memory_space<semaphore_mem>>)
      %dma_start3A_118 = arith.constant 1 : i32
      %dma_start3A_119 = arith.constant 1 : i32
      %dma_start3A_120 = arith.constant 1 : i32
      %dma_start3A_121 = arith.constant 0 : i32
      %dma_start3A_122 = tpu.memref_slice %arg11[%dma_start3A_119, %dma_start3A_121] : memref<16x128xf32, #tpu.memory_space<vmem>> -> memref<1x128xf32, #tpu.memory_space<vmem>>
      %dma_start3A_123 = tpu.memref_squeeze %dma_start3A_122 : memref<1x128xf32, #tpu.memory_space<vmem>> -> memref<128xf32, #tpu.memory_space<vmem>>
      %dma_start3A_124 = arith.constant 0 : i32
      %dma_start3A_125 = tpu.memref_slice %arg9[%select_n3A_70, %dma_start3A_118, %dma_start3A_124] : memref<2x16x128xi32, #tpu.memory_space<vmem>> -> memref<1x1x128xi32, #tpu.memory_space<vmem>>
      %dma_start3A_126 = tpu.memref_squeeze %dma_start3A_125 : memref<1x1x128xi32, #tpu.memory_space<vmem>> -> memref<128xi32, #tpu.memory_space<vmem>>
      %dma_start3A_127 = arith.constant 0 : i32
      %dma_start3A_128 = tpu.memref_slice %arg7[%dma_start3A_127] : memref<102400xf32, #tpu.memory_space<vmem_shared>> -> memref<102400xf32, #tpu.memory_space<vmem_shared>>
      %dma_start3A_129 = tpu.memref_slice %arg13[%dma_start3A_120] : memref<16x!tpu.dma_semaphore, #tpu.memory_space<semaphore_mem>> -> memref<1x!tpu.dma_semaphore, #tpu.memory_space<semaphore_mem>>
      %dma_start3A_130 = tpu.memref_squeeze %dma_start3A_129 : memref<1x!tpu.dma_semaphore, #tpu.memory_space<semaphore_mem>> -> memref<!tpu.dma_semaphore, #tpu.memory_space<semaphore_mem>>
      tpu.enqueue_indirect_dma source(%dma_start3A_128 : memref<102400xf32, #tpu.memory_space<vmem_shared>>) target(%dma_start3A_123 : memref<128xf32, #tpu.memory_space<vmem>>) offsets(%dma_start3A_126 : memref<128xi32, #tpu.memory_space<vmem>>) semaphore(%dma_start3A_130 : memref<!tpu.dma_semaphore, #tpu.memory_space<semaphore_mem>>)
      %dma_start3A_131 = arith.constant 2 : i32
      %dma_start3A_132 = arith.constant 2 : i32
      %dma_start3A_133 = arith.constant 2 : i32
      %dma_start3A_134 = arith.constant 0 : i32
      %dma_start3A_135 = tpu.memref_slice %arg11[%dma_start3A_132, %dma_start3A_134] : memref<16x128xf32, #tpu.memory_space<vmem>> -> memref<1x128xf32, #tpu.memory_space<vmem>>
      %dma_start3A_136 = tpu.memref_squeeze %dma_start3A_135 : memref<1x128xf32, #tpu.memory_space<vmem>> -> memref<128xf32, #tpu.memory_space<vmem>>
      %dma_start3A_137 = arith.constant 0 : i32
      %dma_start3A_138 = tpu.memref_slice %arg9[%select_n3A_70, %dma_start3A_131, %dma_start3A_137] : memref<2x16x128xi32, #tpu.memory_space<vmem>> -> memref<1x1x128xi32, #tpu.memory_space<vmem>>
      %dma_start3A_139 = tpu.memref_squeeze %dma_start3A_138 : memref<1x1x128xi32, #tpu.memory_space<vmem>> -> memref<128xi32, #tpu.memory_space<vmem>>
      %dma_start3A_140 = arith.constant 0 : i32
      %dma_start3A_141 = tpu.memref_slice %arg7[%dma_start3A_140] : memref<102400xf32, #tpu.memory_space<vmem_shared>> -> memref<102400xf32, #tpu.memory_space<vmem_shared>>
      %dma_start3A_142 = tpu.memref_slice %arg13[%dma_start3A_133] : memref<16x!tpu.dma_semaphore, #tpu.memory_space<semaphore_mem>> -> memref<1x!tpu.dma_semaphore, #tpu.memory_space<semaphore_mem>>
      %dma_start3A_143 = tpu.memref_squeeze %dma_start3A_142 : memref<1x!tpu.dma_semaphore, #tpu.memory_space<semaphore_mem>> -> memref<!tpu.dma_semaphore, #tpu.memory_space<semaphore_mem>>
      tpu.enqueue_indirect_dma source(%dma_start3A_141 : memref<102400xf32, #tpu.memory_space<vmem_shared>>) target(%dma_start3A_136 : memref<128xf32, #tpu.memory_space<vmem>>) offsets(%dma_start3A_139 : memref<128xi32, #tpu.memory_space<vmem>>) semaphore(%dma_start3A_143 : memref<!tpu.dma_semaphore, #tpu.memory_space<semaphore_mem>>)
      %dma_start3A_144 = arith.constant 3 : i32
      %dma_start3A_145 = arith.constant 3 : i32
      %dma_start3A_146 = arith.constant 3 : i32
      %dma_start3A_147 = arith.constant 0 : i32
      %dma_start3A_148 = tpu.memref_slice %arg11[%dma_start3A_145, %dma_start3A_147] : memref<16x128xf32, #tpu.memory_space<vmem>> -> memref<1x128xf32, #tpu.memory_space<vmem>>
      %dma_start3A_149 = tpu.memref_squeeze %dma_start3A_148 : memref<1x128xf32, #tpu.memory_space<vmem>> -> memref<128xf32, #tpu.memory_space<vmem>>
      %dma_start3A_150 = arith.constant 0 : i32
      %dma_start3A_151 = tpu.memref_slice %arg9[%select_n3A_70, %dma_start3A_144, %dma_start3A_150] : memref<2x16x128xi32, #tpu.memory_space<vmem>> -> memref<1x1x128xi32, #tpu.memory_space<vmem>>
      %dma_start3A_152 = tpu.memref_squeeze %dma_start3A_151 : memref<1x1x128xi32, #tpu.memory_space<vmem>> -> memref<128xi32, #tpu.memory_space<vmem>>
      %dma_start3A_153 = arith.constant 0 : i32
      %dma_start3A_154 = tpu.memref_slice %arg7[%dma_start3A_153] : memref<102400xf32, #tpu.memory_space<vmem_shared>> -> memref<102400xf32, #tpu.memory_space<vmem_shared>>
      %dma_start3A_155 = tpu.memref_slice %arg13[%dma_start3A_146] : memref<16x!tpu.dma_semaphore, #tpu.memory_space<semaphore_mem>> -> memref<1x!tpu.dma_semaphore, #tpu.memory_space<semaphore_mem>>
      %dma_start3A_156 = tpu.memref_squeeze %dma_start3A_155 : memref<1x!tpu.dma_semaphore, #tpu.memory_space<semaphore_mem>> -> memref<!tpu.dma_semaphore, #tpu.memory_space<semaphore_mem>>
      tpu.enqueue_indirect_dma source(%dma_start3A_154 : memref<102400xf32, #tpu.memory_space<vmem_shared>>) target(%dma_start3A_149 : memref<128xf32, #tpu.memory_space<vmem>>) offsets(%dma_start3A_152 : memref<128xi32, #tpu.memory_space<vmem>>) semaphore(%dma_start3A_156 : memref<!tpu.dma_semaphore, #tpu.memory_space<semaphore_mem>>)
      %dma_start3A_157 = arith.constant 4 : i32
      %dma_start3A_158 = arith.constant 4 : i32
      %dma_start3A_159 = arith.constant 4 : i32
      %dma_start3A_160 = arith.constant 0 : i32
      %dma_start3A_161 = tpu.memref_slice %arg11[%dma_start3A_158, %dma_start3A_160] : memref<16x128xf32, #tpu.memory_space<vmem>> -> memref<1x128xf32, #tpu.memory_space<vmem>>
      %dma_start3A_162 = tpu.memref_squeeze %dma_start3A_161 : memref<1x128xf32, #tpu.memory_space<vmem>> -> memref<128xf32, #tpu.memory_space<vmem>>
      %dma_start3A_163 = arith.constant 0 : i32
      %dma_start3A_164 = tpu.memref_slice %arg9[%select_n3A_70, %dma_start3A_157, %dma_start3A_163] : memref<2x16x128xi32, #tpu.memory_space<vmem>> -> memref<1x1x128xi32, #tpu.memory_space<vmem>>
      %dma_start3A_165 = tpu.memref_squeeze %dma_start3A_164 : memref<1x1x128xi32, #tpu.memory_space<vmem>> -> memref<128xi32, #tpu.memory_space<vmem>>
      %dma_start3A_166 = arith.constant 0 : i32
      %dma_start3A_167 = tpu.memref_slice %arg7[%dma_start3A_166] : memref<102400xf32, #tpu.memory_space<vmem_shared>> -> memref<102400xf32, #tpu.memory_space<vmem_shared>>
      %dma_start3A_168 = tpu.memref_slice %arg13[%dma_start3A_159] : memref<16x!tpu.dma_semaphore, #tpu.memory_space<semaphore_mem>> -> memref<1x!tpu.dma_semaphore, #tpu.memory_space<semaphore_mem>>
      %dma_start3A_169 = tpu.memref_squeeze %dma_start3A_168 : memref<1x!tpu.dma_semaphore, #tpu.memory_space<semaphore_mem>> -> memref<!tpu.dma_semaphore, #tpu.memory_space<semaphore_mem>>
      tpu.enqueue_indirect_dma source(%dma_start3A_167 : memref<102400xf32, #tpu.memory_space<vmem_shared>>) target(%dma_start3A_162 : memref<128xf32, #tpu.memory_space<vmem>>) offsets(%dma_start3A_165 : memref<128xi32, #tpu.memory_space<vmem>>) semaphore(%dma_start3A_169 : memref<!tpu.dma_semaphore, #tpu.memory_space<semaphore_mem>>)
      %dma_start3A_170 = arith.constant 5 : i32
      %dma_start3A_171 = arith.constant 5 : i32
      %dma_start3A_172 = arith.constant 5 : i32
      %dma_start3A_173 = arith.constant 0 : i32
      %dma_start3A_174 = tpu.memref_slice %arg11[%dma_start3A_171, %dma_start3A_173] : memref<16x128xf32, #tpu.memory_space<vmem>> -> memref<1x128xf32, #tpu.memory_space<vmem>>
      %dma_start3A_175 = tpu.memref_squeeze %dma_start3A_174 : memref<1x128xf32, #tpu.memory_space<vmem>> -> memref<128xf32, #tpu.memory_space<vmem>>
      %dma_start3A_176 = arith.constant 0 : i32
      %dma_start3A_177 = tpu.memref_slice %arg9[%select_n3A_70, %dma_start3A_170, %dma_start3A_176] : memref<2x16x128xi32, #tpu.memory_space<vmem>> -> memref<1x1x128xi32, #tpu.memory_space<vmem>>
      %dma_start3A_178 = tpu.memref_squeeze %dma_start3A_177 : memref<1x1x128xi32, #tpu.memory_space<vmem>> -> memref<128xi32, #tpu.memory_space<vmem>>
      %dma_start3A_179 = arith.constant 0 : i32
      %dma_start3A_180 = tpu.memref_slice %arg7[%dma_start3A_179] : memref<102400xf32, #tpu.memory_space<vmem_shared>> -> memref<102400xf32, #tpu.memory_space<vmem_shared>>
      %dma_start3A_181 = tpu.memref_slice %arg13[%dma_start3A_172] : memref<16x!tpu.dma_semaphore, #tpu.memory_space<semaphore_mem>> -> memref<1x!tpu.dma_semaphore, #tpu.memory_space<semaphore_mem>>
      %dma_start3A_182 = tpu.memref_squeeze %dma_start3A_181 : memref<1x!tpu.dma_semaphore, #tpu.memory_space<semaphore_mem>> -> memref<!tpu.dma_semaphore, #tpu.memory_space<semaphore_mem>>
      tpu.enqueue_indirect_dma source(%dma_start3A_180 : memref<102400xf32, #tpu.memory_space<vmem_shared>>) target(%dma_start3A_175 : memref<128xf32, #tpu.memory_space<vmem>>) offsets(%dma_start3A_178 : memref<128xi32, #tpu.memory_space<vmem>>) semaphore(%dma_start3A_182 : memref<!tpu.dma_semaphore, #tpu.memory_space<semaphore_mem>>)
      %dma_start3A_183 = arith.constant 6 : i32
      %dma_start3A_184 = arith.constant 6 : i32
      %dma_start3A_185 = arith.constant 6 : i32
      %dma_start3A_186 = arith.constant 0 : i32
      %dma_start3A_187 = tpu.memref_slice %arg11[%dma_start3A_184, %dma_start3A_186] : memref<16x128xf32, #tpu.memory_space<vmem>> -> memref<1x128xf32, #tpu.memory_space<vmem>>
      %dma_start3A_188 = tpu.memref_squeeze %dma_start3A_187 : memref<1x128xf32, #tpu.memory_space<vmem>> -> memref<128xf32, #tpu.memory_space<vmem>>
      %dma_start3A_189 = arith.constant 0 : i32
      %dma_start3A_190 = tpu.memref_slice %arg9[%select_n3A_70, %dma_start3A_183, %dma_start3A_189] : memref<2x16x128xi32, #tpu.memory_space<vmem>> -> memref<1x1x128xi32, #tpu.memory_space<vmem>>
      %dma_start3A_191 = tpu.memref_squeeze %dma_start3A_190 : memref<1x1x128xi32, #tpu.memory_space<vmem>> -> memref<128xi32, #tpu.memory_space<vmem>>
      %dma_start3A_192 = arith.constant 0 : i32
      %dma_start3A_193 = tpu.memref_slice %arg7[%dma_start3A_192] : memref<102400xf32, #tpu.memory_space<vmem_shared>> -> memref<102400xf32, #tpu.memory_space<vmem_shared>>
      %dma_start3A_194 = tpu.memref_slice %arg13[%dma_start3A_185] : memref<16x!tpu.dma_semaphore, #tpu.memory_space<semaphore_mem>> -> memref<1x!tpu.dma_semaphore, #tpu.memory_space<semaphore_mem>>
      %dma_start3A_195 = tpu.memref_squeeze %dma_start3A_194 : memref<1x!tpu.dma_semaphore, #tpu.memory_space<semaphore_mem>> -> memref<!tpu.dma_semaphore, #tpu.memory_space<semaphore_mem>>
      tpu.enqueue_indirect_dma source(%dma_start3A_193 : memref<102400xf32, #tpu.memory_space<vmem_shared>>) target(%dma_start3A_188 : memref<128xf32, #tpu.memory_space<vmem>>) offsets(%dma_start3A_191 : memref<128xi32, #tpu.memory_space<vmem>>) semaphore(%dma_start3A_195 : memref<!tpu.dma_semaphore, #tpu.memory_space<semaphore_mem>>)
      %dma_start3A_196 = arith.constant 7 : i32
      %dma_start3A_197 = arith.constant 7 : i32
      %dma_start3A_198 = arith.constant 7 : i32
      %dma_start3A_199 = arith.constant 0 : i32
      %dma_start3A_200 = tpu.memref_slice %arg11[%dma_start3A_197, %dma_start3A_199] : memref<16x128xf32, #tpu.memory_space<vmem>> -> memref<1x128xf32, #tpu.memory_space<vmem>>
      %dma_start3A_201 = tpu.memref_squeeze %dma_start3A_200 : memref<1x128xf32, #tpu.memory_space<vmem>> -> memref<128xf32, #tpu.memory_space<vmem>>
      %dma_start3A_202 = arith.constant 0 : i32
      %dma_start3A_203 = tpu.memref_slice %arg9[%select_n3A_70, %dma_start3A_196, %dma_start3A_202] : memref<2x16x128xi32, #tpu.memory_space<vmem>> -> memref<1x1x128xi32, #tpu.memory_space<vmem>>
      %dma_start3A_204 = tpu.memref_squeeze %dma_start3A_203 : memref<1x1x128xi32, #tpu.memory_space<vmem>> -> memref<128xi32, #tpu.memory_space<vmem>>
      %dma_start3A_205 = arith.constant 0 : i32
      %dma_start3A_206 = tpu.memref_slice %arg7[%dma_start3A_205] : memref<102400xf32, #tpu.memory_space<vmem_shared>> -> memref<102400xf32, #tpu.memory_space<vmem_shared>>
      %dma_start3A_207 = tpu.memref_slice %arg13[%dma_start3A_198] : memref<16x!tpu.dma_semaphore, #tpu.memory_space<semaphore_mem>> -> memref<1x!tpu.dma_semaphore, #tpu.memory_space<semaphore_mem>>
      %dma_start3A_208 = tpu.memref_squeeze %dma_start3A_207 : memref<1x!tpu.dma_semaphore, #tpu.memory_space<semaphore_mem>> -> memref<!tpu.dma_semaphore, #tpu.memory_space<semaphore_mem>>
      tpu.enqueue_indirect_dma source(%dma_start3A_206 : memref<102400xf32, #tpu.memory_space<vmem_shared>>) target(%dma_start3A_201 : memref<128xf32, #tpu.memory_space<vmem>>) offsets(%dma_start3A_204 : memref<128xi32, #tpu.memory_space<vmem>>) semaphore(%dma_start3A_208 : memref<!tpu.dma_semaphore, #tpu.memory_space<semaphore_mem>>)
      %dma_start3A_209 = arith.constant 8 : i32
      %dma_start3A_210 = arith.constant 8 : i32
      %dma_start3A_211 = arith.constant 8 : i32
      %dma_start3A_212 = arith.constant 0 : i32
      %dma_start3A_213 = tpu.memref_slice %arg11[%dma_start3A_210, %dma_start3A_212] : memref<16x128xf32, #tpu.memory_space<vmem>> -> memref<1x128xf32, #tpu.memory_space<vmem>>
      %dma_start3A_214 = tpu.memref_squeeze %dma_start3A_213 : memref<1x128xf32, #tpu.memory_space<vmem>> -> memref<128xf32, #tpu.memory_space<vmem>>
      %dma_start3A_215 = arith.constant 0 : i32
      %dma_start3A_216 = tpu.memref_slice %arg9[%select_n3A_70, %dma_start3A_209, %dma_start3A_215] : memref<2x16x128xi32, #tpu.memory_space<vmem>> -> memref<1x1x128xi32, #tpu.memory_space<vmem>>
      %dma_start3A_217 = tpu.memref_squeeze %dma_start3A_216 : memref<1x1x128xi32, #tpu.memory_space<vmem>> -> memref<128xi32, #tpu.memory_space<vmem>>
      %dma_start3A_218 = arith.constant 0 : i32
      %dma_start3A_219 = tpu.memref_slice %arg7[%dma_start3A_218] : memref<102400xf32, #tpu.memory_space<vmem_shared>> -> memref<102400xf32, #tpu.memory_space<vmem_shared>>
      %dma_start3A_220 = tpu.memref_slice %arg13[%dma_start3A_211] : memref<16x!tpu.dma_semaphore, #tpu.memory_space<semaphore_mem>> -> memref<1x!tpu.dma_semaphore, #tpu.memory_space<semaphore_mem>>
      %dma_start3A_221 = tpu.memref_squeeze %dma_start3A_220 : memref<1x!tpu.dma_semaphore, #tpu.memory_space<semaphore_mem>> -> memref<!tpu.dma_semaphore, #tpu.memory_space<semaphore_mem>>
      tpu.enqueue_indirect_dma source(%dma_start3A_219 : memref<102400xf32, #tpu.memory_space<vmem_shared>>) target(%dma_start3A_214 : memref<128xf32, #tpu.memory_space<vmem>>) offsets(%dma_start3A_217 : memref<128xi32, #tpu.memory_space<vmem>>) semaphore(%dma_start3A_221 : memref<!tpu.dma_semaphore, #tpu.memory_space<semaphore_mem>>)
      %dma_start3A_222 = arith.constant 9 : i32
      %dma_start3A_223 = arith.constant 9 : i32
      %dma_start3A_224 = arith.constant 9 : i32
      %dma_start3A_225 = arith.constant 0 : i32
      %dma_start3A_226 = tpu.memref_slice %arg11[%dma_start3A_223, %dma_start3A_225] : memref<16x128xf32, #tpu.memory_space<vmem>> -> memref<1x128xf32, #tpu.memory_space<vmem>>
      %dma_start3A_227 = tpu.memref_squeeze %dma_start3A_226 : memref<1x128xf32, #tpu.memory_space<vmem>> -> memref<128xf32, #tpu.memory_space<vmem>>
      %dma_start3A_228 = arith.constant 0 : i32
      %dma_start3A_229 = tpu.memref_slice %arg9[%select_n3A_70, %dma_start3A_222, %dma_start3A_228] : memref<2x16x128xi32, #tpu.memory_space<vmem>> -> memref<1x1x128xi32, #tpu.memory_space<vmem>>
      %dma_start3A_230 = tpu.memref_squeeze %dma_start3A_229 : memref<1x1x128xi32, #tpu.memory_space<vmem>> -> memref<128xi32, #tpu.memory_space<vmem>>
      %dma_start3A_231 = arith.constant 0 : i32
      %dma_start3A_232 = tpu.memref_slice %arg7[%dma_start3A_231] : memref<102400xf32, #tpu.memory_space<vmem_shared>> -> memref<102400xf32, #tpu.memory_space<vmem_shared>>
      %dma_start3A_233 = tpu.memref_slice %arg13[%dma_start3A_224] : memref<16x!tpu.dma_semaphore, #tpu.memory_space<semaphore_mem>> -> memref<1x!tpu.dma_semaphore, #tpu.memory_space<semaphore_mem>>
      %dma_start3A_234 = tpu.memref_squeeze %dma_start3A_233 : memref<1x!tpu.dma_semaphore, #tpu.memory_space<semaphore_mem>> -> memref<!tpu.dma_semaphore, #tpu.memory_space<semaphore_mem>>
      tpu.enqueue_indirect_dma source(%dma_start3A_232 : memref<102400xf32, #tpu.memory_space<vmem_shared>>) target(%dma_start3A_227 : memref<128xf32, #tpu.memory_space<vmem>>) offsets(%dma_start3A_230 : memref<128xi32, #tpu.memory_space<vmem>>) semaphore(%dma_start3A_234 : memref<!tpu.dma_semaphore, #tpu.memory_space<semaphore_mem>>)
      %dma_start3A_235 = arith.constant 10 : i32
      %dma_start3A_236 = arith.constant 10 : i32
      %dma_start3A_237 = arith.constant 10 : i32
      %dma_start3A_238 = arith.constant 0 : i32
      %dma_start3A_239 = tpu.memref_slice %arg11[%dma_start3A_236, %dma_start3A_238] : memref<16x128xf32, #tpu.memory_space<vmem>> -> memref<1x128xf32, #tpu.memory_space<vmem>>
      %dma_start3A_240 = tpu.memref_squeeze %dma_start3A_239 : memref<1x128xf32, #tpu.memory_space<vmem>> -> memref<128xf32, #tpu.memory_space<vmem>>
      %dma_start3A_241 = arith.constant 0 : i32
      %dma_start3A_242 = tpu.memref_slice %arg9[%select_n3A_70, %dma_start3A_235, %dma_start3A_241] : memref<2x16x128xi32, #tpu.memory_space<vmem>> -> memref<1x1x128xi32, #tpu.memory_space<vmem>>
      %dma_start3A_243 = tpu.memref_squeeze %dma_start3A_242 : memref<1x1x128xi32, #tpu.memory_space<vmem>> -> memref<128xi32, #tpu.memory_space<vmem>>
      %dma_start3A_244 = arith.constant 0 : i32
      %dma_start3A_245 = tpu.memref_slice %arg7[%dma_start3A_244] : memref<102400xf32, #tpu.memory_space<vmem_shared>> -> memref<102400xf32, #tpu.memory_space<vmem_shared>>
      %dma_start3A_246 = tpu.memref_slice %arg13[%dma_start3A_237] : memref<16x!tpu.dma_semaphore, #tpu.memory_space<semaphore_mem>> -> memref<1x!tpu.dma_semaphore, #tpu.memory_space<semaphore_mem>>
      %dma_start3A_247 = tpu.memref_squeeze %dma_start3A_246 : memref<1x!tpu.dma_semaphore, #tpu.memory_space<semaphore_mem>> -> memref<!tpu.dma_semaphore, #tpu.memory_space<semaphore_mem>>
      tpu.enqueue_indirect_dma source(%dma_start3A_245 : memref<102400xf32, #tpu.memory_space<vmem_shared>>) target(%dma_start3A_240 : memref<128xf32, #tpu.memory_space<vmem>>) offsets(%dma_start3A_243 : memref<128xi32, #tpu.memory_space<vmem>>) semaphore(%dma_start3A_247 : memref<!tpu.dma_semaphore, #tpu.memory_space<semaphore_mem>>)
      %dma_start3A_248 = arith.constant 11 : i32
      %dma_start3A_249 = arith.constant 11 : i32
      %dma_start3A_250 = arith.constant 11 : i32
      %dma_start3A_251 = arith.constant 0 : i32
      %dma_start3A_252 = tpu.memref_slice %arg11[%dma_start3A_249, %dma_start3A_251] : memref<16x128xf32, #tpu.memory_space<vmem>> -> memref<1x128xf32, #tpu.memory_space<vmem>>
      %dma_start3A_253 = tpu.memref_squeeze %dma_start3A_252 : memref<1x128xf32, #tpu.memory_space<vmem>> -> memref<128xf32, #tpu.memory_space<vmem>>
      %dma_start3A_254 = arith.constant 0 : i32
      %dma_start3A_255 = tpu.memref_slice %arg9[%select_n3A_70, %dma_start3A_248, %dma_start3A_254] : memref<2x16x128xi32, #tpu.memory_space<vmem>> -> memref<1x1x128xi32, #tpu.memory_space<vmem>>
      %dma_start3A_256 = tpu.memref_squeeze %dma_start3A_255 : memref<1x1x128xi32, #tpu.memory_space<vmem>> -> memref<128xi32, #tpu.memory_space<vmem>>
      %dma_start3A_257 = arith.constant 0 : i32
      %dma_start3A_258 = tpu.memref_slice %arg7[%dma_start3A_257] : memref<102400xf32, #tpu.memory_space<vmem_shared>> -> memref<102400xf32, #tpu.memory_space<vmem_shared>>
      %dma_start3A_259 = tpu.memref_slice %arg13[%dma_start3A_250] : memref<16x!tpu.dma_semaphore, #tpu.memory_space<semaphore_mem>> -> memref<1x!tpu.dma_semaphore, #tpu.memory_space<semaphore_mem>>
      %dma_start3A_260 = tpu.memref_squeeze %dma_start3A_259 : memref<1x!tpu.dma_semaphore, #tpu.memory_space<semaphore_mem>> -> memref<!tpu.dma_semaphore, #tpu.memory_space<semaphore_mem>>
      tpu.enqueue_indirect_dma source(%dma_start3A_258 : memref<102400xf32, #tpu.memory_space<vmem_shared>>) target(%dma_start3A_253 : memref<128xf32, #tpu.memory_space<vmem>>) offsets(%dma_start3A_256 : memref<128xi32, #tpu.memory_space<vmem>>) semaphore(%dma_start3A_260 : memref<!tpu.dma_semaphore, #tpu.memory_space<semaphore_mem>>)
      %dma_start3A_261 = arith.constant 12 : i32
      %dma_start3A_262 = arith.constant 12 : i32
      %dma_start3A_263 = arith.constant 12 : i32
      %dma_start3A_264 = arith.constant 0 : i32
      %dma_start3A_265 = tpu.memref_slice %arg11[%dma_start3A_262, %dma_start3A_264] : memref<16x128xf32, #tpu.memory_space<vmem>> -> memref<1x128xf32, #tpu.memory_space<vmem>>
      %dma_start3A_266 = tpu.memref_squeeze %dma_start3A_265 : memref<1x128xf32, #tpu.memory_space<vmem>> -> memref<128xf32, #tpu.memory_space<vmem>>
      %dma_start3A_267 = arith.constant 0 : i32
      %dma_start3A_268 = tpu.memref_slice %arg9[%select_n3A_70, %dma_start3A_261, %dma_start3A_267] : memref<2x16x128xi32, #tpu.memory_space<vmem>> -> memref<1x1x128xi32, #tpu.memory_space<vmem>>
      %dma_start3A_269 = tpu.memref_squeeze %dma_start3A_268 : memref<1x1x128xi32, #tpu.memory_space<vmem>> -> memref<128xi32, #tpu.memory_space<vmem>>
      %dma_start3A_270 = arith.constant 0 : i32
      %dma_start3A_271 = tpu.memref_slice %arg7[%dma_start3A_270] : memref<102400xf32, #tpu.memory_space<vmem_shared>> -> memref<102400xf32, #tpu.memory_space<vmem_shared>>
      %dma_start3A_272 = tpu.memref_slice %arg13[%dma_start3A_263] : memref<16x!tpu.dma_semaphore, #tpu.memory_space<semaphore_mem>> -> memref<1x!tpu.dma_semaphore, #tpu.memory_space<semaphore_mem>>
      %dma_start3A_273 = tpu.memref_squeeze %dma_start3A_272 : memref<1x!tpu.dma_semaphore, #tpu.memory_space<semaphore_mem>> -> memref<!tpu.dma_semaphore, #tpu.memory_space<semaphore_mem>>
      tpu.enqueue_indirect_dma source(%dma_start3A_271 : memref<102400xf32, #tpu.memory_space<vmem_shared>>) target(%dma_start3A_266 : memref<128xf32, #tpu.memory_space<vmem>>) offsets(%dma_start3A_269 : memref<128xi32, #tpu.memory_space<vmem>>) semaphore(%dma_start3A_273 : memref<!tpu.dma_semaphore, #tpu.memory_space<semaphore_mem>>)
      %dma_start3A_274 = arith.constant 13 : i32
      %dma_start3A_275 = arith.constant 13 : i32
      %dma_start3A_276 = arith.constant 13 : i32
      %dma_start3A_277 = arith.constant 0 : i32
      %dma_start3A_278 = tpu.memref_slice %arg11[%dma_start3A_275, %dma_start3A_277] : memref<16x128xf32, #tpu.memory_space<vmem>> -> memref<1x128xf32, #tpu.memory_space<vmem>>
      %dma_start3A_279 = tpu.memref_squeeze %dma_start3A_278 : memref<1x128xf32, #tpu.memory_space<vmem>> -> memref<128xf32, #tpu.memory_space<vmem>>
      %dma_start3A_280 = arith.constant 0 : i32
      %dma_start3A_281 = tpu.memref_slice %arg9[%select_n3A_70, %dma_start3A_274, %dma_start3A_280] : memref<2x16x128xi32, #tpu.memory_space<vmem>> -> memref<1x1x128xi32, #tpu.memory_space<vmem>>
      %dma_start3A_282 = tpu.memref_squeeze %dma_start3A_281 : memref<1x1x128xi32, #tpu.memory_space<vmem>> -> memref<128xi32, #tpu.memory_space<vmem>>
      %dma_start3A_283 = arith.constant 0 : i32
      %dma_start3A_284 = tpu.memref_slice %arg7[%dma_start3A_283] : memref<102400xf32, #tpu.memory_space<vmem_shared>> -> memref<102400xf32, #tpu.memory_space<vmem_shared>>
      %dma_start3A_285 = tpu.memref_slice %arg13[%dma_start3A_276] : memref<16x!tpu.dma_semaphore, #tpu.memory_space<semaphore_mem>> -> memref<1x!tpu.dma_semaphore, #tpu.memory_space<semaphore_mem>>
      %dma_start3A_286 = tpu.memref_squeeze %dma_start3A_285 : memref<1x!tpu.dma_semaphore, #tpu.memory_space<semaphore_mem>> -> memref<!tpu.dma_semaphore, #tpu.memory_space<semaphore_mem>>
      tpu.enqueue_indirect_dma source(%dma_start3A_284 : memref<102400xf32, #tpu.memory_space<vmem_shared>>) target(%dma_start3A_279 : memref<128xf32, #tpu.memory_space<vmem>>) offsets(%dma_start3A_282 : memref<128xi32, #tpu.memory_space<vmem>>) semaphore(%dma_start3A_286 : memref<!tpu.dma_semaphore, #tpu.memory_space<semaphore_mem>>)
      %dma_start3A_287 = arith.constant 14 : i32
      %dma_start3A_288 = arith.constant 14 : i32
      %dma_start3A_289 = arith.constant 14 : i32
      %dma_start3A_290 = arith.constant 0 : i32
      %dma_start3A_291 = tpu.memref_slice %arg11[%dma_start3A_288, %dma_start3A_290] : memref<16x128xf32, #tpu.memory_space<vmem>> -> memref<1x128xf32, #tpu.memory_space<vmem>>
      %dma_start3A_292 = tpu.memref_squeeze %dma_start3A_291 : memref<1x128xf32, #tpu.memory_space<vmem>> -> memref<128xf32, #tpu.memory_space<vmem>>
      %dma_start3A_293 = arith.constant 0 : i32
      %dma_start3A_294 = tpu.memref_slice %arg9[%select_n3A_70, %dma_start3A_287, %dma_start3A_293] : memref<2x16x128xi32, #tpu.memory_space<vmem>> -> memref<1x1x128xi32, #tpu.memory_space<vmem>>
      %dma_start3A_295 = tpu.memref_squeeze %dma_start3A_294 : memref<1x1x128xi32, #tpu.memory_space<vmem>> -> memref<128xi32, #tpu.memory_space<vmem>>
      %dma_start3A_296 = arith.constant 0 : i32
      %dma_start3A_297 = tpu.memref_slice %arg7[%dma_start3A_296] : memref<102400xf32, #tpu.memory_space<vmem_shared>> -> memref<102400xf32, #tpu.memory_space<vmem_shared>>
      %dma_start3A_298 = tpu.memref_slice %arg13[%dma_start3A_289] : memref<16x!tpu.dma_semaphore, #tpu.memory_space<semaphore_mem>> -> memref<1x!tpu.dma_semaphore, #tpu.memory_space<semaphore_mem>>
      %dma_start3A_299 = tpu.memref_squeeze %dma_start3A_298 : memref<1x!tpu.dma_semaphore, #tpu.memory_space<semaphore_mem>> -> memref<!tpu.dma_semaphore, #tpu.memory_space<semaphore_mem>>
      tpu.enqueue_indirect_dma source(%dma_start3A_297 : memref<102400xf32, #tpu.memory_space<vmem_shared>>) target(%dma_start3A_292 : memref<128xf32, #tpu.memory_space<vmem>>) offsets(%dma_start3A_295 : memref<128xi32, #tpu.memory_space<vmem>>) semaphore(%dma_start3A_299 : memref<!tpu.dma_semaphore, #tpu.memory_space<semaphore_mem>>)
      %dma_start3A_300 = arith.constant 15 : i32
      %dma_start3A_301 = arith.constant 15 : i32
      %dma_start3A_302 = arith.constant 15 : i32
      %dma_start3A_303 = arith.constant 0 : i32
      %dma_start3A_304 = tpu.memref_slice %arg11[%dma_start3A_301, %dma_start3A_303] : memref<16x128xf32, #tpu.memory_space<vmem>> -> memref<1x128xf32, #tpu.memory_space<vmem>>
      %dma_start3A_305 = tpu.memref_squeeze %dma_start3A_304 : memref<1x128xf32, #tpu.memory_space<vmem>> -> memref<128xf32, #tpu.memory_space<vmem>>
      %dma_start3A_306 = arith.constant 0 : i32
      %dma_start3A_307 = tpu.memref_slice %arg9[%select_n3A_70, %dma_start3A_300, %dma_start3A_306] : memref<2x16x128xi32, #tpu.memory_space<vmem>> -> memref<1x1x128xi32, #tpu.memory_space<vmem>>
      %dma_start3A_308 = tpu.memref_squeeze %dma_start3A_307 : memref<1x1x128xi32, #tpu.memory_space<vmem>> -> memref<128xi32, #tpu.memory_space<vmem>>
      %dma_start3A_309 = arith.constant 0 : i32
      %dma_start3A_310 = tpu.memref_slice %arg7[%dma_start3A_309] : memref<102400xf32, #tpu.memory_space<vmem_shared>> -> memref<102400xf32, #tpu.memory_space<vmem_shared>>
      %dma_start3A_311 = tpu.memref_slice %arg13[%dma_start3A_302] : memref<16x!tpu.dma_semaphore, #tpu.memory_space<semaphore_mem>> -> memref<1x!tpu.dma_semaphore, #tpu.memory_space<semaphore_mem>>
      %dma_start3A_312 = tpu.memref_squeeze %dma_start3A_311 : memref<1x!tpu.dma_semaphore, #tpu.memory_space<semaphore_mem>> -> memref<!tpu.dma_semaphore, #tpu.memory_space<semaphore_mem>>
      tpu.enqueue_indirect_dma source(%dma_start3A_310 : memref<102400xf32, #tpu.memory_space<vmem_shared>>) target(%dma_start3A_305 : memref<128xf32, #tpu.memory_space<vmem>>) offsets(%dma_start3A_308 : memref<128xi32, #tpu.memory_space<vmem>>) semaphore(%dma_start3A_312 : memref<!tpu.dma_semaphore, #tpu.memory_space<semaphore_mem>>)
      %dma_wait3A_313 = arith.constant 0 : i32
      %dma_wait3A_314 = arith.constant 0 : i32
      %dma_wait3A_315 = arith.constant 0 : i32
      %dma_wait3A_316 = arith.constant 0 : i32
      %dma_wait3A_317 = tpu.memref_slice %arg11[%dma_wait3A_314, %dma_wait3A_316] : memref<16x128xf32, #tpu.memory_space<vmem>> -> memref<1x128xf32, #tpu.memory_space<vmem>>
      %dma_wait3A_318 = tpu.memref_squeeze %dma_wait3A_317 : memref<1x128xf32, #tpu.memory_space<vmem>> -> memref<128xf32, #tpu.memory_space<vmem>>
      %dma_wait3A_319 = arith.constant 0 : i32
      %dma_wait3A_320 = tpu.memref_slice %arg9[%select_n3A_70, %dma_wait3A_313, %dma_wait3A_319] : memref<2x16x128xi32, #tpu.memory_space<vmem>> -> memref<1x1x128xi32, #tpu.memory_space<vmem>>
      %dma_wait3A_321 = tpu.memref_squeeze %dma_wait3A_320 : memref<1x1x128xi32, #tpu.memory_space<vmem>> -> memref<128xi32, #tpu.memory_space<vmem>>
      %dma_wait3A_322 = arith.constant 0 : i32
      %dma_wait3A_323 = tpu.memref_slice %arg7[%dma_wait3A_322] : memref<102400xf32, #tpu.memory_space<vmem_shared>> -> memref<102400xf32, #tpu.memory_space<vmem_shared>>
      %dma_wait3A_324 = tpu.memref_slice %arg13[%dma_wait3A_315] : memref<16x!tpu.dma_semaphore, #tpu.memory_space<semaphore_mem>> -> memref<1x!tpu.dma_semaphore, #tpu.memory_space<semaphore_mem>>
      %dma_wait3A_325 = tpu.memref_squeeze %dma_wait3A_324 : memref<1x!tpu.dma_semaphore, #tpu.memory_space<semaphore_mem>> -> memref<!tpu.dma_semaphore, #tpu.memory_space<semaphore_mem>>
      tpu.wait_indirect_dma semaphore(%dma_wait3A_325 : memref<!tpu.dma_semaphore, #tpu.memory_space<semaphore_mem>>) src(%dma_wait3A_323 : memref<102400xf32, #tpu.memory_space<vmem_shared>>) dst(%dma_wait3A_318 : memref<128xf32, #tpu.memory_space<vmem>>)
      %dma_start3A_326 = arith.constant 0 : i32
      %dma_start3A_327 = arith.constant 0 : i32
      %dma_start3A_328 = arith.constant 0 : i32
      %dma_start3A_329 = tpu.memref_slice %arg11[%dma_start3A_326, %dma_start3A_328] : memref<16x128xf32, #tpu.memory_space<vmem>> -> memref<1x128xf32, #tpu.memory_space<vmem>>
      %dma_start3A_330 = tpu.memref_squeeze %dma_start3A_329 : memref<1x128xf32, #tpu.memory_space<vmem>> -> memref<128xf32, #tpu.memory_space<vmem>>
      %dma_start3A_331 = arith.constant 0 : i32
      %dma_start3A_332 = tpu.memref_slice %arg10[%select_n3A_70, %dma_start3A_327, %dma_start3A_331] : memref<2x16x128xi32, #tpu.memory_space<vmem>> -> memref<1x1x128xi32, #tpu.memory_space<vmem>>
      %dma_start3A_333 = tpu.memref_squeeze %dma_start3A_332 : memref<1x1x128xi32, #tpu.memory_space<vmem>> -> memref<128xi32, #tpu.memory_space<vmem>>
      %dma_start3A_334 = arith.constant 0 : i32
      %dma_start3A_335 = tpu.memref_slice %arg8[%dma_start3A_334] : memref<102400xf32, #tpu.memory_space<vmem_shared>> -> memref<102400xf32, #tpu.memory_space<vmem_shared>>
      tpu.enqueue_indirect_dma source(%dma_start3A_330 : memref<128xf32, #tpu.memory_space<vmem>>) target(%dma_start3A_335 : memref<102400xf32, #tpu.memory_space<vmem_shared>>) offsets(%dma_start3A_333 : memref<128xi32, #tpu.memory_space<vmem>>) semaphore(%arg14 : memref<!tpu.dma_semaphore, #tpu.memory_space<semaphore_mem>>) {add = true}
      %dma_wait3A_336 = arith.constant 1 : i32
      %dma_wait3A_337 = arith.constant 1 : i32
      %dma_wait3A_338 = arith.constant 1 : i32
      %dma_wait3A_339 = arith.constant 0 : i32
      %dma_wait3A_340 = tpu.memref_slice %arg11[%dma_wait3A_337, %dma_wait3A_339] : memref<16x128xf32, #tpu.memory_space<vmem>> -> memref<1x128xf32, #tpu.memory_space<vmem>>
      %dma_wait3A_341 = tpu.memref_squeeze %dma_wait3A_340 : memref<1x128xf32, #tpu.memory_space<vmem>> -> memref<128xf32, #tpu.memory_space<vmem>>
      %dma_wait3A_342 = arith.constant 0 : i32
      %dma_wait3A_343 = tpu.memref_slice %arg9[%select_n3A_70, %dma_wait3A_336, %dma_wait3A_342] : memref<2x16x128xi32, #tpu.memory_space<vmem>> -> memref<1x1x128xi32, #tpu.memory_space<vmem>>
      %dma_wait3A_344 = tpu.memref_squeeze %dma_wait3A_343 : memref<1x1x128xi32, #tpu.memory_space<vmem>> -> memref<128xi32, #tpu.memory_space<vmem>>
      %dma_wait3A_345 = arith.constant 0 : i32
      %dma_wait3A_346 = tpu.memref_slice %arg7[%dma_wait3A_345] : memref<102400xf32, #tpu.memory_space<vmem_shared>> -> memref<102400xf32, #tpu.memory_space<vmem_shared>>
      %dma_wait3A_347 = tpu.memref_slice %arg13[%dma_wait3A_338] : memref<16x!tpu.dma_semaphore, #tpu.memory_space<semaphore_mem>> -> memref<1x!tpu.dma_semaphore, #tpu.memory_space<semaphore_mem>>
      %dma_wait3A_348 = tpu.memref_squeeze %dma_wait3A_347 : memref<1x!tpu.dma_semaphore, #tpu.memory_space<semaphore_mem>> -> memref<!tpu.dma_semaphore, #tpu.memory_space<semaphore_mem>>
      tpu.wait_indirect_dma semaphore(%dma_wait3A_348 : memref<!tpu.dma_semaphore, #tpu.memory_space<semaphore_mem>>) src(%dma_wait3A_346 : memref<102400xf32, #tpu.memory_space<vmem_shared>>) dst(%dma_wait3A_341 : memref<128xf32, #tpu.memory_space<vmem>>)
      %dma_start3A_349 = arith.constant 1 : i32
      %dma_start3A_350 = arith.constant 1 : i32
      %dma_start3A_351 = arith.constant 0 : i32
      %dma_start3A_352 = tpu.memref_slice %arg11[%dma_start3A_349, %dma_start3A_351] : memref<16x128xf32, #tpu.memory_space<vmem>> -> memref<1x128xf32, #tpu.memory_space<vmem>>
      %dma_start3A_353 = tpu.memref_squeeze %dma_start3A_352 : memref<1x128xf32, #tpu.memory_space<vmem>> -> memref<128xf32, #tpu.memory_space<vmem>>
      %dma_start3A_354 = arith.constant 0 : i32
      %dma_start3A_355 = tpu.memref_slice %arg10[%select_n3A_70, %dma_start3A_350, %dma_start3A_354] : memref<2x16x128xi32, #tpu.memory_space<vmem>> -> memref<1x1x128xi32, #tpu.memory_space<vmem>>
      %dma_start3A_356 = tpu.memref_squeeze %dma_start3A_355 : memref<1x1x128xi32, #tpu.memory_space<vmem>> -> memref<128xi32, #tpu.memory_space<vmem>>
      %dma_start3A_357 = arith.constant 0 : i32
      %dma_start3A_358 = tpu.memref_slice %arg8[%dma_start3A_357] : memref<102400xf32, #tpu.memory_space<vmem_shared>> -> memref<102400xf32, #tpu.memory_space<vmem_shared>>
      tpu.enqueue_indirect_dma source(%dma_start3A_353 : memref<128xf32, #tpu.memory_space<vmem>>) target(%dma_start3A_358 : memref<102400xf32, #tpu.memory_space<vmem_shared>>) offsets(%dma_start3A_356 : memref<128xi32, #tpu.memory_space<vmem>>) semaphore(%arg14 : memref<!tpu.dma_semaphore, #tpu.memory_space<semaphore_mem>>) {add = true}
      %dma_wait3A_359 = arith.constant 2 : i32
      %dma_wait3A_360 = arith.constant 2 : i32
      %dma_wait3A_361 = arith.constant 2 : i32
      %dma_wait3A_362 = arith.constant 0 : i32
      %dma_wait3A_363 = tpu.memref_slice %arg11[%dma_wait3A_360, %dma_wait3A_362] : memref<16x128xf32, #tpu.memory_space<vmem>> -> memref<1x128xf32, #tpu.memory_space<vmem>>
      %dma_wait3A_364 = tpu.memref_squeeze %dma_wait3A_363 : memref<1x128xf32, #tpu.memory_space<vmem>> -> memref<128xf32, #tpu.memory_space<vmem>>
      %dma_wait3A_365 = arith.constant 0 : i32
      %dma_wait3A_366 = tpu.memref_slice %arg9[%select_n3A_70, %dma_wait3A_359, %dma_wait3A_365] : memref<2x16x128xi32, #tpu.memory_space<vmem>> -> memref<1x1x128xi32, #tpu.memory_space<vmem>>
      %dma_wait3A_367 = tpu.memref_squeeze %dma_wait3A_366 : memref<1x1x128xi32, #tpu.memory_space<vmem>> -> memref<128xi32, #tpu.memory_space<vmem>>
      %dma_wait3A_368 = arith.constant 0 : i32
      %dma_wait3A_369 = tpu.memref_slice %arg7[%dma_wait3A_368] : memref<102400xf32, #tpu.memory_space<vmem_shared>> -> memref<102400xf32, #tpu.memory_space<vmem_shared>>
      %dma_wait3A_370 = tpu.memref_slice %arg13[%dma_wait3A_361] : memref<16x!tpu.dma_semaphore, #tpu.memory_space<semaphore_mem>> -> memref<1x!tpu.dma_semaphore, #tpu.memory_space<semaphore_mem>>
      %dma_wait3A_371 = tpu.memref_squeeze %dma_wait3A_370 : memref<1x!tpu.dma_semaphore, #tpu.memory_space<semaphore_mem>> -> memref<!tpu.dma_semaphore, #tpu.memory_space<semaphore_mem>>
      tpu.wait_indirect_dma semaphore(%dma_wait3A_371 : memref<!tpu.dma_semaphore, #tpu.memory_space<semaphore_mem>>) src(%dma_wait3A_369 : memref<102400xf32, #tpu.memory_space<vmem_shared>>) dst(%dma_wait3A_364 : memref<128xf32, #tpu.memory_space<vmem>>)
      %dma_start3A_372 = arith.constant 2 : i32
      %dma_start3A_373 = arith.constant 2 : i32
      %dma_start3A_374 = arith.constant 0 : i32
      %dma_start3A_375 = tpu.memref_slice %arg11[%dma_start3A_372, %dma_start3A_374] : memref<16x128xf32, #tpu.memory_space<vmem>> -> memref<1x128xf32, #tpu.memory_space<vmem>>
      %dma_start3A_376 = tpu.memref_squeeze %dma_start3A_375 : memref<1x128xf32, #tpu.memory_space<vmem>> -> memref<128xf32, #tpu.memory_space<vmem>>
      %dma_start3A_377 = arith.constant 0 : i32
      %dma_start3A_378 = tpu.memref_slice %arg10[%select_n3A_70, %dma_start3A_373, %dma_start3A_377] : memref<2x16x128xi32, #tpu.memory_space<vmem>> -> memref<1x1x128xi32, #tpu.memory_space<vmem>>
      %dma_start3A_379 = tpu.memref_squeeze %dma_start3A_378 : memref<1x1x128xi32, #tpu.memory_space<vmem>> -> memref<128xi32, #tpu.memory_space<vmem>>
      %dma_start3A_380 = arith.constant 0 : i32
      %dma_start3A_381 = tpu.memref_slice %arg8[%dma_start3A_380] : memref<102400xf32, #tpu.memory_space<vmem_shared>> -> memref<102400xf32, #tpu.memory_space<vmem_shared>>
      tpu.enqueue_indirect_dma source(%dma_start3A_376 : memref<128xf32, #tpu.memory_space<vmem>>) target(%dma_start3A_381 : memref<102400xf32, #tpu.memory_space<vmem_shared>>) offsets(%dma_start3A_379 : memref<128xi32, #tpu.memory_space<vmem>>) semaphore(%arg14 : memref<!tpu.dma_semaphore, #tpu.memory_space<semaphore_mem>>) {add = true}
      %dma_wait3A_382 = arith.constant 3 : i32
      %dma_wait3A_383 = arith.constant 3 : i32
      %dma_wait3A_384 = arith.constant 3 : i32
      %dma_wait3A_385 = arith.constant 0 : i32
      %dma_wait3A_386 = tpu.memref_slice %arg11[%dma_wait3A_383, %dma_wait3A_385] : memref<16x128xf32, #tpu.memory_space<vmem>> -> memref<1x128xf32, #tpu.memory_space<vmem>>
      %dma_wait3A_387 = tpu.memref_squeeze %dma_wait3A_386 : memref<1x128xf32, #tpu.memory_space<vmem>> -> memref<128xf32, #tpu.memory_space<vmem>>
      %dma_wait3A_388 = arith.constant 0 : i32
      %dma_wait3A_389 = tpu.memref_slice %arg9[%select_n3A_70, %dma_wait3A_382, %dma_wait3A_388] : memref<2x16x128xi32, #tpu.memory_space<vmem>> -> memref<1x1x128xi32, #tpu.memory_space<vmem>>
      %dma_wait3A_390 = tpu.memref_squeeze %dma_wait3A_389 : memref<1x1x128xi32, #tpu.memory_space<vmem>> -> memref<128xi32, #tpu.memory_space<vmem>>
      %dma_wait3A_391 = arith.constant 0 : i32
      %dma_wait3A_392 = tpu.memref_slice %arg7[%dma_wait3A_391] : memref<102400xf32, #tpu.memory_space<vmem_shared>> -> memref<102400xf32, #tpu.memory_space<vmem_shared>>
      %dma_wait3A_393 = tpu.memref_slice %arg13[%dma_wait3A_384] : memref<16x!tpu.dma_semaphore, #tpu.memory_space<semaphore_mem>> -> memref<1x!tpu.dma_semaphore, #tpu.memory_space<semaphore_mem>>
      %dma_wait3A_394 = tpu.memref_squeeze %dma_wait3A_393 : memref<1x!tpu.dma_semaphore, #tpu.memory_space<semaphore_mem>> -> memref<!tpu.dma_semaphore, #tpu.memory_space<semaphore_mem>>
      tpu.wait_indirect_dma semaphore(%dma_wait3A_394 : memref<!tpu.dma_semaphore, #tpu.memory_space<semaphore_mem>>) src(%dma_wait3A_392 : memref<102400xf32, #tpu.memory_space<vmem_shared>>) dst(%dma_wait3A_387 : memref<128xf32, #tpu.memory_space<vmem>>)
      %dma_start3A_395 = arith.constant 3 : i32
      %dma_start3A_396 = arith.constant 3 : i32
      %dma_start3A_397 = arith.constant 0 : i32
      %dma_start3A_398 = tpu.memref_slice %arg11[%dma_start3A_395, %dma_start3A_397] : memref<16x128xf32, #tpu.memory_space<vmem>> -> memref<1x128xf32, #tpu.memory_space<vmem>>
      %dma_start3A_399 = tpu.memref_squeeze %dma_start3A_398 : memref<1x128xf32, #tpu.memory_space<vmem>> -> memref<128xf32, #tpu.memory_space<vmem>>
      %dma_start3A_400 = arith.constant 0 : i32
      %dma_start3A_401 = tpu.memref_slice %arg10[%select_n3A_70, %dma_start3A_396, %dma_start3A_400] : memref<2x16x128xi32, #tpu.memory_space<vmem>> -> memref<1x1x128xi32, #tpu.memory_space<vmem>>
      %dma_start3A_402 = tpu.memref_squeeze %dma_start3A_401 : memref<1x1x128xi32, #tpu.memory_space<vmem>> -> memref<128xi32, #tpu.memory_space<vmem>>
      %dma_start3A_403 = arith.constant 0 : i32
      %dma_start3A_404 = tpu.memref_slice %arg8[%dma_start3A_403] : memref<102400xf32, #tpu.memory_space<vmem_shared>> -> memref<102400xf32, #tpu.memory_space<vmem_shared>>
      tpu.enqueue_indirect_dma source(%dma_start3A_399 : memref<128xf32, #tpu.memory_space<vmem>>) target(%dma_start3A_404 : memref<102400xf32, #tpu.memory_space<vmem_shared>>) offsets(%dma_start3A_402 : memref<128xi32, #tpu.memory_space<vmem>>) semaphore(%arg14 : memref<!tpu.dma_semaphore, #tpu.memory_space<semaphore_mem>>) {add = true}
      %dma_wait3A_405 = arith.constant 4 : i32
      %dma_wait3A_406 = arith.constant 4 : i32
      %dma_wait3A_407 = arith.constant 4 : i32
      %dma_wait3A_408 = arith.constant 0 : i32
      %dma_wait3A_409 = tpu.memref_slice %arg11[%dma_wait3A_406, %dma_wait3A_408] : memref<16x128xf32, #tpu.memory_space<vmem>> -> memref<1x128xf32, #tpu.memory_space<vmem>>
      %dma_wait3A_410 = tpu.memref_squeeze %dma_wait3A_409 : memref<1x128xf32, #tpu.memory_space<vmem>> -> memref<128xf32, #tpu.memory_space<vmem>>
      %dma_wait3A_411 = arith.constant 0 : i32
      %dma_wait3A_412 = tpu.memref_slice %arg9[%select_n3A_70, %dma_wait3A_405, %dma_wait3A_411] : memref<2x16x128xi32, #tpu.memory_space<vmem>> -> memref<1x1x128xi32, #tpu.memory_space<vmem>>
      %dma_wait3A_413 = tpu.memref_squeeze %dma_wait3A_412 : memref<1x1x128xi32, #tpu.memory_space<vmem>> -> memref<128xi32, #tpu.memory_space<vmem>>
      %dma_wait3A_414 = arith.constant 0 : i32
      %dma_wait3A_415 = tpu.memref_slice %arg7[%dma_wait3A_414] : memref<102400xf32, #tpu.memory_space<vmem_shared>> -> memref<102400xf32, #tpu.memory_space<vmem_shared>>
      %dma_wait3A_416 = tpu.memref_slice %arg13[%dma_wait3A_407] : memref<16x!tpu.dma_semaphore, #tpu.memory_space<semaphore_mem>> -> memref<1x!tpu.dma_semaphore, #tpu.memory_space<semaphore_mem>>
      %dma_wait3A_417 = tpu.memref_squeeze %dma_wait3A_416 : memref<1x!tpu.dma_semaphore, #tpu.memory_space<semaphore_mem>> -> memref<!tpu.dma_semaphore, #tpu.memory_space<semaphore_mem>>
      tpu.wait_indirect_dma semaphore(%dma_wait3A_417 : memref<!tpu.dma_semaphore, #tpu.memory_space<semaphore_mem>>) src(%dma_wait3A_415 : memref<102400xf32, #tpu.memory_space<vmem_shared>>) dst(%dma_wait3A_410 : memref<128xf32, #tpu.memory_space<vmem>>)
      %dma_start3A_418 = arith.constant 4 : i32
      %dma_start3A_419 = arith.constant 4 : i32
      %dma_start3A_420 = arith.constant 0 : i32
      %dma_start3A_421 = tpu.memref_slice %arg11[%dma_start3A_418, %dma_start3A_420] : memref<16x128xf32, #tpu.memory_space<vmem>> -> memref<1x128xf32, #tpu.memory_space<vmem>>
      %dma_start3A_422 = tpu.memref_squeeze %dma_start3A_421 : memref<1x128xf32, #tpu.memory_space<vmem>> -> memref<128xf32, #tpu.memory_space<vmem>>
      %dma_start3A_423 = arith.constant 0 : i32
      %dma_start3A_424 = tpu.memref_slice %arg10[%select_n3A_70, %dma_start3A_419, %dma_start3A_423] : memref<2x16x128xi32, #tpu.memory_space<vmem>> -> memref<1x1x128xi32, #tpu.memory_space<vmem>>
      %dma_start3A_425 = tpu.memref_squeeze %dma_start3A_424 : memref<1x1x128xi32, #tpu.memory_space<vmem>> -> memref<128xi32, #tpu.memory_space<vmem>>
      %dma_start3A_426 = arith.constant 0 : i32
      %dma_start3A_427 = tpu.memref_slice %arg8[%dma_start3A_426] : memref<102400xf32, #tpu.memory_space<vmem_shared>> -> memref<102400xf32, #tpu.memory_space<vmem_shared>>
      tpu.enqueue_indirect_dma source(%dma_start3A_422 : memref<128xf32, #tpu.memory_space<vmem>>) target(%dma_start3A_427 : memref<102400xf32, #tpu.memory_space<vmem_shared>>) offsets(%dma_start3A_425 : memref<128xi32, #tpu.memory_space<vmem>>) semaphore(%arg14 : memref<!tpu.dma_semaphore, #tpu.memory_space<semaphore_mem>>) {add = true}
      %dma_wait3A_428 = arith.constant 5 : i32
      %dma_wait3A_429 = arith.constant 5 : i32
      %dma_wait3A_430 = arith.constant 5 : i32
      %dma_wait3A_431 = arith.constant 0 : i32
      %dma_wait3A_432 = tpu.memref_slice %arg11[%dma_wait3A_429, %dma_wait3A_431] : memref<16x128xf32, #tpu.memory_space<vmem>> -> memref<1x128xf32, #tpu.memory_space<vmem>>
      %dma_wait3A_433 = tpu.memref_squeeze %dma_wait3A_432 : memref<1x128xf32, #tpu.memory_space<vmem>> -> memref<128xf32, #tpu.memory_space<vmem>>
      %dma_wait3A_434 = arith.constant 0 : i32
      %dma_wait3A_435 = tpu.memref_slice %arg9[%select_n3A_70, %dma_wait3A_428, %dma_wait3A_434] : memref<2x16x128xi32, #tpu.memory_space<vmem>> -> memref<1x1x128xi32, #tpu.memory_space<vmem>>
      %dma_wait3A_436 = tpu.memref_squeeze %dma_wait3A_435 : memref<1x1x128xi32, #tpu.memory_space<vmem>> -> memref<128xi32, #tpu.memory_space<vmem>>
      %dma_wait3A_437 = arith.constant 0 : i32
      %dma_wait3A_438 = tpu.memref_slice %arg7[%dma_wait3A_437] : memref<102400xf32, #tpu.memory_space<vmem_shared>> -> memref<102400xf32, #tpu.memory_space<vmem_shared>>
      %dma_wait3A_439 = tpu.memref_slice %arg13[%dma_wait3A_430] : memref<16x!tpu.dma_semaphore, #tpu.memory_space<semaphore_mem>> -> memref<1x!tpu.dma_semaphore, #tpu.memory_space<semaphore_mem>>
      %dma_wait3A_440 = tpu.memref_squeeze %dma_wait3A_439 : memref<1x!tpu.dma_semaphore, #tpu.memory_space<semaphore_mem>> -> memref<!tpu.dma_semaphore, #tpu.memory_space<semaphore_mem>>
      tpu.wait_indirect_dma semaphore(%dma_wait3A_440 : memref<!tpu.dma_semaphore, #tpu.memory_space<semaphore_mem>>) src(%dma_wait3A_438 : memref<102400xf32, #tpu.memory_space<vmem_shared>>) dst(%dma_wait3A_433 : memref<128xf32, #tpu.memory_space<vmem>>)
      %dma_start3A_441 = arith.constant 5 : i32
      %dma_start3A_442 = arith.constant 5 : i32
      %dma_start3A_443 = arith.constant 0 : i32
      %dma_start3A_444 = tpu.memref_slice %arg11[%dma_start3A_441, %dma_start3A_443] : memref<16x128xf32, #tpu.memory_space<vmem>> -> memref<1x128xf32, #tpu.memory_space<vmem>>
      %dma_start3A_445 = tpu.memref_squeeze %dma_start3A_444 : memref<1x128xf32, #tpu.memory_space<vmem>> -> memref<128xf32, #tpu.memory_space<vmem>>
      %dma_start3A_446 = arith.constant 0 : i32
      %dma_start3A_447 = tpu.memref_slice %arg10[%select_n3A_70, %dma_start3A_442, %dma_start3A_446] : memref<2x16x128xi32, #tpu.memory_space<vmem>> -> memref<1x1x128xi32, #tpu.memory_space<vmem>>
      %dma_start3A_448 = tpu.memref_squeeze %dma_start3A_447 : memref<1x1x128xi32, #tpu.memory_space<vmem>> -> memref<128xi32, #tpu.memory_space<vmem>>
      %dma_start3A_449 = arith.constant 0 : i32
      %dma_start3A_450 = tpu.memref_slice %arg8[%dma_start3A_449] : memref<102400xf32, #tpu.memory_space<vmem_shared>> -> memref<102400xf32, #tpu.memory_space<vmem_shared>>
      tpu.enqueue_indirect_dma source(%dma_start3A_445 : memref<128xf32, #tpu.memory_space<vmem>>) target(%dma_start3A_450 : memref<102400xf32, #tpu.memory_space<vmem_shared>>) offsets(%dma_start3A_448 : memref<128xi32, #tpu.memory_space<vmem>>) semaphore(%arg14 : memref<!tpu.dma_semaphore, #tpu.memory_space<semaphore_mem>>) {add = true}
      %dma_wait3A_451 = arith.constant 6 : i32
      %dma_wait3A_452 = arith.constant 6 : i32
      %dma_wait3A_453 = arith.constant 6 : i32
      %dma_wait3A_454 = arith.constant 0 : i32
      %dma_wait3A_455 = tpu.memref_slice %arg11[%dma_wait3A_452, %dma_wait3A_454] : memref<16x128xf32, #tpu.memory_space<vmem>> -> memref<1x128xf32, #tpu.memory_space<vmem>>
      %dma_wait3A_456 = tpu.memref_squeeze %dma_wait3A_455 : memref<1x128xf32, #tpu.memory_space<vmem>> -> memref<128xf32, #tpu.memory_space<vmem>>
      %dma_wait3A_457 = arith.constant 0 : i32
      %dma_wait3A_458 = tpu.memref_slice %arg9[%select_n3A_70, %dma_wait3A_451, %dma_wait3A_457] : memref<2x16x128xi32, #tpu.memory_space<vmem>> -> memref<1x1x128xi32, #tpu.memory_space<vmem>>
      %dma_wait3A_459 = tpu.memref_squeeze %dma_wait3A_458 : memref<1x1x128xi32, #tpu.memory_space<vmem>> -> memref<128xi32, #tpu.memory_space<vmem>>
      %dma_wait3A_460 = arith.constant 0 : i32
      %dma_wait3A_461 = tpu.memref_slice %arg7[%dma_wait3A_460] : memref<102400xf32, #tpu.memory_space<vmem_shared>> -> memref<102400xf32, #tpu.memory_space<vmem_shared>>
      %dma_wait3A_462 = tpu.memref_slice %arg13[%dma_wait3A_453] : memref<16x!tpu.dma_semaphore, #tpu.memory_space<semaphore_mem>> -> memref<1x!tpu.dma_semaphore, #tpu.memory_space<semaphore_mem>>
      %dma_wait3A_463 = tpu.memref_squeeze %dma_wait3A_462 : memref<1x!tpu.dma_semaphore, #tpu.memory_space<semaphore_mem>> -> memref<!tpu.dma_semaphore, #tpu.memory_space<semaphore_mem>>
      tpu.wait_indirect_dma semaphore(%dma_wait3A_463 : memref<!tpu.dma_semaphore, #tpu.memory_space<semaphore_mem>>) src(%dma_wait3A_461 : memref<102400xf32, #tpu.memory_space<vmem_shared>>) dst(%dma_wait3A_456 : memref<128xf32, #tpu.memory_space<vmem>>)
      %dma_start3A_464 = arith.constant 6 : i32
      %dma_start3A_465 = arith.constant 6 : i32
      %dma_start3A_466 = arith.constant 0 : i32
      %dma_start3A_467 = tpu.memref_slice %arg11[%dma_start3A_464, %dma_start3A_466] : memref<16x128xf32, #tpu.memory_space<vmem>> -> memref<1x128xf32, #tpu.memory_space<vmem>>
      %dma_start3A_468 = tpu.memref_squeeze %dma_start3A_467 : memref<1x128xf32, #tpu.memory_space<vmem>> -> memref<128xf32, #tpu.memory_space<vmem>>
      %dma_start3A_469 = arith.constant 0 : i32
      %dma_start3A_470 = tpu.memref_slice %arg10[%select_n3A_70, %dma_start3A_465, %dma_start3A_469] : memref<2x16x128xi32, #tpu.memory_space<vmem>> -> memref<1x1x128xi32, #tpu.memory_space<vmem>>
      %dma_start3A_471 = tpu.memref_squeeze %dma_start3A_470 : memref<1x1x128xi32, #tpu.memory_space<vmem>> -> memref<128xi32, #tpu.memory_space<vmem>>
      %dma_start3A_472 = arith.constant 0 : i32
      %dma_start3A_473 = tpu.memref_slice %arg8[%dma_start3A_472] : memref<102400xf32, #tpu.memory_space<vmem_shared>> -> memref<102400xf32, #tpu.memory_space<vmem_shared>>
      tpu.enqueue_indirect_dma source(%dma_start3A_468 : memref<128xf32, #tpu.memory_space<vmem>>) target(%dma_start3A_473 : memref<102400xf32, #tpu.memory_space<vmem_shared>>) offsets(%dma_start3A_471 : memref<128xi32, #tpu.memory_space<vmem>>) semaphore(%arg14 : memref<!tpu.dma_semaphore, #tpu.memory_space<semaphore_mem>>) {add = true}
      %dma_wait3A_474 = arith.constant 7 : i32
      %dma_wait3A_475 = arith.constant 7 : i32
      %dma_wait3A_476 = arith.constant 7 : i32
      %dma_wait3A_477 = arith.constant 0 : i32
      %dma_wait3A_478 = tpu.memref_slice %arg11[%dma_wait3A_475, %dma_wait3A_477] : memref<16x128xf32, #tpu.memory_space<vmem>> -> memref<1x128xf32, #tpu.memory_space<vmem>>
      %dma_wait3A_479 = tpu.memref_squeeze %dma_wait3A_478 : memref<1x128xf32, #tpu.memory_space<vmem>> -> memref<128xf32, #tpu.memory_space<vmem>>
      %dma_wait3A_480 = arith.constant 0 : i32
      %dma_wait3A_481 = tpu.memref_slice %arg9[%select_n3A_70, %dma_wait3A_474, %dma_wait3A_480] : memref<2x16x128xi32, #tpu.memory_space<vmem>> -> memref<1x1x128xi32, #tpu.memory_space<vmem>>
      %dma_wait3A_482 = tpu.memref_squeeze %dma_wait3A_481 : memref<1x1x128xi32, #tpu.memory_space<vmem>> -> memref<128xi32, #tpu.memory_space<vmem>>
      %dma_wait3A_483 = arith.constant 0 : i32
      %dma_wait3A_484 = tpu.memref_slice %arg7[%dma_wait3A_483] : memref<102400xf32, #tpu.memory_space<vmem_shared>> -> memref<102400xf32, #tpu.memory_space<vmem_shared>>
      %dma_wait3A_485 = tpu.memref_slice %arg13[%dma_wait3A_476] : memref<16x!tpu.dma_semaphore, #tpu.memory_space<semaphore_mem>> -> memref<1x!tpu.dma_semaphore, #tpu.memory_space<semaphore_mem>>
      %dma_wait3A_486 = tpu.memref_squeeze %dma_wait3A_485 : memref<1x!tpu.dma_semaphore, #tpu.memory_space<semaphore_mem>> -> memref<!tpu.dma_semaphore, #tpu.memory_space<semaphore_mem>>
      tpu.wait_indirect_dma semaphore(%dma_wait3A_486 : memref<!tpu.dma_semaphore, #tpu.memory_space<semaphore_mem>>) src(%dma_wait3A_484 : memref<102400xf32, #tpu.memory_space<vmem_shared>>) dst(%dma_wait3A_479 : memref<128xf32, #tpu.memory_space<vmem>>)
      %dma_start3A_487 = arith.constant 7 : i32
      %dma_start3A_488 = arith.constant 7 : i32
      %dma_start3A_489 = arith.constant 0 : i32
      %dma_start3A_490 = tpu.memref_slice %arg11[%dma_start3A_487, %dma_start3A_489] : memref<16x128xf32, #tpu.memory_space<vmem>> -> memref<1x128xf32, #tpu.memory_space<vmem>>
      %dma_start3A_491 = tpu.memref_squeeze %dma_start3A_490 : memref<1x128xf32, #tpu.memory_space<vmem>> -> memref<128xf32, #tpu.memory_space<vmem>>
      %dma_start3A_492 = arith.constant 0 : i32
      %dma_start3A_493 = tpu.memref_slice %arg10[%select_n3A_70, %dma_start3A_488, %dma_start3A_492] : memref<2x16x128xi32, #tpu.memory_space<vmem>> -> memref<1x1x128xi32, #tpu.memory_space<vmem>>
      %dma_start3A_494 = tpu.memref_squeeze %dma_start3A_493 : memref<1x1x128xi32, #tpu.memory_space<vmem>> -> memref<128xi32, #tpu.memory_space<vmem>>
      %dma_start3A_495 = arith.constant 0 : i32
      %dma_start3A_496 = tpu.memref_slice %arg8[%dma_start3A_495] : memref<102400xf32, #tpu.memory_space<vmem_shared>> -> memref<102400xf32, #tpu.memory_space<vmem_shared>>
      tpu.enqueue_indirect_dma source(%dma_start3A_491 : memref<128xf32, #tpu.memory_space<vmem>>) target(%dma_start3A_496 : memref<102400xf32, #tpu.memory_space<vmem_shared>>) offsets(%dma_start3A_494 : memref<128xi32, #tpu.memory_space<vmem>>) semaphore(%arg14 : memref<!tpu.dma_semaphore, #tpu.memory_space<semaphore_mem>>) {add = true}
      %dma_wait3A_497 = arith.constant 8 : i32
      %dma_wait3A_498 = arith.constant 8 : i32
      %dma_wait3A_499 = arith.constant 8 : i32
      %dma_wait3A_500 = arith.constant 0 : i32
      %dma_wait3A_501 = tpu.memref_slice %arg11[%dma_wait3A_498, %dma_wait3A_500] : memref<16x128xf32, #tpu.memory_space<vmem>> -> memref<1x128xf32, #tpu.memory_space<vmem>>
      %dma_wait3A_502 = tpu.memref_squeeze %dma_wait3A_501 : memref<1x128xf32, #tpu.memory_space<vmem>> -> memref<128xf32, #tpu.memory_space<vmem>>
      %dma_wait3A_503 = arith.constant 0 : i32
      %dma_wait3A_504 = tpu.memref_slice %arg9[%select_n3A_70, %dma_wait3A_497, %dma_wait3A_503] : memref<2x16x128xi32, #tpu.memory_space<vmem>> -> memref<1x1x128xi32, #tpu.memory_space<vmem>>
      %dma_wait3A_505 = tpu.memref_squeeze %dma_wait3A_504 : memref<1x1x128xi32, #tpu.memory_space<vmem>> -> memref<128xi32, #tpu.memory_space<vmem>>
      %dma_wait3A_506 = arith.constant 0 : i32
      %dma_wait3A_507 = tpu.memref_slice %arg7[%dma_wait3A_506] : memref<102400xf32, #tpu.memory_space<vmem_shared>> -> memref<102400xf32, #tpu.memory_space<vmem_shared>>
      %dma_wait3A_508 = tpu.memref_slice %arg13[%dma_wait3A_499] : memref<16x!tpu.dma_semaphore, #tpu.memory_space<semaphore_mem>> -> memref<1x!tpu.dma_semaphore, #tpu.memory_space<semaphore_mem>>
      %dma_wait3A_509 = tpu.memref_squeeze %dma_wait3A_508 : memref<1x!tpu.dma_semaphore, #tpu.memory_space<semaphore_mem>> -> memref<!tpu.dma_semaphore, #tpu.memory_space<semaphore_mem>>
      tpu.wait_indirect_dma semaphore(%dma_wait3A_509 : memref<!tpu.dma_semaphore, #tpu.memory_space<semaphore_mem>>) src(%dma_wait3A_507 : memref<102400xf32, #tpu.memory_space<vmem_shared>>) dst(%dma_wait3A_502 : memref<128xf32, #tpu.memory_space<vmem>>)
      %dma_start3A_510 = arith.constant 8 : i32
      %dma_start3A_511 = arith.constant 8 : i32
      %dma_start3A_512 = arith.constant 0 : i32
      %dma_start3A_513 = tpu.memref_slice %arg11[%dma_start3A_510, %dma_start3A_512] : memref<16x128xf32, #tpu.memory_space<vmem>> -> memref<1x128xf32, #tpu.memory_space<vmem>>
      %dma_start3A_514 = tpu.memref_squeeze %dma_start3A_513 : memref<1x128xf32, #tpu.memory_space<vmem>> -> memref<128xf32, #tpu.memory_space<vmem>>
      %dma_start3A_515 = arith.constant 0 : i32
      %dma_start3A_516 = tpu.memref_slice %arg10[%select_n3A_70, %dma_start3A_511, %dma_start3A_515] : memref<2x16x128xi32, #tpu.memory_space<vmem>> -> memref<1x1x128xi32, #tpu.memory_space<vmem>>
      %dma_start3A_517 = tpu.memref_squeeze %dma_start3A_516 : memref<1x1x128xi32, #tpu.memory_space<vmem>> -> memref<128xi32, #tpu.memory_space<vmem>>
      %dma_start3A_518 = arith.constant 0 : i32
      %dma_start3A_519 = tpu.memref_slice %arg8[%dma_start3A_518] : memref<102400xf32, #tpu.memory_space<vmem_shared>> -> memref<102400xf32, #tpu.memory_space<vmem_shared>>
      tpu.enqueue_indirect_dma source(%dma_start3A_514 : memref<128xf32, #tpu.memory_space<vmem>>) target(%dma_start3A_519 : memref<102400xf32, #tpu.memory_space<vmem_shared>>) offsets(%dma_start3A_517 : memref<128xi32, #tpu.memory_space<vmem>>) semaphore(%arg14 : memref<!tpu.dma_semaphore, #tpu.memory_space<semaphore_mem>>) {add = true}
      %dma_wait3A_520 = arith.constant 9 : i32
      %dma_wait3A_521 = arith.constant 9 : i32
      %dma_wait3A_522 = arith.constant 9 : i32
      %dma_wait3A_523 = arith.constant 0 : i32
      %dma_wait3A_524 = tpu.memref_slice %arg11[%dma_wait3A_521, %dma_wait3A_523] : memref<16x128xf32, #tpu.memory_space<vmem>> -> memref<1x128xf32, #tpu.memory_space<vmem>>
      %dma_wait3A_525 = tpu.memref_squeeze %dma_wait3A_524 : memref<1x128xf32, #tpu.memory_space<vmem>> -> memref<128xf32, #tpu.memory_space<vmem>>
      %dma_wait3A_526 = arith.constant 0 : i32
      %dma_wait3A_527 = tpu.memref_slice %arg9[%select_n3A_70, %dma_wait3A_520, %dma_wait3A_526] : memref<2x16x128xi32, #tpu.memory_space<vmem>> -> memref<1x1x128xi32, #tpu.memory_space<vmem>>
      %dma_wait3A_528 = tpu.memref_squeeze %dma_wait3A_527 : memref<1x1x128xi32, #tpu.memory_space<vmem>> -> memref<128xi32, #tpu.memory_space<vmem>>
      %dma_wait3A_529 = arith.constant 0 : i32
      %dma_wait3A_530 = tpu.memref_slice %arg7[%dma_wait3A_529] : memref<102400xf32, #tpu.memory_space<vmem_shared>> -> memref<102400xf32, #tpu.memory_space<vmem_shared>>
      %dma_wait3A_531 = tpu.memref_slice %arg13[%dma_wait3A_522] : memref<16x!tpu.dma_semaphore, #tpu.memory_space<semaphore_mem>> -> memref<1x!tpu.dma_semaphore, #tpu.memory_space<semaphore_mem>>
      %dma_wait3A_532 = tpu.memref_squeeze %dma_wait3A_531 : memref<1x!tpu.dma_semaphore, #tpu.memory_space<semaphore_mem>> -> memref<!tpu.dma_semaphore, #tpu.memory_space<semaphore_mem>>
      tpu.wait_indirect_dma semaphore(%dma_wait3A_532 : memref<!tpu.dma_semaphore, #tpu.memory_space<semaphore_mem>>) src(%dma_wait3A_530 : memref<102400xf32, #tpu.memory_space<vmem_shared>>) dst(%dma_wait3A_525 : memref<128xf32, #tpu.memory_space<vmem>>)
      %dma_start3A_533 = arith.constant 9 : i32
      %dma_start3A_534 = arith.constant 9 : i32
      %dma_start3A_535 = arith.constant 0 : i32
      %dma_start3A_536 = tpu.memref_slice %arg11[%dma_start3A_533, %dma_start3A_535] : memref<16x128xf32, #tpu.memory_space<vmem>> -> memref<1x128xf32, #tpu.memory_space<vmem>>
      %dma_start3A_537 = tpu.memref_squeeze %dma_start3A_536 : memref<1x128xf32, #tpu.memory_space<vmem>> -> memref<128xf32, #tpu.memory_space<vmem>>
      %dma_start3A_538 = arith.constant 0 : i32
      %dma_start3A_539 = tpu.memref_slice %arg10[%select_n3A_70, %dma_start3A_534, %dma_start3A_538] : memref<2x16x128xi32, #tpu.memory_space<vmem>> -> memref<1x1x128xi32, #tpu.memory_space<vmem>>
      %dma_start3A_540 = tpu.memref_squeeze %dma_start3A_539 : memref<1x1x128xi32, #tpu.memory_space<vmem>> -> memref<128xi32, #tpu.memory_space<vmem>>
      %dma_start3A_541 = arith.constant 0 : i32
      %dma_start3A_542 = tpu.memref_slice %arg8[%dma_start3A_541] : memref<102400xf32, #tpu.memory_space<vmem_shared>> -> memref<102400xf32, #tpu.memory_space<vmem_shared>>
      tpu.enqueue_indirect_dma source(%dma_start3A_537 : memref<128xf32, #tpu.memory_space<vmem>>) target(%dma_start3A_542 : memref<102400xf32, #tpu.memory_space<vmem_shared>>) offsets(%dma_start3A_540 : memref<128xi32, #tpu.memory_space<vmem>>) semaphore(%arg14 : memref<!tpu.dma_semaphore, #tpu.memory_space<semaphore_mem>>) {add = true}
      %dma_wait3A_543 = arith.constant 10 : i32
      %dma_wait3A_544 = arith.constant 10 : i32
      %dma_wait3A_545 = arith.constant 10 : i32
      %dma_wait3A_546 = arith.constant 0 : i32
      %dma_wait3A_547 = tpu.memref_slice %arg11[%dma_wait3A_544, %dma_wait3A_546] : memref<16x128xf32, #tpu.memory_space<vmem>> -> memref<1x128xf32, #tpu.memory_space<vmem>>
      %dma_wait3A_548 = tpu.memref_squeeze %dma_wait3A_547 : memref<1x128xf32, #tpu.memory_space<vmem>> -> memref<128xf32, #tpu.memory_space<vmem>>
      %dma_wait3A_549 = arith.constant 0 : i32
      %dma_wait3A_550 = tpu.memref_slice %arg9[%select_n3A_70, %dma_wait3A_543, %dma_wait3A_549] : memref<2x16x128xi32, #tpu.memory_space<vmem>> -> memref<1x1x128xi32, #tpu.memory_space<vmem>>
      %dma_wait3A_551 = tpu.memref_squeeze %dma_wait3A_550 : memref<1x1x128xi32, #tpu.memory_space<vmem>> -> memref<128xi32, #tpu.memory_space<vmem>>
      %dma_wait3A_552 = arith.constant 0 : i32
      %dma_wait3A_553 = tpu.memref_slice %arg7[%dma_wait3A_552] : memref<102400xf32, #tpu.memory_space<vmem_shared>> -> memref<102400xf32, #tpu.memory_space<vmem_shared>>
      %dma_wait3A_554 = tpu.memref_slice %arg13[%dma_wait3A_545] : memref<16x!tpu.dma_semaphore, #tpu.memory_space<semaphore_mem>> -> memref<1x!tpu.dma_semaphore, #tpu.memory_space<semaphore_mem>>
      %dma_wait3A_555 = tpu.memref_squeeze %dma_wait3A_554 : memref<1x!tpu.dma_semaphore, #tpu.memory_space<semaphore_mem>> -> memref<!tpu.dma_semaphore, #tpu.memory_space<semaphore_mem>>
      tpu.wait_indirect_dma semaphore(%dma_wait3A_555 : memref<!tpu.dma_semaphore, #tpu.memory_space<semaphore_mem>>) src(%dma_wait3A_553 : memref<102400xf32, #tpu.memory_space<vmem_shared>>) dst(%dma_wait3A_548 : memref<128xf32, #tpu.memory_space<vmem>>)
      %dma_start3A_556 = arith.constant 10 : i32
      %dma_start3A_557 = arith.constant 10 : i32
      %dma_start3A_558 = arith.constant 0 : i32
      %dma_start3A_559 = tpu.memref_slice %arg11[%dma_start3A_556, %dma_start3A_558] : memref<16x128xf32, #tpu.memory_space<vmem>> -> memref<1x128xf32, #tpu.memory_space<vmem>>
      %dma_start3A_560 = tpu.memref_squeeze %dma_start3A_559 : memref<1x128xf32, #tpu.memory_space<vmem>> -> memref<128xf32, #tpu.memory_space<vmem>>
      %dma_start3A_561 = arith.constant 0 : i32
      %dma_start3A_562 = tpu.memref_slice %arg10[%select_n3A_70, %dma_start3A_557, %dma_start3A_561] : memref<2x16x128xi32, #tpu.memory_space<vmem>> -> memref<1x1x128xi32, #tpu.memory_space<vmem>>
      %dma_start3A_563 = tpu.memref_squeeze %dma_start3A_562 : memref<1x1x128xi32, #tpu.memory_space<vmem>> -> memref<128xi32, #tpu.memory_space<vmem>>
      %dma_start3A_564 = arith.constant 0 : i32
      %dma_start3A_565 = tpu.memref_slice %arg8[%dma_start3A_564] : memref<102400xf32, #tpu.memory_space<vmem_shared>> -> memref<102400xf32, #tpu.memory_space<vmem_shared>>
      tpu.enqueue_indirect_dma source(%dma_start3A_560 : memref<128xf32, #tpu.memory_space<vmem>>) target(%dma_start3A_565 : memref<102400xf32, #tpu.memory_space<vmem_shared>>) offsets(%dma_start3A_563 : memref<128xi32, #tpu.memory_space<vmem>>) semaphore(%arg14 : memref<!tpu.dma_semaphore, #tpu.memory_space<semaphore_mem>>) {add = true}
      %dma_wait3A_566 = arith.constant 11 : i32
      %dma_wait3A_567 = arith.constant 11 : i32
      %dma_wait3A_568 = arith.constant 11 : i32
      %dma_wait3A_569 = arith.constant 0 : i32
      %dma_wait3A_570 = tpu.memref_slice %arg11[%dma_wait3A_567, %dma_wait3A_569] : memref<16x128xf32, #tpu.memory_space<vmem>> -> memref<1x128xf32, #tpu.memory_space<vmem>>
      %dma_wait3A_571 = tpu.memref_squeeze %dma_wait3A_570 : memref<1x128xf32, #tpu.memory_space<vmem>> -> memref<128xf32, #tpu.memory_space<vmem>>
      %dma_wait3A_572 = arith.constant 0 : i32
      %dma_wait3A_573 = tpu.memref_slice %arg9[%select_n3A_70, %dma_wait3A_566, %dma_wait3A_572] : memref<2x16x128xi32, #tpu.memory_space<vmem>> -> memref<1x1x128xi32, #tpu.memory_space<vmem>>
      %dma_wait3A_574 = tpu.memref_squeeze %dma_wait3A_573 : memref<1x1x128xi32, #tpu.memory_space<vmem>> -> memref<128xi32, #tpu.memory_space<vmem>>
      %dma_wait3A_575 = arith.constant 0 : i32
      %dma_wait3A_576 = tpu.memref_slice %arg7[%dma_wait3A_575] : memref<102400xf32, #tpu.memory_space<vmem_shared>> -> memref<102400xf32, #tpu.memory_space<vmem_shared>>
      %dma_wait3A_577 = tpu.memref_slice %arg13[%dma_wait3A_568] : memref<16x!tpu.dma_semaphore, #tpu.memory_space<semaphore_mem>> -> memref<1x!tpu.dma_semaphore, #tpu.memory_space<semaphore_mem>>
      %dma_wait3A_578 = tpu.memref_squeeze %dma_wait3A_577 : memref<1x!tpu.dma_semaphore, #tpu.memory_space<semaphore_mem>> -> memref<!tpu.dma_semaphore, #tpu.memory_space<semaphore_mem>>
      tpu.wait_indirect_dma semaphore(%dma_wait3A_578 : memref<!tpu.dma_semaphore, #tpu.memory_space<semaphore_mem>>) src(%dma_wait3A_576 : memref<102400xf32, #tpu.memory_space<vmem_shared>>) dst(%dma_wait3A_571 : memref<128xf32, #tpu.memory_space<vmem>>)
      %dma_start3A_579 = arith.constant 11 : i32
      %dma_start3A_580 = arith.constant 11 : i32
      %dma_start3A_581 = arith.constant 0 : i32
      %dma_start3A_582 = tpu.memref_slice %arg11[%dma_start3A_579, %dma_start3A_581] : memref<16x128xf32, #tpu.memory_space<vmem>> -> memref<1x128xf32, #tpu.memory_space<vmem>>
      %dma_start3A_583 = tpu.memref_squeeze %dma_start3A_582 : memref<1x128xf32, #tpu.memory_space<vmem>> -> memref<128xf32, #tpu.memory_space<vmem>>
      %dma_start3A_584 = arith.constant 0 : i32
      %dma_start3A_585 = tpu.memref_slice %arg10[%select_n3A_70, %dma_start3A_580, %dma_start3A_584] : memref<2x16x128xi32, #tpu.memory_space<vmem>> -> memref<1x1x128xi32, #tpu.memory_space<vmem>>
      %dma_start3A_586 = tpu.memref_squeeze %dma_start3A_585 : memref<1x1x128xi32, #tpu.memory_space<vmem>> -> memref<128xi32, #tpu.memory_space<vmem>>
      %dma_start3A_587 = arith.constant 0 : i32
      %dma_start3A_588 = tpu.memref_slice %arg8[%dma_start3A_587] : memref<102400xf32, #tpu.memory_space<vmem_shared>> -> memref<102400xf32, #tpu.memory_space<vmem_shared>>
      tpu.enqueue_indirect_dma source(%dma_start3A_583 : memref<128xf32, #tpu.memory_space<vmem>>) target(%dma_start3A_588 : memref<102400xf32, #tpu.memory_space<vmem_shared>>) offsets(%dma_start3A_586 : memref<128xi32, #tpu.memory_space<vmem>>) semaphore(%arg14 : memref<!tpu.dma_semaphore, #tpu.memory_space<semaphore_mem>>) {add = true}
      %dma_wait3A_589 = arith.constant 12 : i32
      %dma_wait3A_590 = arith.constant 12 : i32
      %dma_wait3A_591 = arith.constant 12 : i32
      %dma_wait3A_592 = arith.constant 0 : i32
      %dma_wait3A_593 = tpu.memref_slice %arg11[%dma_wait3A_590, %dma_wait3A_592] : memref<16x128xf32, #tpu.memory_space<vmem>> -> memref<1x128xf32, #tpu.memory_space<vmem>>
      %dma_wait3A_594 = tpu.memref_squeeze %dma_wait3A_593 : memref<1x128xf32, #tpu.memory_space<vmem>> -> memref<128xf32, #tpu.memory_space<vmem>>
      %dma_wait3A_595 = arith.constant 0 : i32
      %dma_wait3A_596 = tpu.memref_slice %arg9[%select_n3A_70, %dma_wait3A_589, %dma_wait3A_595] : memref<2x16x128xi32, #tpu.memory_space<vmem>> -> memref<1x1x128xi32, #tpu.memory_space<vmem>>
      %dma_wait3A_597 = tpu.memref_squeeze %dma_wait3A_596 : memref<1x1x128xi32, #tpu.memory_space<vmem>> -> memref<128xi32, #tpu.memory_space<vmem>>
      %dma_wait3A_598 = arith.constant 0 : i32
      %dma_wait3A_599 = tpu.memref_slice %arg7[%dma_wait3A_598] : memref<102400xf32, #tpu.memory_space<vmem_shared>> -> memref<102400xf32, #tpu.memory_space<vmem_shared>>
      %dma_wait3A_600 = tpu.memref_slice %arg13[%dma_wait3A_591] : memref<16x!tpu.dma_semaphore, #tpu.memory_space<semaphore_mem>> -> memref<1x!tpu.dma_semaphore, #tpu.memory_space<semaphore_mem>>
      %dma_wait3A_601 = tpu.memref_squeeze %dma_wait3A_600 : memref<1x!tpu.dma_semaphore, #tpu.memory_space<semaphore_mem>> -> memref<!tpu.dma_semaphore, #tpu.memory_space<semaphore_mem>>
      tpu.wait_indirect_dma semaphore(%dma_wait3A_601 : memref<!tpu.dma_semaphore, #tpu.memory_space<semaphore_mem>>) src(%dma_wait3A_599 : memref<102400xf32, #tpu.memory_space<vmem_shared>>) dst(%dma_wait3A_594 : memref<128xf32, #tpu.memory_space<vmem>>)
      %dma_start3A_602 = arith.constant 12 : i32
      %dma_start3A_603 = arith.constant 12 : i32
      %dma_start3A_604 = arith.constant 0 : i32
      %dma_start3A_605 = tpu.memref_slice %arg11[%dma_start3A_602, %dma_start3A_604] : memref<16x128xf32, #tpu.memory_space<vmem>> -> memref<1x128xf32, #tpu.memory_space<vmem>>
      %dma_start3A_606 = tpu.memref_squeeze %dma_start3A_605 : memref<1x128xf32, #tpu.memory_space<vmem>> -> memref<128xf32, #tpu.memory_space<vmem>>
      %dma_start3A_607 = arith.constant 0 : i32
      %dma_start3A_608 = tpu.memref_slice %arg10[%select_n3A_70, %dma_start3A_603, %dma_start3A_607] : memref<2x16x128xi32, #tpu.memory_space<vmem>> -> memref<1x1x128xi32, #tpu.memory_space<vmem>>
      %dma_start3A_609 = tpu.memref_squeeze %dma_start3A_608 : memref<1x1x128xi32, #tpu.memory_space<vmem>> -> memref<128xi32, #tpu.memory_space<vmem>>
      %dma_start3A_610 = arith.constant 0 : i32
      %dma_start3A_611 = tpu.memref_slice %arg8[%dma_start3A_610] : memref<102400xf32, #tpu.memory_space<vmem_shared>> -> memref<102400xf32, #tpu.memory_space<vmem_shared>>
      tpu.enqueue_indirect_dma source(%dma_start3A_606 : memref<128xf32, #tpu.memory_space<vmem>>) target(%dma_start3A_611 : memref<102400xf32, #tpu.memory_space<vmem_shared>>) offsets(%dma_start3A_609 : memref<128xi32, #tpu.memory_space<vmem>>) semaphore(%arg14 : memref<!tpu.dma_semaphore, #tpu.memory_space<semaphore_mem>>) {add = true}
      %dma_wait3A_612 = arith.constant 13 : i32
      %dma_wait3A_613 = arith.constant 13 : i32
      %dma_wait3A_614 = arith.constant 13 : i32
      %dma_wait3A_615 = arith.constant 0 : i32
      %dma_wait3A_616 = tpu.memref_slice %arg11[%dma_wait3A_613, %dma_wait3A_615] : memref<16x128xf32, #tpu.memory_space<vmem>> -> memref<1x128xf32, #tpu.memory_space<vmem>>
      %dma_wait3A_617 = tpu.memref_squeeze %dma_wait3A_616 : memref<1x128xf32, #tpu.memory_space<vmem>> -> memref<128xf32, #tpu.memory_space<vmem>>
      %dma_wait3A_618 = arith.constant 0 : i32
      %dma_wait3A_619 = tpu.memref_slice %arg9[%select_n3A_70, %dma_wait3A_612, %dma_wait3A_618] : memref<2x16x128xi32, #tpu.memory_space<vmem>> -> memref<1x1x128xi32, #tpu.memory_space<vmem>>
      %dma_wait3A_620 = tpu.memref_squeeze %dma_wait3A_619 : memref<1x1x128xi32, #tpu.memory_space<vmem>> -> memref<128xi32, #tpu.memory_space<vmem>>
      %dma_wait3A_621 = arith.constant 0 : i32
      %dma_wait3A_622 = tpu.memref_slice %arg7[%dma_wait3A_621] : memref<102400xf32, #tpu.memory_space<vmem_shared>> -> memref<102400xf32, #tpu.memory_space<vmem_shared>>
      %dma_wait3A_623 = tpu.memref_slice %arg13[%dma_wait3A_614] : memref<16x!tpu.dma_semaphore, #tpu.memory_space<semaphore_mem>> -> memref<1x!tpu.dma_semaphore, #tpu.memory_space<semaphore_mem>>
      %dma_wait3A_624 = tpu.memref_squeeze %dma_wait3A_623 : memref<1x!tpu.dma_semaphore, #tpu.memory_space<semaphore_mem>> -> memref<!tpu.dma_semaphore, #tpu.memory_space<semaphore_mem>>
      tpu.wait_indirect_dma semaphore(%dma_wait3A_624 : memref<!tpu.dma_semaphore, #tpu.memory_space<semaphore_mem>>) src(%dma_wait3A_622 : memref<102400xf32, #tpu.memory_space<vmem_shared>>) dst(%dma_wait3A_617 : memref<128xf32, #tpu.memory_space<vmem>>)
      %dma_start3A_625 = arith.constant 13 : i32
      %dma_start3A_626 = arith.constant 13 : i32
      %dma_start3A_627 = arith.constant 0 : i32
      %dma_start3A_628 = tpu.memref_slice %arg11[%dma_start3A_625, %dma_start3A_627] : memref<16x128xf32, #tpu.memory_space<vmem>> -> memref<1x128xf32, #tpu.memory_space<vmem>>
      %dma_start3A_629 = tpu.memref_squeeze %dma_start3A_628 : memref<1x128xf32, #tpu.memory_space<vmem>> -> memref<128xf32, #tpu.memory_space<vmem>>
      %dma_start3A_630 = arith.constant 0 : i32
      %dma_start3A_631 = tpu.memref_slice %arg10[%select_n3A_70, %dma_start3A_626, %dma_start3A_630] : memref<2x16x128xi32, #tpu.memory_space<vmem>> -> memref<1x1x128xi32, #tpu.memory_space<vmem>>
      %dma_start3A_632 = tpu.memref_squeeze %dma_start3A_631 : memref<1x1x128xi32, #tpu.memory_space<vmem>> -> memref<128xi32, #tpu.memory_space<vmem>>
      %dma_start3A_633 = arith.constant 0 : i32
      %dma_start3A_634 = tpu.memref_slice %arg8[%dma_start3A_633] : memref<102400xf32, #tpu.memory_space<vmem_shared>> -> memref<102400xf32, #tpu.memory_space<vmem_shared>>
      tpu.enqueue_indirect_dma source(%dma_start3A_629 : memref<128xf32, #tpu.memory_space<vmem>>) target(%dma_start3A_634 : memref<102400xf32, #tpu.memory_space<vmem_shared>>) offsets(%dma_start3A_632 : memref<128xi32, #tpu.memory_space<vmem>>) semaphore(%arg14 : memref<!tpu.dma_semaphore, #tpu.memory_space<semaphore_mem>>) {add = true}
      %dma_wait3A_635 = arith.constant 14 : i32
      %dma_wait3A_636 = arith.constant 14 : i32
      %dma_wait3A_637 = arith.constant 14 : i32
      %dma_wait3A_638 = arith.constant 0 : i32
      %dma_wait3A_639 = tpu.memref_slice %arg11[%dma_wait3A_636, %dma_wait3A_638] : memref<16x128xf32, #tpu.memory_space<vmem>> -> memref<1x128xf32, #tpu.memory_space<vmem>>
      %dma_wait3A_640 = tpu.memref_squeeze %dma_wait3A_639 : memref<1x128xf32, #tpu.memory_space<vmem>> -> memref<128xf32, #tpu.memory_space<vmem>>
      %dma_wait3A_641 = arith.constant 0 : i32
      %dma_wait3A_642 = tpu.memref_slice %arg9[%select_n3A_70, %dma_wait3A_635, %dma_wait3A_641] : memref<2x16x128xi32, #tpu.memory_space<vmem>> -> memref<1x1x128xi32, #tpu.memory_space<vmem>>
      %dma_wait3A_643 = tpu.memref_squeeze %dma_wait3A_642 : memref<1x1x128xi32, #tpu.memory_space<vmem>> -> memref<128xi32, #tpu.memory_space<vmem>>
      %dma_wait3A_644 = arith.constant 0 : i32
      %dma_wait3A_645 = tpu.memref_slice %arg7[%dma_wait3A_644] : memref<102400xf32, #tpu.memory_space<vmem_shared>> -> memref<102400xf32, #tpu.memory_space<vmem_shared>>
      %dma_wait3A_646 = tpu.memref_slice %arg13[%dma_wait3A_637] : memref<16x!tpu.dma_semaphore, #tpu.memory_space<semaphore_mem>> -> memref<1x!tpu.dma_semaphore, #tpu.memory_space<semaphore_mem>>
      %dma_wait3A_647 = tpu.memref_squeeze %dma_wait3A_646 : memref<1x!tpu.dma_semaphore, #tpu.memory_space<semaphore_mem>> -> memref<!tpu.dma_semaphore, #tpu.memory_space<semaphore_mem>>
      tpu.wait_indirect_dma semaphore(%dma_wait3A_647 : memref<!tpu.dma_semaphore, #tpu.memory_space<semaphore_mem>>) src(%dma_wait3A_645 : memref<102400xf32, #tpu.memory_space<vmem_shared>>) dst(%dma_wait3A_640 : memref<128xf32, #tpu.memory_space<vmem>>)
      %dma_start3A_648 = arith.constant 14 : i32
      %dma_start3A_649 = arith.constant 14 : i32
      %dma_start3A_650 = arith.constant 0 : i32
      %dma_start3A_651 = tpu.memref_slice %arg11[%dma_start3A_648, %dma_start3A_650] : memref<16x128xf32, #tpu.memory_space<vmem>> -> memref<1x128xf32, #tpu.memory_space<vmem>>
      %dma_start3A_652 = tpu.memref_squeeze %dma_start3A_651 : memref<1x128xf32, #tpu.memory_space<vmem>> -> memref<128xf32, #tpu.memory_space<vmem>>
      %dma_start3A_653 = arith.constant 0 : i32
      %dma_start3A_654 = tpu.memref_slice %arg10[%select_n3A_70, %dma_start3A_649, %dma_start3A_653] : memref<2x16x128xi32, #tpu.memory_space<vmem>> -> memref<1x1x128xi32, #tpu.memory_space<vmem>>
      %dma_start3A_655 = tpu.memref_squeeze %dma_start3A_654 : memref<1x1x128xi32, #tpu.memory_space<vmem>> -> memref<128xi32, #tpu.memory_space<vmem>>
      %dma_start3A_656 = arith.constant 0 : i32
      %dma_start3A_657 = tpu.memref_slice %arg8[%dma_start3A_656] : memref<102400xf32, #tpu.memory_space<vmem_shared>> -> memref<102400xf32, #tpu.memory_space<vmem_shared>>
      tpu.enqueue_indirect_dma source(%dma_start3A_652 : memref<128xf32, #tpu.memory_space<vmem>>) target(%dma_start3A_657 : memref<102400xf32, #tpu.memory_space<vmem_shared>>) offsets(%dma_start3A_655 : memref<128xi32, #tpu.memory_space<vmem>>) semaphore(%arg14 : memref<!tpu.dma_semaphore, #tpu.memory_space<semaphore_mem>>) {add = true}
      %dma_wait3A_658 = arith.constant 15 : i32
      %dma_wait3A_659 = arith.constant 15 : i32
      %dma_wait3A_660 = arith.constant 15 : i32
      %dma_wait3A_661 = arith.constant 0 : i32
      %dma_wait3A_662 = tpu.memref_slice %arg11[%dma_wait3A_659, %dma_wait3A_661] : memref<16x128xf32, #tpu.memory_space<vmem>> -> memref<1x128xf32, #tpu.memory_space<vmem>>
      %dma_wait3A_663 = tpu.memref_squeeze %dma_wait3A_662 : memref<1x128xf32, #tpu.memory_space<vmem>> -> memref<128xf32, #tpu.memory_space<vmem>>
      %dma_wait3A_664 = arith.constant 0 : i32
      %dma_wait3A_665 = tpu.memref_slice %arg9[%select_n3A_70, %dma_wait3A_658, %dma_wait3A_664] : memref<2x16x128xi32, #tpu.memory_space<vmem>> -> memref<1x1x128xi32, #tpu.memory_space<vmem>>
      %dma_wait3A_666 = tpu.memref_squeeze %dma_wait3A_665 : memref<1x1x128xi32, #tpu.memory_space<vmem>> -> memref<128xi32, #tpu.memory_space<vmem>>
      %dma_wait3A_667 = arith.constant 0 : i32
      %dma_wait3A_668 = tpu.memref_slice %arg7[%dma_wait3A_667] : memref<102400xf32, #tpu.memory_space<vmem_shared>> -> memref<102400xf32, #tpu.memory_space<vmem_shared>>
      %dma_wait3A_669 = tpu.memref_slice %arg13[%dma_wait3A_660] : memref<16x!tpu.dma_semaphore, #tpu.memory_space<semaphore_mem>> -> memref<1x!tpu.dma_semaphore, #tpu.memory_space<semaphore_mem>>
      %dma_wait3A_670 = tpu.memref_squeeze %dma_wait3A_669 : memref<1x!tpu.dma_semaphore, #tpu.memory_space<semaphore_mem>> -> memref<!tpu.dma_semaphore, #tpu.memory_space<semaphore_mem>>
      tpu.wait_indirect_dma semaphore(%dma_wait3A_670 : memref<!tpu.dma_semaphore, #tpu.memory_space<semaphore_mem>>) src(%dma_wait3A_668 : memref<102400xf32, #tpu.memory_space<vmem_shared>>) dst(%dma_wait3A_663 : memref<128xf32, #tpu.memory_space<vmem>>)
      %dma_start3A_671 = arith.constant 15 : i32
      %dma_start3A_672 = arith.constant 15 : i32
      %dma_start3A_673 = arith.constant 0 : i32
      %dma_start3A_674 = tpu.memref_slice %arg11[%dma_start3A_671, %dma_start3A_673] : memref<16x128xf32, #tpu.memory_space<vmem>> -> memref<1x128xf32, #tpu.memory_space<vmem>>
      %dma_start3A_675 = tpu.memref_squeeze %dma_start3A_674 : memref<1x128xf32, #tpu.memory_space<vmem>> -> memref<128xf32, #tpu.memory_space<vmem>>
      %dma_start3A_676 = arith.constant 0 : i32
      %dma_start3A_677 = tpu.memref_slice %arg10[%select_n3A_70, %dma_start3A_672, %dma_start3A_676] : memref<2x16x128xi32, #tpu.memory_space<vmem>> -> memref<1x1x128xi32, #tpu.memory_space<vmem>>
      %dma_start3A_678 = tpu.memref_squeeze %dma_start3A_677 : memref<1x1x128xi32, #tpu.memory_space<vmem>> -> memref<128xi32, #tpu.memory_space<vmem>>
      %dma_start3A_679 = arith.constant 0 : i32
      %dma_start3A_680 = tpu.memref_slice %arg8[%dma_start3A_679] : memref<102400xf32, #tpu.memory_space<vmem_shared>> -> memref<102400xf32, #tpu.memory_space<vmem_shared>>
      tpu.enqueue_indirect_dma source(%dma_start3A_675 : memref<128xf32, #tpu.memory_space<vmem>>) target(%dma_start3A_680 : memref<102400xf32, #tpu.memory_space<vmem_shared>>) offsets(%dma_start3A_678 : memref<128xi32, #tpu.memory_space<vmem>>) semaphore(%arg14 : memref<!tpu.dma_semaphore, #tpu.memory_space<semaphore_mem>>) {add = true}
      %dma_wait3A_681 = arith.constant 0 : i32
      %dma_wait3A_682 = arith.constant 0 : i32
      %dma_wait3A_683 = arith.constant 0 : i32
      %dma_wait3A_684 = tpu.memref_slice %arg11[%dma_wait3A_681, %dma_wait3A_683] : memref<16x128xf32, #tpu.memory_space<vmem>> -> memref<1x128xf32, #tpu.memory_space<vmem>>
      %dma_wait3A_685 = tpu.memref_squeeze %dma_wait3A_684 : memref<1x128xf32, #tpu.memory_space<vmem>> -> memref<128xf32, #tpu.memory_space<vmem>>
      %dma_wait3A_686 = arith.constant 0 : i32
      %dma_wait3A_687 = tpu.memref_slice %arg10[%select_n3A_70, %dma_wait3A_682, %dma_wait3A_686] : memref<2x16x128xi32, #tpu.memory_space<vmem>> -> memref<1x1x128xi32, #tpu.memory_space<vmem>>
      %dma_wait3A_688 = tpu.memref_squeeze %dma_wait3A_687 : memref<1x1x128xi32, #tpu.memory_space<vmem>> -> memref<128xi32, #tpu.memory_space<vmem>>
      %dma_wait3A_689 = arith.constant 0 : i32
      %dma_wait3A_690 = tpu.memref_slice %arg8[%dma_wait3A_689] : memref<102400xf32, #tpu.memory_space<vmem_shared>> -> memref<102400xf32, #tpu.memory_space<vmem_shared>>
      tpu.wait_indirect_dma semaphore(%arg14 : memref<!tpu.dma_semaphore, #tpu.memory_space<semaphore_mem>>) src(%dma_wait3A_685 : memref<128xf32, #tpu.memory_space<vmem>>) dst(%dma_wait3A_690 : memref<102400xf32, #tpu.memory_space<vmem_shared>>)
      %dma_wait3A_691 = arith.constant 1 : i32
      %dma_wait3A_692 = arith.constant 1 : i32
      %dma_wait3A_693 = arith.constant 0 : i32
      %dma_wait3A_694 = tpu.memref_slice %arg11[%dma_wait3A_691, %dma_wait3A_693] : memref<16x128xf32, #tpu.memory_space<vmem>> -> memref<1x128xf32, #tpu.memory_space<vmem>>
      %dma_wait3A_695 = tpu.memref_squeeze %dma_wait3A_694 : memref<1x128xf32, #tpu.memory_space<vmem>> -> memref<128xf32, #tpu.memory_space<vmem>>
      %dma_wait3A_696 = arith.constant 0 : i32
      %dma_wait3A_697 = tpu.memref_slice %arg10[%select_n3A_70, %dma_wait3A_692, %dma_wait3A_696] : memref<2x16x128xi32, #tpu.memory_space<vmem>> -> memref<1x1x128xi32, #tpu.memory_space<vmem>>
      %dma_wait3A_698 = tpu.memref_squeeze %dma_wait3A_697 : memref<1x1x128xi32, #tpu.memory_space<vmem>> -> memref<128xi32, #tpu.memory_space<vmem>>
      %dma_wait3A_699 = arith.constant 0 : i32
      %dma_wait3A_700 = tpu.memref_slice %arg8[%dma_wait3A_699] : memref<102400xf32, #tpu.memory_space<vmem_shared>> -> memref<102400xf32, #tpu.memory_space<vmem_shared>>
      tpu.wait_indirect_dma semaphore(%arg14 : memref<!tpu.dma_semaphore, #tpu.memory_space<semaphore_mem>>) src(%dma_wait3A_695 : memref<128xf32, #tpu.memory_space<vmem>>) dst(%dma_wait3A_700 : memref<102400xf32, #tpu.memory_space<vmem_shared>>)
      %dma_wait3A_701 = arith.constant 2 : i32
      %dma_wait3A_702 = arith.constant 2 : i32
      %dma_wait3A_703 = arith.constant 0 : i32
      %dma_wait3A_704 = tpu.memref_slice %arg11[%dma_wait3A_701, %dma_wait3A_703] : memref<16x128xf32, #tpu.memory_space<vmem>> -> memref<1x128xf32, #tpu.memory_space<vmem>>
      %dma_wait3A_705 = tpu.memref_squeeze %dma_wait3A_704 : memref<1x128xf32, #tpu.memory_space<vmem>> -> memref<128xf32, #tpu.memory_space<vmem>>
      %dma_wait3A_706 = arith.constant 0 : i32
      %dma_wait3A_707 = tpu.memref_slice %arg10[%select_n3A_70, %dma_wait3A_702, %dma_wait3A_706] : memref<2x16x128xi32, #tpu.memory_space<vmem>> -> memref<1x1x128xi32, #tpu.memory_space<vmem>>
      %dma_wait3A_708 = tpu.memref_squeeze %dma_wait3A_707 : memref<1x1x128xi32, #tpu.memory_space<vmem>> -> memref<128xi32, #tpu.memory_space<vmem>>
      %dma_wait3A_709 = arith.constant 0 : i32
      %dma_wait3A_710 = tpu.memref_slice %arg8[%dma_wait3A_709] : memref<102400xf32, #tpu.memory_space<vmem_shared>> -> memref<102400xf32, #tpu.memory_space<vmem_shared>>
      tpu.wait_indirect_dma semaphore(%arg14 : memref<!tpu.dma_semaphore, #tpu.memory_space<semaphore_mem>>) src(%dma_wait3A_705 : memref<128xf32, #tpu.memory_space<vmem>>) dst(%dma_wait3A_710 : memref<102400xf32, #tpu.memory_space<vmem_shared>>)
      %dma_wait3A_711 = arith.constant 3 : i32
      %dma_wait3A_712 = arith.constant 3 : i32
      %dma_wait3A_713 = arith.constant 0 : i32
      %dma_wait3A_714 = tpu.memref_slice %arg11[%dma_wait3A_711, %dma_wait3A_713] : memref<16x128xf32, #tpu.memory_space<vmem>> -> memref<1x128xf32, #tpu.memory_space<vmem>>
      %dma_wait3A_715 = tpu.memref_squeeze %dma_wait3A_714 : memref<1x128xf32, #tpu.memory_space<vmem>> -> memref<128xf32, #tpu.memory_space<vmem>>
      %dma_wait3A_716 = arith.constant 0 : i32
      %dma_wait3A_717 = tpu.memref_slice %arg10[%select_n3A_70, %dma_wait3A_712, %dma_wait3A_716] : memref<2x16x128xi32, #tpu.memory_space<vmem>> -> memref<1x1x128xi32, #tpu.memory_space<vmem>>
      %dma_wait3A_718 = tpu.memref_squeeze %dma_wait3A_717 : memref<1x1x128xi32, #tpu.memory_space<vmem>> -> memref<128xi32, #tpu.memory_space<vmem>>
      %dma_wait3A_719 = arith.constant 0 : i32
      %dma_wait3A_720 = tpu.memref_slice %arg8[%dma_wait3A_719] : memref<102400xf32, #tpu.memory_space<vmem_shared>> -> memref<102400xf32, #tpu.memory_space<vmem_shared>>
      tpu.wait_indirect_dma semaphore(%arg14 : memref<!tpu.dma_semaphore, #tpu.memory_space<semaphore_mem>>) src(%dma_wait3A_715 : memref<128xf32, #tpu.memory_space<vmem>>) dst(%dma_wait3A_720 : memref<102400xf32, #tpu.memory_space<vmem_shared>>)
      %dma_wait3A_721 = arith.constant 4 : i32
      %dma_wait3A_722 = arith.constant 4 : i32
      %dma_wait3A_723 = arith.constant 0 : i32
      %dma_wait3A_724 = tpu.memref_slice %arg11[%dma_wait3A_721, %dma_wait3A_723] : memref<16x128xf32, #tpu.memory_space<vmem>> -> memref<1x128xf32, #tpu.memory_space<vmem>>
      %dma_wait3A_725 = tpu.memref_squeeze %dma_wait3A_724 : memref<1x128xf32, #tpu.memory_space<vmem>> -> memref<128xf32, #tpu.memory_space<vmem>>
      %dma_wait3A_726 = arith.constant 0 : i32
      %dma_wait3A_727 = tpu.memref_slice %arg10[%select_n3A_70, %dma_wait3A_722, %dma_wait3A_726] : memref<2x16x128xi32, #tpu.memory_space<vmem>> -> memref<1x1x128xi32, #tpu.memory_space<vmem>>
      %dma_wait3A_728 = tpu.memref_squeeze %dma_wait3A_727 : memref<1x1x128xi32, #tpu.memory_space<vmem>> -> memref<128xi32, #tpu.memory_space<vmem>>
      %dma_wait3A_729 = arith.constant 0 : i32
      %dma_wait3A_730 = tpu.memref_slice %arg8[%dma_wait3A_729] : memref<102400xf32, #tpu.memory_space<vmem_shared>> -> memref<102400xf32, #tpu.memory_space<vmem_shared>>
      tpu.wait_indirect_dma semaphore(%arg14 : memref<!tpu.dma_semaphore, #tpu.memory_space<semaphore_mem>>) src(%dma_wait3A_725 : memref<128xf32, #tpu.memory_space<vmem>>) dst(%dma_wait3A_730 : memref<102400xf32, #tpu.memory_space<vmem_shared>>)
      %dma_wait3A_731 = arith.constant 5 : i32
      %dma_wait3A_732 = arith.constant 5 : i32
      %dma_wait3A_733 = arith.constant 0 : i32
      %dma_wait3A_734 = tpu.memref_slice %arg11[%dma_wait3A_731, %dma_wait3A_733] : memref<16x128xf32, #tpu.memory_space<vmem>> -> memref<1x128xf32, #tpu.memory_space<vmem>>
      %dma_wait3A_735 = tpu.memref_squeeze %dma_wait3A_734 : memref<1x128xf32, #tpu.memory_space<vmem>> -> memref<128xf32, #tpu.memory_space<vmem>>
      %dma_wait3A_736 = arith.constant 0 : i32
      %dma_wait3A_737 = tpu.memref_slice %arg10[%select_n3A_70, %dma_wait3A_732, %dma_wait3A_736] : memref<2x16x128xi32, #tpu.memory_space<vmem>> -> memref<1x1x128xi32, #tpu.memory_space<vmem>>
      %dma_wait3A_738 = tpu.memref_squeeze %dma_wait3A_737 : memref<1x1x128xi32, #tpu.memory_space<vmem>> -> memref<128xi32, #tpu.memory_space<vmem>>
      %dma_wait3A_739 = arith.constant 0 : i32
      %dma_wait3A_740 = tpu.memref_slice %arg8[%dma_wait3A_739] : memref<102400xf32, #tpu.memory_space<vmem_shared>> -> memref<102400xf32, #tpu.memory_space<vmem_shared>>
      tpu.wait_indirect_dma semaphore(%arg14 : memref<!tpu.dma_semaphore, #tpu.memory_space<semaphore_mem>>) src(%dma_wait3A_735 : memref<128xf32, #tpu.memory_space<vmem>>) dst(%dma_wait3A_740 : memref<102400xf32, #tpu.memory_space<vmem_shared>>)
      %dma_wait3A_741 = arith.constant 6 : i32
      %dma_wait3A_742 = arith.constant 6 : i32
      %dma_wait3A_743 = arith.constant 0 : i32
      %dma_wait3A_744 = tpu.memref_slice %arg11[%dma_wait3A_741, %dma_wait3A_743] : memref<16x128xf32, #tpu.memory_space<vmem>> -> memref<1x128xf32, #tpu.memory_space<vmem>>
      %dma_wait3A_745 = tpu.memref_squeeze %dma_wait3A_744 : memref<1x128xf32, #tpu.memory_space<vmem>> -> memref<128xf32, #tpu.memory_space<vmem>>
      %dma_wait3A_746 = arith.constant 0 : i32
      %dma_wait3A_747 = tpu.memref_slice %arg10[%select_n3A_70, %dma_wait3A_742, %dma_wait3A_746] : memref<2x16x128xi32, #tpu.memory_space<vmem>> -> memref<1x1x128xi32, #tpu.memory_space<vmem>>
      %dma_wait3A_748 = tpu.memref_squeeze %dma_wait3A_747 : memref<1x1x128xi32, #tpu.memory_space<vmem>> -> memref<128xi32, #tpu.memory_space<vmem>>
      %dma_wait3A_749 = arith.constant 0 : i32
      %dma_wait3A_750 = tpu.memref_slice %arg8[%dma_wait3A_749] : memref<102400xf32, #tpu.memory_space<vmem_shared>> -> memref<102400xf32, #tpu.memory_space<vmem_shared>>
      tpu.wait_indirect_dma semaphore(%arg14 : memref<!tpu.dma_semaphore, #tpu.memory_space<semaphore_mem>>) src(%dma_wait3A_745 : memref<128xf32, #tpu.memory_space<vmem>>) dst(%dma_wait3A_750 : memref<102400xf32, #tpu.memory_space<vmem_shared>>)
      %dma_wait3A_751 = arith.constant 7 : i32
      %dma_wait3A_752 = arith.constant 7 : i32
      %dma_wait3A_753 = arith.constant 0 : i32
      %dma_wait3A_754 = tpu.memref_slice %arg11[%dma_wait3A_751, %dma_wait3A_753] : memref<16x128xf32, #tpu.memory_space<vmem>> -> memref<1x128xf32, #tpu.memory_space<vmem>>
      %dma_wait3A_755 = tpu.memref_squeeze %dma_wait3A_754 : memref<1x128xf32, #tpu.memory_space<vmem>> -> memref<128xf32, #tpu.memory_space<vmem>>
      %dma_wait3A_756 = arith.constant 0 : i32
      %dma_wait3A_757 = tpu.memref_slice %arg10[%select_n3A_70, %dma_wait3A_752, %dma_wait3A_756] : memref<2x16x128xi32, #tpu.memory_space<vmem>> -> memref<1x1x128xi32, #tpu.memory_space<vmem>>
      %dma_wait3A_758 = tpu.memref_squeeze %dma_wait3A_757 : memref<1x1x128xi32, #tpu.memory_space<vmem>> -> memref<128xi32, #tpu.memory_space<vmem>>
      %dma_wait3A_759 = arith.constant 0 : i32
      %dma_wait3A_760 = tpu.memref_slice %arg8[%dma_wait3A_759] : memref<102400xf32, #tpu.memory_space<vmem_shared>> -> memref<102400xf32, #tpu.memory_space<vmem_shared>>
      tpu.wait_indirect_dma semaphore(%arg14 : memref<!tpu.dma_semaphore, #tpu.memory_space<semaphore_mem>>) src(%dma_wait3A_755 : memref<128xf32, #tpu.memory_space<vmem>>) dst(%dma_wait3A_760 : memref<102400xf32, #tpu.memory_space<vmem_shared>>)
      %dma_wait3A_761 = arith.constant 8 : i32
      %dma_wait3A_762 = arith.constant 8 : i32
      %dma_wait3A_763 = arith.constant 0 : i32
      %dma_wait3A_764 = tpu.memref_slice %arg11[%dma_wait3A_761, %dma_wait3A_763] : memref<16x128xf32, #tpu.memory_space<vmem>> -> memref<1x128xf32, #tpu.memory_space<vmem>>
      %dma_wait3A_765 = tpu.memref_squeeze %dma_wait3A_764 : memref<1x128xf32, #tpu.memory_space<vmem>> -> memref<128xf32, #tpu.memory_space<vmem>>
      %dma_wait3A_766 = arith.constant 0 : i32
      %dma_wait3A_767 = tpu.memref_slice %arg10[%select_n3A_70, %dma_wait3A_762, %dma_wait3A_766] : memref<2x16x128xi32, #tpu.memory_space<vmem>> -> memref<1x1x128xi32, #tpu.memory_space<vmem>>
      %dma_wait3A_768 = tpu.memref_squeeze %dma_wait3A_767 : memref<1x1x128xi32, #tpu.memory_space<vmem>> -> memref<128xi32, #tpu.memory_space<vmem>>
      %dma_wait3A_769 = arith.constant 0 : i32
      %dma_wait3A_770 = tpu.memref_slice %arg8[%dma_wait3A_769] : memref<102400xf32, #tpu.memory_space<vmem_shared>> -> memref<102400xf32, #tpu.memory_space<vmem_shared>>
      tpu.wait_indirect_dma semaphore(%arg14 : memref<!tpu.dma_semaphore, #tpu.memory_space<semaphore_mem>>) src(%dma_wait3A_765 : memref<128xf32, #tpu.memory_space<vmem>>) dst(%dma_wait3A_770 : memref<102400xf32, #tpu.memory_space<vmem_shared>>)
      %dma_wait3A_771 = arith.constant 9 : i32
      %dma_wait3A_772 = arith.constant 9 : i32
      %dma_wait3A_773 = arith.constant 0 : i32
      %dma_wait3A_774 = tpu.memref_slice %arg11[%dma_wait3A_771, %dma_wait3A_773] : memref<16x128xf32, #tpu.memory_space<vmem>> -> memref<1x128xf32, #tpu.memory_space<vmem>>
      %dma_wait3A_775 = tpu.memref_squeeze %dma_wait3A_774 : memref<1x128xf32, #tpu.memory_space<vmem>> -> memref<128xf32, #tpu.memory_space<vmem>>
      %dma_wait3A_776 = arith.constant 0 : i32
      %dma_wait3A_777 = tpu.memref_slice %arg10[%select_n3A_70, %dma_wait3A_772, %dma_wait3A_776] : memref<2x16x128xi32, #tpu.memory_space<vmem>> -> memref<1x1x128xi32, #tpu.memory_space<vmem>>
      %dma_wait3A_778 = tpu.memref_squeeze %dma_wait3A_777 : memref<1x1x128xi32, #tpu.memory_space<vmem>> -> memref<128xi32, #tpu.memory_space<vmem>>
      %dma_wait3A_779 = arith.constant 0 : i32
      %dma_wait3A_780 = tpu.memref_slice %arg8[%dma_wait3A_779] : memref<102400xf32, #tpu.memory_space<vmem_shared>> -> memref<102400xf32, #tpu.memory_space<vmem_shared>>
      tpu.wait_indirect_dma semaphore(%arg14 : memref<!tpu.dma_semaphore, #tpu.memory_space<semaphore_mem>>) src(%dma_wait3A_775 : memref<128xf32, #tpu.memory_space<vmem>>) dst(%dma_wait3A_780 : memref<102400xf32, #tpu.memory_space<vmem_shared>>)
      %dma_wait3A_781 = arith.constant 10 : i32
      %dma_wait3A_782 = arith.constant 10 : i32
      %dma_wait3A_783 = arith.constant 0 : i32
      %dma_wait3A_784 = tpu.memref_slice %arg11[%dma_wait3A_781, %dma_wait3A_783] : memref<16x128xf32, #tpu.memory_space<vmem>> -> memref<1x128xf32, #tpu.memory_space<vmem>>
      %dma_wait3A_785 = tpu.memref_squeeze %dma_wait3A_784 : memref<1x128xf32, #tpu.memory_space<vmem>> -> memref<128xf32, #tpu.memory_space<vmem>>
      %dma_wait3A_786 = arith.constant 0 : i32
      %dma_wait3A_787 = tpu.memref_slice %arg10[%select_n3A_70, %dma_wait3A_782, %dma_wait3A_786] : memref<2x16x128xi32, #tpu.memory_space<vmem>> -> memref<1x1x128xi32, #tpu.memory_space<vmem>>
      %dma_wait3A_788 = tpu.memref_squeeze %dma_wait3A_787 : memref<1x1x128xi32, #tpu.memory_space<vmem>> -> memref<128xi32, #tpu.memory_space<vmem>>
      %dma_wait3A_789 = arith.constant 0 : i32
      %dma_wait3A_790 = tpu.memref_slice %arg8[%dma_wait3A_789] : memref<102400xf32, #tpu.memory_space<vmem_shared>> -> memref<102400xf32, #tpu.memory_space<vmem_shared>>
      tpu.wait_indirect_dma semaphore(%arg14 : memref<!tpu.dma_semaphore, #tpu.memory_space<semaphore_mem>>) src(%dma_wait3A_785 : memref<128xf32, #tpu.memory_space<vmem>>) dst(%dma_wait3A_790 : memref<102400xf32, #tpu.memory_space<vmem_shared>>)
      %dma_wait3A_791 = arith.constant 11 : i32
      %dma_wait3A_792 = arith.constant 11 : i32
      %dma_wait3A_793 = arith.constant 0 : i32
      %dma_wait3A_794 = tpu.memref_slice %arg11[%dma_wait3A_791, %dma_wait3A_793] : memref<16x128xf32, #tpu.memory_space<vmem>> -> memref<1x128xf32, #tpu.memory_space<vmem>>
      %dma_wait3A_795 = tpu.memref_squeeze %dma_wait3A_794 : memref<1x128xf32, #tpu.memory_space<vmem>> -> memref<128xf32, #tpu.memory_space<vmem>>
      %dma_wait3A_796 = arith.constant 0 : i32
      %dma_wait3A_797 = tpu.memref_slice %arg10[%select_n3A_70, %dma_wait3A_792, %dma_wait3A_796] : memref<2x16x128xi32, #tpu.memory_space<vmem>> -> memref<1x1x128xi32, #tpu.memory_space<vmem>>
      %dma_wait3A_798 = tpu.memref_squeeze %dma_wait3A_797 : memref<1x1x128xi32, #tpu.memory_space<vmem>> -> memref<128xi32, #tpu.memory_space<vmem>>
      %dma_wait3A_799 = arith.constant 0 : i32
      %dma_wait3A_800 = tpu.memref_slice %arg8[%dma_wait3A_799] : memref<102400xf32, #tpu.memory_space<vmem_shared>> -> memref<102400xf32, #tpu.memory_space<vmem_shared>>
      tpu.wait_indirect_dma semaphore(%arg14 : memref<!tpu.dma_semaphore, #tpu.memory_space<semaphore_mem>>) src(%dma_wait3A_795 : memref<128xf32, #tpu.memory_space<vmem>>) dst(%dma_wait3A_800 : memref<102400xf32, #tpu.memory_space<vmem_shared>>)
      %dma_wait3A_801 = arith.constant 12 : i32
      %dma_wait3A_802 = arith.constant 12 : i32
      %dma_wait3A_803 = arith.constant 0 : i32
      %dma_wait3A_804 = tpu.memref_slice %arg11[%dma_wait3A_801, %dma_wait3A_803] : memref<16x128xf32, #tpu.memory_space<vmem>> -> memref<1x128xf32, #tpu.memory_space<vmem>>
      %dma_wait3A_805 = tpu.memref_squeeze %dma_wait3A_804 : memref<1x128xf32, #tpu.memory_space<vmem>> -> memref<128xf32, #tpu.memory_space<vmem>>
      %dma_wait3A_806 = arith.constant 0 : i32
      %dma_wait3A_807 = tpu.memref_slice %arg10[%select_n3A_70, %dma_wait3A_802, %dma_wait3A_806] : memref<2x16x128xi32, #tpu.memory_space<vmem>> -> memref<1x1x128xi32, #tpu.memory_space<vmem>>
      %dma_wait3A_808 = tpu.memref_squeeze %dma_wait3A_807 : memref<1x1x128xi32, #tpu.memory_space<vmem>> -> memref<128xi32, #tpu.memory_space<vmem>>
      %dma_wait3A_809 = arith.constant 0 : i32
      %dma_wait3A_810 = tpu.memref_slice %arg8[%dma_wait3A_809] : memref<102400xf32, #tpu.memory_space<vmem_shared>> -> memref<102400xf32, #tpu.memory_space<vmem_shared>>
      tpu.wait_indirect_dma semaphore(%arg14 : memref<!tpu.dma_semaphore, #tpu.memory_space<semaphore_mem>>) src(%dma_wait3A_805 : memref<128xf32, #tpu.memory_space<vmem>>) dst(%dma_wait3A_810 : memref<102400xf32, #tpu.memory_space<vmem_shared>>)
      %dma_wait3A_811 = arith.constant 13 : i32
      %dma_wait3A_812 = arith.constant 13 : i32
      %dma_wait3A_813 = arith.constant 0 : i32
      %dma_wait3A_814 = tpu.memref_slice %arg11[%dma_wait3A_811, %dma_wait3A_813] : memref<16x128xf32, #tpu.memory_space<vmem>> -> memref<1x128xf32, #tpu.memory_space<vmem>>
      %dma_wait3A_815 = tpu.memref_squeeze %dma_wait3A_814 : memref<1x128xf32, #tpu.memory_space<vmem>> -> memref<128xf32, #tpu.memory_space<vmem>>
      %dma_wait3A_816 = arith.constant 0 : i32
      %dma_wait3A_817 = tpu.memref_slice %arg10[%select_n3A_70, %dma_wait3A_812, %dma_wait3A_816] : memref<2x16x128xi32, #tpu.memory_space<vmem>> -> memref<1x1x128xi32, #tpu.memory_space<vmem>>
      %dma_wait3A_818 = tpu.memref_squeeze %dma_wait3A_817 : memref<1x1x128xi32, #tpu.memory_space<vmem>> -> memref<128xi32, #tpu.memory_space<vmem>>
      %dma_wait3A_819 = arith.constant 0 : i32
      %dma_wait3A_820 = tpu.memref_slice %arg8[%dma_wait3A_819] : memref<102400xf32, #tpu.memory_space<vmem_shared>> -> memref<102400xf32, #tpu.memory_space<vmem_shared>>
      tpu.wait_indirect_dma semaphore(%arg14 : memref<!tpu.dma_semaphore, #tpu.memory_space<semaphore_mem>>) src(%dma_wait3A_815 : memref<128xf32, #tpu.memory_space<vmem>>) dst(%dma_wait3A_820 : memref<102400xf32, #tpu.memory_space<vmem_shared>>)
      %dma_wait3A_821 = arith.constant 14 : i32
      %dma_wait3A_822 = arith.constant 14 : i32
      %dma_wait3A_823 = arith.constant 0 : i32
      %dma_wait3A_824 = tpu.memref_slice %arg11[%dma_wait3A_821, %dma_wait3A_823] : memref<16x128xf32, #tpu.memory_space<vmem>> -> memref<1x128xf32, #tpu.memory_space<vmem>>
      %dma_wait3A_825 = tpu.memref_squeeze %dma_wait3A_824 : memref<1x128xf32, #tpu.memory_space<vmem>> -> memref<128xf32, #tpu.memory_space<vmem>>
      %dma_wait3A_826 = arith.constant 0 : i32
      %dma_wait3A_827 = tpu.memref_slice %arg10[%select_n3A_70, %dma_wait3A_822, %dma_wait3A_826] : memref<2x16x128xi32, #tpu.memory_space<vmem>> -> memref<1x1x128xi32, #tpu.memory_space<vmem>>
      %dma_wait3A_828 = tpu.memref_squeeze %dma_wait3A_827 : memref<1x1x128xi32, #tpu.memory_space<vmem>> -> memref<128xi32, #tpu.memory_space<vmem>>
      %dma_wait3A_829 = arith.constant 0 : i32
      %dma_wait3A_830 = tpu.memref_slice %arg8[%dma_wait3A_829] : memref<102400xf32, #tpu.memory_space<vmem_shared>> -> memref<102400xf32, #tpu.memory_space<vmem_shared>>
      tpu.wait_indirect_dma semaphore(%arg14 : memref<!tpu.dma_semaphore, #tpu.memory_space<semaphore_mem>>) src(%dma_wait3A_825 : memref<128xf32, #tpu.memory_space<vmem>>) dst(%dma_wait3A_830 : memref<102400xf32, #tpu.memory_space<vmem_shared>>)
      %dma_wait3A_831 = arith.constant 15 : i32
      %dma_wait3A_832 = arith.constant 15 : i32
      %dma_wait3A_833 = arith.constant 0 : i32
      %dma_wait3A_834 = tpu.memref_slice %arg11[%dma_wait3A_831, %dma_wait3A_833] : memref<16x128xf32, #tpu.memory_space<vmem>> -> memref<1x128xf32, #tpu.memory_space<vmem>>
      %dma_wait3A_835 = tpu.memref_squeeze %dma_wait3A_834 : memref<1x128xf32, #tpu.memory_space<vmem>> -> memref<128xf32, #tpu.memory_space<vmem>>
      %dma_wait3A_836 = arith.constant 0 : i32
      %dma_wait3A_837 = tpu.memref_slice %arg10[%select_n3A_70, %dma_wait3A_832, %dma_wait3A_836] : memref<2x16x128xi32, #tpu.memory_space<vmem>> -> memref<1x1x128xi32, #tpu.memory_space<vmem>>
      %dma_wait3A_838 = tpu.memref_squeeze %dma_wait3A_837 : memref<1x1x128xi32, #tpu.memory_space<vmem>> -> memref<128xi32, #tpu.memory_space<vmem>>
      %dma_wait3A_839 = arith.constant 0 : i32
      %dma_wait3A_840 = tpu.memref_slice %arg8[%dma_wait3A_839] : memref<102400xf32, #tpu.memory_space<vmem_shared>> -> memref<102400xf32, #tpu.memory_space<vmem_shared>>
      tpu.wait_indirect_dma semaphore(%arg14 : memref<!tpu.dma_semaphore, #tpu.memory_space<semaphore_mem>>) src(%dma_wait3A_835 : memref<128xf32, #tpu.memory_space<vmem>>) dst(%dma_wait3A_840 : memref<102400xf32, #tpu.memory_space<vmem_shared>>)
    }
    %barrier3A_53 = arith.constant 0 : index
    tpu.barrier barrier_id(%barrier3A_53)
    %mul3A_54 = arith.constant 6400 : i32
    %mul3A_55 = arith.muli %arg1, %mul3A_54 : i32
    %mul3A_56 = arith.constant 6400 : i32
    %mul3A_57 = arith.muli %arg1, %mul3A_56 : i32
    "tpu.region"() ({
      %run_scoped3A = tpu.sem_alloc : memref<!tpu.dma_semaphore, #tpu.memory_space<semaphore_mem>>
      %dma_start3A_58 = tpu.memref_slice %arg6[%arg0, %mul3A_57] : memref<2x102400xf32, #tpu.memory_space<hbm>> -> memref<1x6400xf32, #tpu.memory_space<hbm>>
      %dma_start3A_59 = tpu.memref_squeeze %dma_start3A_58 : memref<1x6400xf32, #tpu.memory_space<hbm>> -> memref<6400xf32, #tpu.memory_space<hbm>>
      %dma_start3A_60 = tpu.memref_slice %arg8[%mul3A_55] : memref<102400xf32, #tpu.memory_space<vmem_shared>> -> memref<6400xf32, #tpu.memory_space<vmem_shared>>
      tpu.enqueue_dma source(%dma_start3A_60 : memref<6400xf32, #tpu.memory_space<vmem_shared>>) target(%dma_start3A_59 : memref<6400xf32, #tpu.memory_space<hbm>>) target_semaphore(%run_scoped3A : memref<!tpu.dma_semaphore, #tpu.memory_space<semaphore_mem>>)
      %dma_wait3A = tpu.memref_slice %arg6[%arg0, %mul3A_57] : memref<2x102400xf32, #tpu.memory_space<hbm>> -> memref<1x6400xf32, #tpu.memory_space<hbm>>
      %dma_wait3A_61 = tpu.memref_squeeze %dma_wait3A : memref<1x6400xf32, #tpu.memory_space<hbm>> -> memref<6400xf32, #tpu.memory_space<hbm>>
      %dma_wait3A_62 = tpu.memref_slice %arg8[%mul3A_55] : memref<102400xf32, #tpu.memory_space<vmem_shared>> -> memref<6400xf32, #tpu.memory_space<vmem_shared>>
      tpu.wait_dma2 semaphore(%run_scoped3A : memref<!tpu.dma_semaphore, #tpu.memory_space<semaphore_mem>>) src(%dma_wait3A_62 : memref<6400xf32, #tpu.memory_space<vmem_shared>>) dst(%dma_wait3A_61 : memref<6400xf32, #tpu.memory_space<hbm>>)
      tpu.yield
    }) : () -> ()
    return
  }
}

#map = affine_map<(d0, d1) -> (0, 0)>
#map1 = affine_map<(d0, d1) -> (0, 0, 0)>
module attributes {stable_mosaic.version = 14 : i64} {
  func.func @_agg4_body(%arg0: i32, %arg1: i32, %arg2: memref<102400x8xf32, #tpu.memory_space<hbm>>, %arg3: memref<12500x512xi32, #tpu.memory_space<hbm>>, %arg4: memref<12500x512xi32, #tpu.memory_space<hbm>>, %arg5: memref<102400x8xf32, #tpu.memory_space<hbm>>, %arg6: memref<2x102400x8xf32, #tpu.memory_space<hbm>>, %arg7: memref<102400x8xf32, #tpu.memory_space<vmem_shared>>, %arg8: memref<102400x8xf32, #tpu.memory_space<vmem_shared>>, %arg9: memref<2x4x512xi32, #tpu.memory_space<vmem>>, %arg10: memref<2x4x512xi32, #tpu.memory_space<vmem>>, %arg11: memref<4x512x8xf32, #tpu.memory_space<vmem>>, %arg12: memref<2x!tpu.dma_semaphore, #tpu.memory_space<semaphore_mem>>, %arg13: memref<4x!tpu.dma_semaphore, #tpu.memory_space<semaphore_mem>>, %arg14: memref<!tpu.dma_semaphore, #tpu.memory_space<semaphore_mem>>) attributes {dimension_semantics = [#tpu.dimension_semantics<core_parallel>, #tpu.dimension_semantics<subcore_parallel>], iteration_bounds = array<i64: 2, 16>, scalar_prefetch = 0 : i64, scratch_operands = 8 : i64, tpu.core_type = #tpu.core_type<sc_vector_subcore>, window_params = [{transform_indices = #map}, {transform_indices = #map}, {transform_indices = #map}, {transform_indices = #map}, {transform_indices = #map1}]} {
    %mul3A = arith.constant 6400 : i32
    %mul3A_0 = arith.muli %arg1, %mul3A : i32
    %mul3A_1 = arith.constant 6400 : i32
    %mul3A_2 = arith.muli %arg1, %mul3A_1 : i32
    "tpu.region"() ({
      %run_scoped3A = tpu.sem_alloc : memref<!tpu.dma_semaphore, #tpu.memory_space<semaphore_mem>>
      %dma_start3A_58 = arith.constant 0 : i32
      %dma_start3A_59 = tpu.memref_slice %arg7[%mul3A_2, %dma_start3A_58] : memref<102400x8xf32, #tpu.memory_space<vmem_shared>> -> memref<6400x8xf32, #tpu.memory_space<vmem_shared>>
      %dma_start3A_60 = arith.constant 0 : i32
      %dma_start3A_61 = tpu.memref_slice %arg2[%mul3A_0, %dma_start3A_60] : memref<102400x8xf32, #tpu.memory_space<hbm>> -> memref<6400x8xf32, #tpu.memory_space<hbm>>
      tpu.enqueue_dma source(%dma_start3A_61 : memref<6400x8xf32, #tpu.memory_space<hbm>>) target(%dma_start3A_59 : memref<6400x8xf32, #tpu.memory_space<vmem_shared>>) target_semaphore(%run_scoped3A : memref<!tpu.dma_semaphore, #tpu.memory_space<semaphore_mem>>)
      %dma_wait3A = arith.constant 0 : i32
      %dma_wait3A_62 = tpu.memref_slice %arg7[%mul3A_2, %dma_wait3A] : memref<102400x8xf32, #tpu.memory_space<vmem_shared>> -> memref<6400x8xf32, #tpu.memory_space<vmem_shared>>
      %dma_wait3A_63 = arith.constant 0 : i32
      %dma_wait3A_64 = tpu.memref_slice %arg2[%mul3A_0, %dma_wait3A_63] : memref<102400x8xf32, #tpu.memory_space<hbm>> -> memref<6400x8xf32, #tpu.memory_space<hbm>>
      tpu.wait_dma2 semaphore(%run_scoped3A : memref<!tpu.dma_semaphore, #tpu.memory_space<semaphore_mem>>) src(%dma_wait3A_64 : memref<6400x8xf32, #tpu.memory_space<hbm>>) dst(%dma_wait3A_62 : memref<6400x8xf32, #tpu.memory_space<vmem_shared>>)
      tpu.yield
    }) : () -> ()
    %mul3A_3 = arith.constant 6400 : i32
    %mul3A_4 = arith.muli %arg1, %mul3A_3 : i32
    %mul3A_5 = arith.constant 6400 : i32
    %mul3A_6 = arith.muli %arg1, %mul3A_5 : i32
    "tpu.region"() ({
      %run_scoped3A = tpu.sem_alloc : memref<!tpu.dma_semaphore, #tpu.memory_space<semaphore_mem>>
      %dma_start3A_58 = arith.constant 0 : i32
      %dma_start3A_59 = tpu.memref_slice %arg8[%mul3A_6, %dma_start3A_58] : memref<102400x8xf32, #tpu.memory_space<vmem_shared>> -> memref<6400x8xf32, #tpu.memory_space<vmem_shared>>
      %dma_start3A_60 = arith.constant 0 : i32
      %dma_start3A_61 = tpu.memref_slice %arg5[%mul3A_4, %dma_start3A_60] : memref<102400x8xf32, #tpu.memory_space<hbm>> -> memref<6400x8xf32, #tpu.memory_space<hbm>>
      tpu.enqueue_dma source(%dma_start3A_61 : memref<6400x8xf32, #tpu.memory_space<hbm>>) target(%dma_start3A_59 : memref<6400x8xf32, #tpu.memory_space<vmem_shared>>) target_semaphore(%run_scoped3A : memref<!tpu.dma_semaphore, #tpu.memory_space<semaphore_mem>>)
      %dma_wait3A = arith.constant 0 : i32
      %dma_wait3A_62 = tpu.memref_slice %arg8[%mul3A_6, %dma_wait3A] : memref<102400x8xf32, #tpu.memory_space<vmem_shared>> -> memref<6400x8xf32, #tpu.memory_space<vmem_shared>>
      %dma_wait3A_63 = arith.constant 0 : i32
      %dma_wait3A_64 = tpu.memref_slice %arg5[%mul3A_4, %dma_wait3A_63] : memref<102400x8xf32, #tpu.memory_space<hbm>> -> memref<6400x8xf32, #tpu.memory_space<hbm>>
      tpu.wait_dma2 semaphore(%run_scoped3A : memref<!tpu.dma_semaphore, #tpu.memory_space<semaphore_mem>>) src(%dma_wait3A_64 : memref<6400x8xf32, #tpu.memory_space<hbm>>) dst(%dma_wait3A_62 : memref<6400x8xf32, #tpu.memory_space<vmem_shared>>)
      tpu.yield
    }) : () -> ()
    %barrier3A = arith.constant 0 : index
    tpu.barrier barrier_id(%barrier3A)
    %mul3A_7 = arith.constant 16 : i32
    %mul3A_8 = arith.muli %arg0, %mul3A_7 : i32
    %add3A = arith.addi %mul3A_8, %arg1 : i32
    %eq3A = arith.constant 31 : i32
    %eq3A_9 = arith.cmpi eq, %add3A, %eq3A : i32
    %jit3A = arith.constant 87 : i32
    %jit3A_10 = arith.constant 98 : i32
    %select_n3A = arith.select %eq3A_9, %jit3A, %jit3A_10 : i32
    %mul3A_11 = arith.constant 392 : i32
    %mul3A_12 = arith.muli %add3A, %mul3A_11 : i32
    %dma_start3A = arith.constant 0 : i32
    %dma_start3A_13 = arith.constant 0 : i32
    %dma_start3A_14 = arith.constant 0 : i32
    %dma_start3A_15 = arith.constant 0 : i32
    %dma_start3A_16 = tpu.memref_slice %arg9[%dma_start3A, %dma_start3A_14, %dma_start3A_15] : memref<2x4x512xi32, #tpu.memory_space<vmem>> -> memref<1x4x512xi32, #tpu.memory_space<vmem>>
    %dma_start3A_17 = tpu.memref_squeeze %dma_start3A_16 : memref<1x4x512xi32, #tpu.memory_space<vmem>> -> memref<4x512xi32, #tpu.memory_space<vmem>>
    %dma_start3A_18 = arith.constant 0 : i32
    %dma_start3A_19 = tpu.memref_slice %arg3[%mul3A_12, %dma_start3A_18] : memref<12500x512xi32, #tpu.memory_space<hbm>> -> memref<4x512xi32, #tpu.memory_space<hbm>>
    %dma_start3A_20 = tpu.memref_slice %arg12[%dma_start3A_13] : memref<2x!tpu.dma_semaphore, #tpu.memory_space<semaphore_mem>> -> memref<1x!tpu.dma_semaphore, #tpu.memory_space<semaphore_mem>>
    %dma_start3A_21 = tpu.memref_squeeze %dma_start3A_20 : memref<1x!tpu.dma_semaphore, #tpu.memory_space<semaphore_mem>> -> memref<!tpu.dma_semaphore, #tpu.memory_space<semaphore_mem>>
    %dma_start3A_22 = arith.constant 0 : i32
    %dma_start3A_23 = arith.constant 0 : i32
    %dma_start3A_24 = tpu.memref_slice %arg9[%dma_start3A, %dma_start3A_22, %dma_start3A_23] : memref<2x4x512xi32, #tpu.memory_space<vmem>> -> memref<1x4x512xi32, #tpu.memory_space<vmem>>
    %dma_start3A_25 = tpu.memref_squeeze %dma_start3A_24 : memref<1x4x512xi32, #tpu.memory_space<vmem>> -> memref<4x512xi32, #tpu.memory_space<vmem>>
    %dma_start3A_26 = arith.constant 0 : i32
    %dma_start3A_27 = tpu.memref_slice %arg3[%mul3A_12, %dma_start3A_26] : memref<12500x512xi32, #tpu.memory_space<hbm>> -> memref<4x512xi32, #tpu.memory_space<hbm>>
    tpu.enqueue_dma source(%dma_start3A_27 : memref<4x512xi32, #tpu.memory_space<hbm>>) target(%dma_start3A_25 : memref<4x512xi32, #tpu.memory_space<vmem>>) target_semaphore(%dma_start3A_21 : memref<!tpu.dma_semaphore, #tpu.memory_space<semaphore_mem>>)
    %dma_start3A_28 = arith.constant 0 : i32
    %dma_start3A_29 = arith.constant 0 : i32
    %dma_start3A_30 = arith.constant 0 : i32
    %dma_start3A_31 = arith.constant 0 : i32
    %dma_start3A_32 = tpu.memref_slice %arg10[%dma_start3A_28, %dma_start3A_30, %dma_start3A_31] : memref<2x4x512xi32, #tpu.memory_space<vmem>> -> memref<1x4x512xi32, #tpu.memory_space<vmem>>
    %dma_start3A_33 = tpu.memref_squeeze %dma_start3A_32 : memref<1x4x512xi32, #tpu.memory_space<vmem>> -> memref<4x512xi32, #tpu.memory_space<vmem>>
    %dma_start3A_34 = arith.constant 0 : i32
    %dma_start3A_35 = tpu.memref_slice %arg4[%mul3A_12, %dma_start3A_34] : memref<12500x512xi32, #tpu.memory_space<hbm>> -> memref<4x512xi32, #tpu.memory_space<hbm>>
    %dma_start3A_36 = tpu.memref_slice %arg12[%dma_start3A_29] : memref<2x!tpu.dma_semaphore, #tpu.memory_space<semaphore_mem>> -> memref<1x!tpu.dma_semaphore, #tpu.memory_space<semaphore_mem>>
    %dma_start3A_37 = tpu.memref_squeeze %dma_start3A_36 : memref<1x!tpu.dma_semaphore, #tpu.memory_space<semaphore_mem>> -> memref<!tpu.dma_semaphore, #tpu.memory_space<semaphore_mem>>
    %dma_start3A_38 = arith.constant 0 : i32
    %dma_start3A_39 = arith.constant 0 : i32
    %dma_start3A_40 = tpu.memref_slice %arg10[%dma_start3A_28, %dma_start3A_38, %dma_start3A_39] : memref<2x4x512xi32, #tpu.memory_space<vmem>> -> memref<1x4x512xi32, #tpu.memory_space<vmem>>
    %dma_start3A_41 = tpu.memref_squeeze %dma_start3A_40 : memref<1x4x512xi32, #tpu.memory_space<vmem>> -> memref<4x512xi32, #tpu.memory_space<vmem>>
    %dma_start3A_42 = arith.constant 0 : i32
    %dma_start3A_43 = tpu.memref_slice %arg4[%mul3A_12, %dma_start3A_42] : memref<12500x512xi32, #tpu.memory_space<hbm>> -> memref<4x512xi32, #tpu.memory_space<hbm>>
    tpu.enqueue_dma source(%dma_start3A_43 : memref<4x512xi32, #tpu.memory_space<hbm>>) target(%dma_start3A_41 : memref<4x512xi32, #tpu.memory_space<vmem>>) target_semaphore(%dma_start3A_37 : memref<!tpu.dma_semaphore, #tpu.memory_space<semaphore_mem>>)
    %while3A = arith.constant 0 : i32
    %while3A_44 = arith.constant 0 : i32
    %while3A_45 = arith.subi %select_n3A, %while3A_44 : i32
    %while3A_46 = arith.addi %while3A_44, %while3A_45 : i32
    %while3A_47 = arith.constant 1 : i32
    %while3A_48 = arith.divsi %while3A_45, %while3A_47 : i32
    %while3A_49 = arith.muli %while3A_48, %while3A_47 : i32
    %while3A_50 = arith.addi %while3A_44, %while3A_49 : i32
    %while3A_51 = arith.constant 1 : i32
    scf.for %while3A_58 = %while3A_44 to %while3A_50 step %while3A_51  : i32 {
      %jit3A_59 = arith.constant 2 : i32
      %eq3A_60 = arith.constant 0 : i32
      %eq3A_61 = arith.cmpi eq, %jit3A_59, %eq3A_60 : i32
      %jit3A_62 = arith.constant 1 : i32
      %select_n3A_63 = arith.select %eq3A_61, %jit3A_62, %jit3A_59 : i32
      %rem3A = arith.remsi %while3A_58, %select_n3A_63 : i32
      %ne3A = arith.constant 0 : i32
      %ne3A_64 = arith.cmpi ne, %rem3A, %ne3A : i32
      %lt3A = arith.constant 0 : i32
      %lt3A_65 = arith.cmpi slt, %rem3A, %lt3A : i32
      %lt3A_66 = arith.constant 0 : i32
      %lt3A_67 = arith.cmpi slt, %select_n3A_63, %lt3A_66 : i32
      %ne3A_68 = arith.xori %lt3A_65, %lt3A_67 : i1
      %and3A = arith.andi %ne3A_68, %ne3A_64 : i1
      %add3A_69 = arith.addi %rem3A, %select_n3A_63 : i32
      %select_n3A_70 = arith.select %and3A, %add3A_69, %rem3A : i32
      %add3A_71 = arith.constant 1 : i32
      %add3A_72 = arith.addi %while3A_58, %add3A_71 : i32
      %lt3A_73 = arith.cmpi slt, %add3A_72, %select_n3A : i32
      %convert_element_type3A = arith.extui %lt3A_73 : i1 to i32
      %cond3A = arith.constant 0 : i32
      %cond3A_74 = arith.cmpi ne, %convert_element_type3A, %cond3A : i32
      scf.if %cond3A_74 {
        %add3A_321 = arith.constant 1 : i32
        %add3A_322 = arith.addi %while3A_58, %add3A_321 : i32
        %mul3A_323 = arith.constant 4 : i32
        %mul3A_324 = arith.muli %add3A_322, %mul3A_323 : i32
        %add3A_325 = arith.addi %mul3A_12, %mul3A_324 : i32
        %sub3A = arith.constant 1 : i32
        %sub3A_326 = arith.subi %sub3A, %select_n3A_70 : i32
        %sub3A_327 = arith.constant 1 : i32
        %sub3A_328 = arith.subi %sub3A_327, %select_n3A_70 : i32
        %dma_start3A_329 = arith.constant 0 : i32
        %dma_start3A_330 = arith.constant 0 : i32
        %dma_start3A_331 = tpu.memref_slice %arg9[%sub3A_326, %dma_start3A_329, %dma_start3A_330] : memref<2x4x512xi32, #tpu.memory_space<vmem>> -> memref<1x4x512xi32, #tpu.memory_space<vmem>>
        %dma_start3A_332 = tpu.memref_squeeze %dma_start3A_331 : memref<1x4x512xi32, #tpu.memory_space<vmem>> -> memref<4x512xi32, #tpu.memory_space<vmem>>
        %dma_start3A_333 = arith.constant 0 : i32
        %dma_start3A_334 = tpu.memref_slice %arg3[%add3A_325, %dma_start3A_333] : memref<12500x512xi32, #tpu.memory_space<hbm>> -> memref<4x512xi32, #tpu.memory_space<hbm>>
        %dma_start3A_335 = tpu.memref_slice %arg12[%sub3A_328] : memref<2x!tpu.dma_semaphore, #tpu.memory_space<semaphore_mem>> -> memref<1x!tpu.dma_semaphore, #tpu.memory_space<semaphore_mem>>
        %dma_start3A_336 = tpu.memref_squeeze %dma_start3A_335 : memref<1x!tpu.dma_semaphore, #tpu.memory_space<semaphore_mem>> -> memref<!tpu.dma_semaphore, #tpu.memory_space<semaphore_mem>>
        %dma_start3A_337 = arith.constant 0 : i32
        %dma_start3A_338 = arith.constant 0 : i32
        %dma_start3A_339 = tpu.memref_slice %arg9[%sub3A_326, %dma_start3A_337, %dma_start3A_338] : memref<2x4x512xi32, #tpu.memory_space<vmem>> -> memref<1x4x512xi32, #tpu.memory_space<vmem>>
        %dma_start3A_340 = tpu.memref_squeeze %dma_start3A_339 : memref<1x4x512xi32, #tpu.memory_space<vmem>> -> memref<4x512xi32, #tpu.memory_space<vmem>>
        %dma_start3A_341 = arith.constant 0 : i32
        %dma_start3A_342 = tpu.memref_slice %arg3[%add3A_325, %dma_start3A_341] : memref<12500x512xi32, #tpu.memory_space<hbm>> -> memref<4x512xi32, #tpu.memory_space<hbm>>
        tpu.enqueue_dma source(%dma_start3A_342 : memref<4x512xi32, #tpu.memory_space<hbm>>) target(%dma_start3A_340 : memref<4x512xi32, #tpu.memory_space<vmem>>) target_semaphore(%dma_start3A_336 : memref<!tpu.dma_semaphore, #tpu.memory_space<semaphore_mem>>)
        %sub3A_343 = arith.constant 1 : i32
        %sub3A_344 = arith.subi %sub3A_343, %select_n3A_70 : i32
        %sub3A_345 = arith.constant 1 : i32
        %sub3A_346 = arith.subi %sub3A_345, %select_n3A_70 : i32
        %dma_start3A_347 = arith.constant 0 : i32
        %dma_start3A_348 = arith.constant 0 : i32
        %dma_start3A_349 = tpu.memref_slice %arg10[%sub3A_344, %dma_start3A_347, %dma_start3A_348] : memref<2x4x512xi32, #tpu.memory_space<vmem>> -> memref<1x4x512xi32, #tpu.memory_space<vmem>>
        %dma_start3A_350 = tpu.memref_squeeze %dma_start3A_349 : memref<1x4x512xi32, #tpu.memory_space<vmem>> -> memref<4x512xi32, #tpu.memory_space<vmem>>
        %dma_start3A_351 = arith.constant 0 : i32
        %dma_start3A_352 = tpu.memref_slice %arg4[%add3A_325, %dma_start3A_351] : memref<12500x512xi32, #tpu.memory_space<hbm>> -> memref<4x512xi32, #tpu.memory_space<hbm>>
        %dma_start3A_353 = tpu.memref_slice %arg12[%sub3A_346] : memref<2x!tpu.dma_semaphore, #tpu.memory_space<semaphore_mem>> -> memref<1x!tpu.dma_semaphore, #tpu.memory_space<semaphore_mem>>
        %dma_start3A_354 = tpu.memref_squeeze %dma_start3A_353 : memref<1x!tpu.dma_semaphore, #tpu.memory_space<semaphore_mem>> -> memref<!tpu.dma_semaphore, #tpu.memory_space<semaphore_mem>>
        %dma_start3A_355 = arith.constant 0 : i32
        %dma_start3A_356 = arith.constant 0 : i32
        %dma_start3A_357 = tpu.memref_slice %arg10[%sub3A_344, %dma_start3A_355, %dma_start3A_356] : memref<2x4x512xi32, #tpu.memory_space<vmem>> -> memref<1x4x512xi32, #tpu.memory_space<vmem>>
        %dma_start3A_358 = tpu.memref_squeeze %dma_start3A_357 : memref<1x4x512xi32, #tpu.memory_space<vmem>> -> memref<4x512xi32, #tpu.memory_space<vmem>>
        %dma_start3A_359 = arith.constant 0 : i32
        %dma_start3A_360 = tpu.memref_slice %arg4[%add3A_325, %dma_start3A_359] : memref<12500x512xi32, #tpu.memory_space<hbm>> -> memref<4x512xi32, #tpu.memory_space<hbm>>
        tpu.enqueue_dma source(%dma_start3A_360 : memref<4x512xi32, #tpu.memory_space<hbm>>) target(%dma_start3A_358 : memref<4x512xi32, #tpu.memory_space<vmem>>) target_semaphore(%dma_start3A_354 : memref<!tpu.dma_semaphore, #tpu.memory_space<semaphore_mem>>)
      } else {
      }
      %mul3A_75 = arith.constant 4 : i32
      %mul3A_76 = arith.muli %while3A_58, %mul3A_75 : i32
      %add3A_77 = arith.addi %mul3A_12, %mul3A_76 : i32
      %dma_wait3A = arith.constant 0 : i32
      %dma_wait3A_78 = arith.constant 0 : i32
      %dma_wait3A_79 = tpu.memref_slice %arg9[%select_n3A_70, %dma_wait3A, %dma_wait3A_78] : memref<2x4x512xi32, #tpu.memory_space<vmem>> -> memref<1x4x512xi32, #tpu.memory_space<vmem>>
      %dma_wait3A_80 = tpu.memref_squeeze %dma_wait3A_79 : memref<1x4x512xi32, #tpu.memory_space<vmem>> -> memref<4x512xi32, #tpu.memory_space<vmem>>
      %dma_wait3A_81 = arith.constant 0 : i32
      %dma_wait3A_82 = tpu.memref_slice %arg3[%add3A_77, %dma_wait3A_81] : memref<12500x512xi32, #tpu.memory_space<hbm>> -> memref<4x512xi32, #tpu.memory_space<hbm>>
      %dma_wait3A_83 = tpu.memref_slice %arg12[%select_n3A_70] : memref<2x!tpu.dma_semaphore, #tpu.memory_space<semaphore_mem>> -> memref<1x!tpu.dma_semaphore, #tpu.memory_space<semaphore_mem>>
      %dma_wait3A_84 = tpu.memref_squeeze %dma_wait3A_83 : memref<1x!tpu.dma_semaphore, #tpu.memory_space<semaphore_mem>> -> memref<!tpu.dma_semaphore, #tpu.memory_space<semaphore_mem>>
      %dma_wait3A_85 = arith.constant 0 : i32
      %dma_wait3A_86 = arith.constant 0 : i32
      %dma_wait3A_87 = tpu.memref_slice %arg9[%select_n3A_70, %dma_wait3A_85, %dma_wait3A_86] : memref<2x4x512xi32, #tpu.memory_space<vmem>> -> memref<1x4x512xi32, #tpu.memory_space<vmem>>
      %dma_wait3A_88 = tpu.memref_squeeze %dma_wait3A_87 : memref<1x4x512xi32, #tpu.memory_space<vmem>> -> memref<4x512xi32, #tpu.memory_space<vmem>>
      %dma_wait3A_89 = arith.constant 0 : i32
      %dma_wait3A_90 = tpu.memref_slice %arg3[%add3A_77, %dma_wait3A_89] : memref<12500x512xi32, #tpu.memory_space<hbm>> -> memref<4x512xi32, #tpu.memory_space<hbm>>
      tpu.wait_dma2 semaphore(%dma_wait3A_84 : memref<!tpu.dma_semaphore, #tpu.memory_space<semaphore_mem>>) src(%dma_wait3A_90 : memref<4x512xi32, #tpu.memory_space<hbm>>) dst(%dma_wait3A_88 : memref<4x512xi32, #tpu.memory_space<vmem>>)
      %dma_wait3A_91 = arith.constant 0 : i32
      %dma_wait3A_92 = arith.constant 0 : i32
      %dma_wait3A_93 = tpu.memref_slice %arg10[%select_n3A_70, %dma_wait3A_91, %dma_wait3A_92] : memref<2x4x512xi32, #tpu.memory_space<vmem>> -> memref<1x4x512xi32, #tpu.memory_space<vmem>>
      %dma_wait3A_94 = tpu.memref_squeeze %dma_wait3A_93 : memref<1x4x512xi32, #tpu.memory_space<vmem>> -> memref<4x512xi32, #tpu.memory_space<vmem>>
      %dma_wait3A_95 = arith.constant 0 : i32
      %dma_wait3A_96 = tpu.memref_slice %arg4[%add3A_77, %dma_wait3A_95] : memref<12500x512xi32, #tpu.memory_space<hbm>> -> memref<4x512xi32, #tpu.memory_space<hbm>>
      %dma_wait3A_97 = tpu.memref_slice %arg12[%select_n3A_70] : memref<2x!tpu.dma_semaphore, #tpu.memory_space<semaphore_mem>> -> memref<1x!tpu.dma_semaphore, #tpu.memory_space<semaphore_mem>>
      %dma_wait3A_98 = tpu.memref_squeeze %dma_wait3A_97 : memref<1x!tpu.dma_semaphore, #tpu.memory_space<semaphore_mem>> -> memref<!tpu.dma_semaphore, #tpu.memory_space<semaphore_mem>>
      %dma_wait3A_99 = arith.constant 0 : i32
      %dma_wait3A_100 = arith.constant 0 : i32
      %dma_wait3A_101 = tpu.memref_slice %arg10[%select_n3A_70, %dma_wait3A_99, %dma_wait3A_100] : memref<2x4x512xi32, #tpu.memory_space<vmem>> -> memref<1x4x512xi32, #tpu.memory_space<vmem>>
      %dma_wait3A_102 = tpu.memref_squeeze %dma_wait3A_101 : memref<1x4x512xi32, #tpu.memory_space<vmem>> -> memref<4x512xi32, #tpu.memory_space<vmem>>
      %dma_wait3A_103 = arith.constant 0 : i32
      %dma_wait3A_104 = tpu.memref_slice %arg4[%add3A_77, %dma_wait3A_103] : memref<12500x512xi32, #tpu.memory_space<hbm>> -> memref<4x512xi32, #tpu.memory_space<hbm>>
      tpu.wait_dma2 semaphore(%dma_wait3A_98 : memref<!tpu.dma_semaphore, #tpu.memory_space<semaphore_mem>>) src(%dma_wait3A_104 : memref<4x512xi32, #tpu.memory_space<hbm>>) dst(%dma_wait3A_102 : memref<4x512xi32, #tpu.memory_space<vmem>>)
      %dma_start3A_105 = arith.constant 0 : i32
      %dma_start3A_106 = arith.constant 0 : i32
      %dma_start3A_107 = arith.constant 0 : i32
      %dma_start3A_108 = arith.constant 0 : i32
      %dma_start3A_109 = arith.constant 0 : i32
      %dma_start3A_110 = tpu.memref_slice %arg11[%dma_start3A_106, %dma_start3A_108, %dma_start3A_109] : memref<4x512x8xf32, #tpu.memory_space<vmem>> -> memref<1x512x8xf32, #tpu.memory_space<vmem>>
      %dma_start3A_111 = tpu.memref_squeeze %dma_start3A_110 : memref<1x512x8xf32, #tpu.memory_space<vmem>> -> memref<512x8xf32, #tpu.memory_space<vmem>>
      %dma_start3A_112 = arith.constant 0 : i32
      %dma_start3A_113 = tpu.memref_slice %arg9[%select_n3A_70, %dma_start3A_105, %dma_start3A_112] : memref<2x4x512xi32, #tpu.memory_space<vmem>> -> memref<1x1x512xi32, #tpu.memory_space<vmem>>
      %dma_start3A_114 = tpu.memref_squeeze %dma_start3A_113 : memref<1x1x512xi32, #tpu.memory_space<vmem>> -> memref<512xi32, #tpu.memory_space<vmem>>
      %dma_start3A_115 = arith.constant 0 : i32
      %dma_start3A_116 = arith.constant 0 : i32
      %dma_start3A_117 = tpu.memref_slice %arg7[%dma_start3A_115, %dma_start3A_116] : memref<102400x8xf32, #tpu.memory_space<vmem_shared>> -> memref<102400x8xf32, #tpu.memory_space<vmem_shared>>
      %dma_start3A_118 = tpu.memref_slice %arg13[%dma_start3A_107] : memref<4x!tpu.dma_semaphore, #tpu.memory_space<semaphore_mem>> -> memref<1x!tpu.dma_semaphore, #tpu.memory_space<semaphore_mem>>
      %dma_start3A_119 = tpu.memref_squeeze %dma_start3A_118 : memref<1x!tpu.dma_semaphore, #tpu.memory_space<semaphore_mem>> -> memref<!tpu.dma_semaphore, #tpu.memory_space<semaphore_mem>>
      tpu.enqueue_indirect_dma source(%dma_start3A_117 : memref<102400x8xf32, #tpu.memory_space<vmem_shared>>) target(%dma_start3A_111 : memref<512x8xf32, #tpu.memory_space<vmem>>) offsets(%dma_start3A_114 : memref<512xi32, #tpu.memory_space<vmem>>) semaphore(%dma_start3A_119 : memref<!tpu.dma_semaphore, #tpu.memory_space<semaphore_mem>>)
      %dma_start3A_120 = arith.constant 1 : i32
      %dma_start3A_121 = arith.constant 1 : i32
      %dma_start3A_122 = arith.constant 1 : i32
      %dma_start3A_123 = arith.constant 0 : i32
      %dma_start3A_124 = arith.constant 0 : i32
      %dma_start3A_125 = tpu.memref_slice %arg11[%dma_start3A_121, %dma_start3A_123, %dma_start3A_124] : memref<4x512x8xf32, #tpu.memory_space<vmem>> -> memref<1x512x8xf32, #tpu.memory_space<vmem>>
      %dma_start3A_126 = tpu.memref_squeeze %dma_start3A_125 : memref<1x512x8xf32, #tpu.memory_space<vmem>> -> memref<512x8xf32, #tpu.memory_space<vmem>>
      %dma_start3A_127 = arith.constant 0 : i32
      %dma_start3A_128 = tpu.memref_slice %arg9[%select_n3A_70, %dma_start3A_120, %dma_start3A_127] : memref<2x4x512xi32, #tpu.memory_space<vmem>> -> memref<1x1x512xi32, #tpu.memory_space<vmem>>
      %dma_start3A_129 = tpu.memref_squeeze %dma_start3A_128 : memref<1x1x512xi32, #tpu.memory_space<vmem>> -> memref<512xi32, #tpu.memory_space<vmem>>
      %dma_start3A_130 = arith.constant 0 : i32
      %dma_start3A_131 = arith.constant 0 : i32
      %dma_start3A_132 = tpu.memref_slice %arg7[%dma_start3A_130, %dma_start3A_131] : memref<102400x8xf32, #tpu.memory_space<vmem_shared>> -> memref<102400x8xf32, #tpu.memory_space<vmem_shared>>
      %dma_start3A_133 = tpu.memref_slice %arg13[%dma_start3A_122] : memref<4x!tpu.dma_semaphore, #tpu.memory_space<semaphore_mem>> -> memref<1x!tpu.dma_semaphore, #tpu.memory_space<semaphore_mem>>
      %dma_start3A_134 = tpu.memref_squeeze %dma_start3A_133 : memref<1x!tpu.dma_semaphore, #tpu.memory_space<semaphore_mem>> -> memref<!tpu.dma_semaphore, #tpu.memory_space<semaphore_mem>>
      tpu.enqueue_indirect_dma source(%dma_start3A_132 : memref<102400x8xf32, #tpu.memory_space<vmem_shared>>) target(%dma_start3A_126 : memref<512x8xf32, #tpu.memory_space<vmem>>) offsets(%dma_start3A_129 : memref<512xi32, #tpu.memory_space<vmem>>) semaphore(%dma_start3A_134 : memref<!tpu.dma_semaphore, #tpu.memory_space<semaphore_mem>>)
      %dma_start3A_135 = arith.constant 2 : i32
      %dma_start3A_136 = arith.constant 2 : i32
      %dma_start3A_137 = arith.constant 2 : i32
      %dma_start3A_138 = arith.constant 0 : i32
      %dma_start3A_139 = arith.constant 0 : i32
      %dma_start3A_140 = tpu.memref_slice %arg11[%dma_start3A_136, %dma_start3A_138, %dma_start3A_139] : memref<4x512x8xf32, #tpu.memory_space<vmem>> -> memref<1x512x8xf32, #tpu.memory_space<vmem>>
      %dma_start3A_141 = tpu.memref_squeeze %dma_start3A_140 : memref<1x512x8xf32, #tpu.memory_space<vmem>> -> memref<512x8xf32, #tpu.memory_space<vmem>>
      %dma_start3A_142 = arith.constant 0 : i32
      %dma_start3A_143 = tpu.memref_slice %arg9[%select_n3A_70, %dma_start3A_135, %dma_start3A_142] : memref<2x4x512xi32, #tpu.memory_space<vmem>> -> memref<1x1x512xi32, #tpu.memory_space<vmem>>
      %dma_start3A_144 = tpu.memref_squeeze %dma_start3A_143 : memref<1x1x512xi32, #tpu.memory_space<vmem>> -> memref<512xi32, #tpu.memory_space<vmem>>
      %dma_start3A_145 = arith.constant 0 : i32
      %dma_start3A_146 = arith.constant 0 : i32
      %dma_start3A_147 = tpu.memref_slice %arg7[%dma_start3A_145, %dma_start3A_146] : memref<102400x8xf32, #tpu.memory_space<vmem_shared>> -> memref<102400x8xf32, #tpu.memory_space<vmem_shared>>
      %dma_start3A_148 = tpu.memref_slice %arg13[%dma_start3A_137] : memref<4x!tpu.dma_semaphore, #tpu.memory_space<semaphore_mem>> -> memref<1x!tpu.dma_semaphore, #tpu.memory_space<semaphore_mem>>
      %dma_start3A_149 = tpu.memref_squeeze %dma_start3A_148 : memref<1x!tpu.dma_semaphore, #tpu.memory_space<semaphore_mem>> -> memref<!tpu.dma_semaphore, #tpu.memory_space<semaphore_mem>>
      tpu.enqueue_indirect_dma source(%dma_start3A_147 : memref<102400x8xf32, #tpu.memory_space<vmem_shared>>) target(%dma_start3A_141 : memref<512x8xf32, #tpu.memory_space<vmem>>) offsets(%dma_start3A_144 : memref<512xi32, #tpu.memory_space<vmem>>) semaphore(%dma_start3A_149 : memref<!tpu.dma_semaphore, #tpu.memory_space<semaphore_mem>>)
      %dma_start3A_150 = arith.constant 3 : i32
      %dma_start3A_151 = arith.constant 3 : i32
      %dma_start3A_152 = arith.constant 3 : i32
      %dma_start3A_153 = arith.constant 0 : i32
      %dma_start3A_154 = arith.constant 0 : i32
      %dma_start3A_155 = tpu.memref_slice %arg11[%dma_start3A_151, %dma_start3A_153, %dma_start3A_154] : memref<4x512x8xf32, #tpu.memory_space<vmem>> -> memref<1x512x8xf32, #tpu.memory_space<vmem>>
      %dma_start3A_156 = tpu.memref_squeeze %dma_start3A_155 : memref<1x512x8xf32, #tpu.memory_space<vmem>> -> memref<512x8xf32, #tpu.memory_space<vmem>>
      %dma_start3A_157 = arith.constant 0 : i32
      %dma_start3A_158 = tpu.memref_slice %arg9[%select_n3A_70, %dma_start3A_150, %dma_start3A_157] : memref<2x4x512xi32, #tpu.memory_space<vmem>> -> memref<1x1x512xi32, #tpu.memory_space<vmem>>
      %dma_start3A_159 = tpu.memref_squeeze %dma_start3A_158 : memref<1x1x512xi32, #tpu.memory_space<vmem>> -> memref<512xi32, #tpu.memory_space<vmem>>
      %dma_start3A_160 = arith.constant 0 : i32
      %dma_start3A_161 = arith.constant 0 : i32
      %dma_start3A_162 = tpu.memref_slice %arg7[%dma_start3A_160, %dma_start3A_161] : memref<102400x8xf32, #tpu.memory_space<vmem_shared>> -> memref<102400x8xf32, #tpu.memory_space<vmem_shared>>
      %dma_start3A_163 = tpu.memref_slice %arg13[%dma_start3A_152] : memref<4x!tpu.dma_semaphore, #tpu.memory_space<semaphore_mem>> -> memref<1x!tpu.dma_semaphore, #tpu.memory_space<semaphore_mem>>
      %dma_start3A_164 = tpu.memref_squeeze %dma_start3A_163 : memref<1x!tpu.dma_semaphore, #tpu.memory_space<semaphore_mem>> -> memref<!tpu.dma_semaphore, #tpu.memory_space<semaphore_mem>>
      tpu.enqueue_indirect_dma source(%dma_start3A_162 : memref<102400x8xf32, #tpu.memory_space<vmem_shared>>) target(%dma_start3A_156 : memref<512x8xf32, #tpu.memory_space<vmem>>) offsets(%dma_start3A_159 : memref<512xi32, #tpu.memory_space<vmem>>) semaphore(%dma_start3A_164 : memref<!tpu.dma_semaphore, #tpu.memory_space<semaphore_mem>>)
      %dma_wait3A_165 = arith.constant 0 : i32
      %dma_wait3A_166 = arith.constant 0 : i32
      %dma_wait3A_167 = arith.constant 0 : i32
      %dma_wait3A_168 = arith.constant 0 : i32
      %dma_wait3A_169 = arith.constant 0 : i32
      %dma_wait3A_170 = tpu.memref_slice %arg11[%dma_wait3A_166, %dma_wait3A_168, %dma_wait3A_169] : memref<4x512x8xf32, #tpu.memory_space<vmem>> -> memref<1x512x8xf32, #tpu.memory_space<vmem>>
      %dma_wait3A_171 = tpu.memref_squeeze %dma_wait3A_170 : memref<1x512x8xf32, #tpu.memory_space<vmem>> -> memref<512x8xf32, #tpu.memory_space<vmem>>
      %dma_wait3A_172 = arith.constant 0 : i32
      %dma_wait3A_173 = tpu.memref_slice %arg9[%select_n3A_70, %dma_wait3A_165, %dma_wait3A_172] : memref<2x4x512xi32, #tpu.memory_space<vmem>> -> memref<1x1x512xi32, #tpu.memory_space<vmem>>
      %dma_wait3A_174 = tpu.memref_squeeze %dma_wait3A_173 : memref<1x1x512xi32, #tpu.memory_space<vmem>> -> memref<512xi32, #tpu.memory_space<vmem>>
      %dma_wait3A_175 = arith.constant 0 : i32
      %dma_wait3A_176 = arith.constant 0 : i32
      %dma_wait3A_177 = tpu.memref_slice %arg7[%dma_wait3A_175, %dma_wait3A_176] : memref<102400x8xf32, #tpu.memory_space<vmem_shared>> -> memref<102400x8xf32, #tpu.memory_space<vmem_shared>>
      %dma_wait3A_178 = tpu.memref_slice %arg13[%dma_wait3A_167] : memref<4x!tpu.dma_semaphore, #tpu.memory_space<semaphore_mem>> -> memref<1x!tpu.dma_semaphore, #tpu.memory_space<semaphore_mem>>
      %dma_wait3A_179 = tpu.memref_squeeze %dma_wait3A_178 : memref<1x!tpu.dma_semaphore, #tpu.memory_space<semaphore_mem>> -> memref<!tpu.dma_semaphore, #tpu.memory_space<semaphore_mem>>
      tpu.wait_indirect_dma semaphore(%dma_wait3A_179 : memref<!tpu.dma_semaphore, #tpu.memory_space<semaphore_mem>>) src(%dma_wait3A_177 : memref<102400x8xf32, #tpu.memory_space<vmem_shared>>) dst(%dma_wait3A_171 : memref<512x8xf32, #tpu.memory_space<vmem>>)
      %dma_start3A_180 = arith.constant 0 : i32
      %dma_start3A_181 = arith.constant 0 : i32
      %dma_start3A_182 = arith.constant 0 : i32
      %dma_start3A_183 = arith.constant 0 : i32
      %dma_start3A_184 = tpu.memref_slice %arg11[%dma_start3A_180, %dma_start3A_182, %dma_start3A_183] : memref<4x512x8xf32, #tpu.memory_space<vmem>> -> memref<1x512x8xf32, #tpu.memory_space<vmem>>
      %dma_start3A_185 = tpu.memref_squeeze %dma_start3A_184 : memref<1x512x8xf32, #tpu.memory_space<vmem>> -> memref<512x8xf32, #tpu.memory_space<vmem>>
      %dma_start3A_186 = arith.constant 0 : i32
      %dma_start3A_187 = tpu.memref_slice %arg10[%select_n3A_70, %dma_start3A_181, %dma_start3A_186] : memref<2x4x512xi32, #tpu.memory_space<vmem>> -> memref<1x1x512xi32, #tpu.memory_space<vmem>>
      %dma_start3A_188 = tpu.memref_squeeze %dma_start3A_187 : memref<1x1x512xi32, #tpu.memory_space<vmem>> -> memref<512xi32, #tpu.memory_space<vmem>>
      %dma_start3A_189 = arith.constant 0 : i32
      %dma_start3A_190 = arith.constant 0 : i32
      %dma_start3A_191 = tpu.memref_slice %arg8[%dma_start3A_189, %dma_start3A_190] : memref<102400x8xf32, #tpu.memory_space<vmem_shared>> -> memref<102400x8xf32, #tpu.memory_space<vmem_shared>>
      tpu.enqueue_indirect_dma source(%dma_start3A_185 : memref<512x8xf32, #tpu.memory_space<vmem>>) target(%dma_start3A_191 : memref<102400x8xf32, #tpu.memory_space<vmem_shared>>) offsets(%dma_start3A_188 : memref<512xi32, #tpu.memory_space<vmem>>) semaphore(%arg14 : memref<!tpu.dma_semaphore, #tpu.memory_space<semaphore_mem>>) {add = true}
      %dma_wait3A_192 = arith.constant 1 : i32
      %dma_wait3A_193 = arith.constant 1 : i32
      %dma_wait3A_194 = arith.constant 1 : i32
      %dma_wait3A_195 = arith.constant 0 : i32
      %dma_wait3A_196 = arith.constant 0 : i32
      %dma_wait3A_197 = tpu.memref_slice %arg11[%dma_wait3A_193, %dma_wait3A_195, %dma_wait3A_196] : memref<4x512x8xf32, #tpu.memory_space<vmem>> -> memref<1x512x8xf32, #tpu.memory_space<vmem>>
      %dma_wait3A_198 = tpu.memref_squeeze %dma_wait3A_197 : memref<1x512x8xf32, #tpu.memory_space<vmem>> -> memref<512x8xf32, #tpu.memory_space<vmem>>
      %dma_wait3A_199 = arith.constant 0 : i32
      %dma_wait3A_200 = tpu.memref_slice %arg9[%select_n3A_70, %dma_wait3A_192, %dma_wait3A_199] : memref<2x4x512xi32, #tpu.memory_space<vmem>> -> memref<1x1x512xi32, #tpu.memory_space<vmem>>
      %dma_wait3A_201 = tpu.memref_squeeze %dma_wait3A_200 : memref<1x1x512xi32, #tpu.memory_space<vmem>> -> memref<512xi32, #tpu.memory_space<vmem>>
      %dma_wait3A_202 = arith.constant 0 : i32
      %dma_wait3A_203 = arith.constant 0 : i32
      %dma_wait3A_204 = tpu.memref_slice %arg7[%dma_wait3A_202, %dma_wait3A_203] : memref<102400x8xf32, #tpu.memory_space<vmem_shared>> -> memref<102400x8xf32, #tpu.memory_space<vmem_shared>>
      %dma_wait3A_205 = tpu.memref_slice %arg13[%dma_wait3A_194] : memref<4x!tpu.dma_semaphore, #tpu.memory_space<semaphore_mem>> -> memref<1x!tpu.dma_semaphore, #tpu.memory_space<semaphore_mem>>
      %dma_wait3A_206 = tpu.memref_squeeze %dma_wait3A_205 : memref<1x!tpu.dma_semaphore, #tpu.memory_space<semaphore_mem>> -> memref<!tpu.dma_semaphore, #tpu.memory_space<semaphore_mem>>
      tpu.wait_indirect_dma semaphore(%dma_wait3A_206 : memref<!tpu.dma_semaphore, #tpu.memory_space<semaphore_mem>>) src(%dma_wait3A_204 : memref<102400x8xf32, #tpu.memory_space<vmem_shared>>) dst(%dma_wait3A_198 : memref<512x8xf32, #tpu.memory_space<vmem>>)
      %dma_start3A_207 = arith.constant 1 : i32
      %dma_start3A_208 = arith.constant 1 : i32
      %dma_start3A_209 = arith.constant 0 : i32
      %dma_start3A_210 = arith.constant 0 : i32
      %dma_start3A_211 = tpu.memref_slice %arg11[%dma_start3A_207, %dma_start3A_209, %dma_start3A_210] : memref<4x512x8xf32, #tpu.memory_space<vmem>> -> memref<1x512x8xf32, #tpu.memory_space<vmem>>
      %dma_start3A_212 = tpu.memref_squeeze %dma_start3A_211 : memref<1x512x8xf32, #tpu.memory_space<vmem>> -> memref<512x8xf32, #tpu.memory_space<vmem>>
      %dma_start3A_213 = arith.constant 0 : i32
      %dma_start3A_214 = tpu.memref_slice %arg10[%select_n3A_70, %dma_start3A_208, %dma_start3A_213] : memref<2x4x512xi32, #tpu.memory_space<vmem>> -> memref<1x1x512xi32, #tpu.memory_space<vmem>>
      %dma_start3A_215 = tpu.memref_squeeze %dma_start3A_214 : memref<1x1x512xi32, #tpu.memory_space<vmem>> -> memref<512xi32, #tpu.memory_space<vmem>>
      %dma_start3A_216 = arith.constant 0 : i32
      %dma_start3A_217 = arith.constant 0 : i32
      %dma_start3A_218 = tpu.memref_slice %arg8[%dma_start3A_216, %dma_start3A_217] : memref<102400x8xf32, #tpu.memory_space<vmem_shared>> -> memref<102400x8xf32, #tpu.memory_space<vmem_shared>>
      tpu.enqueue_indirect_dma source(%dma_start3A_212 : memref<512x8xf32, #tpu.memory_space<vmem>>) target(%dma_start3A_218 : memref<102400x8xf32, #tpu.memory_space<vmem_shared>>) offsets(%dma_start3A_215 : memref<512xi32, #tpu.memory_space<vmem>>) semaphore(%arg14 : memref<!tpu.dma_semaphore, #tpu.memory_space<semaphore_mem>>) {add = true}
      %dma_wait3A_219 = arith.constant 2 : i32
      %dma_wait3A_220 = arith.constant 2 : i32
      %dma_wait3A_221 = arith.constant 2 : i32
      %dma_wait3A_222 = arith.constant 0 : i32
      %dma_wait3A_223 = arith.constant 0 : i32
      %dma_wait3A_224 = tpu.memref_slice %arg11[%dma_wait3A_220, %dma_wait3A_222, %dma_wait3A_223] : memref<4x512x8xf32, #tpu.memory_space<vmem>> -> memref<1x512x8xf32, #tpu.memory_space<vmem>>
      %dma_wait3A_225 = tpu.memref_squeeze %dma_wait3A_224 : memref<1x512x8xf32, #tpu.memory_space<vmem>> -> memref<512x8xf32, #tpu.memory_space<vmem>>
      %dma_wait3A_226 = arith.constant 0 : i32
      %dma_wait3A_227 = tpu.memref_slice %arg9[%select_n3A_70, %dma_wait3A_219, %dma_wait3A_226] : memref<2x4x512xi32, #tpu.memory_space<vmem>> -> memref<1x1x512xi32, #tpu.memory_space<vmem>>
      %dma_wait3A_228 = tpu.memref_squeeze %dma_wait3A_227 : memref<1x1x512xi32, #tpu.memory_space<vmem>> -> memref<512xi32, #tpu.memory_space<vmem>>
      %dma_wait3A_229 = arith.constant 0 : i32
      %dma_wait3A_230 = arith.constant 0 : i32
      %dma_wait3A_231 = tpu.memref_slice %arg7[%dma_wait3A_229, %dma_wait3A_230] : memref<102400x8xf32, #tpu.memory_space<vmem_shared>> -> memref<102400x8xf32, #tpu.memory_space<vmem_shared>>
      %dma_wait3A_232 = tpu.memref_slice %arg13[%dma_wait3A_221] : memref<4x!tpu.dma_semaphore, #tpu.memory_space<semaphore_mem>> -> memref<1x!tpu.dma_semaphore, #tpu.memory_space<semaphore_mem>>
      %dma_wait3A_233 = tpu.memref_squeeze %dma_wait3A_232 : memref<1x!tpu.dma_semaphore, #tpu.memory_space<semaphore_mem>> -> memref<!tpu.dma_semaphore, #tpu.memory_space<semaphore_mem>>
      tpu.wait_indirect_dma semaphore(%dma_wait3A_233 : memref<!tpu.dma_semaphore, #tpu.memory_space<semaphore_mem>>) src(%dma_wait3A_231 : memref<102400x8xf32, #tpu.memory_space<vmem_shared>>) dst(%dma_wait3A_225 : memref<512x8xf32, #tpu.memory_space<vmem>>)
      %dma_start3A_234 = arith.constant 2 : i32
      %dma_start3A_235 = arith.constant 2 : i32
      %dma_start3A_236 = arith.constant 0 : i32
      %dma_start3A_237 = arith.constant 0 : i32
      %dma_start3A_238 = tpu.memref_slice %arg11[%dma_start3A_234, %dma_start3A_236, %dma_start3A_237] : memref<4x512x8xf32, #tpu.memory_space<vmem>> -> memref<1x512x8xf32, #tpu.memory_space<vmem>>
      %dma_start3A_239 = tpu.memref_squeeze %dma_start3A_238 : memref<1x512x8xf32, #tpu.memory_space<vmem>> -> memref<512x8xf32, #tpu.memory_space<vmem>>
      %dma_start3A_240 = arith.constant 0 : i32
      %dma_start3A_241 = tpu.memref_slice %arg10[%select_n3A_70, %dma_start3A_235, %dma_start3A_240] : memref<2x4x512xi32, #tpu.memory_space<vmem>> -> memref<1x1x512xi32, #tpu.memory_space<vmem>>
      %dma_start3A_242 = tpu.memref_squeeze %dma_start3A_241 : memref<1x1x512xi32, #tpu.memory_space<vmem>> -> memref<512xi32, #tpu.memory_space<vmem>>
      %dma_start3A_243 = arith.constant 0 : i32
      %dma_start3A_244 = arith.constant 0 : i32
      %dma_start3A_245 = tpu.memref_slice %arg8[%dma_start3A_243, %dma_start3A_244] : memref<102400x8xf32, #tpu.memory_space<vmem_shared>> -> memref<102400x8xf32, #tpu.memory_space<vmem_shared>>
      tpu.enqueue_indirect_dma source(%dma_start3A_239 : memref<512x8xf32, #tpu.memory_space<vmem>>) target(%dma_start3A_245 : memref<102400x8xf32, #tpu.memory_space<vmem_shared>>) offsets(%dma_start3A_242 : memref<512xi32, #tpu.memory_space<vmem>>) semaphore(%arg14 : memref<!tpu.dma_semaphore, #tpu.memory_space<semaphore_mem>>) {add = true}
      %dma_wait3A_246 = arith.constant 3 : i32
      %dma_wait3A_247 = arith.constant 3 : i32
      %dma_wait3A_248 = arith.constant 3 : i32
      %dma_wait3A_249 = arith.constant 0 : i32
      %dma_wait3A_250 = arith.constant 0 : i32
      %dma_wait3A_251 = tpu.memref_slice %arg11[%dma_wait3A_247, %dma_wait3A_249, %dma_wait3A_250] : memref<4x512x8xf32, #tpu.memory_space<vmem>> -> memref<1x512x8xf32, #tpu.memory_space<vmem>>
      %dma_wait3A_252 = tpu.memref_squeeze %dma_wait3A_251 : memref<1x512x8xf32, #tpu.memory_space<vmem>> -> memref<512x8xf32, #tpu.memory_space<vmem>>
      %dma_wait3A_253 = arith.constant 0 : i32
      %dma_wait3A_254 = tpu.memref_slice %arg9[%select_n3A_70, %dma_wait3A_246, %dma_wait3A_253] : memref<2x4x512xi32, #tpu.memory_space<vmem>> -> memref<1x1x512xi32, #tpu.memory_space<vmem>>
      %dma_wait3A_255 = tpu.memref_squeeze %dma_wait3A_254 : memref<1x1x512xi32, #tpu.memory_space<vmem>> -> memref<512xi32, #tpu.memory_space<vmem>>
      %dma_wait3A_256 = arith.constant 0 : i32
      %dma_wait3A_257 = arith.constant 0 : i32
      %dma_wait3A_258 = tpu.memref_slice %arg7[%dma_wait3A_256, %dma_wait3A_257] : memref<102400x8xf32, #tpu.memory_space<vmem_shared>> -> memref<102400x8xf32, #tpu.memory_space<vmem_shared>>
      %dma_wait3A_259 = tpu.memref_slice %arg13[%dma_wait3A_248] : memref<4x!tpu.dma_semaphore, #tpu.memory_space<semaphore_mem>> -> memref<1x!tpu.dma_semaphore, #tpu.memory_space<semaphore_mem>>
      %dma_wait3A_260 = tpu.memref_squeeze %dma_wait3A_259 : memref<1x!tpu.dma_semaphore, #tpu.memory_space<semaphore_mem>> -> memref<!tpu.dma_semaphore, #tpu.memory_space<semaphore_mem>>
      tpu.wait_indirect_dma semaphore(%dma_wait3A_260 : memref<!tpu.dma_semaphore, #tpu.memory_space<semaphore_mem>>) src(%dma_wait3A_258 : memref<102400x8xf32, #tpu.memory_space<vmem_shared>>) dst(%dma_wait3A_252 : memref<512x8xf32, #tpu.memory_space<vmem>>)
      %dma_start3A_261 = arith.constant 3 : i32
      %dma_start3A_262 = arith.constant 3 : i32
      %dma_start3A_263 = arith.constant 0 : i32
      %dma_start3A_264 = arith.constant 0 : i32
      %dma_start3A_265 = tpu.memref_slice %arg11[%dma_start3A_261, %dma_start3A_263, %dma_start3A_264] : memref<4x512x8xf32, #tpu.memory_space<vmem>> -> memref<1x512x8xf32, #tpu.memory_space<vmem>>
      %dma_start3A_266 = tpu.memref_squeeze %dma_start3A_265 : memref<1x512x8xf32, #tpu.memory_space<vmem>> -> memref<512x8xf32, #tpu.memory_space<vmem>>
      %dma_start3A_267 = arith.constant 0 : i32
      %dma_start3A_268 = tpu.memref_slice %arg10[%select_n3A_70, %dma_start3A_262, %dma_start3A_267] : memref<2x4x512xi32, #tpu.memory_space<vmem>> -> memref<1x1x512xi32, #tpu.memory_space<vmem>>
      %dma_start3A_269 = tpu.memref_squeeze %dma_start3A_268 : memref<1x1x512xi32, #tpu.memory_space<vmem>> -> memref<512xi32, #tpu.memory_space<vmem>>
      %dma_start3A_270 = arith.constant 0 : i32
      %dma_start3A_271 = arith.constant 0 : i32
      %dma_start3A_272 = tpu.memref_slice %arg8[%dma_start3A_270, %dma_start3A_271] : memref<102400x8xf32, #tpu.memory_space<vmem_shared>> -> memref<102400x8xf32, #tpu.memory_space<vmem_shared>>
      tpu.enqueue_indirect_dma source(%dma_start3A_266 : memref<512x8xf32, #tpu.memory_space<vmem>>) target(%dma_start3A_272 : memref<102400x8xf32, #tpu.memory_space<vmem_shared>>) offsets(%dma_start3A_269 : memref<512xi32, #tpu.memory_space<vmem>>) semaphore(%arg14 : memref<!tpu.dma_semaphore, #tpu.memory_space<semaphore_mem>>) {add = true}
      %dma_wait3A_273 = arith.constant 0 : i32
      %dma_wait3A_274 = arith.constant 0 : i32
      %dma_wait3A_275 = arith.constant 0 : i32
      %dma_wait3A_276 = arith.constant 0 : i32
      %dma_wait3A_277 = tpu.memref_slice %arg11[%dma_wait3A_273, %dma_wait3A_275, %dma_wait3A_276] : memref<4x512x8xf32, #tpu.memory_space<vmem>> -> memref<1x512x8xf32, #tpu.memory_space<vmem>>
      %dma_wait3A_278 = tpu.memref_squeeze %dma_wait3A_277 : memref<1x512x8xf32, #tpu.memory_space<vmem>> -> memref<512x8xf32, #tpu.memory_space<vmem>>
      %dma_wait3A_279 = arith.constant 0 : i32
      %dma_wait3A_280 = tpu.memref_slice %arg10[%select_n3A_70, %dma_wait3A_274, %dma_wait3A_279] : memref<2x4x512xi32, #tpu.memory_space<vmem>> -> memref<1x1x512xi32, #tpu.memory_space<vmem>>
      %dma_wait3A_281 = tpu.memref_squeeze %dma_wait3A_280 : memref<1x1x512xi32, #tpu.memory_space<vmem>> -> memref<512xi32, #tpu.memory_space<vmem>>
      %dma_wait3A_282 = arith.constant 0 : i32
      %dma_wait3A_283 = arith.constant 0 : i32
      %dma_wait3A_284 = tpu.memref_slice %arg8[%dma_wait3A_282, %dma_wait3A_283] : memref<102400x8xf32, #tpu.memory_space<vmem_shared>> -> memref<102400x8xf32, #tpu.memory_space<vmem_shared>>
      tpu.wait_indirect_dma semaphore(%arg14 : memref<!tpu.dma_semaphore, #tpu.memory_space<semaphore_mem>>) src(%dma_wait3A_278 : memref<512x8xf32, #tpu.memory_space<vmem>>) dst(%dma_wait3A_284 : memref<102400x8xf32, #tpu.memory_space<vmem_shared>>)
      %dma_wait3A_285 = arith.constant 1 : i32
      %dma_wait3A_286 = arith.constant 1 : i32
      %dma_wait3A_287 = arith.constant 0 : i32
      %dma_wait3A_288 = arith.constant 0 : i32
      %dma_wait3A_289 = tpu.memref_slice %arg11[%dma_wait3A_285, %dma_wait3A_287, %dma_wait3A_288] : memref<4x512x8xf32, #tpu.memory_space<vmem>> -> memref<1x512x8xf32, #tpu.memory_space<vmem>>
      %dma_wait3A_290 = tpu.memref_squeeze %dma_wait3A_289 : memref<1x512x8xf32, #tpu.memory_space<vmem>> -> memref<512x8xf32, #tpu.memory_space<vmem>>
      %dma_wait3A_291 = arith.constant 0 : i32
      %dma_wait3A_292 = tpu.memref_slice %arg10[%select_n3A_70, %dma_wait3A_286, %dma_wait3A_291] : memref<2x4x512xi32, #tpu.memory_space<vmem>> -> memref<1x1x512xi32, #tpu.memory_space<vmem>>
      %dma_wait3A_293 = tpu.memref_squeeze %dma_wait3A_292 : memref<1x1x512xi32, #tpu.memory_space<vmem>> -> memref<512xi32, #tpu.memory_space<vmem>>
      %dma_wait3A_294 = arith.constant 0 : i32
      %dma_wait3A_295 = arith.constant 0 : i32
      %dma_wait3A_296 = tpu.memref_slice %arg8[%dma_wait3A_294, %dma_wait3A_295] : memref<102400x8xf32, #tpu.memory_space<vmem_shared>> -> memref<102400x8xf32, #tpu.memory_space<vmem_shared>>
      tpu.wait_indirect_dma semaphore(%arg14 : memref<!tpu.dma_semaphore, #tpu.memory_space<semaphore_mem>>) src(%dma_wait3A_290 : memref<512x8xf32, #tpu.memory_space<vmem>>) dst(%dma_wait3A_296 : memref<102400x8xf32, #tpu.memory_space<vmem_shared>>)
      %dma_wait3A_297 = arith.constant 2 : i32
      %dma_wait3A_298 = arith.constant 2 : i32
      %dma_wait3A_299 = arith.constant 0 : i32
      %dma_wait3A_300 = arith.constant 0 : i32
      %dma_wait3A_301 = tpu.memref_slice %arg11[%dma_wait3A_297, %dma_wait3A_299, %dma_wait3A_300] : memref<4x512x8xf32, #tpu.memory_space<vmem>> -> memref<1x512x8xf32, #tpu.memory_space<vmem>>
      %dma_wait3A_302 = tpu.memref_squeeze %dma_wait3A_301 : memref<1x512x8xf32, #tpu.memory_space<vmem>> -> memref<512x8xf32, #tpu.memory_space<vmem>>
      %dma_wait3A_303 = arith.constant 0 : i32
      %dma_wait3A_304 = tpu.memref_slice %arg10[%select_n3A_70, %dma_wait3A_298, %dma_wait3A_303] : memref<2x4x512xi32, #tpu.memory_space<vmem>> -> memref<1x1x512xi32, #tpu.memory_space<vmem>>
      %dma_wait3A_305 = tpu.memref_squeeze %dma_wait3A_304 : memref<1x1x512xi32, #tpu.memory_space<vmem>> -> memref<512xi32, #tpu.memory_space<vmem>>
      %dma_wait3A_306 = arith.constant 0 : i32
      %dma_wait3A_307 = arith.constant 0 : i32
      %dma_wait3A_308 = tpu.memref_slice %arg8[%dma_wait3A_306, %dma_wait3A_307] : memref<102400x8xf32, #tpu.memory_space<vmem_shared>> -> memref<102400x8xf32, #tpu.memory_space<vmem_shared>>
      tpu.wait_indirect_dma semaphore(%arg14 : memref<!tpu.dma_semaphore, #tpu.memory_space<semaphore_mem>>) src(%dma_wait3A_302 : memref<512x8xf32, #tpu.memory_space<vmem>>) dst(%dma_wait3A_308 : memref<102400x8xf32, #tpu.memory_space<vmem_shared>>)
      %dma_wait3A_309 = arith.constant 3 : i32
      %dma_wait3A_310 = arith.constant 3 : i32
      %dma_wait3A_311 = arith.constant 0 : i32
      %dma_wait3A_312 = arith.constant 0 : i32
      %dma_wait3A_313 = tpu.memref_slice %arg11[%dma_wait3A_309, %dma_wait3A_311, %dma_wait3A_312] : memref<4x512x8xf32, #tpu.memory_space<vmem>> -> memref<1x512x8xf32, #tpu.memory_space<vmem>>
      %dma_wait3A_314 = tpu.memref_squeeze %dma_wait3A_313 : memref<1x512x8xf32, #tpu.memory_space<vmem>> -> memref<512x8xf32, #tpu.memory_space<vmem>>
      %dma_wait3A_315 = arith.constant 0 : i32
      %dma_wait3A_316 = tpu.memref_slice %arg10[%select_n3A_70, %dma_wait3A_310, %dma_wait3A_315] : memref<2x4x512xi32, #tpu.memory_space<vmem>> -> memref<1x1x512xi32, #tpu.memory_space<vmem>>
      %dma_wait3A_317 = tpu.memref_squeeze %dma_wait3A_316 : memref<1x1x512xi32, #tpu.memory_space<vmem>> -> memref<512xi32, #tpu.memory_space<vmem>>
      %dma_wait3A_318 = arith.constant 0 : i32
      %dma_wait3A_319 = arith.constant 0 : i32
      %dma_wait3A_320 = tpu.memref_slice %arg8[%dma_wait3A_318, %dma_wait3A_319] : memref<102400x8xf32, #tpu.memory_space<vmem_shared>> -> memref<102400x8xf32, #tpu.memory_space<vmem_shared>>
      tpu.wait_indirect_dma semaphore(%arg14 : memref<!tpu.dma_semaphore, #tpu.memory_space<semaphore_mem>>) src(%dma_wait3A_314 : memref<512x8xf32, #tpu.memory_space<vmem>>) dst(%dma_wait3A_320 : memref<102400x8xf32, #tpu.memory_space<vmem_shared>>)
    }
    %while3A_52 = arith.constant 1 : i32
    scf.for %while3A_58 = %while3A_50 to %while3A_46 step %while3A_52  : i32 {
      %jit3A_59 = arith.constant 2 : i32
      %eq3A_60 = arith.constant 0 : i32
      %eq3A_61 = arith.cmpi eq, %jit3A_59, %eq3A_60 : i32
      %jit3A_62 = arith.constant 1 : i32
      %select_n3A_63 = arith.select %eq3A_61, %jit3A_62, %jit3A_59 : i32
      %rem3A = arith.remsi %while3A_58, %select_n3A_63 : i32
      %ne3A = arith.constant 0 : i32
      %ne3A_64 = arith.cmpi ne, %rem3A, %ne3A : i32
      %lt3A = arith.constant 0 : i32
      %lt3A_65 = arith.cmpi slt, %rem3A, %lt3A : i32
      %lt3A_66 = arith.constant 0 : i32
      %lt3A_67 = arith.cmpi slt, %select_n3A_63, %lt3A_66 : i32
      %ne3A_68 = arith.xori %lt3A_65, %lt3A_67 : i1
      %and3A = arith.andi %ne3A_68, %ne3A_64 : i1
      %add3A_69 = arith.addi %rem3A, %select_n3A_63 : i32
      %select_n3A_70 = arith.select %and3A, %add3A_69, %rem3A : i32
      %add3A_71 = arith.constant 1 : i32
      %add3A_72 = arith.addi %while3A_58, %add3A_71 : i32
      %lt3A_73 = arith.cmpi slt, %add3A_72, %select_n3A : i32
      %convert_element_type3A = arith.extui %lt3A_73 : i1 to i32
      %cond3A = arith.constant 0 : i32
      %cond3A_74 = arith.cmpi ne, %convert_element_type3A, %cond3A : i32
      scf.if %cond3A_74 {
        %add3A_321 = arith.constant 1 : i32
        %add3A_322 = arith.addi %while3A_58, %add3A_321 : i32
        %mul3A_323 = arith.constant 4 : i32
        %mul3A_324 = arith.muli %add3A_322, %mul3A_323 : i32
        %add3A_325 = arith.addi %mul3A_12, %mul3A_324 : i32
        %sub3A = arith.constant 1 : i32
        %sub3A_326 = arith.subi %sub3A, %select_n3A_70 : i32
        %sub3A_327 = arith.constant 1 : i32
        %sub3A_328 = arith.subi %sub3A_327, %select_n3A_70 : i32
        %dma_start3A_329 = arith.constant 0 : i32
        %dma_start3A_330 = arith.constant 0 : i32
        %dma_start3A_331 = tpu.memref_slice %arg9[%sub3A_326, %dma_start3A_329, %dma_start3A_330] : memref<2x4x512xi32, #tpu.memory_space<vmem>> -> memref<1x4x512xi32, #tpu.memory_space<vmem>>
        %dma_start3A_332 = tpu.memref_squeeze %dma_start3A_331 : memref<1x4x512xi32, #tpu.memory_space<vmem>> -> memref<4x512xi32, #tpu.memory_space<vmem>>
        %dma_start3A_333 = arith.constant 0 : i32
        %dma_start3A_334 = tpu.memref_slice %arg3[%add3A_325, %dma_start3A_333] : memref<12500x512xi32, #tpu.memory_space<hbm>> -> memref<4x512xi32, #tpu.memory_space<hbm>>
        %dma_start3A_335 = tpu.memref_slice %arg12[%sub3A_328] : memref<2x!tpu.dma_semaphore, #tpu.memory_space<semaphore_mem>> -> memref<1x!tpu.dma_semaphore, #tpu.memory_space<semaphore_mem>>
        %dma_start3A_336 = tpu.memref_squeeze %dma_start3A_335 : memref<1x!tpu.dma_semaphore, #tpu.memory_space<semaphore_mem>> -> memref<!tpu.dma_semaphore, #tpu.memory_space<semaphore_mem>>
        %dma_start3A_337 = arith.constant 0 : i32
        %dma_start3A_338 = arith.constant 0 : i32
        %dma_start3A_339 = tpu.memref_slice %arg9[%sub3A_326, %dma_start3A_337, %dma_start3A_338] : memref<2x4x512xi32, #tpu.memory_space<vmem>> -> memref<1x4x512xi32, #tpu.memory_space<vmem>>
        %dma_start3A_340 = tpu.memref_squeeze %dma_start3A_339 : memref<1x4x512xi32, #tpu.memory_space<vmem>> -> memref<4x512xi32, #tpu.memory_space<vmem>>
        %dma_start3A_341 = arith.constant 0 : i32
        %dma_start3A_342 = tpu.memref_slice %arg3[%add3A_325, %dma_start3A_341] : memref<12500x512xi32, #tpu.memory_space<hbm>> -> memref<4x512xi32, #tpu.memory_space<hbm>>
        tpu.enqueue_dma source(%dma_start3A_342 : memref<4x512xi32, #tpu.memory_space<hbm>>) target(%dma_start3A_340 : memref<4x512xi32, #tpu.memory_space<vmem>>) target_semaphore(%dma_start3A_336 : memref<!tpu.dma_semaphore, #tpu.memory_space<semaphore_mem>>)
        %sub3A_343 = arith.constant 1 : i32
        %sub3A_344 = arith.subi %sub3A_343, %select_n3A_70 : i32
        %sub3A_345 = arith.constant 1 : i32
        %sub3A_346 = arith.subi %sub3A_345, %select_n3A_70 : i32
        %dma_start3A_347 = arith.constant 0 : i32
        %dma_start3A_348 = arith.constant 0 : i32
        %dma_start3A_349 = tpu.memref_slice %arg10[%sub3A_344, %dma_start3A_347, %dma_start3A_348] : memref<2x4x512xi32, #tpu.memory_space<vmem>> -> memref<1x4x512xi32, #tpu.memory_space<vmem>>
        %dma_start3A_350 = tpu.memref_squeeze %dma_start3A_349 : memref<1x4x512xi32, #tpu.memory_space<vmem>> -> memref<4x512xi32, #tpu.memory_space<vmem>>
        %dma_start3A_351 = arith.constant 0 : i32
        %dma_start3A_352 = tpu.memref_slice %arg4[%add3A_325, %dma_start3A_351] : memref<12500x512xi32, #tpu.memory_space<hbm>> -> memref<4x512xi32, #tpu.memory_space<hbm>>
        %dma_start3A_353 = tpu.memref_slice %arg12[%sub3A_346] : memref<2x!tpu.dma_semaphore, #tpu.memory_space<semaphore_mem>> -> memref<1x!tpu.dma_semaphore, #tpu.memory_space<semaphore_mem>>
        %dma_start3A_354 = tpu.memref_squeeze %dma_start3A_353 : memref<1x!tpu.dma_semaphore, #tpu.memory_space<semaphore_mem>> -> memref<!tpu.dma_semaphore, #tpu.memory_space<semaphore_mem>>
        %dma_start3A_355 = arith.constant 0 : i32
        %dma_start3A_356 = arith.constant 0 : i32
        %dma_start3A_357 = tpu.memref_slice %arg10[%sub3A_344, %dma_start3A_355, %dma_start3A_356] : memref<2x4x512xi32, #tpu.memory_space<vmem>> -> memref<1x4x512xi32, #tpu.memory_space<vmem>>
        %dma_start3A_358 = tpu.memref_squeeze %dma_start3A_357 : memref<1x4x512xi32, #tpu.memory_space<vmem>> -> memref<4x512xi32, #tpu.memory_space<vmem>>
        %dma_start3A_359 = arith.constant 0 : i32
        %dma_start3A_360 = tpu.memref_slice %arg4[%add3A_325, %dma_start3A_359] : memref<12500x512xi32, #tpu.memory_space<hbm>> -> memref<4x512xi32, #tpu.memory_space<hbm>>
        tpu.enqueue_dma source(%dma_start3A_360 : memref<4x512xi32, #tpu.memory_space<hbm>>) target(%dma_start3A_358 : memref<4x512xi32, #tpu.memory_space<vmem>>) target_semaphore(%dma_start3A_354 : memref<!tpu.dma_semaphore, #tpu.memory_space<semaphore_mem>>)
      } else {
      }
      %mul3A_75 = arith.constant 4 : i32
      %mul3A_76 = arith.muli %while3A_58, %mul3A_75 : i32
      %add3A_77 = arith.addi %mul3A_12, %mul3A_76 : i32
      %dma_wait3A = arith.constant 0 : i32
      %dma_wait3A_78 = arith.constant 0 : i32
      %dma_wait3A_79 = tpu.memref_slice %arg9[%select_n3A_70, %dma_wait3A, %dma_wait3A_78] : memref<2x4x512xi32, #tpu.memory_space<vmem>> -> memref<1x4x512xi32, #tpu.memory_space<vmem>>
      %dma_wait3A_80 = tpu.memref_squeeze %dma_wait3A_79 : memref<1x4x512xi32, #tpu.memory_space<vmem>> -> memref<4x512xi32, #tpu.memory_space<vmem>>
      %dma_wait3A_81 = arith.constant 0 : i32
      %dma_wait3A_82 = tpu.memref_slice %arg3[%add3A_77, %dma_wait3A_81] : memref<12500x512xi32, #tpu.memory_space<hbm>> -> memref<4x512xi32, #tpu.memory_space<hbm>>
      %dma_wait3A_83 = tpu.memref_slice %arg12[%select_n3A_70] : memref<2x!tpu.dma_semaphore, #tpu.memory_space<semaphore_mem>> -> memref<1x!tpu.dma_semaphore, #tpu.memory_space<semaphore_mem>>
      %dma_wait3A_84 = tpu.memref_squeeze %dma_wait3A_83 : memref<1x!tpu.dma_semaphore, #tpu.memory_space<semaphore_mem>> -> memref<!tpu.dma_semaphore, #tpu.memory_space<semaphore_mem>>
      %dma_wait3A_85 = arith.constant 0 : i32
      %dma_wait3A_86 = arith.constant 0 : i32
      %dma_wait3A_87 = tpu.memref_slice %arg9[%select_n3A_70, %dma_wait3A_85, %dma_wait3A_86] : memref<2x4x512xi32, #tpu.memory_space<vmem>> -> memref<1x4x512xi32, #tpu.memory_space<vmem>>
      %dma_wait3A_88 = tpu.memref_squeeze %dma_wait3A_87 : memref<1x4x512xi32, #tpu.memory_space<vmem>> -> memref<4x512xi32, #tpu.memory_space<vmem>>
      %dma_wait3A_89 = arith.constant 0 : i32
      %dma_wait3A_90 = tpu.memref_slice %arg3[%add3A_77, %dma_wait3A_89] : memref<12500x512xi32, #tpu.memory_space<hbm>> -> memref<4x512xi32, #tpu.memory_space<hbm>>
      tpu.wait_dma2 semaphore(%dma_wait3A_84 : memref<!tpu.dma_semaphore, #tpu.memory_space<semaphore_mem>>) src(%dma_wait3A_90 : memref<4x512xi32, #tpu.memory_space<hbm>>) dst(%dma_wait3A_88 : memref<4x512xi32, #tpu.memory_space<vmem>>)
      %dma_wait3A_91 = arith.constant 0 : i32
      %dma_wait3A_92 = arith.constant 0 : i32
      %dma_wait3A_93 = tpu.memref_slice %arg10[%select_n3A_70, %dma_wait3A_91, %dma_wait3A_92] : memref<2x4x512xi32, #tpu.memory_space<vmem>> -> memref<1x4x512xi32, #tpu.memory_space<vmem>>
      %dma_wait3A_94 = tpu.memref_squeeze %dma_wait3A_93 : memref<1x4x512xi32, #tpu.memory_space<vmem>> -> memref<4x512xi32, #tpu.memory_space<vmem>>
      %dma_wait3A_95 = arith.constant 0 : i32
      %dma_wait3A_96 = tpu.memref_slice %arg4[%add3A_77, %dma_wait3A_95] : memref<12500x512xi32, #tpu.memory_space<hbm>> -> memref<4x512xi32, #tpu.memory_space<hbm>>
      %dma_wait3A_97 = tpu.memref_slice %arg12[%select_n3A_70] : memref<2x!tpu.dma_semaphore, #tpu.memory_space<semaphore_mem>> -> memref<1x!tpu.dma_semaphore, #tpu.memory_space<semaphore_mem>>
      %dma_wait3A_98 = tpu.memref_squeeze %dma_wait3A_97 : memref<1x!tpu.dma_semaphore, #tpu.memory_space<semaphore_mem>> -> memref<!tpu.dma_semaphore, #tpu.memory_space<semaphore_mem>>
      %dma_wait3A_99 = arith.constant 0 : i32
      %dma_wait3A_100 = arith.constant 0 : i32
      %dma_wait3A_101 = tpu.memref_slice %arg10[%select_n3A_70, %dma_wait3A_99, %dma_wait3A_100] : memref<2x4x512xi32, #tpu.memory_space<vmem>> -> memref<1x4x512xi32, #tpu.memory_space<vmem>>
      %dma_wait3A_102 = tpu.memref_squeeze %dma_wait3A_101 : memref<1x4x512xi32, #tpu.memory_space<vmem>> -> memref<4x512xi32, #tpu.memory_space<vmem>>
      %dma_wait3A_103 = arith.constant 0 : i32
      %dma_wait3A_104 = tpu.memref_slice %arg4[%add3A_77, %dma_wait3A_103] : memref<12500x512xi32, #tpu.memory_space<hbm>> -> memref<4x512xi32, #tpu.memory_space<hbm>>
      tpu.wait_dma2 semaphore(%dma_wait3A_98 : memref<!tpu.dma_semaphore, #tpu.memory_space<semaphore_mem>>) src(%dma_wait3A_104 : memref<4x512xi32, #tpu.memory_space<hbm>>) dst(%dma_wait3A_102 : memref<4x512xi32, #tpu.memory_space<vmem>>)
      %dma_start3A_105 = arith.constant 0 : i32
      %dma_start3A_106 = arith.constant 0 : i32
      %dma_start3A_107 = arith.constant 0 : i32
      %dma_start3A_108 = arith.constant 0 : i32
      %dma_start3A_109 = arith.constant 0 : i32
      %dma_start3A_110 = tpu.memref_slice %arg11[%dma_start3A_106, %dma_start3A_108, %dma_start3A_109] : memref<4x512x8xf32, #tpu.memory_space<vmem>> -> memref<1x512x8xf32, #tpu.memory_space<vmem>>
      %dma_start3A_111 = tpu.memref_squeeze %dma_start3A_110 : memref<1x512x8xf32, #tpu.memory_space<vmem>> -> memref<512x8xf32, #tpu.memory_space<vmem>>
      %dma_start3A_112 = arith.constant 0 : i32
      %dma_start3A_113 = tpu.memref_slice %arg9[%select_n3A_70, %dma_start3A_105, %dma_start3A_112] : memref<2x4x512xi32, #tpu.memory_space<vmem>> -> memref<1x1x512xi32, #tpu.memory_space<vmem>>
      %dma_start3A_114 = tpu.memref_squeeze %dma_start3A_113 : memref<1x1x512xi32, #tpu.memory_space<vmem>> -> memref<512xi32, #tpu.memory_space<vmem>>
      %dma_start3A_115 = arith.constant 0 : i32
      %dma_start3A_116 = arith.constant 0 : i32
      %dma_start3A_117 = tpu.memref_slice %arg7[%dma_start3A_115, %dma_start3A_116] : memref<102400x8xf32, #tpu.memory_space<vmem_shared>> -> memref<102400x8xf32, #tpu.memory_space<vmem_shared>>
      %dma_start3A_118 = tpu.memref_slice %arg13[%dma_start3A_107] : memref<4x!tpu.dma_semaphore, #tpu.memory_space<semaphore_mem>> -> memref<1x!tpu.dma_semaphore, #tpu.memory_space<semaphore_mem>>
      %dma_start3A_119 = tpu.memref_squeeze %dma_start3A_118 : memref<1x!tpu.dma_semaphore, #tpu.memory_space<semaphore_mem>> -> memref<!tpu.dma_semaphore, #tpu.memory_space<semaphore_mem>>
      tpu.enqueue_indirect_dma source(%dma_start3A_117 : memref<102400x8xf32, #tpu.memory_space<vmem_shared>>) target(%dma_start3A_111 : memref<512x8xf32, #tpu.memory_space<vmem>>) offsets(%dma_start3A_114 : memref<512xi32, #tpu.memory_space<vmem>>) semaphore(%dma_start3A_119 : memref<!tpu.dma_semaphore, #tpu.memory_space<semaphore_mem>>)
      %dma_start3A_120 = arith.constant 1 : i32
      %dma_start3A_121 = arith.constant 1 : i32
      %dma_start3A_122 = arith.constant 1 : i32
      %dma_start3A_123 = arith.constant 0 : i32
      %dma_start3A_124 = arith.constant 0 : i32
      %dma_start3A_125 = tpu.memref_slice %arg11[%dma_start3A_121, %dma_start3A_123, %dma_start3A_124] : memref<4x512x8xf32, #tpu.memory_space<vmem>> -> memref<1x512x8xf32, #tpu.memory_space<vmem>>
      %dma_start3A_126 = tpu.memref_squeeze %dma_start3A_125 : memref<1x512x8xf32, #tpu.memory_space<vmem>> -> memref<512x8xf32, #tpu.memory_space<vmem>>
      %dma_start3A_127 = arith.constant 0 : i32
      %dma_start3A_128 = tpu.memref_slice %arg9[%select_n3A_70, %dma_start3A_120, %dma_start3A_127] : memref<2x4x512xi32, #tpu.memory_space<vmem>> -> memref<1x1x512xi32, #tpu.memory_space<vmem>>
      %dma_start3A_129 = tpu.memref_squeeze %dma_start3A_128 : memref<1x1x512xi32, #tpu.memory_space<vmem>> -> memref<512xi32, #tpu.memory_space<vmem>>
      %dma_start3A_130 = arith.constant 0 : i32
      %dma_start3A_131 = arith.constant 0 : i32
      %dma_start3A_132 = tpu.memref_slice %arg7[%dma_start3A_130, %dma_start3A_131] : memref<102400x8xf32, #tpu.memory_space<vmem_shared>> -> memref<102400x8xf32, #tpu.memory_space<vmem_shared>>
      %dma_start3A_133 = tpu.memref_slice %arg13[%dma_start3A_122] : memref<4x!tpu.dma_semaphore, #tpu.memory_space<semaphore_mem>> -> memref<1x!tpu.dma_semaphore, #tpu.memory_space<semaphore_mem>>
      %dma_start3A_134 = tpu.memref_squeeze %dma_start3A_133 : memref<1x!tpu.dma_semaphore, #tpu.memory_space<semaphore_mem>> -> memref<!tpu.dma_semaphore, #tpu.memory_space<semaphore_mem>>
      tpu.enqueue_indirect_dma source(%dma_start3A_132 : memref<102400x8xf32, #tpu.memory_space<vmem_shared>>) target(%dma_start3A_126 : memref<512x8xf32, #tpu.memory_space<vmem>>) offsets(%dma_start3A_129 : memref<512xi32, #tpu.memory_space<vmem>>) semaphore(%dma_start3A_134 : memref<!tpu.dma_semaphore, #tpu.memory_space<semaphore_mem>>)
      %dma_start3A_135 = arith.constant 2 : i32
      %dma_start3A_136 = arith.constant 2 : i32
      %dma_start3A_137 = arith.constant 2 : i32
      %dma_start3A_138 = arith.constant 0 : i32
      %dma_start3A_139 = arith.constant 0 : i32
      %dma_start3A_140 = tpu.memref_slice %arg11[%dma_start3A_136, %dma_start3A_138, %dma_start3A_139] : memref<4x512x8xf32, #tpu.memory_space<vmem>> -> memref<1x512x8xf32, #tpu.memory_space<vmem>>
      %dma_start3A_141 = tpu.memref_squeeze %dma_start3A_140 : memref<1x512x8xf32, #tpu.memory_space<vmem>> -> memref<512x8xf32, #tpu.memory_space<vmem>>
      %dma_start3A_142 = arith.constant 0 : i32
      %dma_start3A_143 = tpu.memref_slice %arg9[%select_n3A_70, %dma_start3A_135, %dma_start3A_142] : memref<2x4x512xi32, #tpu.memory_space<vmem>> -> memref<1x1x512xi32, #tpu.memory_space<vmem>>
      %dma_start3A_144 = tpu.memref_squeeze %dma_start3A_143 : memref<1x1x512xi32, #tpu.memory_space<vmem>> -> memref<512xi32, #tpu.memory_space<vmem>>
      %dma_start3A_145 = arith.constant 0 : i32
      %dma_start3A_146 = arith.constant 0 : i32
      %dma_start3A_147 = tpu.memref_slice %arg7[%dma_start3A_145, %dma_start3A_146] : memref<102400x8xf32, #tpu.memory_space<vmem_shared>> -> memref<102400x8xf32, #tpu.memory_space<vmem_shared>>
      %dma_start3A_148 = tpu.memref_slice %arg13[%dma_start3A_137] : memref<4x!tpu.dma_semaphore, #tpu.memory_space<semaphore_mem>> -> memref<1x!tpu.dma_semaphore, #tpu.memory_space<semaphore_mem>>
      %dma_start3A_149 = tpu.memref_squeeze %dma_start3A_148 : memref<1x!tpu.dma_semaphore, #tpu.memory_space<semaphore_mem>> -> memref<!tpu.dma_semaphore, #tpu.memory_space<semaphore_mem>>
      tpu.enqueue_indirect_dma source(%dma_start3A_147 : memref<102400x8xf32, #tpu.memory_space<vmem_shared>>) target(%dma_start3A_141 : memref<512x8xf32, #tpu.memory_space<vmem>>) offsets(%dma_start3A_144 : memref<512xi32, #tpu.memory_space<vmem>>) semaphore(%dma_start3A_149 : memref<!tpu.dma_semaphore, #tpu.memory_space<semaphore_mem>>)
      %dma_start3A_150 = arith.constant 3 : i32
      %dma_start3A_151 = arith.constant 3 : i32
      %dma_start3A_152 = arith.constant 3 : i32
      %dma_start3A_153 = arith.constant 0 : i32
      %dma_start3A_154 = arith.constant 0 : i32
      %dma_start3A_155 = tpu.memref_slice %arg11[%dma_start3A_151, %dma_start3A_153, %dma_start3A_154] : memref<4x512x8xf32, #tpu.memory_space<vmem>> -> memref<1x512x8xf32, #tpu.memory_space<vmem>>
      %dma_start3A_156 = tpu.memref_squeeze %dma_start3A_155 : memref<1x512x8xf32, #tpu.memory_space<vmem>> -> memref<512x8xf32, #tpu.memory_space<vmem>>
      %dma_start3A_157 = arith.constant 0 : i32
      %dma_start3A_158 = tpu.memref_slice %arg9[%select_n3A_70, %dma_start3A_150, %dma_start3A_157] : memref<2x4x512xi32, #tpu.memory_space<vmem>> -> memref<1x1x512xi32, #tpu.memory_space<vmem>>
      %dma_start3A_159 = tpu.memref_squeeze %dma_start3A_158 : memref<1x1x512xi32, #tpu.memory_space<vmem>> -> memref<512xi32, #tpu.memory_space<vmem>>
      %dma_start3A_160 = arith.constant 0 : i32
      %dma_start3A_161 = arith.constant 0 : i32
      %dma_start3A_162 = tpu.memref_slice %arg7[%dma_start3A_160, %dma_start3A_161] : memref<102400x8xf32, #tpu.memory_space<vmem_shared>> -> memref<102400x8xf32, #tpu.memory_space<vmem_shared>>
      %dma_start3A_163 = tpu.memref_slice %arg13[%dma_start3A_152] : memref<4x!tpu.dma_semaphore, #tpu.memory_space<semaphore_mem>> -> memref<1x!tpu.dma_semaphore, #tpu.memory_space<semaphore_mem>>
      %dma_start3A_164 = tpu.memref_squeeze %dma_start3A_163 : memref<1x!tpu.dma_semaphore, #tpu.memory_space<semaphore_mem>> -> memref<!tpu.dma_semaphore, #tpu.memory_space<semaphore_mem>>
      tpu.enqueue_indirect_dma source(%dma_start3A_162 : memref<102400x8xf32, #tpu.memory_space<vmem_shared>>) target(%dma_start3A_156 : memref<512x8xf32, #tpu.memory_space<vmem>>) offsets(%dma_start3A_159 : memref<512xi32, #tpu.memory_space<vmem>>) semaphore(%dma_start3A_164 : memref<!tpu.dma_semaphore, #tpu.memory_space<semaphore_mem>>)
      %dma_wait3A_165 = arith.constant 0 : i32
      %dma_wait3A_166 = arith.constant 0 : i32
      %dma_wait3A_167 = arith.constant 0 : i32
      %dma_wait3A_168 = arith.constant 0 : i32
      %dma_wait3A_169 = arith.constant 0 : i32
      %dma_wait3A_170 = tpu.memref_slice %arg11[%dma_wait3A_166, %dma_wait3A_168, %dma_wait3A_169] : memref<4x512x8xf32, #tpu.memory_space<vmem>> -> memref<1x512x8xf32, #tpu.memory_space<vmem>>
      %dma_wait3A_171 = tpu.memref_squeeze %dma_wait3A_170 : memref<1x512x8xf32, #tpu.memory_space<vmem>> -> memref<512x8xf32, #tpu.memory_space<vmem>>
      %dma_wait3A_172 = arith.constant 0 : i32
      %dma_wait3A_173 = tpu.memref_slice %arg9[%select_n3A_70, %dma_wait3A_165, %dma_wait3A_172] : memref<2x4x512xi32, #tpu.memory_space<vmem>> -> memref<1x1x512xi32, #tpu.memory_space<vmem>>
      %dma_wait3A_174 = tpu.memref_squeeze %dma_wait3A_173 : memref<1x1x512xi32, #tpu.memory_space<vmem>> -> memref<512xi32, #tpu.memory_space<vmem>>
      %dma_wait3A_175 = arith.constant 0 : i32
      %dma_wait3A_176 = arith.constant 0 : i32
      %dma_wait3A_177 = tpu.memref_slice %arg7[%dma_wait3A_175, %dma_wait3A_176] : memref<102400x8xf32, #tpu.memory_space<vmem_shared>> -> memref<102400x8xf32, #tpu.memory_space<vmem_shared>>
      %dma_wait3A_178 = tpu.memref_slice %arg13[%dma_wait3A_167] : memref<4x!tpu.dma_semaphore, #tpu.memory_space<semaphore_mem>> -> memref<1x!tpu.dma_semaphore, #tpu.memory_space<semaphore_mem>>
      %dma_wait3A_179 = tpu.memref_squeeze %dma_wait3A_178 : memref<1x!tpu.dma_semaphore, #tpu.memory_space<semaphore_mem>> -> memref<!tpu.dma_semaphore, #tpu.memory_space<semaphore_mem>>
      tpu.wait_indirect_dma semaphore(%dma_wait3A_179 : memref<!tpu.dma_semaphore, #tpu.memory_space<semaphore_mem>>) src(%dma_wait3A_177 : memref<102400x8xf32, #tpu.memory_space<vmem_shared>>) dst(%dma_wait3A_171 : memref<512x8xf32, #tpu.memory_space<vmem>>)
      %dma_start3A_180 = arith.constant 0 : i32
      %dma_start3A_181 = arith.constant 0 : i32
      %dma_start3A_182 = arith.constant 0 : i32
      %dma_start3A_183 = arith.constant 0 : i32
      %dma_start3A_184 = tpu.memref_slice %arg11[%dma_start3A_180, %dma_start3A_182, %dma_start3A_183] : memref<4x512x8xf32, #tpu.memory_space<vmem>> -> memref<1x512x8xf32, #tpu.memory_space<vmem>>
      %dma_start3A_185 = tpu.memref_squeeze %dma_start3A_184 : memref<1x512x8xf32, #tpu.memory_space<vmem>> -> memref<512x8xf32, #tpu.memory_space<vmem>>
      %dma_start3A_186 = arith.constant 0 : i32
      %dma_start3A_187 = tpu.memref_slice %arg10[%select_n3A_70, %dma_start3A_181, %dma_start3A_186] : memref<2x4x512xi32, #tpu.memory_space<vmem>> -> memref<1x1x512xi32, #tpu.memory_space<vmem>>
      %dma_start3A_188 = tpu.memref_squeeze %dma_start3A_187 : memref<1x1x512xi32, #tpu.memory_space<vmem>> -> memref<512xi32, #tpu.memory_space<vmem>>
      %dma_start3A_189 = arith.constant 0 : i32
      %dma_start3A_190 = arith.constant 0 : i32
      %dma_start3A_191 = tpu.memref_slice %arg8[%dma_start3A_189, %dma_start3A_190] : memref<102400x8xf32, #tpu.memory_space<vmem_shared>> -> memref<102400x8xf32, #tpu.memory_space<vmem_shared>>
      tpu.enqueue_indirect_dma source(%dma_start3A_185 : memref<512x8xf32, #tpu.memory_space<vmem>>) target(%dma_start3A_191 : memref<102400x8xf32, #tpu.memory_space<vmem_shared>>) offsets(%dma_start3A_188 : memref<512xi32, #tpu.memory_space<vmem>>) semaphore(%arg14 : memref<!tpu.dma_semaphore, #tpu.memory_space<semaphore_mem>>) {add = true}
      %dma_wait3A_192 = arith.constant 1 : i32
      %dma_wait3A_193 = arith.constant 1 : i32
      %dma_wait3A_194 = arith.constant 1 : i32
      %dma_wait3A_195 = arith.constant 0 : i32
      %dma_wait3A_196 = arith.constant 0 : i32
      %dma_wait3A_197 = tpu.memref_slice %arg11[%dma_wait3A_193, %dma_wait3A_195, %dma_wait3A_196] : memref<4x512x8xf32, #tpu.memory_space<vmem>> -> memref<1x512x8xf32, #tpu.memory_space<vmem>>
      %dma_wait3A_198 = tpu.memref_squeeze %dma_wait3A_197 : memref<1x512x8xf32, #tpu.memory_space<vmem>> -> memref<512x8xf32, #tpu.memory_space<vmem>>
      %dma_wait3A_199 = arith.constant 0 : i32
      %dma_wait3A_200 = tpu.memref_slice %arg9[%select_n3A_70, %dma_wait3A_192, %dma_wait3A_199] : memref<2x4x512xi32, #tpu.memory_space<vmem>> -> memref<1x1x512xi32, #tpu.memory_space<vmem>>
      %dma_wait3A_201 = tpu.memref_squeeze %dma_wait3A_200 : memref<1x1x512xi32, #tpu.memory_space<vmem>> -> memref<512xi32, #tpu.memory_space<vmem>>
      %dma_wait3A_202 = arith.constant 0 : i32
      %dma_wait3A_203 = arith.constant 0 : i32
      %dma_wait3A_204 = tpu.memref_slice %arg7[%dma_wait3A_202, %dma_wait3A_203] : memref<102400x8xf32, #tpu.memory_space<vmem_shared>> -> memref<102400x8xf32, #tpu.memory_space<vmem_shared>>
      %dma_wait3A_205 = tpu.memref_slice %arg13[%dma_wait3A_194] : memref<4x!tpu.dma_semaphore, #tpu.memory_space<semaphore_mem>> -> memref<1x!tpu.dma_semaphore, #tpu.memory_space<semaphore_mem>>
      %dma_wait3A_206 = tpu.memref_squeeze %dma_wait3A_205 : memref<1x!tpu.dma_semaphore, #tpu.memory_space<semaphore_mem>> -> memref<!tpu.dma_semaphore, #tpu.memory_space<semaphore_mem>>
      tpu.wait_indirect_dma semaphore(%dma_wait3A_206 : memref<!tpu.dma_semaphore, #tpu.memory_space<semaphore_mem>>) src(%dma_wait3A_204 : memref<102400x8xf32, #tpu.memory_space<vmem_shared>>) dst(%dma_wait3A_198 : memref<512x8xf32, #tpu.memory_space<vmem>>)
      %dma_start3A_207 = arith.constant 1 : i32
      %dma_start3A_208 = arith.constant 1 : i32
      %dma_start3A_209 = arith.constant 0 : i32
      %dma_start3A_210 = arith.constant 0 : i32
      %dma_start3A_211 = tpu.memref_slice %arg11[%dma_start3A_207, %dma_start3A_209, %dma_start3A_210] : memref<4x512x8xf32, #tpu.memory_space<vmem>> -> memref<1x512x8xf32, #tpu.memory_space<vmem>>
      %dma_start3A_212 = tpu.memref_squeeze %dma_start3A_211 : memref<1x512x8xf32, #tpu.memory_space<vmem>> -> memref<512x8xf32, #tpu.memory_space<vmem>>
      %dma_start3A_213 = arith.constant 0 : i32
      %dma_start3A_214 = tpu.memref_slice %arg10[%select_n3A_70, %dma_start3A_208, %dma_start3A_213] : memref<2x4x512xi32, #tpu.memory_space<vmem>> -> memref<1x1x512xi32, #tpu.memory_space<vmem>>
      %dma_start3A_215 = tpu.memref_squeeze %dma_start3A_214 : memref<1x1x512xi32, #tpu.memory_space<vmem>> -> memref<512xi32, #tpu.memory_space<vmem>>
      %dma_start3A_216 = arith.constant 0 : i32
      %dma_start3A_217 = arith.constant 0 : i32
      %dma_start3A_218 = tpu.memref_slice %arg8[%dma_start3A_216, %dma_start3A_217] : memref<102400x8xf32, #tpu.memory_space<vmem_shared>> -> memref<102400x8xf32, #tpu.memory_space<vmem_shared>>
      tpu.enqueue_indirect_dma source(%dma_start3A_212 : memref<512x8xf32, #tpu.memory_space<vmem>>) target(%dma_start3A_218 : memref<102400x8xf32, #tpu.memory_space<vmem_shared>>) offsets(%dma_start3A_215 : memref<512xi32, #tpu.memory_space<vmem>>) semaphore(%arg14 : memref<!tpu.dma_semaphore, #tpu.memory_space<semaphore_mem>>) {add = true}
      %dma_wait3A_219 = arith.constant 2 : i32
      %dma_wait3A_220 = arith.constant 2 : i32
      %dma_wait3A_221 = arith.constant 2 : i32
      %dma_wait3A_222 = arith.constant 0 : i32
      %dma_wait3A_223 = arith.constant 0 : i32
      %dma_wait3A_224 = tpu.memref_slice %arg11[%dma_wait3A_220, %dma_wait3A_222, %dma_wait3A_223] : memref<4x512x8xf32, #tpu.memory_space<vmem>> -> memref<1x512x8xf32, #tpu.memory_space<vmem>>
      %dma_wait3A_225 = tpu.memref_squeeze %dma_wait3A_224 : memref<1x512x8xf32, #tpu.memory_space<vmem>> -> memref<512x8xf32, #tpu.memory_space<vmem>>
      %dma_wait3A_226 = arith.constant 0 : i32
      %dma_wait3A_227 = tpu.memref_slice %arg9[%select_n3A_70, %dma_wait3A_219, %dma_wait3A_226] : memref<2x4x512xi32, #tpu.memory_space<vmem>> -> memref<1x1x512xi32, #tpu.memory_space<vmem>>
      %dma_wait3A_228 = tpu.memref_squeeze %dma_wait3A_227 : memref<1x1x512xi32, #tpu.memory_space<vmem>> -> memref<512xi32, #tpu.memory_space<vmem>>
      %dma_wait3A_229 = arith.constant 0 : i32
      %dma_wait3A_230 = arith.constant 0 : i32
      %dma_wait3A_231 = tpu.memref_slice %arg7[%dma_wait3A_229, %dma_wait3A_230] : memref<102400x8xf32, #tpu.memory_space<vmem_shared>> -> memref<102400x8xf32, #tpu.memory_space<vmem_shared>>
      %dma_wait3A_232 = tpu.memref_slice %arg13[%dma_wait3A_221] : memref<4x!tpu.dma_semaphore, #tpu.memory_space<semaphore_mem>> -> memref<1x!tpu.dma_semaphore, #tpu.memory_space<semaphore_mem>>
      %dma_wait3A_233 = tpu.memref_squeeze %dma_wait3A_232 : memref<1x!tpu.dma_semaphore, #tpu.memory_space<semaphore_mem>> -> memref<!tpu.dma_semaphore, #tpu.memory_space<semaphore_mem>>
      tpu.wait_indirect_dma semaphore(%dma_wait3A_233 : memref<!tpu.dma_semaphore, #tpu.memory_space<semaphore_mem>>) src(%dma_wait3A_231 : memref<102400x8xf32, #tpu.memory_space<vmem_shared>>) dst(%dma_wait3A_225 : memref<512x8xf32, #tpu.memory_space<vmem>>)
      %dma_start3A_234 = arith.constant 2 : i32
      %dma_start3A_235 = arith.constant 2 : i32
      %dma_start3A_236 = arith.constant 0 : i32
      %dma_start3A_237 = arith.constant 0 : i32
      %dma_start3A_238 = tpu.memref_slice %arg11[%dma_start3A_234, %dma_start3A_236, %dma_start3A_237] : memref<4x512x8xf32, #tpu.memory_space<vmem>> -> memref<1x512x8xf32, #tpu.memory_space<vmem>>
      %dma_start3A_239 = tpu.memref_squeeze %dma_start3A_238 : memref<1x512x8xf32, #tpu.memory_space<vmem>> -> memref<512x8xf32, #tpu.memory_space<vmem>>
      %dma_start3A_240 = arith.constant 0 : i32
      %dma_start3A_241 = tpu.memref_slice %arg10[%select_n3A_70, %dma_start3A_235, %dma_start3A_240] : memref<2x4x512xi32, #tpu.memory_space<vmem>> -> memref<1x1x512xi32, #tpu.memory_space<vmem>>
      %dma_start3A_242 = tpu.memref_squeeze %dma_start3A_241 : memref<1x1x512xi32, #tpu.memory_space<vmem>> -> memref<512xi32, #tpu.memory_space<vmem>>
      %dma_start3A_243 = arith.constant 0 : i32
      %dma_start3A_244 = arith.constant 0 : i32
      %dma_start3A_245 = tpu.memref_slice %arg8[%dma_start3A_243, %dma_start3A_244] : memref<102400x8xf32, #tpu.memory_space<vmem_shared>> -> memref<102400x8xf32, #tpu.memory_space<vmem_shared>>
      tpu.enqueue_indirect_dma source(%dma_start3A_239 : memref<512x8xf32, #tpu.memory_space<vmem>>) target(%dma_start3A_245 : memref<102400x8xf32, #tpu.memory_space<vmem_shared>>) offsets(%dma_start3A_242 : memref<512xi32, #tpu.memory_space<vmem>>) semaphore(%arg14 : memref<!tpu.dma_semaphore, #tpu.memory_space<semaphore_mem>>) {add = true}
      %dma_wait3A_246 = arith.constant 3 : i32
      %dma_wait3A_247 = arith.constant 3 : i32
      %dma_wait3A_248 = arith.constant 3 : i32
      %dma_wait3A_249 = arith.constant 0 : i32
      %dma_wait3A_250 = arith.constant 0 : i32
      %dma_wait3A_251 = tpu.memref_slice %arg11[%dma_wait3A_247, %dma_wait3A_249, %dma_wait3A_250] : memref<4x512x8xf32, #tpu.memory_space<vmem>> -> memref<1x512x8xf32, #tpu.memory_space<vmem>>
      %dma_wait3A_252 = tpu.memref_squeeze %dma_wait3A_251 : memref<1x512x8xf32, #tpu.memory_space<vmem>> -> memref<512x8xf32, #tpu.memory_space<vmem>>
      %dma_wait3A_253 = arith.constant 0 : i32
      %dma_wait3A_254 = tpu.memref_slice %arg9[%select_n3A_70, %dma_wait3A_246, %dma_wait3A_253] : memref<2x4x512xi32, #tpu.memory_space<vmem>> -> memref<1x1x512xi32, #tpu.memory_space<vmem>>
      %dma_wait3A_255 = tpu.memref_squeeze %dma_wait3A_254 : memref<1x1x512xi32, #tpu.memory_space<vmem>> -> memref<512xi32, #tpu.memory_space<vmem>>
      %dma_wait3A_256 = arith.constant 0 : i32
      %dma_wait3A_257 = arith.constant 0 : i32
      %dma_wait3A_258 = tpu.memref_slice %arg7[%dma_wait3A_256, %dma_wait3A_257] : memref<102400x8xf32, #tpu.memory_space<vmem_shared>> -> memref<102400x8xf32, #tpu.memory_space<vmem_shared>>
      %dma_wait3A_259 = tpu.memref_slice %arg13[%dma_wait3A_248] : memref<4x!tpu.dma_semaphore, #tpu.memory_space<semaphore_mem>> -> memref<1x!tpu.dma_semaphore, #tpu.memory_space<semaphore_mem>>
      %dma_wait3A_260 = tpu.memref_squeeze %dma_wait3A_259 : memref<1x!tpu.dma_semaphore, #tpu.memory_space<semaphore_mem>> -> memref<!tpu.dma_semaphore, #tpu.memory_space<semaphore_mem>>
      tpu.wait_indirect_dma semaphore(%dma_wait3A_260 : memref<!tpu.dma_semaphore, #tpu.memory_space<semaphore_mem>>) src(%dma_wait3A_258 : memref<102400x8xf32, #tpu.memory_space<vmem_shared>>) dst(%dma_wait3A_252 : memref<512x8xf32, #tpu.memory_space<vmem>>)
      %dma_start3A_261 = arith.constant 3 : i32
      %dma_start3A_262 = arith.constant 3 : i32
      %dma_start3A_263 = arith.constant 0 : i32
      %dma_start3A_264 = arith.constant 0 : i32
      %dma_start3A_265 = tpu.memref_slice %arg11[%dma_start3A_261, %dma_start3A_263, %dma_start3A_264] : memref<4x512x8xf32, #tpu.memory_space<vmem>> -> memref<1x512x8xf32, #tpu.memory_space<vmem>>
      %dma_start3A_266 = tpu.memref_squeeze %dma_start3A_265 : memref<1x512x8xf32, #tpu.memory_space<vmem>> -> memref<512x8xf32, #tpu.memory_space<vmem>>
      %dma_start3A_267 = arith.constant 0 : i32
      %dma_start3A_268 = tpu.memref_slice %arg10[%select_n3A_70, %dma_start3A_262, %dma_start3A_267] : memref<2x4x512xi32, #tpu.memory_space<vmem>> -> memref<1x1x512xi32, #tpu.memory_space<vmem>>
      %dma_start3A_269 = tpu.memref_squeeze %dma_start3A_268 : memref<1x1x512xi32, #tpu.memory_space<vmem>> -> memref<512xi32, #tpu.memory_space<vmem>>
      %dma_start3A_270 = arith.constant 0 : i32
      %dma_start3A_271 = arith.constant 0 : i32
      %dma_start3A_272 = tpu.memref_slice %arg8[%dma_start3A_270, %dma_start3A_271] : memref<102400x8xf32, #tpu.memory_space<vmem_shared>> -> memref<102400x8xf32, #tpu.memory_space<vmem_shared>>
      tpu.enqueue_indirect_dma source(%dma_start3A_266 : memref<512x8xf32, #tpu.memory_space<vmem>>) target(%dma_start3A_272 : memref<102400x8xf32, #tpu.memory_space<vmem_shared>>) offsets(%dma_start3A_269 : memref<512xi32, #tpu.memory_space<vmem>>) semaphore(%arg14 : memref<!tpu.dma_semaphore, #tpu.memory_space<semaphore_mem>>) {add = true}
      %dma_wait3A_273 = arith.constant 0 : i32
      %dma_wait3A_274 = arith.constant 0 : i32
      %dma_wait3A_275 = arith.constant 0 : i32
      %dma_wait3A_276 = arith.constant 0 : i32
      %dma_wait3A_277 = tpu.memref_slice %arg11[%dma_wait3A_273, %dma_wait3A_275, %dma_wait3A_276] : memref<4x512x8xf32, #tpu.memory_space<vmem>> -> memref<1x512x8xf32, #tpu.memory_space<vmem>>
      %dma_wait3A_278 = tpu.memref_squeeze %dma_wait3A_277 : memref<1x512x8xf32, #tpu.memory_space<vmem>> -> memref<512x8xf32, #tpu.memory_space<vmem>>
      %dma_wait3A_279 = arith.constant 0 : i32
      %dma_wait3A_280 = tpu.memref_slice %arg10[%select_n3A_70, %dma_wait3A_274, %dma_wait3A_279] : memref<2x4x512xi32, #tpu.memory_space<vmem>> -> memref<1x1x512xi32, #tpu.memory_space<vmem>>
      %dma_wait3A_281 = tpu.memref_squeeze %dma_wait3A_280 : memref<1x1x512xi32, #tpu.memory_space<vmem>> -> memref<512xi32, #tpu.memory_space<vmem>>
      %dma_wait3A_282 = arith.constant 0 : i32
      %dma_wait3A_283 = arith.constant 0 : i32
      %dma_wait3A_284 = tpu.memref_slice %arg8[%dma_wait3A_282, %dma_wait3A_283] : memref<102400x8xf32, #tpu.memory_space<vmem_shared>> -> memref<102400x8xf32, #tpu.memory_space<vmem_shared>>
      tpu.wait_indirect_dma semaphore(%arg14 : memref<!tpu.dma_semaphore, #tpu.memory_space<semaphore_mem>>) src(%dma_wait3A_278 : memref<512x8xf32, #tpu.memory_space<vmem>>) dst(%dma_wait3A_284 : memref<102400x8xf32, #tpu.memory_space<vmem_shared>>)
      %dma_wait3A_285 = arith.constant 1 : i32
      %dma_wait3A_286 = arith.constant 1 : i32
      %dma_wait3A_287 = arith.constant 0 : i32
      %dma_wait3A_288 = arith.constant 0 : i32
      %dma_wait3A_289 = tpu.memref_slice %arg11[%dma_wait3A_285, %dma_wait3A_287, %dma_wait3A_288] : memref<4x512x8xf32, #tpu.memory_space<vmem>> -> memref<1x512x8xf32, #tpu.memory_space<vmem>>
      %dma_wait3A_290 = tpu.memref_squeeze %dma_wait3A_289 : memref<1x512x8xf32, #tpu.memory_space<vmem>> -> memref<512x8xf32, #tpu.memory_space<vmem>>
      %dma_wait3A_291 = arith.constant 0 : i32
      %dma_wait3A_292 = tpu.memref_slice %arg10[%select_n3A_70, %dma_wait3A_286, %dma_wait3A_291] : memref<2x4x512xi32, #tpu.memory_space<vmem>> -> memref<1x1x512xi32, #tpu.memory_space<vmem>>
      %dma_wait3A_293 = tpu.memref_squeeze %dma_wait3A_292 : memref<1x1x512xi32, #tpu.memory_space<vmem>> -> memref<512xi32, #tpu.memory_space<vmem>>
      %dma_wait3A_294 = arith.constant 0 : i32
      %dma_wait3A_295 = arith.constant 0 : i32
      %dma_wait3A_296 = tpu.memref_slice %arg8[%dma_wait3A_294, %dma_wait3A_295] : memref<102400x8xf32, #tpu.memory_space<vmem_shared>> -> memref<102400x8xf32, #tpu.memory_space<vmem_shared>>
      tpu.wait_indirect_dma semaphore(%arg14 : memref<!tpu.dma_semaphore, #tpu.memory_space<semaphore_mem>>) src(%dma_wait3A_290 : memref<512x8xf32, #tpu.memory_space<vmem>>) dst(%dma_wait3A_296 : memref<102400x8xf32, #tpu.memory_space<vmem_shared>>)
      %dma_wait3A_297 = arith.constant 2 : i32
      %dma_wait3A_298 = arith.constant 2 : i32
      %dma_wait3A_299 = arith.constant 0 : i32
      %dma_wait3A_300 = arith.constant 0 : i32
      %dma_wait3A_301 = tpu.memref_slice %arg11[%dma_wait3A_297, %dma_wait3A_299, %dma_wait3A_300] : memref<4x512x8xf32, #tpu.memory_space<vmem>> -> memref<1x512x8xf32, #tpu.memory_space<vmem>>
      %dma_wait3A_302 = tpu.memref_squeeze %dma_wait3A_301 : memref<1x512x8xf32, #tpu.memory_space<vmem>> -> memref<512x8xf32, #tpu.memory_space<vmem>>
      %dma_wait3A_303 = arith.constant 0 : i32
      %dma_wait3A_304 = tpu.memref_slice %arg10[%select_n3A_70, %dma_wait3A_298, %dma_wait3A_303] : memref<2x4x512xi32, #tpu.memory_space<vmem>> -> memref<1x1x512xi32, #tpu.memory_space<vmem>>
      %dma_wait3A_305 = tpu.memref_squeeze %dma_wait3A_304 : memref<1x1x512xi32, #tpu.memory_space<vmem>> -> memref<512xi32, #tpu.memory_space<vmem>>
      %dma_wait3A_306 = arith.constant 0 : i32
      %dma_wait3A_307 = arith.constant 0 : i32
      %dma_wait3A_308 = tpu.memref_slice %arg8[%dma_wait3A_306, %dma_wait3A_307] : memref<102400x8xf32, #tpu.memory_space<vmem_shared>> -> memref<102400x8xf32, #tpu.memory_space<vmem_shared>>
      tpu.wait_indirect_dma semaphore(%arg14 : memref<!tpu.dma_semaphore, #tpu.memory_space<semaphore_mem>>) src(%dma_wait3A_302 : memref<512x8xf32, #tpu.memory_space<vmem>>) dst(%dma_wait3A_308 : memref<102400x8xf32, #tpu.memory_space<vmem_shared>>)
      %dma_wait3A_309 = arith.constant 3 : i32
      %dma_wait3A_310 = arith.constant 3 : i32
      %dma_wait3A_311 = arith.constant 0 : i32
      %dma_wait3A_312 = arith.constant 0 : i32
      %dma_wait3A_313 = tpu.memref_slice %arg11[%dma_wait3A_309, %dma_wait3A_311, %dma_wait3A_312] : memref<4x512x8xf32, #tpu.memory_space<vmem>> -> memref<1x512x8xf32, #tpu.memory_space<vmem>>
      %dma_wait3A_314 = tpu.memref_squeeze %dma_wait3A_313 : memref<1x512x8xf32, #tpu.memory_space<vmem>> -> memref<512x8xf32, #tpu.memory_space<vmem>>
      %dma_wait3A_315 = arith.constant 0 : i32
      %dma_wait3A_316 = tpu.memref_slice %arg10[%select_n3A_70, %dma_wait3A_310, %dma_wait3A_315] : memref<2x4x512xi32, #tpu.memory_space<vmem>> -> memref<1x1x512xi32, #tpu.memory_space<vmem>>
      %dma_wait3A_317 = tpu.memref_squeeze %dma_wait3A_316 : memref<1x1x512xi32, #tpu.memory_space<vmem>> -> memref<512xi32, #tpu.memory_space<vmem>>
      %dma_wait3A_318 = arith.constant 0 : i32
      %dma_wait3A_319 = arith.constant 0 : i32
      %dma_wait3A_320 = tpu.memref_slice %arg8[%dma_wait3A_318, %dma_wait3A_319] : memref<102400x8xf32, #tpu.memory_space<vmem_shared>> -> memref<102400x8xf32, #tpu.memory_space<vmem_shared>>
      tpu.wait_indirect_dma semaphore(%arg14 : memref<!tpu.dma_semaphore, #tpu.memory_space<semaphore_mem>>) src(%dma_wait3A_314 : memref<512x8xf32, #tpu.memory_space<vmem>>) dst(%dma_wait3A_320 : memref<102400x8xf32, #tpu.memory_space<vmem_shared>>)
    }
    %barrier3A_53 = arith.constant 0 : index
    tpu.barrier barrier_id(%barrier3A_53)
    %mul3A_54 = arith.constant 6400 : i32
    %mul3A_55 = arith.muli %arg1, %mul3A_54 : i32
    %mul3A_56 = arith.constant 6400 : i32
    %mul3A_57 = arith.muli %arg1, %mul3A_56 : i32
    "tpu.region"() ({
      %run_scoped3A = tpu.sem_alloc : memref<!tpu.dma_semaphore, #tpu.memory_space<semaphore_mem>>
      %dma_start3A_58 = arith.constant 0 : i32
      %dma_start3A_59 = tpu.memref_slice %arg6[%arg0, %mul3A_57, %dma_start3A_58] : memref<2x102400x8xf32, #tpu.memory_space<hbm>> -> memref<1x6400x8xf32, #tpu.memory_space<hbm>>
      %dma_start3A_60 = tpu.memref_squeeze %dma_start3A_59 : memref<1x6400x8xf32, #tpu.memory_space<hbm>> -> memref<6400x8xf32, #tpu.memory_space<hbm>>
      %dma_start3A_61 = arith.constant 0 : i32
      %dma_start3A_62 = tpu.memref_slice %arg8[%mul3A_55, %dma_start3A_61] : memref<102400x8xf32, #tpu.memory_space<vmem_shared>> -> memref<6400x8xf32, #tpu.memory_space<vmem_shared>>
      tpu.enqueue_dma source(%dma_start3A_62 : memref<6400x8xf32, #tpu.memory_space<vmem_shared>>) target(%dma_start3A_60 : memref<6400x8xf32, #tpu.memory_space<hbm>>) target_semaphore(%run_scoped3A : memref<!tpu.dma_semaphore, #tpu.memory_space<semaphore_mem>>)
      %dma_wait3A = arith.constant 0 : i32
      %dma_wait3A_63 = tpu.memref_slice %arg6[%arg0, %mul3A_57, %dma_wait3A] : memref<2x102400x8xf32, #tpu.memory_space<hbm>> -> memref<1x6400x8xf32, #tpu.memory_space<hbm>>
      %dma_wait3A_64 = tpu.memref_squeeze %dma_wait3A_63 : memref<1x6400x8xf32, #tpu.memory_space<hbm>> -> memref<6400x8xf32, #tpu.memory_space<hbm>>
      %dma_wait3A_65 = arith.constant 0 : i32
      %dma_wait3A_66 = tpu.memref_slice %arg8[%mul3A_55, %dma_wait3A_65] : memref<102400x8xf32, #tpu.memory_space<vmem_shared>> -> memref<6400x8xf32, #tpu.memory_space<vmem_shared>>
      tpu.wait_dma2 semaphore(%run_scoped3A : memref<!tpu.dma_semaphore, #tpu.memory_space<semaphore_mem>>) src(%dma_wait3A_66 : memref<6400x8xf32, #tpu.memory_space<vmem_shared>>) dst(%dma_wait3A_64 : memref<6400x8xf32, #tpu.memory_space<hbm>>)
      tpu.yield
    }) : () -> ()
    return
  }
}

module attributes {stable_mosaic.version = 14 : i64} {
  func.func @_tc1_body(%arg0: i32, %arg1: memref<2x512xf32, #tpu.memory_space<vmem>>, %arg2: memref<4x512xf32, #tpu.memory_space<vmem>>, %arg3: memref<8x512xf32, #tpu.memory_space<vmem>>) attributes {dimension_semantics = [#tpu.dimension_semantics<arbitrary>], iteration_bounds = array<i64: 200>, scalar_prefetch = 0 : i64, scratch_operands = 0 : i64, tpu.core_type = #tpu.core_type<tc>, window_params = [{transform_indices = @transform_0, window_bounds = array<i64: 2, 512>}, {transform_indices = @transform_1, window_bounds = array<i64: 4, 512>}, {transform_indices = @transform_2, window_bounds = array<i64: 8, 512>}]} {
    %get3A = arith.constant 0 : index
    %get3A_0 = arith.constant 0 : index
    %get3A_1 = vector.load %arg2[%get3A, %get3A_0] : memref<4x512xf32, #tpu.memory_space<vmem>>, vector<4x512xf32>
    %get3A_2 = arith.constant 0 : index
    %get3A_3 = arith.constant 0 : index
    %get3A_4 = vector.load %arg1[%get3A_2, %get3A_3] : memref<2x512xf32, #tpu.memory_space<vmem>>, vector<2x512xf32>
    %slice3A = vector.extract_strided_slice %get3A_4 {offsets = [0, 0], sizes = [1, 512], strides = [1, 1]} : vector<2x512xf32> to vector<1x512xf32>
    %slice3A_5 = vector.extract_strided_slice %get3A_4 {offsets = [1, 0], sizes = [1, 512], strides = [1, 1]} : vector<2x512xf32> to vector<1x512xf32>
    %add3A = arith.addf %slice3A, %slice3A_5 : vector<1x512xf32>
    %add3A_6 = arith.constant 1.000000e+00 : f32
    %add3A_7 = vector.broadcast %add3A_6 : f32 to vector<1x512xf32>
    %add3A_8 = arith.addf %add3A, %add3A_7 : vector<1x512xf32>
    %rsqrt3A = math.rsqrt %add3A_8 : vector<1x512xf32>
    %mul3A = vector.broadcast %rsqrt3A : vector<1x512xf32> to vector<4x512xf32>
    %mul3A_9 = arith.mulf %get3A_1, %mul3A : vector<4x512xf32>
    %swap3A = arith.constant 0 : index
    %swap3A_10 = arith.constant 0 : index
    %swap3A_11 = vector.load %arg3[%swap3A, %swap3A_10] : memref<8x512xf32, #tpu.memory_space<vmem>>, vector<4x512xf32>
    tpu.vector_store %arg3[%swap3A, %swap3A_10], %mul3A_9 {strides = array<i32>} : memref<8x512xf32, #tpu.memory_space<vmem>>, vector<4x512xf32>,
    %broadcast_in_dim3A = arith.constant 0.000000e+00 : f32
    %broadcast_in_dim3A_12 = vector.broadcast %broadcast_in_dim3A : f32 to vector<4x512xf32>
    %swap3A_13 = arith.constant 4 : index
    %swap3A_14 = arith.constant 0 : index
    %swap3A_15 = vector.load %arg3[%swap3A_13, %swap3A_14] : memref<8x512xf32, #tpu.memory_space<vmem>>, vector<4x512xf32>
    tpu.vector_store %arg3[%swap3A_13, %swap3A_14], %broadcast_in_dim3A_12 {strides = array<i32>} : memref<8x512xf32, #tpu.memory_space<vmem>>, vector<4x512xf32>,
    return
  }
  func.func @transform_0(%arg0: i32) -> (i32, i32) {
    %c0_i32 = arith.constant 0 : i32
    %c0_i32_0 = arith.constant 0 : i32
    return %c0_i32, %arg0 : i32, i32
  }
  func.func @transform_1(%arg0: i32) -> (i32, i32) {
    %c0_i32 = arith.constant 0 : i32
    %c0_i32_0 = arith.constant 0 : i32
    return %c0_i32, %arg0 : i32, i32
  }
  func.func @transform_2(%arg0: i32) -> (i32, i32) {
    %c0_i32 = arith.constant 0 : i32
    %c0_i32_0 = arith.constant 0 : i32
    return %c0_i32, %arg0 : i32, i32
  }
}

module attributes {stable_mosaic.version = 14 : i64} {
  func.func @_tc2_body(%arg0: i32, %arg1: memref<2x512xf32, #tpu.memory_space<vmem>>, %arg2: memref<2x8x512xf32, #tpu.memory_space<vmem>>, %arg3: memref<4x512xf32, #tpu.memory_space<vmem>>, %arg4: memref<16x4xf32, #tpu.memory_space<vmem>>, %arg5: memref<16x1xf32, #tpu.memory_space<vmem>>, %arg6: memref<1x16xf32, #tpu.memory_space<vmem>>, %arg7: memref<1x512xf32, #tpu.memory_space<vmem>>) attributes {dimension_semantics = [#tpu.dimension_semantics<arbitrary>], iteration_bounds = array<i64: 200>, scalar_prefetch = 0 : i64, scratch_operands = 0 : i64, tpu.core_type = #tpu.core_type<tc>, window_params = [{transform_indices = @transform_0, window_bounds = array<i64: 2, 512>}, {transform_indices = @transform_1, window_bounds = array<i64: 2, 8, 512>}, {transform_indices = @transform_2, window_bounds = array<i64: 4, 512>}, {pipeline_mode = #tpu.pipeline_mode<synchronous>, transform_indices = @transform_3, window_bounds = array<i64: 16, 4>}, {pipeline_mode = #tpu.pipeline_mode<synchronous>, transform_indices = @transform_4, window_bounds = array<i64: 16, 1>}, {pipeline_mode = #tpu.pipeline_mode<synchronous>, transform_indices = @transform_5, window_bounds = array<i64: 1, 16>}, {transform_indices = @transform_6, window_bounds = array<i64: 1, 512>}]} {
    %get3A = arith.constant 0 : index
    %get3A_0 = arith.constant 0 : index
    %get3A_1 = vector.load %arg1[%get3A, %get3A_0] : memref<2x512xf32, #tpu.memory_space<vmem>>, vector<2x512xf32>
    %slice3A = vector.extract_strided_slice %get3A_1 {offsets = [0, 0], sizes = [1, 512], strides = [1, 1]} : vector<2x512xf32> to vector<1x512xf32>
    %slice3A_2 = vector.extract_strided_slice %get3A_1 {offsets = [1, 0], sizes = [1, 512], strides = [1, 1]} : vector<2x512xf32> to vector<1x512xf32>
    %add3A = arith.addf %slice3A, %slice3A_2 : vector<1x512xf32>
    %add3A_3 = arith.constant 1.000000e+00 : f32
    %add3A_4 = vector.broadcast %add3A_3 : f32 to vector<1x512xf32>
    %add3A_5 = arith.addf %add3A, %add3A_4 : vector<1x512xf32>
    %rsqrt3A = math.rsqrt %add3A_5 : vector<1x512xf32>
    %get3A_6 = arith.constant 0 : index
    %get3A_7 = arith.constant 0 : index
    %get3A_8 = arith.constant 0 : index
    %get3A_9 = vector.load %arg2[%get3A_6, %get3A_7, %get3A_8] : memref<2x8x512xf32, #tpu.memory_space<vmem>>, vector<1x4x512xf32>
    %get3A_10 = vector.shape_cast %get3A_9 : vector<1x4x512xf32> to vector<4x512xf32>
    %get3A_11 = arith.constant 1 : index
    %get3A_12 = arith.constant 0 : index
    %get3A_13 = arith.constant 0 : index
    %get3A_14 = vector.load %arg2[%get3A_11, %get3A_12, %get3A_13] : memref<2x8x512xf32, #tpu.memory_space<vmem>>, vector<1x4x512xf32>
    %get3A_15 = vector.shape_cast %get3A_14 : vector<1x4x512xf32> to vector<4x512xf32>
    %add3A_16 = arith.addf %get3A_10, %get3A_15 : vector<4x512xf32>
    %mul3A = vector.broadcast %rsqrt3A : vector<1x512xf32> to vector<4x512xf32>
    %mul3A_17 = arith.mulf %mul3A, %add3A_16 : vector<4x512xf32>
    %mul3A_18 = arith.mulf %rsqrt3A, %rsqrt3A : vector<1x512xf32>
    %get3A_19 = arith.constant 0 : index
    %get3A_20 = arith.constant 0 : index
    %get3A_21 = vector.load %arg3[%get3A_19, %get3A_20] : memref<4x512xf32, #tpu.memory_space<vmem>>, vector<4x512xf32>
    %mul3A_22 = vector.broadcast %mul3A_18 : vector<1x512xf32> to vector<4x512xf32>
    %mul3A_23 = arith.mulf %mul3A_22, %get3A_21 : vector<4x512xf32>
    %add3A_24 = arith.addf %mul3A_17, %mul3A_23 : vector<4x512xf32>
    %get3A_25 = arith.constant 0 : index
    %get3A_26 = arith.constant 0 : index
    %get3A_27 = vector.load %arg4[%get3A_25, %get3A_26] : memref<16x4xf32, #tpu.memory_space<vmem>>, vector<16x4xf32>
    %dot_general3A = arith.constant dense<0.000000e+00> : vector<16x512xf32>
    %dot_general3A_28 = tpu.matmul %get3A_27, %add3A_24, %dot_general3A {dimension_numbers = #tpu.dot_dimension_numbers<[1], [0], [0], [1], [0, 0, 1, 1], [], []>, transpose_lhs_hint = false} : vector<16x4xf32>, vector<4x512xf32>, vector<16x512xf32> -> vector<16x512xf32>
    %get3A_29 = arith.constant 0 : index
    %get3A_30 = arith.constant 0 : index
    %get3A_31 = vector.load %arg5[%get3A_29, %get3A_30] : memref<16x1xf32, #tpu.memory_space<vmem>>, vector<16x1xf32>
    %add3A_32 = vector.broadcast %get3A_31 : vector<16x1xf32> to vector<16x512xf32>
    %add3A_33 = arith.addf %dot_general3A_28, %add3A_32 : vector<16x512xf32>
    %max3A = arith.constant 0.000000e+00 : f32
    %max3A_34 = vector.broadcast %max3A : f32 to vector<16x512xf32>
    %max3A_35 = arith.maximumf %add3A_33, %max3A_34 : vector<16x512xf32>
    %get3A_36 = arith.constant 0 : index
    %get3A_37 = arith.constant 0 : index
    %get3A_38 = vector.load %arg6[%get3A_36, %get3A_37] : memref<1x16xf32, #tpu.memory_space<vmem>>, vector<1x16xf32>
    %dot_general3A_39 = arith.constant dense<0.000000e+00> : vector<1x512xf32>
    %dot_general3A_40 = tpu.matmul %get3A_38, %max3A_35, %dot_general3A_39 {dimension_numbers = #tpu.dot_dimension_numbers<[1], [0], [0], [1], [0, 0, 1, 1], [], []>, transpose_lhs_hint = false} : vector<1x16xf32>, vector<16x512xf32>, vector<1x512xf32> -> vector<1x512xf32>
    %iota3A = tpu.iota {dimensions = array<i32: 1>} : vector<1x512xi32>
    %mul3A_41 = arith.constant 512 : i32
    %mul3A_42 = arith.muli %arg0, %mul3A_41 : i32
    %add3A_43 = vector.broadcast %mul3A_42 : i32 to vector<1x512xi32>
    %add3A_44 = arith.addi %iota3A, %add3A_43 : vector<1x512xi32>
    %lt3A = arith.constant 100000 : i32
    %lt3A_45 = vector.broadcast %lt3A : i32 to vector<1x512xi32>
    %lt3A_46 = arith.cmpi slt, %add3A_44, %lt3A_45 : vector<1x512xi32>
    %mul3A_47 = arith.mulf %rsqrt3A, %dot_general3A_40 : vector<1x512xf32>
    %jit3A = arith.constant 0.000000e+00 : f32
    %broadcast_in_dim3A = vector.broadcast %jit3A : f32 to vector<1x512xf32>
    %select_n3A = arith.select %lt3A_46, %mul3A_47, %broadcast_in_dim3A : vector<1x512xi1>, vector<1x512xf32>
    %swap3A = arith.constant 0 : index
    %swap3A_48 = arith.constant 0 : index
    %swap3A_49 = vector.load %arg7[%swap3A, %swap3A_48] : memref<1x512xf32, #tpu.memory_space<vmem>>, vector<1x512xf32>
    tpu.vector_store %arg7[%swap3A, %swap3A_48], %select_n3A {strides = array<i32>} : memref<1x512xf32, #tpu.memory_space<vmem>>, vector<1x512xf32>,
    return
  }
  func.func @transform_0(%arg0: i32) -> (i32, i32) {
    %c0_i32 = arith.constant 0 : i32
    %c0_i32_0 = arith.constant 0 : i32
    return %c0_i32, %arg0 : i32, i32
  }
  func.func @transform_1(%arg0: i32) -> (i32, i32, i32) {
    %c0_i32 = arith.constant 0 : i32
    %c0_i32_0 = arith.constant 0 : i32
    %c0_i32_1 = arith.constant 0 : i32
    return %c0_i32, %c0_i32_0, %arg0 : i32, i32, i32
  }
  func.func @transform_2(%arg0: i32) -> (i32, i32) {
    %c0_i32 = arith.constant 0 : i32
    %c0_i32_0 = arith.constant 0 : i32
    return %c0_i32, %arg0 : i32, i32
  }
  func.func @transform_3(%arg0: i32) -> (i32, i32) {
    %c0_i32 = arith.constant 0 : i32
    %c0_i32_0 = arith.constant 0 : i32
    %c0_i32_1 = arith.constant 0 : i32
    return %c0_i32, %c0_i32_0 : i32, i32
  }
  func.func @transform_4(%arg0: i32) -> (i32, i32) {
    %c0_i32 = arith.constant 0 : i32
    %c0_i32_0 = arith.constant 0 : i32
    %c0_i32_1 = arith.constant 0 : i32
    return %c0_i32, %c0_i32_0 : i32, i32
  }
  func.func @transform_5(%arg0: i32) -> (i32, i32) {
    %c0_i32 = arith.constant 0 : i32
    %c0_i32_0 = arith.constant 0 : i32
    %c0_i32_1 = arith.constant 0 : i32
    return %c0_i32, %c0_i32_0 : i32, i32
  }
  func.func @transform_6(%arg0: i32) -> (i32, i32) {
    %c0_i32 = arith.constant 0 : i32
    %c0_i32_0 = arith.constant 0 : i32
    return %c0_i32, %arg0 : i32, i32
  }
}

module attributes {stable_mosaic.version = 14 : i64} {
  func.func @_tc3_body(%arg0: i32, %arg1: memref<2x512xf32, #tpu.memory_space<vmem>>, %arg2: memref<2x512xf32, #tpu.memory_space<vmem>>, %arg3: memref<1x512xf32, #tpu.memory_space<vmem>>, %arg4: memref<1x1xf32, #tpu.memory_space<vmem>>, %arg5: memref<1x512xf32, #tpu.memory_space<vmem>>) attributes {dimension_semantics = [#tpu.dimension_semantics<arbitrary>], iteration_bounds = array<i64: 200>, scalar_prefetch = 0 : i64, scratch_operands = 0 : i64, tpu.core_type = #tpu.core_type<tc>, window_params = [{transform_indices = @transform_0, window_bounds = array<i64: 2, 512>}, {transform_indices = @transform_1, window_bounds = array<i64: 2, 512>}, {transform_indices = @transform_2, window_bounds = array<i64: 1, 512>}, {pipeline_mode = #tpu.pipeline_mode<synchronous>, transform_indices = @transform_3, window_bounds = array<i64: 1, 1>}, {transform_indices = @transform_4, window_bounds = array<i64: 1, 512>}]} {
    %get3A = arith.constant 0 : index
    %get3A_0 = arith.constant 0 : index
    %get3A_1 = vector.load %arg1[%get3A, %get3A_0] : memref<2x512xf32, #tpu.memory_space<vmem>>, vector<2x512xf32>
    %slice3A = vector.extract_strided_slice %get3A_1 {offsets = [0, 0], sizes = [1, 512], strides = [1, 1]} : vector<2x512xf32> to vector<1x512xf32>
    %slice3A_2 = vector.extract_strided_slice %get3A_1 {offsets = [1, 0], sizes = [1, 512], strides = [1, 1]} : vector<2x512xf32> to vector<1x512xf32>
    %add3A = arith.addf %slice3A, %slice3A_2 : vector<1x512xf32>
    %add3A_3 = arith.constant 1.000000e+00 : f32
    %add3A_4 = vector.broadcast %add3A_3 : f32 to vector<1x512xf32>
    %add3A_5 = arith.addf %add3A, %add3A_4 : vector<1x512xf32>
    %rsqrt3A = math.rsqrt %add3A_5 : vector<1x512xf32>
    %get3A_6 = arith.constant 0 : index
    %get3A_7 = arith.constant 0 : index
    %get3A_8 = vector.load %arg2[%get3A_6, %get3A_7] : memref<2x512xf32, #tpu.memory_space<vmem>>, vector<1x512xf32>
    %get3A_9 = arith.constant 1 : index
    %get3A_10 = arith.constant 0 : index
    %get3A_11 = vector.load %arg2[%get3A_9, %get3A_10] : memref<2x512xf32, #tpu.memory_space<vmem>>, vector<1x512xf32>
    %add3A_12 = arith.addf %get3A_8, %get3A_11 : vector<1x512xf32>
    %get3A_13 = arith.constant 0 : index
    %get3A_14 = arith.constant 0 : index
    %get3A_15 = vector.load %arg3[%get3A_13, %get3A_14] : memref<1x512xf32, #tpu.memory_space<vmem>>, vector<1x512xf32>
    %add3A_16 = arith.addf %add3A_12, %get3A_15 : vector<1x512xf32>
    %mul3A = arith.mulf %rsqrt3A, %add3A_16 : vector<1x512xf32>
    %get3A_17 = arith.constant 0 : index
    %get3A_18 = arith.constant 0 : index
    %get3A_19 = vector.load %arg4[%get3A_17, %get3A_18] : memref<1x1xf32, #tpu.memory_space<vmem>>, vector<1x1xf32>
    %get3A_20 = vector.extract %get3A_19[0, 0] : f32 from vector<1x1xf32>
    %add3A_21 = vector.broadcast %get3A_20 : f32 to vector<1x512xf32>
    %add3A_22 = arith.addf %mul3A, %add3A_21 : vector<1x512xf32>
    %swap3A = arith.constant 0 : index
    %swap3A_23 = arith.constant 0 : index
    %swap3A_24 = vector.load %arg5[%swap3A, %swap3A_23] : memref<1x512xf32, #tpu.memory_space<vmem>>, vector<1x512xf32>
    tpu.vector_store %arg5[%swap3A, %swap3A_23], %add3A_22 {strides = array<i32>} : memref<1x512xf32, #tpu.memory_space<vmem>>, vector<1x512xf32>,
    return
  }
  func.func @transform_0(%arg0: i32) -> (i32, i32) {
    %c0_i32 = arith.constant 0 : i32
    %c0_i32_0 = arith.constant 0 : i32
    return %c0_i32, %arg0 : i32, i32
  }
  func.func @transform_1(%arg0: i32) -> (i32, i32) {
    %c0_i32 = arith.constant 0 : i32
    %c0_i32_0 = arith.constant 0 : i32
    return %c0_i32, %arg0 : i32, i32
  }
  func.func @transform_2(%arg0: i32) -> (i32, i32) {
    %c0_i32 = arith.constant 0 : i32
    %c0_i32_0 = arith.constant 0 : i32
    return %c0_i32, %arg0 : i32, i32
  }
  func.func @transform_3(%arg0: i32) -> (i32, i32) {
    %c0_i32 = arith.constant 0 : i32
    %c0_i32_0 = arith.constant 0 : i32
    %c0_i32_1 = arith.constant 0 : i32
    return %c0_i32, %c0_i32_0 : i32, i32
  }
  func.func @transform_4(%arg0: i32) -> (i32, i32) {
    %c0_i32 = arith.constant 0 : i32
    %c0_i32_0 = arith.constant 0 : i32
    return %c0_i32, %arg0 : i32, i32
  }
}

</mosaic_0001>

<sc_bundles>
// kernel: kernel.11.cloned.1.call-start
scs
__scs_entry_jumppad:
0x0: {  	(pc) =	sbr.rel $0x88, $3  }
0x1: {  	(tag) =	ssettag $0x0;
	lr =	simm.s32 $0x1  }
0x2: {  	[smem:$0x3F9B] =	sst lr;
	_ =	strace $0xD0000000  }
0x3: {  	_ = 	snop  }
0x4: {  	_ = 	snop  }
0x5: {  	_ = 	snop  }
0x6: {  	_ = 	snop  }
0x7: {  	_ = 	snop  }
__scs_overlays_trampoline_lowered:
0x8: {  	[smem:$0x3FAA] =	sst s0  }
0x9: {  	[smem:$0x3FAB] =	sst s1  }
0xa: {  	[smem:$0x3FAC] =	sst s2  }
0xb: {  	[smem:$0x3FAD] =	sst s3  }
0xc: {  	[smem:$0x3FAE] =	sst s4  }
0xd: {  	[smem:$0x3FAF] =	sst s5  }
0xe: {  	[smem:$0x3FB0] =	sst s6  }
0xf: {  	[smem:$0x3FB1] =	sst s7  }
0x10: {  	[smem:$0x3FB2] =	sst s8  }
0x11: {  	[smem:$0x3FB3] =	sst s9;
	s0 =	simm.s32 @!p0 $0x0  }
0x12: {  	s1 =	sld [smem:$0x3F99];
	s0 =	simm.s32 @p0 $0x1  }
0x13: {  	[smem:$0x3FB4] =	sst s0;
	s0 =	simm.s32 @!p1 $0x0  }
0x14: {  	s2 =	sld [smem:$0x3F98];
	s0 =	simm.s32 @p1 $0x1  }
0x15: {  	[smem:$0x3FB5] =	sst s0;
	s0 =	simm.s32 @!p2 $0x0  }
0x16: {  	s3 =	sld [smem:$0x3FDB];
	s0 =	simm.s32 @p2 $0x1  }
0x17: {  	s4 =	simm.s32 $0x1BF5;
	[smem:$0x3FB7] =	sst s0  }
0x18: {  	s0 =	sld [smem:$0x3F9A];
	_ =	swait.ge [sflag:s4], $0x0  }
0x19: {  	s7 =	sld [smem:$0x3F9B]  }
0x1a: {  	s8 =	sadd.s32 $0xFFFFE003, lr  }
0x1b: {  	s9 =	sadd.s32 $0xFFFFFEF7, lr;
	s5 =	simm.s32 $0xFFFFFFFF;
	p2 =	slt.u32 s8, $0xFFFFF086  }
0x1c: {  	p1 =	slt.u32 s9, $0xF7A;
	s5 =	simm.s32 @!p2 $0x0  }
0x1d: {  	s5 =	simm.s32 @p1 $0x1;
	p0 =	seq.s32 s7, s2  }
0x1e: {  	s7 =	smul.u32 @!p0 $0xF7A, s2;
	p2 =	seq.s32 @!p0 s5, $0x0  }
0x1f: {  	s9 =	smul.u32 $0xF7A, s1;
	s8 =	simm.s32 @!p0 $0x1BF5;
	p2 =	por !p2, p0  }
0x20: {  	[sflag:s8] =	ssyncset.s32 @!p0 $0xFFFFF086;
	s6 =	sadd.s32 @!p0 s3, s7;
	s7 =	simm.s32 @!p0 $0x108  }
0x21: {  	s3 =	sadd.s32 s3, s9;
	s6 =	sadd.s32 @!p0 $0x88, s6;
	s7 =	simm.s32 @p2 $0x1082  }
0x22: {  	[simem:s7], [sflag:s8] =	dma.local @!p0 [hbm:s6], $0xF7A  }
0x23: {  	s9 =	sor.u32 $0xD0000000, s2;
	s6 =	simm.s32 $0x108;
	_ =	swait.ge @!p0 [sflag:s8], $0x0  }
0x24: {  	s3 =	sadd.s32 $0x88, s3;
	s6 =	simm.s32 @!p1 $0x1082;
	[sflag:s4] =	ssyncset.s32 $0xFFFFF086  }
0x25: {  	[simem:s6], [sflag:s4] =	dma.local [hbm:s3], $0xF7A  }
0x26: {  	[smem:$0x3F9B] =	sst s1;
	(tag) =	ssettag s2;
	_ =	strace s9  }
0x27: {  	s1 =	sld [smem:$0x3FAB]  }
0x28: {  	s2 =	sld [smem:$0x3FAC]  }
0x29: {  	s4 =	sld [smem:$0x3FAE]  }
0x2a: {  	p0 =	seq.s32 s5, $0x0;
	s5 =	sld [smem:$0x3FAF]  }
0x2b: {  	s6 =	sld [smem:$0x3FB0]  }
0x2c: {  	s7 =	sld [smem:$0x3FB1]  }
0x2d: {  	s3 =	simm.s32 $0x108;
	s8 =	sld [smem:$0x3FB2]  }
0x2e: {  	s3 =	simm.s32 @!p0 $0x1082;
	s9 =	sld [smem:$0x3FB3]  }
0x2f: {  	lr =	sadd.s32 s0, s3;
	s0 =	sld [smem:$0x3FAA]  }
0x30: {  	s3 =	sld [smem:$0x3FAD]  }
0x31: {  	[smem:$0x3FB6] =	sst s10  }
0x32: {  	s10 =	sld [smem:$0x3FB4];
	_ =	sdelay $0x3  }
0x33: {  	p0 =	seq.s32 s10, $0x1;
	s10 =	sld [smem:$0x3FB6];
	_ =	sdelay $0x3  }
0x34: {  	[smem:$0x3FB6] =	sst s10  }
0x35: {  	s10 =	sld [smem:$0x3FB5];
	_ =	sdelay $0x3  }
0x36: {  	p1 =	seq.s32 s10, $0x1;
	s10 =	sld [smem:$0x3FB6];
	_ =	sdelay $0x3  }
0x37: {  	[smem:$0x3FB6] =	sst s10  }
0x38: {  	s10 =	sld [smem:$0x3FB7]  }
0x39: {  	_ = 	snop;
	(pc) =	sbr.ind lr, $3  }
0x3a: {  	_ = 	snop  }
0x3b: {  	_ = 	snop  }
0x3c: {  	p2 =	seq.s32 s10, $0x1;
	s10 =	sld [smem:$0x3FB6]  }
0x3d: {  	_ =	shalt  }
0x3e: {  	_ =	shalt  }
0x3f: {  	_ =	shalt  }
0x40: {  	_ =	shalt  }
0x41: {  	_ =	shalt  }
0x42: {  	_ =	shalt  }
0x43: {  	_ =	shalt  }
0x44: {  	_ =	shalt  }
0x45: {  	_ =	shalt  }
0x46: {  	_ =	shalt  }
0x47: {  	_ =	shalt  }
0x48: {  	_ =	shalt  }
0x49: {  	_ =	shalt  }
0x4a: {  	_ =	shalt  }
0x4b: {  	_ =	shalt  }
0x4c: {  	_ =	shalt  }
0x4d: {  	_ =	shalt  }
0x4e: {  	_ =	shalt  }
0x4f: {  	_ =	shalt  }
0x50: {  	_ =	shalt  }
0x51: {  	_ =	shalt  }
0x52: {  	_ =	shalt  }
0x53: {  	_ =	shalt  }
0x54: {  	_ =	shalt  }
0x55: {  	_ =	shalt  }
0x56: {  	_ =	shalt  }
0x57: {  	_ =	shalt  }
0x58: {  	_ =	shalt  }
0x59: {  	_ =	shalt  }
0x5a: {  	_ =	shalt  }
0x5b: {  	_ =	shalt  }
0x5c: {  	_ =	shalt  }
0x5d: {  	_ =	shalt  }
0x5e: {  	_ =	shalt  }
0x5f: {  	_ =	shalt  }
0x60: {  	_ =	shalt  }
0x61: {  	_ =	shalt  }
0x62: {  	_ =	shalt  }
0x63: {  	_ =	shalt  }
0x64: {  	_ =	shalt  }
0x65: {  	_ =	shalt  }
0x66: {  	_ =	shalt  }
0x67: {  	_ =	shalt  }
0x68: {  	_ =	shalt  }
0x69: {  	_ =	shalt  }
0x6a: {  	_ =	shalt  }
0x6b: {  	_ =	shalt  }
0x6c: {  	_ =	shalt  }
0x6d: {  	_ =	shalt  }
0x6e: {  	_ =	shalt  }
0x6f: {  	_ =	shalt  }
0x70: {  	_ =	shalt  }
0x71: {  	_ =	shalt  }
0x72: {  	_ =	shalt  }
0x73: {  	_ =	shalt  }
0x74: {  	_ =	shalt  }
0x75: {  	_ =	shalt  }
0x76: {  	_ =	shalt  }
0x77: {  	_ =	shalt  }
0x78: {  	_ =	shalt  }
0x79: {  	_ =	shalt  }
0x7a: {  	_ =	shalt  }
0x7b: {  	_ =	shalt  }
0x7c: {  	_ =	shalt  }
0x7d: {  	_ =	shalt  }
0x7e: {  	_ =	shalt  }
0x7f: {  	_ =	shalt  }
0x80: {  	_ =	shalt  }
0x81: {  	_ =	shalt  }
0x82: {  	_ =	shalt  }
0x83: {  	_ =	shalt  }
0x84: {  	_ =	shalt  }
0x85: {  	_ =	shalt  }
0x86: {  	_ =	shalt  }
0x87: {  	_ =	shalt  }
.Lfunc_end0:
.L_simem_size_0:
called_computation.1_lowered:
.L_overlay_start_0:
0x88: {  	s2 =	sld [smem:$0x3FD9]  }
0x89: {  	s3 =	sld [smem:$0x3FFE];
	_ =	sdelay $0x1  }
0x8a: {  	s1 =	srdreg.scid  }
0x8b: {  	s0 =	sand.u32 $0x1, s1  }
0x8c: {  	s16 =	sshll.u32 s0, $0xA;
	s2 =	sadd.s32 s3, s2  }
0x8d: {  	s2 =	sadd.s32 s2, s16  }
0x8e: {  	[smem:$0x3FC2] =	sst s2  }
0x8f: {  	_ = 	snop  }
0x90: {  	(tm) =	ssettm $0x1  }
0x91: {  	s17 =	sld [smem:$0x3FFB];
	_ =	sdelay $0x3  }
0x92: {  	_ =	strace s17  }
0x93: {  	s2 =	sld [smem:$0x3FFC];
	_ =	sdelay $0x3  }
0x94: {  	_ =	strace s2  }
0x95: {  	s2 =	sld [smem:$0x3FFD];
	_ =	sdelay $0x3  }
0x96: {  	_ =	strace s2  }
0x97: {  	_ =	strace $0x8FFFFFFF  }
0x98: {  	s18 =	sld [smem:$0x3FDB];
	_ =	sdelay $0x1  }
0x99: {  	s19 =	simm.s32 $_scs_section_size  }
0x9a: {  	s4 =	simm.s32 $_size__tile_overlayer_lowered;
	s5 =	simm.s32 $_tile_overlayer_lowered  }
0x9b: {  	s22 =	simm.s32 $0x1BFF;
	s21 =	sshll.u32 s5, $0x1;
	s2 =	sadd.s32 s19, s18  }
0x9c: {  	s6 =	simm.s32 $0x0;
	s20 =	sshll.u32 s4, $0x1;
	s4 =	sadd.s32 s21, s2  }
0x9d: {  	[timem:s6], [sflag:s22] =	dma.local [hbm:s4], s20  }
0x9e: {  	_ =	swait.ge [sflag:s22], s20  }
0x9f: {  	s3 =	ssub.s32 $0x0, s20;
	[sflag:s22] =	ssyncset.done $0x0  }
0xa0: {  	[sflag:s22] =	ssyncadd.s32 s3;
	_ =	sdelay $0x1  }
0xa1: {  	s23 =	simm.s32 $0x1B8B  }
0xa2: {  	_ =	swait.ge [sflag:s23], $0x1  }
0xa3: {  	[sflag:s23] =	ssyncset.done $0x0  }
0xa4: {  	s25 =	simm.s32 $0x1B8E;
	s24 =	sld [smem:$0x3FFE];
	[sflag:s23] =	ssyncadd.s32 $0xFFFFFFFF  }
0xa5: {  	s26 =	simm.s32 $execute0_lowered;
	[smem:$0x3FD2] =	sst s25  }
0xa6: {  	s4 =	sshll.u32 s26, $0x1;
	_ =	strace $0x80000049;
	[dreg:$0x1] =	wrdreg $0xFFFFFFFF  }
0xa7: {  	s28 =	simm.s32 $_size_execute0_lowered;
	s2 =	sadd.s32 s2, s4;
	[dreg:$0x0] =	wrdreg $0x0  }
0xa8: {  	s4 =	sshll.u32 s28, $0x1;
	[dreg:$0x2] =	wrdreg s2  }
0xa9: {  	[dreg:$0x3] =	wrdreg s4  }
0xaa: {  	[dreg:$0x4] =	wrdreg $0xC0  }
0xab: {  	_ =	task [dreg:s6], $0x5FFFF  }
0xac: {  	[dreg:$0x1] =	wrdreg $0xFFFFFFFF  }
0xad: {  	[dreg:$0x0] =	wrdreg $0x60  }
0xae: {  	[dreg:$0x2] =	wrdreg s24  }
0xaf: {  	[dreg:$0x3] =	wrdreg $0x0  }
0xb0: {  	[dreg:$0x4] =	wrdreg $0xC8000  }
0xb1: {  	[dreg:$0x5] =	wrdreg $0x9  }
0xb2: {  	_ =	task.clear_ibuf [dreg:s6], $0x6FFFF;
	_ =	strace $0x90000049  }
0xb3: {  	s29 =	simm.s32 $0x9;
	_ =	strace $0x8000004B  }
0xb4: {  	_ =	swait.ge [sflag:s29], $0x1  }
0xb5: {  	[sflag:s29] =	ssyncadd.s32 $0xFFFFFFFF  }
0xb6: {  	_ =	strace $0x9000004B  }
0xb7: {  	_ =	sfence  }
0xb8: {  	s30 =	sld [smem:$0x0];
	_ =	sdelay $0x2  }
0xb9: {  	s31 =	sshll.u32 s1, $0xD;
	s1 =	sshrl.u32 s1, $0x2  }
0xba: {  	s3 =	sand.u32 $0x4000, s31;
	s1 =	sadd.s32 s1, s30  }
0xbb: {  	s0 =	sor.u32 s3, s0;
	s1 =	sshll.u32 s1, $0x11  }
0xbc: {  	s0 =	sor.u32 s1, s0  }
0xbd: {  	s0 =	sadd.s32 $0x8F2B, s0  }
0xbe: {  	[sflag:s0] =	ssyncadd.remote.s32 $0x1  }
0xbf: {  	_ =	sfence.sel $0xFFFF  }
0xc0: {  	[dreg:$0x0] =	wrdreg $0xFFFFFFFF;
	(pc) =	sbr.abs _section_cstart, $3  }
0xc1: {  	[dreg:$0x1] =	wrdreg $0xFFFFFFFF  }
0xc2: {  	_ =	task.clear_ibuf [dreg:s6], $0x2FFFF;
	_ =	strace $0x9FFFFFFF  }
0xc3: {  	(tm) =	ssettm $0x7FFFFFFF  }
tec
execute0_lowered:
.L_overlay_start_1:
0x0: {  	(tag) =	ssettag $0x1  }
0x1: {  	s0 =	rddreg [dreg:$0x0]  }
0x2: {  	s2 =	rddreg [dreg:$0x1]  }
0x3: {  	s3 =	rddreg [dreg:$0x2];
	s14 =	stileid.u32  }
0x4: {  	s1 =	srdreg.scid;
	s4 =	simm.s32 $0x0;
	s16 =	simm.s32 $0x8  }
0x5: {  	s28 =	simm.s32 $0x5;
	s29 =	simm.s32 $0x6;
	s30 =	simm.s32 $0x7  }
0x6: {  	s31 =	simm.s32 $0x0;
	s5 =	smul.u32 $0xC800, s14;
	s1 =	sand.u32 $0x1, s1  }
0x7: {  	[smem:$0x7FF] =	sst s4;
	s8 =	sadd.s32 $0x2200, s0;
	s9 =	sadd.s32 $0xC5800, s0  }
0x8: {  	s20 =	sshll.u32 s14, $0x6;
	s6 =	smul.u32 $0xC8000, s1;
	_ =	strace $0x8000004A  }
0x9: {  	s7 =	ssub.s32 $0x2, s1;
	s21 =	sshll.u32 s1, $0x4;
	s1 =	smul.u32 $0x310000, s1  }
0xa: {  	s10 =	sshrl.u32 s5, $0x3;
	s11 =	sshrl.u32 s7, $0x1;
	s13 =	sadd.s32 s5, s2  }
0xb: {  	s22 =	sor.u32 s14, s21;
	s14 =	smul.u32 $0x31000, s14;
	s21 =	simm.s32 $0x1B000  }
0xc: {  	s6 =	sadd.s32 s5, s6;
	s10 =	sadd.s32 s10, s0;
	s12 =	ssub.s32 s7, s11  }
0xd: {  	s5 =	sadd.s32 s5, s3;
	p0 =	seq.s32 s22, $0x1F;
	s7 =	simm.s32 $0x57  }
0xe: {  	s11 =	smul.u32 $0x6200, s22;
	s15 =	sshrl.u32 s13, $0x3;
	s22 =	simm.s32 $0x1C000  }
0xf: {  	s6 =	sshrl.u32 s6, $0x3;
	s19 =	sadd.s32 $0x32EC00, s10;
	s10 =	sadd.s32 $0x19EC00, s10  }
0x10: {  	s7 =	simm.s32 @!p0 $0x62;
	s1 =	sadd.s32 s14, s1;
	s25 =	smax.u32 s12, $0x1  }
0x11: {  	s17 =	sshrl.u32 s5, $0x3;
	s0 =	sadd.s32 s6, s0;
	[dreg:$0x4] =	wrdreg s19  }
0x12: {  	s6 =	sor.u32 $0x1C08, s20;
	[dreg:$0x5] =	wrdreg s10;
	s23 =	sadd.s32 s8, s11  }
0x13: {  	s24 =	sadd.s32 s9, s11;
	s1 =	sor.u32 $0x800, s1;
	[dreg:$0x9] =	wrdreg s25  }
0x14: {  	s20 =	simm.s32 $0x200;
	s25 =	simm.s32 $0x3;
	[dreg:$0x6] =	wrdreg s23  }
0x15: {  	[dreg:$0x7] =	wrdreg s24;
	s0 =	sadd.s32 $0x1B7C00, s0;
	s26 =	sshrl.u32 s1, $0x3  }
0x16: {  	s23 =	simm.s32 $0x1D000;
	s24 =	simm.s32 $0x1E000;
	[dreg:$0x8] =	wrdreg s0  }
0x17: {  	s1 =	sadd.s32 s26, s9;
	s18 =	sadd.s32 s26, s8;
	s26 =	simm.s32 $0x4  }
.LBB2_1:
0x18: {  	s0 =	rddreg [dreg:$0x4]  }
0x19: {  	[spmem:s15], [sflag:s6] =	dma.local [hbm:s0], $0x1900  }
0x1a: {  	_ =	swait.ge [sflag:s16], $0x1900  }
0x1b: {  	[sflag:s16] =	ssyncset.done $0x0  }
0x1c: {  	s12 =	rddreg [dreg:$0x5];
	[sflag:s16] =	ssyncadd.s32 $0xFFFFE700  }
0x1d: {  	[spmem:s17], [sflag:s6] =	dma.local [hbm:s12], $0x1900  }
0x1e: {  	s5 =	simm.s32 $0x19000;
	s19 =	simm.s32 $0x1A000;
	_ =	swait.ge [sflag:s16], $0x1900  }
0x1f: {  	s8 =	sand.u32 $0x1, s4;
	p2 =	sle.u32 s7, $0x1;
	[sflag:s16] =	ssyncset.done $0x0  }
0x20: {  	p1 =	sne.s32 s7, $0x1;
	p0 =	por $0x0, $0x0;
	[sflag:s16] =	ssyncadd.s32 $0xFFFFE700  }
.Ltmp0:
0x21: {  	s10 =	sxor.u32 @!p2 $0x1, s8;
	[bflag:$0x0] =	sbarrier.arrive $0xFFFF;
	(pc) =	sbr.rel @!p1 .LBB2_2-.Ltmp0, $4  }
0x22: {  	s0 =	sshll.u32 s8, $0xB;
	s9 =	sadd.s32 @!p2 $0x1, s10;
	s13 =	rddreg [dreg:$0x6]  }
0x23: {  	[tilespmem:s5], [sflag:$0x1] =	stream.linear.gather [hbm4b:s13+s4], $0x800, $0x38;
	[tilespmem:$0x1F000] =	vst v63  }
0x24: {  	s10 =	sshll.u32 @!p2 s10, $0xB;
	s14 =	rddreg [dreg:$0x7];
	s5 =	simm.s32 $0x1  }
0x25: {  	[tilespmem:s19], [sflag:$0x1] =	stream.linear.gather [hbm4b:s14+s4], $0x800, $0x38;
	[tilespmem:$0x1F000] =	vst v63  }
0x26: {  	s13 =	sor.u32 @!p2 $0x19000, s10;
	s14 =	simm.s32 @!p2 $0x0  }
0x27: {  	[tilespmem:s13], [sflag:s9] =	stream.linear.gather @!p2 [hbm4b:s18+s14], $0x800, $0x38;
	[tilespmem:$0x1F000] =	vst v63  }
0x28: {  	s10 =	sor.u32 @!p2 $0x1A000, s10;
	s8 =	sadd.s32 $0x1, s8  }
0x29: {  	[tilespmem:s10], [sflag:s9] =	stream.linear.gather @!p2 [hbm4b:s1+s14], $0x800, $0x38;
	[tilespmem:$0x1F000] =	vst v63  }
0x2a: {  	_ =	swait.ge [sflag:s8], $0x800  }
0x2b: {  	[sflag:s8] =	ssyncset.done $0x0  }
0x2c: {  	[sflag:s8] =	ssyncadd.s32 $0xFFFFF800  }
0x2d: {  	_ =	swait.ge [sflag:s8], $0x800  }
0x2e: {  	[sflag:s8] =	ssyncset.done $0x0  }
0x2f: {  	s19 =	sor.u32 $0x19000, s0;
	[sflag:s8] =	ssyncadd.s32 $0xFFFFF800  }
0x30: {  	[tilespmem:s21], [sflag:$0x3] =	stream.indirect.gather [spmem:s2], $0x8, s19, s20, $0xb8;
	[tilespmem:$0x1F000] =	vst v63  }
0x31: {  	s9 =	sor.u32 $0x19200, s0  }
0x32: {  	[tilespmem:s22], [sflag:$0x4] =	stream.indirect.gather [spmem:s2], $0x8, s9, s20, $0xb8;
	[tilespmem:$0x1F000] =	vst v63  }
0x33: {  	s10 =	sor.u32 $0x19400, s0  }
0x34: {  	[tilespmem:s23], [sflag:$0x5] =	stream.indirect.gather [spmem:s2], $0x8, s10, s20, $0xb8;
	[tilespmem:$0x1F000] =	vst v63  }
0x35: {  	s11 =	sor.u32 $0x19600, s0  }
0x36: {  	[tilespmem:s24], [sflag:$0x6] =	stream.indirect.gather [spmem:s2], $0x8, s11, s20, $0xb8;
	[tilespmem:$0x1F000] =	vst v63  }
0x37: {  	_ =	swait.ge [sflag:s25], $0x1000  }
0x38: {  	[sflag:s25] =	ssyncset.done $0x0  }
0x39: {  	s12 =	sor.u32 $0x1A000, s0;
	[sflag:s25] =	ssyncadd.s32 $0xFFFFF000  }
0x3a: {  	[spmem:s3] =	stream.indirect.scatter.add.f32 [tilespmem:s21], [sflag:$0x7], $0x8, s12, s20, $0xb8;
	[tilespmem:$0x1F000] =	vst v63  }
0x3b: {  	_ =	swait.ge [sflag:s26], $0x1000  }
0x3c: {  	[sflag:s26] =	ssyncset.done $0x0  }
0x3d: {  	s13 =	sor.u32 $0x1A200, s0;
	[sflag:s26] =	ssyncadd.s32 $0xFFFFF000  }
0x3e: {  	[spmem:s3] =	stream.indirect.scatter.add.f32 [tilespmem:s22], [sflag:$0x7], $0x8, s13, s20, $0xb8;
	[tilespmem:$0x1F000] =	vst v63  }
0x3f: {  	_ =	swait.ge [sflag:s28], $0x1000  }
0x40: {  	[sflag:s28] =	ssyncset.done $0x0  }
0x41: {  	s14 =	sor.u32 $0x1A400, s0;
	[sflag:s28] =	ssyncadd.s32 $0xFFFFF000  }
0x42: {  	[spmem:s3] =	stream.indirect.scatter.add.f32 [tilespmem:s23], [sflag:$0x7], $0x8, s14, s20, $0xb8;
	[tilespmem:$0x1F000] =	vst v63  }
0x43: {  	_ =	swait.ge [sflag:s29], $0x1000  }
0x44: {  	[sflag:s29] =	ssyncset.done $0x0  }
0x45: {  	s19 =	sor.u32 $0x1A600, s0;
	[sflag:s29] =	ssyncadd.s32 $0xFFFFF000  }
0x46: {  	[spmem:s3] =	stream.indirect.scatter.add.f32 [tilespmem:s24], [sflag:$0x7], $0x8, s19, s20, $0xb8;
	[tilespmem:$0x1F000] =	vst v63  }
0x47: {  	_ =	swait.ge [sflag:s30], $0x1000  }
0x48: {  	[sflag:s30] =	ssyncset.done $0x0  }
0x49: {  	[sflag:s30] =	ssyncadd.s32 $0xFFFFF000  }
0x4a: {  	_ =	swait.ge [sflag:s30], $0x1000  }
0x4b: {  	p1 =	sne.s32 s7, $0x2;
	p2 =	sle.u32 s7, $0x2;
	[sflag:s30] =	ssyncset.done $0x0  }
.Ltmp1:
0x4c: {  	s8 =	sand.u32 $0x1, s5;
	[sflag:s30] =	ssyncadd.s32 $0xFFFFF000;
	(pc) =	sbr.rel @!p1 .LBB2_5-.Ltmp1, $4  }
0x4d: {  	p0 =	por $0x1, $0x1;
	s5 =	sxor.u32 @!p2 $0x1, s8;
	_ =	swait.ge [sflag:s30], $0x1000  }
0x4e: {  	s0 =	sshll.u32 s8, $0xB;
	s9 =	sadd.s32 @!p2 $0x1, s5;
	[sflag:s30] =	ssyncset.done $0x0  }
0x4f: {  	s10 =	sshll.u32 @!p2 s5, $0xB;
	s13 =	sadd.s32 $0x100, s1;
	[sflag:s30] =	ssyncadd.s32 $0xFFFFF000  }
0x50: {  	s14 =	sadd.s32 $0x100, s18;
	s19 =	simm.s32 $0x2;
	_ =	swait.ge [sflag:s30], $0x1000  }
.LBB2_4:
0x51: {  	s11 =	sor.u32 @!p2 $0x19000, s10  }
0x52: {  	[sflag:s30] =	ssyncset.done $0x0;
	s5 =	smov.u32 s19;
	s19 =	sadd.s32 $0x1, s19  }
0x53: {  	s12 =	simm.s32 @!p2 $0x0;
	p1 =	sne.s32 s7, s19;
	[sflag:s30] =	ssyncadd.s32 $0xFFFFF000  }
0x54: {  	[tilespmem:s11], [sflag:s9] =	stream.linear.gather @!p2 [hbm4b:s14+s12], $0x800, $0x38;
	[tilespmem:$0x1F000] =	vst v63  }
0x55: {  	s10 =	sor.u32 @!p2 $0x1A000, s10;
	s8 =	sadd.s32 $0x1, s8  }
0x56: {  	[tilespmem:s10], [sflag:s9] =	stream.linear.gather @!p2 [hbm4b:s13+s12], $0x800, $0x38;
	[tilespmem:$0x1F000] =	vst v63  }
0x57: {  	_ =	swait.ge [sflag:s8], $0x800  }
0x58: {  	[sflag:s8] =	ssyncset.done $0x0  }
0x59: {  	[sflag:s8] =	ssyncadd.s32 $0xFFFFF800  }
0x5a: {  	_ =	swait.ge [sflag:s8], $0x800  }
0x5b: {  	s9 =	sor.u32 $0x19000, s0;
	[sflag:s8] =	ssyncset.done $0x0  }
0x5c: {  	[sflag:s8] =	ssyncadd.s32 $0xFFFFF800  }
0x5d: {  	[tilespmem:s21], [sflag:$0x3] =	stream.indirect.gather [spmem:s2], $0x8, s9, s20, $0xb8;
	[tilespmem:$0x1F000] =	vst v63  }
0x5e: {  	s8 =	sor.u32 $0x19200, s0  }
0x5f: {  	[tilespmem:s22], [sflag:$0x4] =	stream.indirect.gather [spmem:s2], $0x8, s8, s20, $0xb8;
	[tilespmem:$0x1F000] =	vst v63  }
0x60: {  	s8 =	sor.u32 $0x19400, s0  }
0x61: {  	[tilespmem:s23], [sflag:$0x5] =	stream.indirect.gather [spmem:s2], $0x8, s8, s20, $0xb8;
	[tilespmem:$0x1F000] =	vst v63  }
0x62: {  	s8 =	sor.u32 $0x19600, s0  }
0x63: {  	[tilespmem:s24], [sflag:$0x6] =	stream.indirect.gather [spmem:s2], $0x8, s8, s20, $0xb8;
	[tilespmem:$0x1F000] =	vst v63  }
0x64: {  	_ =	swait.ge [sflag:s25], $0x1000  }
0x65: {  	s8 =	sor.u32 $0x1A000, s0;
	[sflag:s25] =	ssyncset.done $0x0  }
0x66: {  	[sflag:s25] =	ssyncadd.s32 $0xFFFFF000  }
0x67: {  	[spmem:s3] =	stream.indirect.scatter.add.f32 [tilespmem:s21], [sflag:$0x7], $0x8, s8, s20, $0xb8;
	[tilespmem:$0x1F000] =	vst v63  }
0x68: {  	_ =	swait.ge [sflag:s26], $0x1000  }
0x69: {  	s8 =	sor.u32 $0x1A200, s0;
	[sflag:s26] =	ssyncset.done $0x0  }
0x6a: {  	[sflag:s26] =	ssyncadd.s32 $0xFFFFF000  }
0x6b: {  	[spmem:s3] =	stream.indirect.scatter.add.f32 [tilespmem:s22], [sflag:$0x7], $0x8, s8, s20, $0xb8;
	[tilespmem:$0x1F000] =	vst v63  }
0x6c: {  	_ =	swait.ge [sflag:s28], $0x1000  }
0x6d: {  	s8 =	sor.u32 $0x1A400, s0;
	[sflag:s28] =	ssyncset.done $0x0  }
0x6e: {  	[sflag:s28] =	ssyncadd.s32 $0xFFFFF000  }
0x6f: {  	[spmem:s3] =	stream.indirect.scatter.add.f32 [tilespmem:s23], [sflag:$0x7], $0x8, s8, s20, $0xb8;
	[tilespmem:$0x1F000] =	vst v63  }
0x70: {  	_ =	swait.ge [sflag:s29], $0x1000  }
0x71: {  	s0 =	sor.u32 $0x1A600, s0;
	[sflag:s29] =	ssyncset.done $0x0  }
0x72: {  	[sflag:s29] =	ssyncadd.s32 $0xFFFFF000  }
0x73: {  	[spmem:s3] =	stream.indirect.scatter.add.f32 [tilespmem:s24], [sflag:$0x7], $0x8, s0, s20, $0xb8;
	[tilespmem:$0x1F000] =	vst v63  }
0x74: {  	_ =	swait.ge [sflag:s30], $0x1000  }
0x75: {  	[sflag:s30] =	ssyncset.done $0x0  }
0x76: {  	[sflag:s30] =	ssyncadd.s32 $0xFFFFF000  }
0x77: {  	_ =	swait.ge [sflag:s30], $0x1000  }
0x78: {  	[sflag:s30] =	ssyncset.done $0x0  }
.Ltmp2:
0x79: {  	[sflag:s30] =	ssyncadd.s32 $0xFFFFF000;
	(pc) =	sbr.rel @p1 .LBB2_4-.Ltmp2, $4  }
0x7a: {  	s14 =	sadd.s32 $0x100, s14;
	s13 =	sadd.s32 $0x100, s13;
	_ =	swait.ge [sflag:s30], $0x1000  }
0x7b: {  	p2 =	sge.u32 s19, s7;
	s8 =	sand.u32 $0x1, s5;
	[sflag:s30] =	ssyncset.done $0x0  }
0x7c: {  	s5 =	sxor.u32 @!p2 $0x1, s8;
	s0 =	sshll.u32 s8, $0xB;
	[sflag:s30] =	ssyncadd.s32 $0xFFFFF000  }
0x7d: {  	s9 =	sadd.s32 @!p2 $0x1, s5;
	s10 =	sshll.u32 @!p2 s5, $0xB;
	_ =	swait.ge [sflag:s30], $0x1000  }
.LBB2_5:
0x7e: {  	[sflag:s30] =	ssyncset.done @p0 $0x0  }
0x7f: {  	s5 =	sor.u32 @!p2 $0x19000, s10;
	s11 =	simm.s32 @!p2 $0x0;
	[sflag:s30] =	ssyncadd.s32 @p0 $0xFFFFF000  }
0x80: {  	[tilespmem:s5], [sflag:s9] =	stream.linear.gather @!p2 [hbm4b:s14+s11], $0x800, $0x38;
	[tilespmem:$0x1F000] =	vst v63  }
0x81: {  	s8 =	sadd.s32 $0x1, s8;
	s5 =	sor.u32 @!p2 $0x1A000, s10  }
0x82: {  	[tilespmem:s5], [sflag:s9] =	stream.linear.gather @!p2 [hbm4b:s13+s11], $0x800, $0x38;
	[tilespmem:$0x1F000] =	vst v63  }
0x83: {  	_ =	swait.ge [sflag:s8], $0x800  }
0x84: {  	[sflag:s8] =	ssyncset.done $0x0  }
0x85: {  	[sflag:s8] =	ssyncadd.s32 $0xFFFFF800  }
0x86: {  	_ =	swait.ge [sflag:s8], $0x800  }
0x87: {  	[sflag:s8] =	ssyncset.done $0x0  }
0x88: {  	s14 =	sor.u32 $0x19000, s0;
	[sflag:s8] =	ssyncadd.s32 $0xFFFFF800  }
0x89: {  	[tilespmem:s21], [sflag:$0x3] =	stream.indirect.gather [spmem:s2], $0x8, s14, s20, $0xb8;
	[tilespmem:$0x1F000] =	vst v63  }
0x8a: {  	s19 =	sor.u32 $0x19200, s0  }
0x8b: {  	[tilespmem:s22], [sflag:$0x4] =	stream.indirect.gather [spmem:s2], $0x8, s19, s20, $0xb8;
	[tilespmem:$0x1F000] =	vst v63  }
0x8c: {  	s8 =	sor.u32 $0x19400, s0  }
0x8d: {  	[tilespmem:s23], [sflag:$0x5] =	stream.indirect.gather [spmem:s2], $0x8, s8, s20, $0xb8;
	[tilespmem:$0x1F000] =	vst v63  }
0x8e: {  	s9 =	sor.u32 $0x19600, s0  }
0x8f: {  	[tilespmem:s24], [sflag:$0x6] =	stream.indirect.gather [spmem:s2], $0x8, s9, s20, $0xb8;
	[tilespmem:$0x1F000] =	vst v63  }
0x90: {  	_ =	swait.ge [sflag:s25], $0x1000  }
0x91: {  	[sflag:s25] =	ssyncset.done $0x0  }
0x92: {  	s10 =	sor.u32 $0x1A000, s0;
	[sflag:s25] =	ssyncadd.s32 $0xFFFFF000  }
0x93: {  	[spmem:s3] =	stream.indirect.scatter.add.f32 [tilespmem:s21], [sflag:$0x7], $0x8, s10, s20, $0xb8;
	[tilespmem:$0x1F000] =	vst v63  }
0x94: {  	_ =	swait.ge [sflag:s26], $0x1000  }
0x95: {  	[sflag:s26] =	ssyncset.done $0x0  }
0x96: {  	s11 =	sor.u32 $0x1A200, s0;
	[sflag:s26] =	ssyncadd.s32 $0xFFFFF000  }
0x97: {  	[spmem:s3] =	stream.indirect.scatter.add.f32 [tilespmem:s22], [sflag:$0x7], $0x8, s11, s20, $0xb8;
	[tilespmem:$0x1F000] =	vst v63  }
0x98: {  	_ =	swait.ge [sflag:s28], $0x1000  }
0x99: {  	[sflag:s28] =	ssyncset.done $0x0  }
0x9a: {  	s12 =	sor.u32 $0x1A400, s0;
	[sflag:s28] =	ssyncadd.s32 $0xFFFFF000  }
0x9b: {  	[spmem:s3] =	stream.indirect.scatter.add.f32 [tilespmem:s23], [sflag:$0x7], $0x8, s12, s20, $0xb8;
	[tilespmem:$0x1F000] =	vst v63  }
0x9c: {  	_ =	swait.ge [sflag:s29], $0x1000  }
0x9d: {  	[sflag:s29] =	ssyncset.done $0x0  }
0x9e: {  	s13 =	sor.u32 $0x1A600, s0;
	[sflag:s29] =	ssyncadd.s32 $0xFFFFF000  }
0x9f: {  	[spmem:s3] =	stream.indirect.scatter.add.f32 [tilespmem:s24], [sflag:$0x7], $0x8, s13, s20, $0xb8;
	[tilespmem:$0x1F000] =	vst v63  }
0xa0: {  	_ =	swait.ge [sflag:s30], $0x1000  }
0xa1: {  	[sflag:s30] =	ssyncset.done $0x0  }
0xa2: {  	[sflag:s30] =	ssyncadd.s32 $0xFFFFF000  }
0xa3: {  	_ =	swait.ge [sflag:s30], $0x1000  }
0xa4: {  	[sflag:s30] =	ssyncset.done $0x0  }
0xa5: {  	[sflag:s30] =	ssyncadd.s32 $0xFFFFF000  }
0xa6: {  	_ =	swait.ge [sflag:s30], $0x1000  }
0xa7: {  	[sflag:s30] =	ssyncset.done $0x0  }
0xa8: {  	[sflag:s30] =	ssyncadd.s32 $0xFFFFF000  }
0xa9: {  	_ =	swait.ge [sflag:s30], $0x1000  }
0xaa: {  	[sflag:s30] =	ssyncset.done $0x0  }
0xab: {  	[sflag:s30] =	ssyncadd.s32 $0xFFFFF000  }
0xac: {  	[bflag:$0x0] =	sbarrier.arrive $0xFFFF  }
0xad: {  	s14 =	rddreg [dreg:$0x8]  }
0xae: {  	[hbm:s14], [sflag:s6] =	dma.local [spmem:s17], $0x1900  }
0xaf: {  	_ =	swait.ge [sflag:s16], $0x1900  }
0xb0: {  	s31 =	sadd.s32 $0x1, s31;
	s19 =	rddreg [dreg:$0x9]  }
0xb1: {  	p0 =	sne.s32 s31, s19  }
.Ltmp3:
0xb2: {  	_ = 	snop;
	(pc) =	sbr.rel @p0 .LBB2_1-.Ltmp3, $4  }
.Ltmp4:
0xb3: {  	_ = 	snop;
	(pc) =	sbr.rel @!p0 .LBB2_6-.Ltmp4, $4  }
0xb4: {  	_ = 	snop  }
0xb5: {  	[sflag:s16] =	ssyncset.done $0x0  }
0xb6: {  	[sflag:s16] =	ssyncadd.s32 $0xFFFFE700  }
0xb7: {  	_ = 	snop  }
.LBB2_2:
.Ltmp5:
0xb8: {  	(pc) =	sbr.rel .LBB2_5-.Ltmp5, $2  }
0xb9: {  	_ =	sdelay $0x2  }
0xba: {  	s14 =	smov.u32 s18;
	s13 =	smov.u32 s1  }
.LBB2_6:
0xbb: {  	_ =	sfence.sel $0x180000  }
0xbc: {  	[bflag:$0x0] =	sbarrier.arrive $0xFFFF  }
0xbd: {  	_ =	strace $0x9000004A  }
0xbe: {  	s0 =	stileid.u32;
	[bflag:$0x2] =	sbarrier.arrive $0xFFFF  }
0xbf: {  	p0 =	sne.s32 s0, $0x0;
	s0 =	rddreg [dreg:$0x3]  }
0xc0: {  	s0 =	sadd.s32 @!p0 $0x100000, s0  }
0xc1: {  	[sflag:s0] =	ssyncadd.tile.s32 @!p0 $0x1;
	_ =	shalt  }
.Lfunc_end2:
_tile_overlayer_lowered:
.L_overlay_start_2:
0xc2: {  	(tag) =	ssettag $0x2  }
0xc3: {  	s0 =	rddreg [dreg:$0x0];
	s2 =	stileid.u32  }
0xc4: {  	s1 =	rddreg [dreg:$0x1];
	p0 =	sne.s32 s2, $0x0  }
0xc5: {  	s3 =	rddreg [dreg:$0x2];
	[bflag:$0x3] =	sbarrier.arrive $0xFFFF;
	s2 =	simm.s32 @!p0 $0x1C08  }
0xc6: {  	[timem:s3], [sflag:s2] =	dma.local @!p0 [hbm:s0], s1  }
0xc7: {  	s0 =	simm.s32 @!p0 $0x8  }
0xc8: {  	_ =	swait.ge @!p0 [sflag:s0], s1  }
0xc9: {  	s1 =	ssub.s32 @!p0 $0x0, s1;
	[sflag:s0] =	ssyncset.done @!p0 $0x0  }
0xca: {  	[sflag:s0] =	ssyncadd.s32 @!p0 s1  }
0xcb: {  	[bflag:$0x3] =	sbarrier.arrive $0xFFFF  }
0xcc: {  	_ =	shalt  }

// kernel: kernel.14.cloned.1.call-start
scs
__scs_entry_jumppad:
0x0: {  	(pc) =	sbr.rel $0x88, $3  }
0x1: {  	(tag) =	ssettag $0x0;
	lr =	simm.s32 $0x1  }
0x2: {  	[smem:$0x3F9B] =	sst lr;
	_ =	strace $0xD0000000  }
0x3: {  	_ = 	snop  }
0x4: {  	_ = 	snop  }
0x5: {  	_ = 	snop  }
0x6: {  	_ = 	snop  }
0x7: {  	_ = 	snop  }
__scs_overlays_trampoline_lowered:
0x8: {  	[smem:$0x3FAA] =	sst s0  }
0x9: {  	[smem:$0x3FAB] =	sst s1  }
0xa: {  	[smem:$0x3FAC] =	sst s2  }
0xb: {  	[smem:$0x3FAD] =	sst s3  }
0xc: {  	[smem:$0x3FAE] =	sst s4  }
0xd: {  	[smem:$0x3FAF] =	sst s5  }
0xe: {  	[smem:$0x3FB0] =	sst s6  }
0xf: {  	[smem:$0x3FB1] =	sst s7  }
0x10: {  	[smem:$0x3FB2] =	sst s8  }
0x11: {  	[smem:$0x3FB3] =	sst s9;
	s0 =	simm.s32 @!p0 $0x0  }
0x12: {  	s1 =	sld [smem:$0x3F99];
	s0 =	simm.s32 @p0 $0x1  }
0x13: {  	[smem:$0x3FB4] =	sst s0;
	s0 =	simm.s32 @!p1 $0x0  }
0x14: {  	s2 =	sld [smem:$0x3F98];
	s0 =	simm.s32 @p1 $0x1  }
0x15: {  	[smem:$0x3FB5] =	sst s0;
	s0 =	simm.s32 @!p2 $0x0  }
0x16: {  	s3 =	sld [smem:$0x3FDB];
	s0 =	simm.s32 @p2 $0x1  }
0x17: {  	s4 =	simm.s32 $0x1BF5;
	[smem:$0x3FB7] =	sst s0  }
0x18: {  	s0 =	sld [smem:$0x3F9A];
	_ =	swait.ge [sflag:s4], $0x0  }
0x19: {  	s7 =	sld [smem:$0x3F9B]  }
0x1a: {  	s8 =	sadd.s32 $0xFFFFE003, lr  }
0x1b: {  	s9 =	sadd.s32 $0xFFFFFEF7, lr;
	s5 =	simm.s32 $0xFFFFFFFF;
	p2 =	slt.u32 s8, $0xFFFFF086  }
0x1c: {  	p1 =	slt.u32 s9, $0xF7A;
	s5 =	simm.s32 @!p2 $0x0  }
0x1d: {  	s5 =	simm.s32 @p1 $0x1;
	p0 =	seq.s32 s7, s2  }
0x1e: {  	s7 =	smul.u32 @!p0 $0xF7A, s2;
	p2 =	seq.s32 @!p0 s5, $0x0  }
0x1f: {  	s9 =	smul.u32 $0xF7A, s1;
	s8 =	simm.s32 @!p0 $0x1BF5;
	p2 =	por !p2, p0  }
0x20: {  	[sflag:s8] =	ssyncset.s32 @!p0 $0xFFFFF086;
	s6 =	sadd.s32 @!p0 s3, s7;
	s7 =	simm.s32 @!p0 $0x108  }
0x21: {  	s3 =	sadd.s32 s3, s9;
	s6 =	sadd.s32 @!p0 $0x88, s6;
	s7 =	simm.s32 @p2 $0x1082  }
0x22: {  	[simem:s7], [sflag:s8] =	dma.local @!p0 [hbm:s6], $0xF7A  }
0x23: {  	s9 =	sor.u32 $0xD0000000, s2;
	s6 =	simm.s32 $0x108;
	_ =	swait.ge @!p0 [sflag:s8], $0x0  }
0x24: {  	s3 =	sadd.s32 $0x88, s3;
	s6 =	simm.s32 @!p1 $0x1082;
	[sflag:s4] =	ssyncset.s32 $0xFFFFF086  }
0x25: {  	[simem:s6], [sflag:s4] =	dma.local [hbm:s3], $0xF7A  }
0x26: {  	[smem:$0x3F9B] =	sst s1;
	(tag) =	ssettag s2;
	_ =	strace s9  }
0x27: {  	s1 =	sld [smem:$0x3FAB]  }
0x28: {  	s2 =	sld [smem:$0x3FAC]  }
0x29: {  	s4 =	sld [smem:$0x3FAE]  }
0x2a: {  	p0 =	seq.s32 s5, $0x0;
	s5 =	sld [smem:$0x3FAF]  }
0x2b: {  	s6 =	sld [smem:$0x3FB0]  }
0x2c: {  	s7 =	sld [smem:$0x3FB1]  }
0x2d: {  	s3 =	simm.s32 $0x108;
	s8 =	sld [smem:$0x3FB2]  }
0x2e: {  	s3 =	simm.s32 @!p0 $0x1082;
	s9 =	sld [smem:$0x3FB3]  }
0x2f: {  	lr =	sadd.s32 s0, s3;
	s0 =	sld [smem:$0x3FAA]  }
0x30: {  	s3 =	sld [smem:$0x3FAD]  }
0x31: {  	[smem:$0x3FB6] =	sst s10  }
0x32: {  	s10 =	sld [smem:$0x3FB4];
	_ =	sdelay $0x3  }
0x33: {  	p0 =	seq.s32 s10, $0x1;
	s10 =	sld [smem:$0x3FB6];
	_ =	sdelay $0x3  }
0x34: {  	[smem:$0x3FB6] =	sst s10  }
0x35: {  	s10 =	sld [smem:$0x3FB5];
	_ =	sdelay $0x3  }
0x36: {  	p1 =	seq.s32 s10, $0x1;
	s10 =	sld [smem:$0x3FB6];
	_ =	sdelay $0x3  }
0x37: {  	[smem:$0x3FB6] =	sst s10  }
0x38: {  	s10 =	sld [smem:$0x3FB7]  }
0x39: {  	_ = 	snop;
	(pc) =	sbr.ind lr, $3  }
0x3a: {  	_ = 	snop  }
0x3b: {  	_ = 	snop  }
0x3c: {  	p2 =	seq.s32 s10, $0x1;
	s10 =	sld [smem:$0x3FB6]  }
0x3d: {  	_ =	shalt  }
0x3e: {  	_ =	shalt  }
0x3f: {  	_ =	shalt  }
0x40: {  	_ =	shalt  }
0x41: {  	_ =	shalt  }
0x42: {  	_ =	shalt  }
0x43: {  	_ =	shalt  }
0x44: {  	_ =	shalt  }
0x45: {  	_ =	shalt  }
0x46: {  	_ =	shalt  }
0x47: {  	_ =	shalt  }
0x48: {  	_ =	shalt  }
0x49: {  	_ =	shalt  }
0x4a: {  	_ =	shalt  }
0x4b: {  	_ =	shalt  }
0x4c: {  	_ =	shalt  }
0x4d: {  	_ =	shalt  }
0x4e: {  	_ =	shalt  }
0x4f: {  	_ =	shalt  }
0x50: {  	_ =	shalt  }
0x51: {  	_ =	shalt  }
0x52: {  	_ =	shalt  }
0x53: {  	_ =	shalt  }
0x54: {  	_ =	shalt  }
0x55: {  	_ =	shalt  }
0x56: {  	_ =	shalt  }
0x57: {  	_ =	shalt  }
0x58: {  	_ =	shalt  }
0x59: {  	_ =	shalt  }
0x5a: {  	_ =	shalt  }
0x5b: {  	_ =	shalt  }
0x5c: {  	_ =	shalt  }
0x5d: {  	_ =	shalt  }
0x5e: {  	_ =	shalt  }
0x5f: {  	_ =	shalt  }
0x60: {  	_ =	shalt  }
0x61: {  	_ =	shalt  }
0x62: {  	_ =	shalt  }
0x63: {  	_ =	shalt  }
0x64: {  	_ =	shalt  }
0x65: {  	_ =	shalt  }
0x66: {  	_ =	shalt  }
0x67: {  	_ =	shalt  }
0x68: {  	_ =	shalt  }
0x69: {  	_ =	shalt  }
0x6a: {  	_ =	shalt  }
0x6b: {  	_ =	shalt  }
0x6c: {  	_ =	shalt  }
0x6d: {  	_ =	shalt  }
0x6e: {  	_ =	shalt  }
0x6f: {  	_ =	shalt  }
0x70: {  	_ =	shalt  }
0x71: {  	_ =	shalt  }
0x72: {  	_ =	shalt  }
0x73: {  	_ =	shalt  }
0x74: {  	_ =	shalt  }
0x75: {  	_ =	shalt  }
0x76: {  	_ =	shalt  }
0x77: {  	_ =	shalt  }
0x78: {  	_ =	shalt  }
0x79: {  	_ =	shalt  }
0x7a: {  	_ =	shalt  }
0x7b: {  	_ =	shalt  }
0x7c: {  	_ =	shalt  }
0x7d: {  	_ =	shalt  }
0x7e: {  	_ =	shalt  }
0x7f: {  	_ =	shalt  }
0x80: {  	_ =	shalt  }
0x81: {  	_ =	shalt  }
0x82: {  	_ =	shalt  }
0x83: {  	_ =	shalt  }
0x84: {  	_ =	shalt  }
0x85: {  	_ =	shalt  }
0x86: {  	_ =	shalt  }
0x87: {  	_ =	shalt  }
.Lfunc_end0:
.L_simem_size_0:
called_computation.2_lowered:
.L_overlay_start_0:
0x88: {  	s2 =	sld [smem:$0x3FD9]  }
0x89: {  	s3 =	sld [smem:$0x3FFE];
	_ =	sdelay $0x1  }
0x8a: {  	s1 =	srdreg.scid  }
0x8b: {  	s0 =	sand.u32 $0x1, s1  }
0x8c: {  	s16 =	sshll.u32 s0, $0xA;
	s2 =	sadd.s32 s3, s2  }
0x8d: {  	s2 =	sadd.s32 s2, s16  }
0x8e: {  	[smem:$0x3FC2] =	sst s2  }
0x8f: {  	_ = 	snop  }
0x90: {  	(tm) =	ssettm $0x1  }
0x91: {  	s17 =	sld [smem:$0x3FFB];
	_ =	sdelay $0x3  }
0x92: {  	_ =	strace s17  }
0x93: {  	s2 =	sld [smem:$0x3FFC];
	_ =	sdelay $0x3  }
0x94: {  	_ =	strace s2  }
0x95: {  	s2 =	sld [smem:$0x3FFD];
	_ =	sdelay $0x3  }
0x96: {  	_ =	strace s2  }
0x97: {  	_ =	strace $0x8FFFFFFF  }
0x98: {  	s18 =	sld [smem:$0x3FDB];
	_ =	sdelay $0x1  }
0x99: {  	s19 =	simm.s32 $_scs_section_size  }
0x9a: {  	s4 =	simm.s32 $_size__tile_overlayer_lowered;
	s5 =	simm.s32 $_tile_overlayer_lowered  }
0x9b: {  	s22 =	simm.s32 $0x1BFF;
	s21 =	sshll.u32 s5, $0x1;
	s2 =	sadd.s32 s19, s18  }
0x9c: {  	s6 =	simm.s32 $0x0;
	s20 =	sshll.u32 s4, $0x1;
	s4 =	sadd.s32 s21, s2  }
0x9d: {  	[timem:s6], [sflag:s22] =	dma.local [hbm:s4], s20  }
0x9e: {  	_ =	swait.ge [sflag:s22], s20  }
0x9f: {  	s3 =	ssub.s32 $0x0, s20;
	[sflag:s22] =	ssyncset.done $0x0  }
0xa0: {  	[sflag:s22] =	ssyncadd.s32 s3;
	_ =	sdelay $0x1  }
0xa1: {  	s23 =	simm.s32 $0x1B8B  }
0xa2: {  	_ =	swait.ge [sflag:s23], $0x1  }
0xa3: {  	[sflag:s23] =	ssyncset.done $0x0  }
0xa4: {  	s25 =	simm.s32 $0x1B8E;
	s24 =	sld [smem:$0x3FFE];
	[sflag:s23] =	ssyncadd.s32 $0xFFFFFFFF  }
0xa5: {  	s26 =	simm.s32 $execute0_lowered;
	[smem:$0x3FD2] =	sst s25  }
0xa6: {  	s4 =	sshll.u32 s26, $0x1;
	_ =	strace $0x8000004C;
	[dreg:$0x1] =	wrdreg $0xFFFFFFFF  }
0xa7: {  	s28 =	simm.s32 $_size_execute0_lowered;
	s2 =	sadd.s32 s2, s4;
	[dreg:$0x0] =	wrdreg $0x0  }
0xa8: {  	s4 =	sshll.u32 s28, $0x1;
	[dreg:$0x2] =	wrdreg s2  }
0xa9: {  	[dreg:$0x3] =	wrdreg s4  }
0xaa: {  	[dreg:$0x4] =	wrdreg $0xC0  }
0xab: {  	_ =	task [dreg:s6], $0x5FFFF  }
0xac: {  	[dreg:$0x1] =	wrdreg $0xFFFFFFFF  }
0xad: {  	[dreg:$0x0] =	wrdreg $0x60  }
0xae: {  	[dreg:$0x2] =	wrdreg s24  }
0xaf: {  	[dreg:$0x3] =	wrdreg $0x0  }
0xb0: {  	[dreg:$0x4] =	wrdreg $0x19000  }
0xb1: {  	[dreg:$0x5] =	wrdreg $0x9  }
0xb2: {  	_ =	task.clear_ibuf [dreg:s6], $0x6FFFF;
	_ =	strace $0x9000004C  }
0xb3: {  	s29 =	simm.s32 $0x9;
	_ =	strace $0x8000004E  }
0xb4: {  	_ =	swait.ge [sflag:s29], $0x1  }
0xb5: {  	[sflag:s29] =	ssyncadd.s32 $0xFFFFFFFF  }
0xb6: {  	_ =	strace $0x9000004E  }
0xb7: {  	_ =	sfence  }
0xb8: {  	s30 =	sld [smem:$0x0];
	_ =	sdelay $0x2  }
0xb9: {  	s31 =	sshll.u32 s1, $0xD;
	s1 =	sshrl.u32 s1, $0x2  }
0xba: {  	s3 =	sand.u32 $0x4000, s31;
	s1 =	sadd.s32 s1, s30  }
0xbb: {  	s0 =	sor.u32 s3, s0;
	s1 =	sshll.u32 s1, $0x11  }
0xbc: {  	s0 =	sor.u32 s1, s0  }
0xbd: {  	s0 =	sadd.s32 $0x8F2B, s0  }
0xbe: {  	[sflag:s0] =	ssyncadd.remote.s32 $0x1  }
0xbf: {  	_ =	sfence.sel $0xFFFF  }
0xc0: {  	[dreg:$0x0] =	wrdreg $0xFFFFFFFF;
	(pc) =	sbr.abs _section_cstart, $3  }
0xc1: {  	[dreg:$0x1] =	wrdreg $0xFFFFFFFF  }
0xc2: {  	_ =	task.clear_ibuf [dreg:s6], $0x2FFFF;
	_ =	strace $0x9FFFFFFF  }
0xc3: {  	(tm) =	ssettm $0x7FFFFFFF  }
tec
execute0_lowered:
.L_overlay_start_1:
0x0: {  	(tag) =	ssettag $0x1  }
0x1: {  	s0 =	rddreg [dreg:$0x0]  }
0x2: {  	s2 =	rddreg [dreg:$0x1]  }
0x3: {  	s3 =	rddreg [dreg:$0x2]  }
0x4: {  	s12 =	stileid.u32;
	s1 =	srdreg.scid  }
0x5: {  	s5 =	simm.s32 $0x0;
	s15 =	simm.s32 $0x57;
	s4 =	smul.u32 $0x1900, s12  }
0x6: {  	s1 =	sand.u32 $0x1, s1;
	[smem:$0x7FF] =	sst s5;
	s6 =	sadd.s32 $0x2200, s0  }
0x7: {  	s8 =	sadd.s32 $0xC5800, s0;
	s24 =	sshll.u32 s12, $0x6;
	s20 =	smul.u32 $0x19000, s1  }
0x8: {  	_ =	strace $0x8000004D;
	s7 =	ssub.s32 $0x2, s1;
	s18 =	sor.u32 $0x1C14, s24  }
0x9: {  	s25 =	sshll.u32 s1, $0x4;
	s1 =	smul.u32 $0x310000, s1;
	s24 =	simm.s32 $0x10  }
0xa: {  	s9 =	sshrl.u32 s4, $0x3;
	s10 =	sshrl.u32 s7, $0x1;
	s22 =	sadd.s32 s4, s2  }
0xb: {  	s11 =	sor.u32 s12, s25;
	s12 =	smul.u32 $0x31000, s12;
	[dreg:$0x5] =	wrdreg s18  }
0xc: {  	s25 =	simm.s32 $0x11;
	s5 =	sadd.s32 s4, s20;
	s9 =	sadd.s32 s9, s0  }
0xd: {  	s21 =	ssub.s32 s7, s10;
	s4 =	sadd.s32 s4, s3;
	p0 =	seq.s32 s11, $0x1F  }
0xe: {  	s11 =	smul.u32 $0x6200, s11;
	s31 =	sshrl.u32 s22, $0x3;
	s20 =	simm.s32 $0x80  }
0xf: {  	s22 =	simm.s32 $0xE;
	s23 =	sadd.s32 $0x18C000, s9;
	[dreg:$0xd] =	wrdreg s31  }
0x10: {  	s5 =	sshrl.u32 s5, $0x3;
	s9 =	sadd.s32 $0x188E00, s9;
	[dreg:$0x4] =	wrdreg s23  }
0x11: {  	s15 =	simm.s32 @!p0 $0x62;
	s29 =	smax.u32 s21, $0x1;
	[dreg:$0x6] =	wrdreg s9  }
0x12: {  	s1 =	sadd.s32 s12, s1;
	s19 =	sshrl.u32 s4, $0x3;
	[dreg:$0xa] =	wrdreg s29  }
0x13: {  	s0 =	sadd.s32 s5, s0;
	s26 =	sadd.s32 s6, s11;
	[dreg:$0xe] =	wrdreg s19  }
0x14: {  	s28 =	sadd.s32 s8, s11;
	s1 =	sor.u32 $0x800, s1;
	[dreg:$0x7] =	wrdreg s26  }
0x15: {  	[dreg:$0x8] =	wrdreg s28;
	s0 =	sadd.s32 $0x18F200, s0;
	s30 =	sshrl.u32 s1, $0x3  }
0x16: {  	s5 =	simm.s32 $0x14;
	[dreg:$0x9] =	wrdreg s0;
	s1 =	sadd.s32 s30, s8  }
0x17: {  	s23 =	simm.s32 $0xF;
	s0 =	sadd.s32 s30, s6;
	[dreg:$0xb] =	wrdreg s1  }
0x18: {  	s26 =	simm.s32 $0x13;
	[dreg:$0xc] =	wrdreg s0;
	s1 =	simm.s32 $0x0  }
.LBB2_1:
0x19: {  	[dreg:$0xf] =	wrdreg s1  }
0x1a: {  	s0 =	rddreg [dreg:$0x4]  }
0x1b: {  	s13 =	rddreg [dreg:$0xd]  }
0x1c: {  	[spmem:s13], [sflag:s18] =	dma.local [hbm:s0], $0x320  }
0x1d: {  	_ =	swait.ge [sflag:s5], $0x320  }
0x1e: {  	[sflag:s5] =	ssyncset.done $0x0  }
0x1f: {  	s14 =	rddreg [dreg:$0x6];
	[sflag:s5] =	ssyncadd.s32 $0xFFFFFCE0  }
0x20: {  	[spmem:s19], [sflag:s18] =	dma.local [hbm:s14], $0x320  }
0x21: {  	_ =	swait.ge [sflag:s5], $0x320  }
0x22: {  	[sflag:s5] =	ssyncset.done $0x0  }
0x23: {  	s16 =	simm.s32 $0x0;
	s21 =	simm.s32 $0x4200;
	[sflag:s5] =	ssyncadd.s32 $0xFFFFFCE0  }
0x24: {  	p0 =	sle.u32 s15, $0x1;
	s28 =	sand.u32 $0x1, s16;
	[bflag:$0x0] =	sbarrier.arrive $0xFFFF  }
0x25: {  	s29 =	sxor.u32 @!p0 $0x1, s28;
	s18 =	simm.s32 $0x3200;
	s17 =	rddreg [dreg:$0x7]  }
0x26: {  	[tilespmem:s18], [sflag:$0x1] =	stream.linear.gather [hbm4b:s17+s16], $0x800, $0x38;
	[tilespmem:$0x5A00] =	vst v63  }
0x27: {  	s4 =	simm.s32 @!p0 $0x0;
	s30 =	sshll.u32 @!p0 s29, $0xB;
	s19 =	rddreg [dreg:$0x8]  }
0x28: {  	[tilespmem:s21], [sflag:$0x1] =	stream.linear.gather [hbm4b:s19+s16], $0x800, $0x38;
	[tilespmem:$0x5A00] =	vst v63  }
0x29: {  	s29 =	sadd.s32 @!p0 $0x1, s29;
	s31 =	sor.u32 @!p0 $0x3200, s30;
	s1 =	rddreg [dreg:$0xc]  }
0x2a: {  	[tilespmem:s31], [sflag:s29] =	stream.linear.gather @!p0 [hbm4b:s1+s4], $0x800, $0x38;
	[tilespmem:$0x5A00] =	vst v63  }
0x2b: {  	s30 =	sor.u32 @!p0 $0x4200, s30;
	s0 =	rddreg [dreg:$0xb]  }
0x2c: {  	[tilespmem:s30], [sflag:s29] =	stream.linear.gather @!p0 [hbm4b:s0+s4], $0x800, $0x38;
	[tilespmem:$0x5A00] =	vst v63  }
0x2d: {  	s29 =	sadd.s32 $0x1, s28  }
0x2e: {  	_ =	swait.ge [sflag:s29], $0x800  }
0x2f: {  	[sflag:s29] =	ssyncset.done $0x0  }
0x30: {  	[sflag:s29] =	ssyncadd.s32 $0xFFFFF800  }
0x31: {  	_ =	swait.ge [sflag:s29], $0x800  }
0x32: {  	s28 =	sshll.u32 s28, $0xB;
	[sflag:s29] =	ssyncset.done $0x0  }
0x33: {  	s31 =	simm.s32 $0x5200;
	[sflag:s29] =	ssyncadd.s32 $0xFFFFF800;
	s29 =	sor.u32 $0x3200, s28  }
0x34: {  	[tilespmem:s31], [sflag:$0x3] =	stream.indirect.gather [spmem:s2], $0x1, s29, s20, $0xb8;
	[tilespmem:$0x5A00] =	vst v63  }
0x35: {  	s18 =	simm.s32 $0x5280;
	s29 =	sor.u32 $0x3280, s28  }
0x36: {  	[tilespmem:s18], [sflag:$0x4] =	stream.indirect.gather [spmem:s2], $0x1, s29, s20, $0xb8;
	[tilespmem:$0x5A00] =	vst v63  }
0x37: {  	s19 =	simm.s32 $0x5300;
	s29 =	sor.u32 $0x3300, s28  }
0x38: {  	[tilespmem:s19], [sflag:$0x5] =	stream.indirect.gather [spmem:s2], $0x1, s29, s20, $0xb8;
	[tilespmem:$0x5A00] =	vst v63  }
0x39: {  	s30 =	simm.s32 $0x5380;
	s29 =	sor.u32 $0x3380, s28  }
0x3a: {  	[tilespmem:s30], [sflag:$0x6] =	stream.indirect.gather [spmem:s2], $0x1, s29, s20, $0xb8;
	[tilespmem:$0x5A00] =	vst v63  }
0x3b: {  	s8 =	simm.s32 $0x5400;
	s29 =	sor.u32 $0x3400, s28  }
0x3c: {  	[tilespmem:s8], [sflag:$0x7] =	stream.indirect.gather [spmem:s2], $0x1, s29, s20, $0xb8;
	[tilespmem:$0x5A00] =	vst v63  }
0x3d: {  	s9 =	simm.s32 $0x5480;
	s29 =	sor.u32 $0x3480, s28  }
0x3e: {  	[tilespmem:s9], [sflag:$0x8] =	stream.indirect.gather [spmem:s2], $0x1, s29, s20, $0xb8;
	[tilespmem:$0x5A00] =	vst v63  }
0x3f: {  	s6 =	simm.s32 $0x5500;
	s29 =	sor.u32 $0x3500, s28  }
0x40: {  	[tilespmem:s6], [sflag:$0x9] =	stream.indirect.gather [spmem:s2], $0x1, s29, s20, $0xb8;
	[tilespmem:$0x5A00] =	vst v63  }
0x41: {  	s10 =	simm.s32 $0x5580;
	s29 =	sor.u32 $0x3580, s28  }
0x42: {  	[tilespmem:s10], [sflag:$0xA] =	stream.indirect.gather [spmem:s2], $0x1, s29, s20, $0xb8;
	[tilespmem:$0x5A00] =	vst v63  }
0x43: {  	s11 =	simm.s32 $0x5600;
	s29 =	sor.u32 $0x3600, s28  }
0x44: {  	[tilespmem:s11], [sflag:$0xB] =	stream.indirect.gather [spmem:s2], $0x1, s29, s20, $0xb8;
	[tilespmem:$0x5A00] =	vst v63  }
0x45: {  	s4 =	simm.s32 $0x5680;
	s29 =	sor.u32 $0x3680, s28  }
0x46: {  	[tilespmem:s4], [sflag:$0xC] =	stream.indirect.gather [spmem:s2], $0x1, s29, s20, $0xb8;
	[tilespmem:$0x5A00] =	vst v63  }
0x47: {  	s12 =	simm.s32 $0x5700;
	s29 =	sor.u32 $0x3700, s28  }
0x48: {  	[tilespmem:s12], [sflag:$0xD] =	stream.indirect.gather [spmem:s2], $0x1, s29, s20, $0xb8;
	[tilespmem:$0x5A00] =	vst v63  }
0x49: {  	s7 =	simm.s32 $0x5780;
	s29 =	sor.u32 $0x3780, s28  }
0x4a: {  	[tilespmem:s7], [sflag:$0xE] =	stream.indirect.gather [spmem:s2], $0x1, s29, s20, $0xb8;
	[tilespmem:$0x5A00] =	vst v63  }
0x4b: {  	s13 =	simm.s32 $0x5800;
	s29 =	sadd.s32 $0x3800, s28  }
0x4c: {  	[tilespmem:s13], [sflag:$0xF] =	stream.indirect.gather [spmem:s2], $0x1, s29, s20, $0xb8;
	[tilespmem:$0x5A00] =	vst v63  }
0x4d: {  	s14 =	simm.s32 $0x5880;
	s29 =	sadd.s32 $0x3880, s28  }
0x4e: {  	[tilespmem:s14], [sflag:$0x10] =	stream.indirect.gather [spmem:s2], $0x1, s29, s20, $0xb8;
	[tilespmem:$0x5A00] =	vst v63  }
0x4f: {  	s16 =	simm.s32 $0x5900;
	s29 =	sadd.s32 $0x3900, s28  }
0x50: {  	[tilespmem:s16], [sflag:$0x11] =	stream.indirect.gather [spmem:s2], $0x1, s29, s20, $0xb8;
	[tilespmem:$0x5A00] =	vst v63  }
0x51: {  	s17 =	simm.s32 $0x5980;
	s21 =	simm.s32 $0x3;
	s29 =	sadd.s32 $0x3980, s28  }
0x52: {  	[tilespmem:s17], [sflag:$0x12] =	stream.indirect.gather [spmem:s2], $0x1, s29, s20, $0xb8;
	[tilespmem:$0x5A00] =	vst v63  }
0x53: {  	_ =	swait.ge [sflag:s21], $0x80  }
0x54: {  	[sflag:s21] =	ssyncset.done $0x0  }
0x55: {  	s29 =	sor.u32 $0x4200, s28;
	[sflag:s21] =	ssyncadd.s32 $0xFFFFFF80  }
0x56: {  	[spmem:s3] =	stream.indirect.scatter.add.f32 [tilespmem:s31], [sflag:$0x13], $0x1, s29, s20, $0xb8;
	[tilespmem:$0x5A00] =	vst v63  }
0x57: {  	s31 =	simm.s32 $0x4  }
0x58: {  	_ =	swait.ge [sflag:s31], $0x80  }
0x59: {  	[sflag:s31] =	ssyncset.done $0x0  }
0x5a: {  	s29 =	sor.u32 $0x4280, s28;
	[sflag:s31] =	ssyncadd.s32 $0xFFFFFF80  }
0x5b: {  	[spmem:s3] =	stream.indirect.scatter.add.f32 [tilespmem:s18], [sflag:$0x13], $0x1, s29, s20, $0xb8;
	[tilespmem:$0x5A00] =	vst v63  }
0x5c: {  	s18 =	simm.s32 $0x5  }
0x5d: {  	_ =	swait.ge [sflag:s18], $0x80  }
0x5e: {  	[sflag:s18] =	ssyncset.done $0x0  }
0x5f: {  	s21 =	simm.s32 $0x6;
	s29 =	sor.u32 $0x4300, s28;
	[sflag:s18] =	ssyncadd.s32 $0xFFFFFF80  }
0x60: {  	[spmem:s3] =	stream.indirect.scatter.add.f32 [tilespmem:s19], [sflag:$0x13], $0x1, s29, s20, $0xb8;
	[tilespmem:$0x5A00] =	vst v63  }
0x61: {  	_ =	swait.ge [sflag:s21], $0x80  }
0x62: {  	[sflag:s21] =	ssyncset.done $0x0  }
0x63: {  	s31 =	simm.s32 $0x7;
	s29 =	sor.u32 $0x4380, s28;
	[sflag:s21] =	ssyncadd.s32 $0xFFFFFF80  }
0x64: {  	[spmem:s3] =	stream.indirect.scatter.add.f32 [tilespmem:s30], [sflag:$0x13], $0x1, s29, s20, $0xb8;
	[tilespmem:$0x5A00] =	vst v63  }
0x65: {  	_ =	swait.ge [sflag:s31], $0x80  }
0x66: {  	[sflag:s31] =	ssyncset.done $0x0  }
0x67: {  	s29 =	sor.u32 $0x4400, s28;
	[sflag:s31] =	ssyncadd.s32 $0xFFFFFF80  }
0x68: {  	[spmem:s3] =	stream.indirect.scatter.add.f32 [tilespmem:s8], [sflag:$0x13], $0x1, s29, s20, $0xb8;
	[tilespmem:$0x5A00] =	vst v63  }
0x69: {  	s8 =	simm.s32 $0x8  }
0x6a: {  	_ =	swait.ge [sflag:s8], $0x80  }
0x6b: {  	[sflag:s8] =	ssyncset.done $0x0  }
0x6c: {  	s29 =	sor.u32 $0x4480, s28;
	[sflag:s8] =	ssyncadd.s32 $0xFFFFFF80  }
0x6d: {  	[spmem:s3] =	stream.indirect.scatter.add.f32 [tilespmem:s9], [sflag:$0x13], $0x1, s29, s20, $0xb8;
	[tilespmem:$0x5A00] =	vst v63  }
0x6e: {  	s9 =	simm.s32 $0x9  }
0x6f: {  	_ =	swait.ge [sflag:s9], $0x80  }
0x70: {  	[sflag:s9] =	ssyncset.done $0x0  }
0x71: {  	s18 =	simm.s32 $0xA;
	s29 =	sor.u32 $0x4500, s28;
	[sflag:s9] =	ssyncadd.s32 $0xFFFFFF80  }
0x72: {  	[spmem:s3] =	stream.indirect.scatter.add.f32 [tilespmem:s6], [sflag:$0x13], $0x1, s29, s20, $0xb8;
	[tilespmem:$0x5A00] =	vst v63  }
0x73: {  	_ =	swait.ge [sflag:s18], $0x80  }
0x74: {  	[sflag:s18] =	ssyncset.done $0x0  }
0x75: {  	s19 =	simm.s32 $0xB;
	s29 =	sor.u32 $0x4580, s28;
	[sflag:s18] =	ssyncadd.s32 $0xFFFFFF80  }
0x76: {  	[spmem:s3] =	stream.indirect.scatter.add.f32 [tilespmem:s10], [sflag:$0x13], $0x1, s29, s20, $0xb8;
	[tilespmem:$0x5A00] =	vst v63  }
0x77: {  	_ =	swait.ge [sflag:s19], $0x80  }
0x78: {  	[sflag:s19] =	ssyncset.done $0x0  }
0x79: {  	s21 =	simm.s32 $0xC;
	s29 =	sor.u32 $0x4600, s28;
	[sflag:s19] =	ssyncadd.s32 $0xFFFFFF80  }
0x7a: {  	[spmem:s3] =	stream.indirect.scatter.add.f32 [tilespmem:s11], [sflag:$0x13], $0x1, s29, s20, $0xb8;
	[tilespmem:$0x5A00] =	vst v63  }
0x7b: {  	_ =	swait.ge [sflag:s21], $0x80  }
0x7c: {  	[sflag:s21] =	ssyncset.done $0x0  }
0x7d: {  	s31 =	simm.s32 $0xD;
	s29 =	sor.u32 $0x4680, s28;
	[sflag:s21] =	ssyncadd.s32 $0xFFFFFF80  }
0x7e: {  	[spmem:s3] =	stream.indirect.scatter.add.f32 [tilespmem:s4], [sflag:$0x13], $0x1, s29, s20, $0xb8;
	[tilespmem:$0x5A00] =	vst v63  }
0x7f: {  	_ =	swait.ge [sflag:s31], $0x80  }
0x80: {  	[sflag:s31] =	ssyncset.done $0x0  }
0x81: {  	s29 =	sor.u32 $0x4700, s28;
	[sflag:s31] =	ssyncadd.s32 $0xFFFFFF80  }
0x82: {  	[spmem:s3] =	stream.indirect.scatter.add.f32 [tilespmem:s12], [sflag:$0x13], $0x1, s29, s20, $0xb8;
	[tilespmem:$0x5A00] =	vst v63  }
0x83: {  	_ =	swait.ge [sflag:s22], $0x80  }
0x84: {  	[sflag:s22] =	ssyncset.done $0x0  }
0x85: {  	s29 =	sor.u32 $0x4780, s28;
	[sflag:s22] =	ssyncadd.s32 $0xFFFFFF80  }
0x86: {  	[spmem:s3] =	stream.indirect.scatter.add.f32 [tilespmem:s7], [sflag:$0x13], $0x1, s29, s20, $0xb8;
	[tilespmem:$0x5A00] =	vst v63  }
0x87: {  	_ =	swait.ge [sflag:s23], $0x80  }
0x88: {  	[sflag:s23] =	ssyncset.done $0x0  }
0x89: {  	s29 =	sadd.s32 $0x4800, s28;
	[sflag:s23] =	ssyncadd.s32 $0xFFFFFF80  }
0x8a: {  	[spmem:s3] =	stream.indirect.scatter.add.f32 [tilespmem:s13], [sflag:$0x13], $0x1, s29, s20, $0xb8;
	[tilespmem:$0x5A00] =	vst v63  }
0x8b: {  	_ =	swait.ge [sflag:s24], $0x80  }
0x8c: {  	[sflag:s24] =	ssyncset.done $0x0  }
0x8d: {  	s29 =	sadd.s32 $0x4880, s28;
	[sflag:s24] =	ssyncadd.s32 $0xFFFFFF80  }
0x8e: {  	[spmem:s3] =	stream.indirect.scatter.add.f32 [tilespmem:s14], [sflag:$0x13], $0x1, s29, s20, $0xb8;
	[tilespmem:$0x5A00] =	vst v63  }
0x8f: {  	_ =	swait.ge [sflag:s25], $0x80  }
0x90: {  	[sflag:s25] =	ssyncset.done $0x0  }
0x91: {  	s10 =	simm.s32 $0x12;
	s29 =	sadd.s32 $0x4900, s28;
	[sflag:s25] =	ssyncadd.s32 $0xFFFFFF80  }
0x92: {  	[spmem:s3] =	stream.indirect.scatter.add.f32 [tilespmem:s16], [sflag:$0x13], $0x1, s29, s20, $0xb8;
	[tilespmem:$0x5A00] =	vst v63  }
0x93: {  	_ =	swait.ge [sflag:s10], $0x80  }
0x94: {  	[sflag:s10] =	ssyncset.done $0x0  }
0x95: {  	s28 =	sadd.s32 $0x4980, s28;
	[sflag:s10] =	ssyncadd.s32 $0xFFFFFF80  }
0x96: {  	[spmem:s3] =	stream.indirect.scatter.add.f32 [tilespmem:s17], [sflag:$0x13], $0x1, s28, s20, $0xb8;
	[tilespmem:$0x5A00] =	vst v63  }
0x97: {  	_ =	swait.ge [sflag:s26], $0x80  }
0x98: {  	[sflag:s26] =	ssyncset.done $0x0  }
0x99: {  	[sflag:s26] =	ssyncadd.s32 $0xFFFFFF80  }
0x9a: {  	_ =	swait.ge [sflag:s26], $0x80  }
0x9b: {  	[sflag:s26] =	ssyncset.done $0x0  }
0x9c: {  	[sflag:s26] =	ssyncadd.s32 $0xFFFFFF80  }
0x9d: {  	_ =	swait.ge [sflag:s26], $0x80  }
0x9e: {  	[sflag:s26] =	ssyncset.done $0x0  }
0x9f: {  	[sflag:s26] =	ssyncadd.s32 $0xFFFFFF80  }
0xa0: {  	_ =	swait.ge [sflag:s26], $0x80  }
0xa1: {  	[sflag:s26] =	ssyncset.done $0x0  }
0xa2: {  	[sflag:s26] =	ssyncadd.s32 $0xFFFFFF80  }
0xa3: {  	_ =	swait.ge [sflag:s26], $0x80  }
0xa4: {  	[sflag:s26] =	ssyncset.done $0x0  }
0xa5: {  	[sflag:s26] =	ssyncadd.s32 $0xFFFFFF80  }
0xa6: {  	_ =	swait.ge [sflag:s26], $0x80  }
0xa7: {  	[sflag:s26] =	ssyncset.done $0x0  }
0xa8: {  	[sflag:s26] =	ssyncadd.s32 $0xFFFFFF80  }
0xa9: {  	_ =	swait.ge [sflag:s26], $0x80  }
0xaa: {  	[sflag:s26] =	ssyncset.done $0x0  }
0xab: {  	[sflag:s26] =	ssyncadd.s32 $0xFFFFFF80  }
0xac: {  	_ =	swait.ge [sflag:s26], $0x80  }
0xad: {  	[sflag:s26] =	ssyncset.done $0x0  }
0xae: {  	[sflag:s26] =	ssyncadd.s32 $0xFFFFFF80  }
0xaf: {  	_ =	swait.ge [sflag:s26], $0x80  }
0xb0: {  	[sflag:s26] =	ssyncset.done $0x0  }
0xb1: {  	[sflag:s26] =	ssyncadd.s32 $0xFFFFFF80  }
0xb2: {  	_ =	swait.ge [sflag:s26], $0x80  }
0xb3: {  	[sflag:s26] =	ssyncset.done $0x0  }
0xb4: {  	[sflag:s26] =	ssyncadd.s32 $0xFFFFFF80  }
0xb5: {  	_ =	swait.ge [sflag:s26], $0x80  }
0xb6: {  	[sflag:s26] =	ssyncset.done $0x0  }
0xb7: {  	[sflag:s26] =	ssyncadd.s32 $0xFFFFFF80  }
0xb8: {  	_ =	swait.ge [sflag:s26], $0x80  }
0xb9: {  	[sflag:s26] =	ssyncset.done $0x0  }
0xba: {  	[sflag:s26] =	ssyncadd.s32 $0xFFFFFF80  }
0xbb: {  	_ =	swait.ge [sflag:s26], $0x80  }
0xbc: {  	p0 =	sne.s32 s15, $0x1;
	[sflag:s26] =	ssyncset.done $0x0  }
.Ltmp0:
0xbd: {  	[sflag:s26] =	ssyncadd.s32 $0xFFFFFF80;
	(pc) =	sbr.rel @!p0 .LBB2_3-.Ltmp0, $4  }
0xbe: {  	_ =	swait.ge [sflag:s26], $0x80  }
0xbf: {  	[sflag:s26] =	ssyncset.done $0x0  }
0xc0: {  	s30 =	smov.u32 s0;
	[sflag:s26] =	ssyncadd.s32 $0xFFFFFF80  }
0xc1: {  	s29 =	smov.u32 s1;
	s28 =	simm.s32 $0x1;
	_ =	swait.ge [sflag:s26], $0x80  }
.LBB2_2:
0xc2: {  	[sflag:s26] =	ssyncset.done $0x0  }
0xc3: {  	s29 =	sadd.s32 $0x100, s29;
	s31 =	smov.u32 s28;
	s28 =	sadd.s32 $0x1, s28  }
0xc4: {  	s0 =	sand.u32 $0x1, s31;
	p0 =	sge.u32 s28, s15;
	[sflag:s26] =	ssyncadd.s32 $0xFFFFFF80  }
0xc5: {  	s1 =	sxor.u32 @!p0 $0x1, s0;
	s31 =	sshll.u32 s0, $0xB;
	_ =	swait.ge [sflag:s26], $0x80  }
0xc6: {  	s19 =	simm.s32 @!p0 $0x0;
	s18 =	sshll.u32 @!p0 s1, $0xB;
	[sflag:s26] =	ssyncset.done $0x0  }
0xc7: {  	s1 =	sadd.s32 @!p0 $0x1, s1;
	s5 =	sor.u32 @!p0 $0x3200, s18;
	[sflag:s26] =	ssyncadd.s32 $0xFFFFFF80  }
0xc8: {  	[tilespmem:s5], [sflag:s1] =	stream.linear.gather @!p0 [hbm4b:s29+s19], $0x800, $0x38;
	[tilespmem:$0x5A00] =	vst v63  }
0xc9: {  	s30 =	sadd.s32 $0x100, s30;
	s0 =	sadd.s32 $0x1, s0;
	s5 =	sor.u32 @!p0 $0x4200, s18  }
0xca: {  	[tilespmem:s5], [sflag:s1] =	stream.linear.gather @!p0 [hbm4b:s30+s19], $0x800, $0x38;
	[tilespmem:$0x5A00] =	vst v63  }
0xcb: {  	p0 =	sne.s32 s15, s28;
	_ =	swait.ge [sflag:s0], $0x800  }
0xcc: {  	[sflag:s0] =	ssyncset.done $0x0  }
0xcd: {  	[sflag:s0] =	ssyncadd.s32 $0xFFFFF800  }
0xce: {  	_ =	swait.ge [sflag:s0], $0x800  }
0xcf: {  	[sflag:s0] =	ssyncset.done $0x0  }
0xd0: {  	s1 =	simm.s32 $0x5200;
	[sflag:s0] =	ssyncadd.s32 $0xFFFFF800;
	s0 =	sor.u32 $0x3200, s31  }
0xd1: {  	[tilespmem:s1], [sflag:$0x3] =	stream.indirect.gather [spmem:s2], $0x1, s0, s20, $0xb8;
	[tilespmem:$0x5A00] =	vst v63  }
0xd2: {  	s5 =	simm.s32 $0x5280;
	s0 =	sor.u32 $0x3280, s31  }
0xd3: {  	[tilespmem:s5], [sflag:$0x4] =	stream.indirect.gather [spmem:s2], $0x1, s0, s20, $0xb8;
	[tilespmem:$0x5A00] =	vst v63  }
0xd4: {  	s18 =	simm.s32 $0x5300;
	s0 =	sor.u32 $0x3300, s31  }
0xd5: {  	[tilespmem:s18], [sflag:$0x5] =	stream.indirect.gather [spmem:s2], $0x1, s0, s20, $0xb8;
	[tilespmem:$0x5A00] =	vst v63  }
0xd6: {  	s19 =	simm.s32 $0x5380;
	s0 =	sor.u32 $0x3380, s31  }
0xd7: {  	[tilespmem:s19], [sflag:$0x6] =	stream.indirect.gather [spmem:s2], $0x1, s0, s20, $0xb8;
	[tilespmem:$0x5A00] =	vst v63  }
0xd8: {  	s8 =	simm.s32 $0x5400;
	s0 =	sor.u32 $0x3400, s31  }
0xd9: {  	[tilespmem:s8], [sflag:$0x7] =	stream.indirect.gather [spmem:s2], $0x1, s0, s20, $0xb8;
	[tilespmem:$0x5A00] =	vst v63  }
0xda: {  	s9 =	simm.s32 $0x5480;
	s0 =	sor.u32 $0x3480, s31  }
0xdb: {  	[tilespmem:s9], [sflag:$0x8] =	stream.indirect.gather [spmem:s2], $0x1, s0, s20, $0xb8;
	[tilespmem:$0x5A00] =	vst v63  }
0xdc: {  	s11 =	simm.s32 $0x5500;
	s0 =	sor.u32 $0x3500, s31  }
0xdd: {  	[tilespmem:s11], [sflag:$0x9] =	stream.indirect.gather [spmem:s2], $0x1, s0, s20, $0xb8;
	[tilespmem:$0x5A00] =	vst v63  }
0xde: {  	s12 =	simm.s32 $0x5580;
	s0 =	sor.u32 $0x3580, s31  }
0xdf: {  	[tilespmem:s12], [sflag:$0xA] =	stream.indirect.gather [spmem:s2], $0x1, s0, s20, $0xb8;
	[tilespmem:$0x5A00] =	vst v63  }
0xe0: {  	s13 =	simm.s32 $0x5600;
	s0 =	sor.u32 $0x3600, s31  }
0xe1: {  	[tilespmem:s13], [sflag:$0xB] =	stream.indirect.gather [spmem:s2], $0x1, s0, s20, $0xb8;
	[tilespmem:$0x5A00] =	vst v63  }
0xe2: {  	s4 =	simm.s32 $0x5680;
	s0 =	sor.u32 $0x3680, s31  }
0xe3: {  	[tilespmem:s4], [sflag:$0xC] =	stream.indirect.gather [spmem:s2], $0x1, s0, s20, $0xb8;
	[tilespmem:$0x5A00] =	vst v63  }
0xe4: {  	s17 =	simm.s32 $0x5700;
	s0 =	sor.u32 $0x3700, s31  }
0xe5: {  	[tilespmem:s17], [sflag:$0xD] =	stream.indirect.gather [spmem:s2], $0x1, s0, s20, $0xb8;
	[tilespmem:$0x5A00] =	vst v63  }
0xe6: {  	s7 =	simm.s32 $0x5780;
	s0 =	sor.u32 $0x3780, s31  }
0xe7: {  	[tilespmem:s7], [sflag:$0xE] =	stream.indirect.gather [spmem:s2], $0x1, s0, s20, $0xb8;
	[tilespmem:$0x5A00] =	vst v63  }
0xe8: {  	s14 =	simm.s32 $0x5800;
	s0 =	sadd.s32 $0x3800, s31  }
0xe9: {  	[tilespmem:s14], [sflag:$0xF] =	stream.indirect.gather [spmem:s2], $0x1, s0, s20, $0xb8;
	[tilespmem:$0x5A00] =	vst v63  }
0xea: {  	s6 =	simm.s32 $0x5880;
	s0 =	sadd.s32 $0x3880, s31  }
0xeb: {  	[tilespmem:s6], [sflag:$0x10] =	stream.indirect.gather [spmem:s2], $0x1, s0, s20, $0xb8;
	[tilespmem:$0x5A00] =	vst v63  }
0xec: {  	s16 =	simm.s32 $0x5900;
	s0 =	sadd.s32 $0x3900, s31  }
0xed: {  	[tilespmem:s16], [sflag:$0x11] =	stream.indirect.gather [spmem:s2], $0x1, s0, s20, $0xb8;
	[tilespmem:$0x5A00] =	vst v63  }
0xee: {  	s21 =	simm.s32 $0x5980;
	s0 =	sadd.s32 $0x3980, s31  }
0xef: {  	[tilespmem:s21], [sflag:$0x12] =	stream.indirect.gather [spmem:s2], $0x1, s0, s20, $0xb8;
	[tilespmem:$0x5A00] =	vst v63  }
0xf0: {  	s0 =	simm.s32 $0x3  }
0xf1: {  	_ =	swait.ge [sflag:s0], $0x80  }
0xf2: {  	[sflag:s0] =	ssyncset.done $0x0  }
0xf3: {  	[sflag:s0] =	ssyncadd.s32 $0xFFFFFF80;
	s0 =	sor.u32 $0x4200, s31  }
0xf4: {  	[spmem:s3] =	stream.indirect.scatter.add.f32 [tilespmem:s1], [sflag:$0x13], $0x1, s0, s20, $0xb8;
	[tilespmem:$0x5A00] =	vst v63  }
0xf5: {  	s0 =	simm.s32 $0x4  }
0xf6: {  	_ =	swait.ge [sflag:s0], $0x80  }
0xf7: {  	[sflag:s0] =	ssyncset.done $0x0  }
0xf8: {  	[sflag:s0] =	ssyncadd.s32 $0xFFFFFF80;
	s0 =	sor.u32 $0x4280, s31  }
0xf9: {  	[spmem:s3] =	stream.indirect.scatter.add.f32 [tilespmem:s5], [sflag:$0x13], $0x1, s0, s20, $0xb8;
	[tilespmem:$0x5A00] =	vst v63  }
0xfa: {  	s0 =	simm.s32 $0x5  }
0xfb: {  	_ =	swait.ge [sflag:s0], $0x80  }
0xfc: {  	[sflag:s0] =	ssyncset.done $0x0  }
0xfd: {  	[sflag:s0] =	ssyncadd.s32 $0xFFFFFF80;
	s0 =	sor.u32 $0x4300, s31  }
0xfe: {  	[spmem:s3] =	stream.indirect.scatter.add.f32 [tilespmem:s18], [sflag:$0x13], $0x1, s0, s20, $0xb8;
	[tilespmem:$0x5A00] =	vst v63  }
0xff: {  	s0 =	simm.s32 $0x6  }
0x100: {  	_ =	swait.ge [sflag:s0], $0x80  }
0x101: {  	[sflag:s0] =	ssyncset.done $0x0  }
0x102: {  	[sflag:s0] =	ssyncadd.s32 $0xFFFFFF80;
	s0 =	sor.u32 $0x4380, s31  }
0x103: {  	[spmem:s3] =	stream.indirect.scatter.add.f32 [tilespmem:s19], [sflag:$0x13], $0x1, s0, s20, $0xb8;
	[tilespmem:$0x5A00] =	vst v63  }
0x104: {  	s0 =	simm.s32 $0x7  }
0x105: {  	_ =	swait.ge [sflag:s0], $0x80  }
0x106: {  	[sflag:s0] =	ssyncset.done $0x0  }
0x107: {  	[sflag:s0] =	ssyncadd.s32 $0xFFFFFF80;
	s0 =	sor.u32 $0x4400, s31  }
0x108: {  	[spmem:s3] =	stream.indirect.scatter.add.f32 [tilespmem:s8], [sflag:$0x13], $0x1, s0, s20, $0xb8;
	[tilespmem:$0x5A00] =	vst v63  }
0x109: {  	s0 =	simm.s32 $0x8  }
0x10a: {  	_ =	swait.ge [sflag:s0], $0x80  }
0x10b: {  	[sflag:s0] =	ssyncset.done $0x0  }
0x10c: {  	[sflag:s0] =	ssyncadd.s32 $0xFFFFFF80;
	s0 =	sor.u32 $0x4480, s31  }
0x10d: {  	[spmem:s3] =	stream.indirect.scatter.add.f32 [tilespmem:s9], [sflag:$0x13], $0x1, s0, s20, $0xb8;
	[tilespmem:$0x5A00] =	vst v63  }
0x10e: {  	s0 =	simm.s32 $0x9  }
0x10f: {  	_ =	swait.ge [sflag:s0], $0x80  }
0x110: {  	[sflag:s0] =	ssyncset.done $0x0  }
0x111: {  	[sflag:s0] =	ssyncadd.s32 $0xFFFFFF80;
	s0 =	sor.u32 $0x4500, s31  }
0x112: {  	[spmem:s3] =	stream.indirect.scatter.add.f32 [tilespmem:s11], [sflag:$0x13], $0x1, s0, s20, $0xb8;
	[tilespmem:$0x5A00] =	vst v63  }
0x113: {  	s0 =	simm.s32 $0xA  }
0x114: {  	_ =	swait.ge [sflag:s0], $0x80  }
0x115: {  	[sflag:s0] =	ssyncset.done $0x0  }
0x116: {  	[sflag:s0] =	ssyncadd.s32 $0xFFFFFF80;
	s0 =	sor.u32 $0x4580, s31  }
0x117: {  	[spmem:s3] =	stream.indirect.scatter.add.f32 [tilespmem:s12], [sflag:$0x13], $0x1, s0, s20, $0xb8;
	[tilespmem:$0x5A00] =	vst v63  }
0x118: {  	s0 =	simm.s32 $0xB  }
0x119: {  	_ =	swait.ge [sflag:s0], $0x80  }
0x11a: {  	[sflag:s0] =	ssyncset.done $0x0  }
0x11b: {  	[sflag:s0] =	ssyncadd.s32 $0xFFFFFF80;
	s0 =	sor.u32 $0x4600, s31  }
0x11c: {  	[spmem:s3] =	stream.indirect.scatter.add.f32 [tilespmem:s13], [sflag:$0x13], $0x1, s0, s20, $0xb8;
	[tilespmem:$0x5A00] =	vst v63  }
0x11d: {  	s0 =	simm.s32 $0xC  }
0x11e: {  	_ =	swait.ge [sflag:s0], $0x80  }
0x11f: {  	[sflag:s0] =	ssyncset.done $0x0  }
0x120: {  	[sflag:s0] =	ssyncadd.s32 $0xFFFFFF80;
	s0 =	sor.u32 $0x4680, s31  }
0x121: {  	[spmem:s3] =	stream.indirect.scatter.add.f32 [tilespmem:s4], [sflag:$0x13], $0x1, s0, s20, $0xb8;
	[tilespmem:$0x5A00] =	vst v63  }
0x122: {  	s0 =	simm.s32 $0xD  }
0x123: {  	_ =	swait.ge [sflag:s0], $0x80  }
0x124: {  	[sflag:s0] =	ssyncset.done $0x0  }
0x125: {  	[sflag:s0] =	ssyncadd.s32 $0xFFFFFF80;
	s0 =	sor.u32 $0x4700, s31  }
0x126: {  	[spmem:s3] =	stream.indirect.scatter.add.f32 [tilespmem:s17], [sflag:$0x13], $0x1, s0, s20, $0xb8;
	[tilespmem:$0x5A00] =	vst v63  }
0x127: {  	_ =	swait.ge [sflag:s22], $0x80  }
0x128: {  	[sflag:s22] =	ssyncset.done $0x0  }
0x129: {  	s0 =	sor.u32 $0x4780, s31;
	[sflag:s22] =	ssyncadd.s32 $0xFFFFFF80  }
0x12a: {  	[spmem:s3] =	stream.indirect.scatter.add.f32 [tilespmem:s7], [sflag:$0x13], $0x1, s0, s20, $0xb8;
	[tilespmem:$0x5A00] =	vst v63  }
0x12b: {  	_ =	swait.ge [sflag:s23], $0x80  }
0x12c: {  	[sflag:s23] =	ssyncset.done $0x0  }
0x12d: {  	s0 =	sadd.s32 $0x4800, s31;
	[sflag:s23] =	ssyncadd.s32 $0xFFFFFF80  }
0x12e: {  	[spmem:s3] =	stream.indirect.scatter.add.f32 [tilespmem:s14], [sflag:$0x13], $0x1, s0, s20, $0xb8;
	[tilespmem:$0x5A00] =	vst v63  }
0x12f: {  	_ =	swait.ge [sflag:s24], $0x80  }
0x130: {  	[sflag:s24] =	ssyncset.done $0x0  }
0x131: {  	s0 =	sadd.s32 $0x4880, s31;
	[sflag:s24] =	ssyncadd.s32 $0xFFFFFF80  }
0x132: {  	[spmem:s3] =	stream.indirect.scatter.add.f32 [tilespmem:s6], [sflag:$0x13], $0x1, s0, s20, $0xb8;
	[tilespmem:$0x5A00] =	vst v63  }
0x133: {  	_ =	swait.ge [sflag:s25], $0x80  }
0x134: {  	[sflag:s25] =	ssyncset.done $0x0  }
0x135: {  	s0 =	sadd.s32 $0x4900, s31;
	[sflag:s25] =	ssyncadd.s32 $0xFFFFFF80  }
0x136: {  	[spmem:s3] =	stream.indirect.scatter.add.f32 [tilespmem:s16], [sflag:$0x13], $0x1, s0, s20, $0xb8;
	[tilespmem:$0x5A00] =	vst v63  }
0x137: {  	_ =	swait.ge [sflag:s10], $0x80  }
0x138: {  	[sflag:s10] =	ssyncset.done $0x0  }
0x139: {  	s0 =	sadd.s32 $0x4980, s31;
	[sflag:s10] =	ssyncadd.s32 $0xFFFFFF80  }
0x13a: {  	[spmem:s3] =	stream.indirect.scatter.add.f32 [tilespmem:s21], [sflag:$0x13], $0x1, s0, s20, $0xb8;
	[tilespmem:$0x5A00] =	vst v63  }
0x13b: {  	_ =	swait.ge [sflag:s26], $0x80  }
0x13c: {  	[sflag:s26] =	ssyncset.done $0x0  }
0x13d: {  	[sflag:s26] =	ssyncadd.s32 $0xFFFFFF80  }
0x13e: {  	_ =	swait.ge [sflag:s26], $0x80  }
0x13f: {  	[sflag:s26] =	ssyncset.done $0x0  }
0x140: {  	[sflag:s26] =	ssyncadd.s32 $0xFFFFFF80  }
0x141: {  	_ =	swait.ge [sflag:s26], $0x80  }
0x142: {  	[sflag:s26] =	ssyncset.done $0x0  }
0x143: {  	[sflag:s26] =	ssyncadd.s32 $0xFFFFFF80  }
0x144: {  	_ =	swait.ge [sflag:s26], $0x80  }
0x145: {  	[sflag:s26] =	ssyncset.done $0x0  }
0x146: {  	[sflag:s26] =	ssyncadd.s32 $0xFFFFFF80  }
0x147: {  	_ =	swait.ge [sflag:s26], $0x80  }
0x148: {  	[sflag:s26] =	ssyncset.done $0x0  }
0x149: {  	[sflag:s26] =	ssyncadd.s32 $0xFFFFFF80  }
0x14a: {  	_ =	swait.ge [sflag:s26], $0x80  }
0x14b: {  	[sflag:s26] =	ssyncset.done $0x0  }
0x14c: {  	[sflag:s26] =	ssyncadd.s32 $0xFFFFFF80  }
0x14d: {  	_ =	swait.ge [sflag:s26], $0x80  }
0x14e: {  	[sflag:s26] =	ssyncset.done $0x0  }
0x14f: {  	[sflag:s26] =	ssyncadd.s32 $0xFFFFFF80  }
0x150: {  	_ =	swait.ge [sflag:s26], $0x80  }
0x151: {  	[sflag:s26] =	ssyncset.done $0x0  }
0x152: {  	[sflag:s26] =	ssyncadd.s32 $0xFFFFFF80  }
0x153: {  	_ =	swait.ge [sflag:s26], $0x80  }
0x154: {  	[sflag:s26] =	ssyncset.done $0x0  }
0x155: {  	[sflag:s26] =	ssyncadd.s32 $0xFFFFFF80  }
0x156: {  	_ =	swait.ge [sflag:s26], $0x80  }
0x157: {  	[sflag:s26] =	ssyncset.done $0x0  }
0x158: {  	[sflag:s26] =	ssyncadd.s32 $0xFFFFFF80  }
0x159: {  	_ =	swait.ge [sflag:s26], $0x80  }
0x15a: {  	[sflag:s26] =	ssyncset.done $0x0  }
0x15b: {  	[sflag:s26] =	ssyncadd.s32 $0xFFFFFF80  }
0x15c: {  	_ =	swait.ge [sflag:s26], $0x80  }
0x15d: {  	[sflag:s26] =	ssyncset.done $0x0  }
0x15e: {  	[sflag:s26] =	ssyncadd.s32 $0xFFFFFF80  }
0x15f: {  	_ =	swait.ge [sflag:s26], $0x80  }
0x160: {  	[sflag:s26] =	ssyncset.done $0x0  }
.Ltmp1:
0x161: {  	[sflag:s26] =	ssyncadd.s32 $0xFFFFFF80;
	(pc) =	sbr.rel @p0 .LBB2_2-.Ltmp1, $4  }
0x162: {  	_ =	swait.ge [sflag:s26], $0x80  }
0x163: {  	[sflag:s26] =	ssyncset.done $0x0  }
0x164: {  	[sflag:s26] =	ssyncadd.s32 $0xFFFFFF80  }
0x165: {  	_ =	swait.ge [sflag:s26], $0x80  }
.LBB2_3:
0x166: {  	[sflag:s26] =	ssyncset.done $0x0  }
0x167: {  	[sflag:s26] =	ssyncadd.s32 $0xFFFFFF80  }
0x168: {  	_ =	swait.ge [sflag:s26], $0x80  }
0x169: {  	[sflag:s26] =	ssyncset.done $0x0  }
0x16a: {  	[sflag:s26] =	ssyncadd.s32 $0xFFFFFF80  }
0x16b: {  	[bflag:$0x0] =	sbarrier.arrive $0xFFFF  }
0x16c: {  	s18 =	rddreg [dreg:$0x5]  }
0x16d: {  	s0 =	rddreg [dreg:$0x9]  }
0x16e: {  	s5 =	simm.s32 $0x14;
	s19 =	rddreg [dreg:$0xe]  }
0x16f: {  	[hbm:s0], [sflag:s18] =	dma.local [spmem:s19], $0x320  }
0x170: {  	_ =	swait.ge [sflag:s5], $0x320  }
0x171: {  	s1 =	rddreg [dreg:$0xf]  }
0x172: {  	s31 =	rddreg [dreg:$0xa];
	s1 =	sadd.s32 $0x1, s1  }
0x173: {  	p0 =	sne.s32 s1, s31  }
.Ltmp2:
0x174: {  	_ = 	snop;
	(pc) =	sbr.rel @p0 .LBB2_1-.Ltmp2, $3  }
0x175: {  	_ =	sdelay $0x1  }
0x176: {  	[sflag:s5] =	ssyncset.done $0x0  }
0x177: {  	[sflag:s5] =	ssyncadd.s32 $0xFFFFFCE0  }
0x178: {  	_ =	sfence.sel $0x180000  }
0x179: {  	[bflag:$0x0] =	sbarrier.arrive $0xFFFF  }
0x17a: {  	_ =	strace $0x9000004D  }
0x17b: {  	s0 =	stileid.u32;
	[bflag:$0x2] =	sbarrier.arrive $0xFFFF  }
0x17c: {  	p0 =	sne.s32 s0, $0x0;
	s0 =	rddreg [dreg:$0x3]  }
0x17d: {  	s0 =	sadd.s32 @!p0 $0x100000, s0  }
0x17e: {  	[sflag:s0] =	ssyncadd.tile.s32 @!p0 $0x1;
	_ =	shalt  }
.Lfunc_end2:
_tile_overlayer_lowered:
.L_overlay_start_2:
0x17f: {  	(tag) =	ssettag $0x2  }
0x180: {  	s0 =	rddreg [dreg:$0x0];
	s2 =	stileid.u32  }
0x181: {  	s1 =	rddreg [dreg:$0x1];
	p0 =	sne.s32 s2, $0x0  }
0x182: {  	s3 =	rddreg [dreg:$0x2];
	[bflag:$0x3] =	sbarrier.arrive $0xFFFF;
	s2 =	simm.s32 @!p0 $0x1C14  }
0x183: {  	[timem:s3], [sflag:s2] =	dma.local @!p0 [hbm:s0], s1  }
0x184: {  	s0 =	simm.s32 @!p0 $0x14  }
0x185: {  	_ =	swait.ge @!p0 [sflag:s0], s1  }
0x186: {  	s1 =	ssub.s32 @!p0 $0x0, s1;
	[sflag:s0] =	ssyncset.done @!p0 $0x0  }
0x187: {  	[sflag:s0] =	ssyncadd.s32 @!p0 s1  }
0x188: {  	[bflag:$0x3] =	sbarrier.arrive $0xFFFF  }
0x189: {  	_ =	shalt  }

// kernel: kernel.8.cloned.1.call-start
scs
__scs_entry_jumppad:
0x0: {  	(pc) =	sbr.rel $0x88, $3  }
0x1: {  	(tag) =	ssettag $0x0;
	lr =	simm.s32 $0x1  }
0x2: {  	[smem:$0x3F9B] =	sst lr;
	_ =	strace $0xD0000000  }
0x3: {  	_ = 	snop  }
0x4: {  	_ = 	snop  }
0x5: {  	_ = 	snop  }
0x6: {  	_ = 	snop  }
0x7: {  	_ = 	snop  }
__scs_overlays_trampoline_lowered:
0x8: {  	[smem:$0x3FAA] =	sst s0  }
0x9: {  	[smem:$0x3FAB] =	sst s1  }
0xa: {  	[smem:$0x3FAC] =	sst s2  }
0xb: {  	[smem:$0x3FAD] =	sst s3  }
0xc: {  	[smem:$0x3FAE] =	sst s4  }
0xd: {  	[smem:$0x3FAF] =	sst s5  }
0xe: {  	[smem:$0x3FB0] =	sst s6  }
0xf: {  	[smem:$0x3FB1] =	sst s7  }
0x10: {  	[smem:$0x3FB2] =	sst s8  }
0x11: {  	[smem:$0x3FB3] =	sst s9;
	s0 =	simm.s32 @!p0 $0x0  }
0x12: {  	s1 =	sld [smem:$0x3F99];
	s0 =	simm.s32 @p0 $0x1  }
0x13: {  	[smem:$0x3FB4] =	sst s0;
	s0 =	simm.s32 @!p1 $0x0  }
0x14: {  	s2 =	sld [smem:$0x3F98];
	s0 =	simm.s32 @p1 $0x1  }
0x15: {  	[smem:$0x3FB5] =	sst s0;
	s0 =	simm.s32 @!p2 $0x0  }
0x16: {  	s3 =	sld [smem:$0x3FDB];
	s0 =	simm.s32 @p2 $0x1  }
0x17: {  	s4 =	simm.s32 $0x1BF5;
	[smem:$0x3FB7] =	sst s0  }
0x18: {  	s0 =	sld [smem:$0x3F9A];
	_ =	swait.ge [sflag:s4], $0x0  }
0x19: {  	s7 =	sld [smem:$0x3F9B]  }
0x1a: {  	s8 =	sadd.s32 $0xFFFFE003, lr  }
0x1b: {  	s9 =	sadd.s32 $0xFFFFFEF7, lr;
	s5 =	simm.s32 $0xFFFFFFFF;
	p2 =	slt.u32 s8, $0xFFFFF086  }
0x1c: {  	p1 =	slt.u32 s9, $0xF7A;
	s5 =	simm.s32 @!p2 $0x0  }
0x1d: {  	s5 =	simm.s32 @p1 $0x1;
	p0 =	seq.s32 s7, s2  }
0x1e: {  	s7 =	smul.u32 @!p0 $0xF7A, s2;
	p2 =	seq.s32 @!p0 s5, $0x0  }
0x1f: {  	s9 =	smul.u32 $0xF7A, s1;
	s8 =	simm.s32 @!p0 $0x1BF5;
	p2 =	por !p2, p0  }
0x20: {  	[sflag:s8] =	ssyncset.s32 @!p0 $0xFFFFF086;
	s6 =	sadd.s32 @!p0 s3, s7;
	s7 =	simm.s32 @!p0 $0x108  }
0x21: {  	s3 =	sadd.s32 s3, s9;
	s6 =	sadd.s32 @!p0 $0x88, s6;
	s7 =	simm.s32 @p2 $0x1082  }
0x22: {  	[simem:s7], [sflag:s8] =	dma.local @!p0 [hbm:s6], $0xF7A  }
0x23: {  	s9 =	sor.u32 $0xD0000000, s2;
	s6 =	simm.s32 $0x108;
	_ =	swait.ge @!p0 [sflag:s8], $0x0  }
0x24: {  	s3 =	sadd.s32 $0x88, s3;
	s6 =	simm.s32 @!p1 $0x1082;
	[sflag:s4] =	ssyncset.s32 $0xFFFFF086  }
0x25: {  	[simem:s6], [sflag:s4] =	dma.local [hbm:s3], $0xF7A  }
0x26: {  	[smem:$0x3F9B] =	sst s1;
	(tag) =	ssettag s2;
	_ =	strace s9  }
0x27: {  	s1 =	sld [smem:$0x3FAB]  }
0x28: {  	s2 =	sld [smem:$0x3FAC]  }
0x29: {  	s4 =	sld [smem:$0x3FAE]  }
0x2a: {  	p0 =	seq.s32 s5, $0x0;
	s5 =	sld [smem:$0x3FAF]  }
0x2b: {  	s6 =	sld [smem:$0x3FB0]  }
0x2c: {  	s7 =	sld [smem:$0x3FB1]  }
0x2d: {  	s3 =	simm.s32 $0x108;
	s8 =	sld [smem:$0x3FB2]  }
0x2e: {  	s3 =	simm.s32 @!p0 $0x1082;
	s9 =	sld [smem:$0x3FB3]  }
0x2f: {  	lr =	sadd.s32 s0, s3;
	s0 =	sld [smem:$0x3FAA]  }
0x30: {  	s3 =	sld [smem:$0x3FAD]  }
0x31: {  	[smem:$0x3FB6] =	sst s10  }
0x32: {  	s10 =	sld [smem:$0x3FB4];
	_ =	sdelay $0x3  }
0x33: {  	p0 =	seq.s32 s10, $0x1;
	s10 =	sld [smem:$0x3FB6];
	_ =	sdelay $0x3  }
0x34: {  	[smem:$0x3FB6] =	sst s10  }
0x35: {  	s10 =	sld [smem:$0x3FB5];
	_ =	sdelay $0x3  }
0x36: {  	p1 =	seq.s32 s10, $0x1;
	s10 =	sld [smem:$0x3FB6];
	_ =	sdelay $0x3  }
0x37: {  	[smem:$0x3FB6] =	sst s10  }
0x38: {  	s10 =	sld [smem:$0x3FB7]  }
0x39: {  	_ = 	snop;
	(pc) =	sbr.ind lr, $3  }
0x3a: {  	_ = 	snop  }
0x3b: {  	_ = 	snop  }
0x3c: {  	p2 =	seq.s32 s10, $0x1;
	s10 =	sld [smem:$0x3FB6]  }
0x3d: {  	_ =	shalt  }
0x3e: {  	_ =	shalt  }
0x3f: {  	_ =	shalt  }
0x40: {  	_ =	shalt  }
0x41: {  	_ =	shalt  }
0x42: {  	_ =	shalt  }
0x43: {  	_ =	shalt  }
0x44: {  	_ =	shalt  }
0x45: {  	_ =	shalt  }
0x46: {  	_ =	shalt  }
0x47: {  	_ =	shalt  }
0x48: {  	_ =	shalt  }
0x49: {  	_ =	shalt  }
0x4a: {  	_ =	shalt  }
0x4b: {  	_ =	shalt  }
0x4c: {  	_ =	shalt  }
0x4d: {  	_ =	shalt  }
0x4e: {  	_ =	shalt  }
0x4f: {  	_ =	shalt  }
0x50: {  	_ =	shalt  }
0x51: {  	_ =	shalt  }
0x52: {  	_ =	shalt  }
0x53: {  	_ =	shalt  }
0x54: {  	_ =	shalt  }
0x55: {  	_ =	shalt  }
0x56: {  	_ =	shalt  }
0x57: {  	_ =	shalt  }
0x58: {  	_ =	shalt  }
0x59: {  	_ =	shalt  }
0x5a: {  	_ =	shalt  }
0x5b: {  	_ =	shalt  }
0x5c: {  	_ =	shalt  }
0x5d: {  	_ =	shalt  }
0x5e: {  	_ =	shalt  }
0x5f: {  	_ =	shalt  }
0x60: {  	_ =	shalt  }
0x61: {  	_ =	shalt  }
0x62: {  	_ =	shalt  }
0x63: {  	_ =	shalt  }
0x64: {  	_ =	shalt  }
0x65: {  	_ =	shalt  }
0x66: {  	_ =	shalt  }
0x67: {  	_ =	shalt  }
0x68: {  	_ =	shalt  }
0x69: {  	_ =	shalt  }
0x6a: {  	_ =	shalt  }
0x6b: {  	_ =	shalt  }
0x6c: {  	_ =	shalt  }
0x6d: {  	_ =	shalt  }
0x6e: {  	_ =	shalt  }
0x6f: {  	_ =	shalt  }
0x70: {  	_ =	shalt  }
0x71: {  	_ =	shalt  }
0x72: {  	_ =	shalt  }
0x73: {  	_ =	shalt  }
0x74: {  	_ =	shalt  }
0x75: {  	_ =	shalt  }
0x76: {  	_ =	shalt  }
0x77: {  	_ =	shalt  }
0x78: {  	_ =	shalt  }
0x79: {  	_ =	shalt  }
0x7a: {  	_ =	shalt  }
0x7b: {  	_ =	shalt  }
0x7c: {  	_ =	shalt  }
0x7d: {  	_ =	shalt  }
0x7e: {  	_ =	shalt  }
0x7f: {  	_ =	shalt  }
0x80: {  	_ =	shalt  }
0x81: {  	_ =	shalt  }
0x82: {  	_ =	shalt  }
0x83: {  	_ =	shalt  }
0x84: {  	_ =	shalt  }
0x85: {  	_ =	shalt  }
0x86: {  	_ =	shalt  }
0x87: {  	_ =	shalt  }
.Lfunc_end0:
.L_simem_size_0:
called_computation_lowered:
.L_overlay_start_0:
0x88: {  	s2 =	sld [smem:$0x3FD9]  }
0x89: {  	s3 =	sld [smem:$0x3FFE];
	_ =	sdelay $0x1  }
0x8a: {  	s1 =	srdreg.scid  }
0x8b: {  	s0 =	sand.u32 $0x1, s1  }
0x8c: {  	s16 =	sshll.u32 s0, $0xA;
	s2 =	sadd.s32 s3, s2  }
0x8d: {  	s2 =	sadd.s32 s2, s16  }
0x8e: {  	[smem:$0x3FC2] =	sst s2  }
0x8f: {  	_ = 	snop  }
0x90: {  	(tm) =	ssettm $0x1  }
0x91: {  	s17 =	sld [smem:$0x3FFB];
	_ =	sdelay $0x3  }
0x92: {  	_ =	strace s17  }
0x93: {  	s2 =	sld [smem:$0x3FFC];
	_ =	sdelay $0x3  }
0x94: {  	_ =	strace s2  }
0x95: {  	s2 =	sld [smem:$0x3FFD];
	_ =	sdelay $0x3  }
0x96: {  	_ =	strace s2  }
0x97: {  	_ =	strace $0x8FFFFFFF  }
0x98: {  	s18 =	sld [smem:$0x3FDB];
	_ =	sdelay $0x1  }
0x99: {  	s19 =	simm.s32 $_scs_section_size  }
0x9a: {  	s4 =	simm.s32 $_size__tile_overlayer_lowered;
	s5 =	simm.s32 $_tile_overlayer_lowered  }
0x9b: {  	s22 =	simm.s32 $0x1BFF;
	s21 =	sshll.u32 s5, $0x1;
	s2 =	sadd.s32 s19, s18  }
0x9c: {  	s6 =	simm.s32 $0x0;
	s20 =	sshll.u32 s4, $0x1;
	s4 =	sadd.s32 s21, s2  }
0x9d: {  	[timem:s6], [sflag:s22] =	dma.local [hbm:s4], s20  }
0x9e: {  	_ =	swait.ge [sflag:s22], s20  }
0x9f: {  	s3 =	ssub.s32 $0x0, s20;
	[sflag:s22] =	ssyncset.done $0x0  }
0xa0: {  	[sflag:s22] =	ssyncadd.s32 s3;
	_ =	sdelay $0x1  }
0xa1: {  	s23 =	simm.s32 $0x1B8B  }
0xa2: {  	_ =	swait.ge [sflag:s23], $0x1  }
0xa3: {  	[sflag:s23] =	ssyncset.done $0x0  }
0xa4: {  	s25 =	simm.s32 $0x1B8E;
	s24 =	sld [smem:$0x3FFE];
	[sflag:s23] =	ssyncadd.s32 $0xFFFFFFFF  }
0xa5: {  	s26 =	simm.s32 $execute0_lowered;
	[smem:$0x3FD2] =	sst s25  }
0xa6: {  	s4 =	sshll.u32 s26, $0x1;
	_ =	strace $0x80000046;
	[dreg:$0x1] =	wrdreg $0xFFFFFFFF  }
0xa7: {  	s28 =	simm.s32 $_size_execute0_lowered;
	s2 =	sadd.s32 s2, s4;
	[dreg:$0x0] =	wrdreg $0x0  }
0xa8: {  	s4 =	sshll.u32 s28, $0x1;
	[dreg:$0x2] =	wrdreg s2  }
0xa9: {  	[dreg:$0x3] =	wrdreg s4  }
0xaa: {  	[dreg:$0x4] =	wrdreg $0xC0  }
0xab: {  	_ =	task [dreg:s6], $0x5FFFF  }
0xac: {  	[dreg:$0x1] =	wrdreg $0xFFFFFFFF  }
0xad: {  	[dreg:$0x0] =	wrdreg $0x60  }
0xae: {  	[dreg:$0x2] =	wrdreg s24  }
0xaf: {  	[dreg:$0x3] =	wrdreg $0x0  }
0xb0: {  	[dreg:$0x4] =	wrdreg $0x9  }
0xb1: {  	_ =	task.clear_ibuf [dreg:s6], $0x5FFFF;
	_ =	strace $0x90000046  }
0xb2: {  	s29 =	simm.s32 $0x9;
	_ =	strace $0x80000048  }
0xb3: {  	_ =	swait.ge [sflag:s29], $0x1  }
0xb4: {  	[sflag:s29] =	ssyncadd.s32 $0xFFFFFFFF  }
0xb5: {  	_ =	strace $0x90000048  }
0xb6: {  	_ =	sfence  }
0xb7: {  	s30 =	sld [smem:$0x0];
	_ =	sdelay $0x2  }
0xb8: {  	s31 =	sshll.u32 s1, $0xD;
	s1 =	sshrl.u32 s1, $0x2  }
0xb9: {  	s3 =	sand.u32 $0x4000, s31;
	s1 =	sadd.s32 s1, s30  }
0xba: {  	s0 =	sor.u32 s3, s0;
	s1 =	sshll.u32 s1, $0x11  }
0xbb: {  	s0 =	sor.u32 s1, s0  }
0xbc: {  	s0 =	sadd.s32 $0x8F2B, s0  }
0xbd: {  	[sflag:s0] =	ssyncadd.remote.s32 $0x1  }
0xbe: {  	_ =	sfence.sel $0xFFFF  }
0xbf: {  	[dreg:$0x0] =	wrdreg $0xFFFFFFFF;
	(pc) =	sbr.abs _section_cstart, $3  }
0xc0: {  	[dreg:$0x1] =	wrdreg $0xFFFFFFFF  }
0xc1: {  	_ =	task.clear_ibuf [dreg:s6], $0x2FFFF;
	_ =	strace $0x9FFFFFFF  }
0xc2: {  	(tm) =	ssettm $0x7FFFFFFF  }
0xc3: {  	_ =	shalt  }
tec
execute0_lowered:
.L_overlay_start_1:
0x0: {  	(tag) =	ssettag $0x1  }
0x1: {  	s4 =	rddreg [dreg:$0x0];
	s0 =	stileid.u32  }
0x2: {  	s1 =	srdreg.scid;
	s2 =	rddreg [dreg:$0x1]  }
0x3: {  	s3 =	simm.s32 $0x0;
	s14 =	simm.s32 $0x80;
	s15 =	simm.s32 $0x2900  }
0x4: {  	s16 =	simm.s32 $0x3;
	s6 =	sand.u32 $0x1, s1;
	s1 =	rddreg [dreg:$0x2]  }
0x5: {  	s17 =	simm.s32 $0x0;
	s5 =	smul.u32 $0x1900, s0;
	[smem:$0x7FF] =	sst s3  }
0x6: {  	s10 =	sadd.s32 $0xC5800, s4;
	s13 =	smul.u32 $0x31000, s0;
	s30 =	sshll.u32 s0, $0x6  }
0x7: {  	s7 =	smul.u32 $0x19000, s6;
	_ =	strace $0x80000047;
	s9 =	ssub.s32 $0x2, s6  }
0x8: {  	s28 =	sshll.u32 s6, $0x4;
	s6 =	smul.u32 $0x310000, s6;
	s8 =	sshrl.u32 s5, $0x3  }
0x9: {  	s26 =	sshrl.u32 s9, $0x1;
	s12 =	sadd.s32 s5, s2;
	s29 =	sor.u32 s0, s28  }
0xa: {  	s7 =	sadd.s32 s5, s7;
	s8 =	sadd.s32 s8, s4;
	s9 =	ssub.s32 s9, s26  }
0xb: {  	p0 =	seq.s32 s29, $0x1F;
	s5 =	simm.s32 $0x57;
	s13 =	sadd.s32 s13, s6  }
0xc: {  	s6 =	sor.u32 $0x1C04, s30;
	s7 =	sshrl.u32 s7, $0x3;
	s5 =	simm.s32 @!p0 $0x62  }
0xd: {  	s13 =	sor.u32 $0x800, s13;
	s9 =	smax.u32 s9, $0x1;
	s11 =	sadd.s32 s7, s4  }
0xe: {  	s4 =	sadd.s32 $0x188E00, s8;
	s7 =	smul.u32 $0x6200, s29;
	s31 =	sshrl.u32 s13, $0x3  }
0xf: {  	s13 =	simm.s32 $0x1900;
	s8 =	sadd.s32 $0x18C000, s11;
	s11 =	sshrl.u32 s12, $0x3  }
0x10: {  	v0 =	vimm.f32 $1.000000000e+00;
	s12 =	simm.s32 $0x4;
	s7 =	sadd.s32 s10, s7;
	s10 =	sadd.s32 s31, s10  }
.LBB2_1:
0x11: {  	[spmem:s11], [sflag:s6] =	dma.local [hbm:s4], $0x320  }
0x12: {  	_ =	swait.ge [sflag:s12], $0x320  }
0x13: {  	[sflag:s12] =	ssyncset.done $0x0  }
0x14: {  	[sflag:s12] =	ssyncadd.s32 $0xFFFFFCE0  }
0x15: {  	[tilespmem:$0x2900] =	vst v0  }
0x16: {  	[tilespmem:$0x2910] =	vst v0  }
0x17: {  	[tilespmem:$0x2920] =	vst v0  }
0x18: {  	[tilespmem:$0x2930] =	vst v0  }
0x19: {  	[tilespmem:$0x2940] =	vst v0  }
0x1a: {  	[tilespmem:$0x2950] =	vst v0  }
0x1b: {  	s18 =	sand.u32 $0x1, s3;
	p0 =	sle.u32 s5, $0x1;
	[tilespmem:$0x2960] =	vst v0  }
0x1c: {  	s19 =	sxor.u32 @!p0 $0x1, s18;
	[tilespmem:$0x2970] =	vst v0  }
0x1d: {  	s20 =	sadd.s32 $0x1, s18;
	s21 =	sshll.u32 @!p0 s19, $0xB;
	[bflag:$0x0] =	sbarrier.arrive $0xFFFF  }
0x1e: {  	[tilespmem:s13], [sflag:$0x1] =	stream.linear.gather [hbm4b:s7+s3], $0x800, $0x38;
	[tilespmem:$0x2980] =	vst v63  }
0x1f: {  	s22 =	simm.s32 @!p0 $0x0;
	s19 =	sadd.s32 @!p0 $0x1, s19;
	s21 =	sadd.s32 @!p0 $0x1900, s21  }
0x20: {  	[tilespmem:s21], [sflag:s19] =	stream.linear.gather @!p0 [hbm4b:s10+s22], $0x800, $0x38;
	[tilespmem:$0x2980] =	vst v63  }
0x21: {  	_ =	swait.ge [sflag:s20], $0x800  }
0x22: {  	s18 =	sshll.u32 s18, $0xB;
	[sflag:s20] =	ssyncset.done $0x0  }
0x23: {  	s28 =	sadd.s32 $0x1900, s18;
	[sflag:s20] =	ssyncadd.s32 $0xFFFFF800  }
0x24: {  	[spmem:s2] =	stream.indirect.scatter.add.f32 [tilespmem:s15], [sflag:$0x3], $0x1, s28, s14, $0xb8;
	[tilespmem:$0x2980] =	vst v63  }
0x25: {  	s29 =	sadd.s32 $0x1980, s18  }
0x26: {  	[spmem:s2] =	stream.indirect.scatter.add.f32 [tilespmem:s15], [sflag:$0x3], $0x1, s29, s14, $0xb8;
	[tilespmem:$0x2980] =	vst v63  }
0x27: {  	s30 =	sadd.s32 $0x1A00, s18  }
0x28: {  	[spmem:s2] =	stream.indirect.scatter.add.f32 [tilespmem:s15], [sflag:$0x3], $0x1, s30, s14, $0xb8;
	[tilespmem:$0x2980] =	vst v63  }
0x29: {  	s31 =	sadd.s32 $0x1A80, s18  }
0x2a: {  	[spmem:s2] =	stream.indirect.scatter.add.f32 [tilespmem:s15], [sflag:$0x3], $0x1, s31, s14, $0xb8;
	[tilespmem:$0x2980] =	vst v63  }
0x2b: {  	s20 =	sadd.s32 $0x1B00, s18  }
0x2c: {  	[spmem:s2] =	stream.indirect.scatter.add.f32 [tilespmem:s15], [sflag:$0x3], $0x1, s20, s14, $0xb8;
	[tilespmem:$0x2980] =	vst v63  }
0x2d: {  	s21 =	sadd.s32 $0x1B80, s18  }
0x2e: {  	[spmem:s2] =	stream.indirect.scatter.add.f32 [tilespmem:s15], [sflag:$0x3], $0x1, s21, s14, $0xb8;
	[tilespmem:$0x2980] =	vst v63  }
0x2f: {  	s22 =	sadd.s32 $0x1C00, s18  }
0x30: {  	[spmem:s2] =	stream.indirect.scatter.add.f32 [tilespmem:s15], [sflag:$0x3], $0x1, s22, s14, $0xb8;
	[tilespmem:$0x2980] =	vst v63  }
0x31: {  	s23 =	sadd.s32 $0x1C80, s18  }
0x32: {  	[spmem:s2] =	stream.indirect.scatter.add.f32 [tilespmem:s15], [sflag:$0x3], $0x1, s23, s14, $0xb8;
	[tilespmem:$0x2980] =	vst v63  }
0x33: {  	s24 =	sadd.s32 $0x1D00, s18  }
0x34: {  	[spmem:s2] =	stream.indirect.scatter.add.f32 [tilespmem:s15], [sflag:$0x3], $0x1, s24, s14, $0xb8;
	[tilespmem:$0x2980] =	vst v63  }
0x35: {  	s25 =	sadd.s32 $0x1D80, s18  }
0x36: {  	[spmem:s2] =	stream.indirect.scatter.add.f32 [tilespmem:s15], [sflag:$0x3], $0x1, s25, s14, $0xb8;
	[tilespmem:$0x2980] =	vst v63  }
0x37: {  	s26 =	sadd.s32 $0x1E00, s18  }
0x38: {  	[spmem:s2] =	stream.indirect.scatter.add.f32 [tilespmem:s15], [sflag:$0x3], $0x1, s26, s14, $0xb8;
	[tilespmem:$0x2980] =	vst v63  }
0x39: {  	s28 =	sadd.s32 $0x1E80, s18  }
0x3a: {  	[spmem:s2] =	stream.indirect.scatter.add.f32 [tilespmem:s15], [sflag:$0x3], $0x1, s28, s14, $0xb8;
	[tilespmem:$0x2980] =	vst v63  }
0x3b: {  	s29 =	sadd.s32 $0x1F00, s18  }
0x3c: {  	[spmem:s2] =	stream.indirect.scatter.add.f32 [tilespmem:s15], [sflag:$0x3], $0x1, s29, s14, $0xb8;
	[tilespmem:$0x2980] =	vst v63  }
0x3d: {  	s30 =	sadd.s32 $0x1F80, s18  }
0x3e: {  	[spmem:s2] =	stream.indirect.scatter.add.f32 [tilespmem:s15], [sflag:$0x3], $0x1, s30, s14, $0xb8;
	[tilespmem:$0x2980] =	vst v63  }
0x3f: {  	s31 =	sor.u32 $0x2000, s18  }
0x40: {  	[spmem:s2] =	stream.indirect.scatter.add.f32 [tilespmem:s15], [sflag:$0x3], $0x1, s31, s14, $0xb8;
	[tilespmem:$0x2980] =	vst v63  }
0x41: {  	s18 =	sor.u32 $0x2080, s18  }
0x42: {  	[spmem:s2] =	stream.indirect.scatter.add.f32 [tilespmem:s15], [sflag:$0x3], $0x1, s18, s14, $0xb8;
	[tilespmem:$0x2980] =	vst v63  }
0x43: {  	_ =	swait.ge [sflag:s16], $0x80  }
0x44: {  	[sflag:s16] =	ssyncset.done $0x0  }
0x45: {  	[sflag:s16] =	ssyncadd.s32 $0xFFFFFF80  }
0x46: {  	_ =	swait.ge [sflag:s16], $0x80  }
0x47: {  	[sflag:s16] =	ssyncset.done $0x0  }
0x48: {  	[sflag:s16] =	ssyncadd.s32 $0xFFFFFF80  }
0x49: {  	_ =	swait.ge [sflag:s16], $0x80  }
0x4a: {  	[sflag:s16] =	ssyncset.done $0x0  }
0x4b: {  	[sflag:s16] =	ssyncadd.s32 $0xFFFFFF80  }
0x4c: {  	_ =	swait.ge [sflag:s16], $0x80  }
0x4d: {  	[sflag:s16] =	ssyncset.done $0x0  }
0x4e: {  	[sflag:s16] =	ssyncadd.s32 $0xFFFFFF80  }
0x4f: {  	_ =	swait.ge [sflag:s16], $0x80  }
0x50: {  	[sflag:s16] =	ssyncset.done $0x0  }
0x51: {  	[sflag:s16] =	ssyncadd.s32 $0xFFFFFF80  }
0x52: {  	_ =	swait.ge [sflag:s16], $0x80  }
0x53: {  	[sflag:s16] =	ssyncset.done $0x0  }
0x54: {  	[sflag:s16] =	ssyncadd.s32 $0xFFFFFF80  }
0x55: {  	_ =	swait.ge [sflag:s16], $0x80  }
0x56: {  	[sflag:s16] =	ssyncset.done $0x0  }
0x57: {  	[sflag:s16] =	ssyncadd.s32 $0xFFFFFF80  }
0x58: {  	_ =	swait.ge [sflag:s16], $0x80  }
0x59: {  	[sflag:s16] =	ssyncset.done $0x0  }
0x5a: {  	[sflag:s16] =	ssyncadd.s32 $0xFFFFFF80  }
0x5b: {  	_ =	swait.ge [sflag:s16], $0x80  }
0x5c: {  	[sflag:s16] =	ssyncset.done $0x0  }
0x5d: {  	[sflag:s16] =	ssyncadd.s32 $0xFFFFFF80  }
0x5e: {  	_ =	swait.ge [sflag:s16], $0x80  }
0x5f: {  	[sflag:s16] =	ssyncset.done $0x0  }
0x60: {  	[sflag:s16] =	ssyncadd.s32 $0xFFFFFF80  }
0x61: {  	_ =	swait.ge [sflag:s16], $0x80  }
0x62: {  	[sflag:s16] =	ssyncset.done $0x0  }
0x63: {  	[sflag:s16] =	ssyncadd.s32 $0xFFFFFF80  }
0x64: {  	_ =	swait.ge [sflag:s16], $0x80  }
0x65: {  	[sflag:s16] =	ssyncset.done $0x0  }
0x66: {  	[sflag:s16] =	ssyncadd.s32 $0xFFFFFF80  }
0x67: {  	_ =	swait.ge [sflag:s16], $0x80  }
0x68: {  	p0 =	sne.s32 s5, $0x1;
	[sflag:s16] =	ssyncset.done $0x0  }
.Ltmp0:
0x69: {  	[sflag:s16] =	ssyncadd.s32 $0xFFFFFF80;
	(pc) =	sbr.rel @!p0 .LBB2_3-.Ltmp0, $4  }
0x6a: {  	_ =	swait.ge [sflag:s16], $0x80  }
0x6b: {  	[sflag:s16] =	ssyncset.done $0x0  }
0x6c: {  	[sflag:s16] =	ssyncadd.s32 $0xFFFFFF80  }
0x6d: {  	s19 =	smov.u32 s10;
	s18 =	simm.s32 $0x1;
	_ =	swait.ge [sflag:s16], $0x80  }
.LBB2_2:
0x6e: {  	[sflag:s16] =	ssyncset.done $0x0  }
0x6f: {  	s19 =	sadd.s32 $0x100, s19;
	s20 =	smov.u32 s18;
	s18 =	sadd.s32 $0x1, s18  }
0x70: {  	s20 =	sand.u32 $0x1, s20;
	p0 =	sge.u32 s18, s5;
	[sflag:s16] =	ssyncadd.s32 $0xFFFFFF80  }
0x71: {  	s21 =	sxor.u32 @!p0 $0x1, s20;
	s22 =	sadd.s32 $0x1, s20;
	_ =	swait.ge [sflag:s16], $0x80  }
0x72: {  	s23 =	sshll.u32 @!p0 s21, $0xB;
	s21 =	sadd.s32 @!p0 $0x1, s21;
	[sflag:s16] =	ssyncset.done $0x0  }
0x73: {  	s24 =	simm.s32 @!p0 $0x0;
	s23 =	sadd.s32 @!p0 $0x1900, s23;
	[sflag:s16] =	ssyncadd.s32 $0xFFFFFF80  }
0x74: {  	[tilespmem:s23], [sflag:s21] =	stream.linear.gather @!p0 [hbm4b:s19+s24], $0x800, $0x38;
	[tilespmem:$0x2980] =	vst v63  }
0x75: {  	s20 =	sshll.u32 s20, $0xB;
	p0 =	sne.s32 s5, s18;
	_ =	swait.ge [sflag:s22], $0x800  }
0x76: {  	[sflag:s22] =	ssyncset.done $0x0  }
0x77: {  	s21 =	sadd.s32 $0x1900, s20;
	[sflag:s22] =	ssyncadd.s32 $0xFFFFF800  }
0x78: {  	[spmem:s2] =	stream.indirect.scatter.add.f32 [tilespmem:s15], [sflag:$0x3], $0x1, s21, s14, $0xb8;
	[tilespmem:$0x2980] =	vst v63  }
0x79: {  	s21 =	sadd.s32 $0x1980, s20  }
0x7a: {  	[spmem:s2] =	stream.indirect.scatter.add.f32 [tilespmem:s15], [sflag:$0x3], $0x1, s21, s14, $0xb8;
	[tilespmem:$0x2980] =	vst v63  }
0x7b: {  	s21 =	sadd.s32 $0x1A00, s20  }
0x7c: {  	[spmem:s2] =	stream.indirect.scatter.add.f32 [tilespmem:s15], [sflag:$0x3], $0x1, s21, s14, $0xb8;
	[tilespmem:$0x2980] =	vst v63  }
0x7d: {  	s21 =	sadd.s32 $0x1A80, s20  }
0x7e: {  	[spmem:s2] =	stream.indirect.scatter.add.f32 [tilespmem:s15], [sflag:$0x3], $0x1, s21, s14, $0xb8;
	[tilespmem:$0x2980] =	vst v63  }
0x7f: {  	s21 =	sadd.s32 $0x1B00, s20  }
0x80: {  	[spmem:s2] =	stream.indirect.scatter.add.f32 [tilespmem:s15], [sflag:$0x3], $0x1, s21, s14, $0xb8;
	[tilespmem:$0x2980] =	vst v63  }
0x81: {  	s21 =	sadd.s32 $0x1B80, s20  }
0x82: {  	[spmem:s2] =	stream.indirect.scatter.add.f32 [tilespmem:s15], [sflag:$0x3], $0x1, s21, s14, $0xb8;
	[tilespmem:$0x2980] =	vst v63  }
0x83: {  	s21 =	sadd.s32 $0x1C00, s20  }
0x84: {  	[spmem:s2] =	stream.indirect.scatter.add.f32 [tilespmem:s15], [sflag:$0x3], $0x1, s21, s14, $0xb8;
	[tilespmem:$0x2980] =	vst v63  }
0x85: {  	s21 =	sadd.s32 $0x1C80, s20  }
0x86: {  	[spmem:s2] =	stream.indirect.scatter.add.f32 [tilespmem:s15], [sflag:$0x3], $0x1, s21, s14, $0xb8;
	[tilespmem:$0x2980] =	vst v63  }
0x87: {  	s21 =	sadd.s32 $0x1D00, s20  }
0x88: {  	[spmem:s2] =	stream.indirect.scatter.add.f32 [tilespmem:s15], [sflag:$0x3], $0x1, s21, s14, $0xb8;
	[tilespmem:$0x2980] =	vst v63  }
0x89: {  	s21 =	sadd.s32 $0x1D80, s20  }
0x8a: {  	[spmem:s2] =	stream.indirect.scatter.add.f32 [tilespmem:s15], [sflag:$0x3], $0x1, s21, s14, $0xb8;
	[tilespmem:$0x2980] =	vst v63  }
0x8b: {  	s21 =	sadd.s32 $0x1E00, s20  }
0x8c: {  	[spmem:s2] =	stream.indirect.scatter.add.f32 [tilespmem:s15], [sflag:$0x3], $0x1, s21, s14, $0xb8;
	[tilespmem:$0x2980] =	vst v63  }
0x8d: {  	s21 =	sadd.s32 $0x1E80, s20  }
0x8e: {  	[spmem:s2] =	stream.indirect.scatter.add.f32 [tilespmem:s15], [sflag:$0x3], $0x1, s21, s14, $0xb8;
	[tilespmem:$0x2980] =	vst v63  }
0x8f: {  	s21 =	sadd.s32 $0x1F00, s20  }
0x90: {  	[spmem:s2] =	stream.indirect.scatter.add.f32 [tilespmem:s15], [sflag:$0x3], $0x1, s21, s14, $0xb8;
	[tilespmem:$0x2980] =	vst v63  }
0x91: {  	s21 =	sadd.s32 $0x1F80, s20  }
0x92: {  	[spmem:s2] =	stream.indirect.scatter.add.f32 [tilespmem:s15], [sflag:$0x3], $0x1, s21, s14, $0xb8;
	[tilespmem:$0x2980] =	vst v63  }
0x93: {  	s21 =	sor.u32 $0x2000, s20  }
0x94: {  	[spmem:s2] =	stream.indirect.scatter.add.f32 [tilespmem:s15], [sflag:$0x3], $0x1, s21, s14, $0xb8;
	[tilespmem:$0x2980] =	vst v63  }
0x95: {  	s20 =	sor.u32 $0x2080, s20  }
0x96: {  	[spmem:s2] =	stream.indirect.scatter.add.f32 [tilespmem:s15], [sflag:$0x3], $0x1, s20, s14, $0xb8;
	[tilespmem:$0x2980] =	vst v63  }
0x97: {  	_ =	swait.ge [sflag:s16], $0x80  }
0x98: {  	[sflag:s16] =	ssyncset.done $0x0  }
0x99: {  	[sflag:s16] =	ssyncadd.s32 $0xFFFFFF80  }
0x9a: {  	_ =	swait.ge [sflag:s16], $0x80  }
0x9b: {  	[sflag:s16] =	ssyncset.done $0x0  }
0x9c: {  	[sflag:s16] =	ssyncadd.s32 $0xFFFFFF80  }
0x9d: {  	_ =	swait.ge [sflag:s16], $0x80  }
0x9e: {  	[sflag:s16] =	ssyncset.done $0x0  }
0x9f: {  	[sflag:s16] =	ssyncadd.s32 $0xFFFFFF80  }
0xa0: {  	_ =	swait.ge [sflag:s16], $0x80  }
0xa1: {  	[sflag:s16] =	ssyncset.done $0x0  }
0xa2: {  	[sflag:s16] =	ssyncadd.s32 $0xFFFFFF80  }
0xa3: {  	_ =	swait.ge [sflag:s16], $0x80  }
0xa4: {  	[sflag:s16] =	ssyncset.done $0x0  }
0xa5: {  	[sflag:s16] =	ssyncadd.s32 $0xFFFFFF80  }
0xa6: {  	_ =	swait.ge [sflag:s16], $0x80  }
0xa7: {  	[sflag:s16] =	ssyncset.done $0x0  }
0xa8: {  	[sflag:s16] =	ssyncadd.s32 $0xFFFFFF80  }
0xa9: {  	_ =	swait.ge [sflag:s16], $0x80  }
0xaa: {  	[sflag:s16] =	ssyncset.done $0x0  }
0xab: {  	[sflag:s16] =	ssyncadd.s32 $0xFFFFFF80  }
0xac: {  	_ =	swait.ge [sflag:s16], $0x80  }
0xad: {  	[sflag:s16] =	ssyncset.done $0x0  }
0xae: {  	[sflag:s16] =	ssyncadd.s32 $0xFFFFFF80  }
0xaf: {  	_ =	swait.ge [sflag:s16], $0x80  }
0xb0: {  	[sflag:s16] =	ssyncset.done $0x0  }
0xb1: {  	[sflag:s16] =	ssyncadd.s32 $0xFFFFFF80  }
0xb2: {  	_ =	swait.ge [sflag:s16], $0x80  }
0xb3: {  	[sflag:s16] =	ssyncset.done $0x0  }
0xb4: {  	[sflag:s16] =	ssyncadd.s32 $0xFFFFFF80  }
0xb5: {  	_ =	swait.ge [sflag:s16], $0x80  }
0xb6: {  	[sflag:s16] =	ssyncset.done $0x0  }
0xb7: {  	[sflag:s16] =	ssyncadd.s32 $0xFFFFFF80  }
0xb8: {  	_ =	swait.ge [sflag:s16], $0x80  }
0xb9: {  	[sflag:s16] =	ssyncset.done $0x0  }
0xba: {  	[sflag:s16] =	ssyncadd.s32 $0xFFFFFF80  }
0xbb: {  	_ =	swait.ge [sflag:s16], $0x80  }
0xbc: {  	[sflag:s16] =	ssyncset.done $0x0  }
.Ltmp1:
0xbd: {  	[sflag:s16] =	ssyncadd.s32 $0xFFFFFF80;
	(pc) =	sbr.rel @p0 .LBB2_2-.Ltmp1, $4  }
0xbe: {  	_ =	swait.ge [sflag:s16], $0x80  }
0xbf: {  	[sflag:s16] =	ssyncset.done $0x0  }
0xc0: {  	[sflag:s16] =	ssyncadd.s32 $0xFFFFFF80  }
0xc1: {  	_ =	swait.ge [sflag:s16], $0x80  }
.LBB2_3:
0xc2: {  	[sflag:s16] =	ssyncset.done $0x0  }
0xc3: {  	[sflag:s16] =	ssyncadd.s32 $0xFFFFFF80  }
0xc4: {  	_ =	swait.ge [sflag:s16], $0x80  }
0xc5: {  	s17 =	sadd.s32 $0x1, s17;
	[sflag:s16] =	ssyncset.done $0x0  }
0xc6: {  	p0 =	sne.s32 s17, s9;
	[sflag:s16] =	ssyncadd.s32 $0xFFFFFF80  }
.Ltmp2:
0xc7: {  	[bflag:$0x0] =	sbarrier.arrive $0xFFFF;
	(pc) =	sbr.rel @p0 .LBB2_1-.Ltmp2, $4  }
0xc8: {  	[hbm:s8], [sflag:s6] =	dma.local [spmem:s11], $0x320  }
0xc9: {  	_ =	swait.ge [sflag:s12], $0x320  }
0xca: {  	[sflag:s12] =	ssyncset.done $0x0  }
0xcb: {  	[sflag:s12] =	ssyncadd.s32 $0xFFFFFCE0  }
0xcc: {  	_ =	sfence.sel $0x180000  }
0xcd: {  	[bflag:$0x0] =	sbarrier.arrive $0xFFFF  }
0xce: {  	p0 =	sne.s32 s0, $0x0;
	_ =	strace $0x90000047  }
0xcf: {  	s0 =	sadd.s32 @!p0 $0x100000, s1;
	[bflag:$0x2] =	sbarrier.arrive $0xFFFF  }
0xd0: {  	[sflag:s0] =	ssyncadd.tile.s32 @!p0 $0x1;
	_ =	shalt  }
.Lfunc_end2:
_tile_overlayer_lowered:
.L_overlay_start_2:
0xd1: {  	(tag) =	ssettag $0x2  }
0xd2: {  	s0 =	rddreg [dreg:$0x0];
	s2 =	stileid.u32  }
0xd3: {  	s1 =	rddreg [dreg:$0x1];
	p0 =	sne.s32 s2, $0x0  }
0xd4: {  	s3 =	rddreg [dreg:$0x2];
	[bflag:$0x3] =	sbarrier.arrive $0xFFFF;
	s2 =	simm.s32 @!p0 $0x1C04  }
0xd5: {  	[timem:s3], [sflag:s2] =	dma.local @!p0 [hbm:s0], s1  }
0xd6: {  	s0 =	simm.s32 @!p0 $0x4  }
0xd7: {  	_ =	swait.ge @!p0 [sflag:s0], s1  }
0xd8: {  	s1 =	ssub.s32 @!p0 $0x0, s1;
	[sflag:s0] =	ssyncset.done @!p0 $0x0  }
0xd9: {  	[sflag:s0] =	ssyncadd.s32 @!p0 s1  }
0xda: {  	[bflag:$0x3] =	sbarrier.arrive $0xFFFF  }
0xdb: {  	_ =	shalt  }

</sc_bundles>
